<compile_context>
chip_gen: v7x
topology: tpu7x:2x2x1
jax: 0.10.2.dev20260603
libtpu: 0.0.44.dev20260713+nightly
codegen_flags: <defaults>
</compile_context>

<pallas_src>
import jax
import jax.numpy as jnp
from jax import lax
from jax.experimental import pallas as pl
from jax.experimental.pallas import tpu as pltpu
from jax.experimental.pallas import tpu_sc as plsc

B, S, D = 4, 8192, 768
NC, NS = 2, 16
NW = NC * NS
SEQ_PER_W = S // NW
CHUNK_ROWS = 16
CHUNK = CHUNK_ROWS * D
N_PE = SEQ_PER_W // CHUNK_ROWS
N_PH = N_PE * B
VECS = CHUNK // 16
NXB = 8
LOOK = 4


def _sc_add(x_hbm, pe_hbm, o_hbm, *scratch):
    x_bufs = scratch[:NXB]
    pe_bufs = scratch[NXB:NXB + 2]
    x_sems = scratch[NXB + 2:2 * NXB + 2]
    pe_sems = scratch[2 * NXB + 2:2 * NXB + 4]
    st_sems = scratch[2 * NXB + 4:3 * NXB + 4]

    wid = lax.axis_index("s") * NC + lax.axis_index("c")
    seq0 = wid * SEQ_PER_W

    def rows(c):
        p, b = divmod(c, B)
        return b, seq0 + p * CHUNK_ROWS

    def start_x(c, xb):
        b, r0 = rows(c)
        buf, sem = x_bufs[xb], x_sems[xb]

        def row(r, carry):
            pltpu.make_async_copy(
                x_hbm.at[b, r0 + r], buf.at[pl.ds(r * D, D)], sem).start()
            return carry
        lax.fori_loop(0, CHUNK_ROWS, row, 0)

    def start_pe(p, par):
        r0 = seq0 + p * CHUNK_ROWS
        buf, sem = pe_bufs[par], pe_sems[par]

        def row(r, carry):
            pltpu.make_async_copy(
                pe_hbm.at[r0 + r], buf.at[pl.ds(r * D, D)], sem).start()
            return carry
        lax.fori_loop(0, CHUNK_ROWS, row, 0)

    def start_store(c, xb):
        b, r0 = rows(c)
        buf, sem = x_bufs[xb], st_sems[xb]

        def row(r, carry):
            pltpu.make_async_copy(
                buf.at[pl.ds(r * D, D)], o_hbm.at[b, r0 + r], sem).start()
            return carry
        lax.fori_loop(0, CHUNK_ROWS, row, 0)

    def drain(sem, buf):
        def row(r, carry):
            pltpu.make_async_copy(
                x_hbm.at[0, 0], buf.at[pl.ds(0, D)], sem).wait()
            return carry
        lax.fori_loop(0, CHUNK_ROWS, row, 0)

    start_pe(0, 0)
    start_pe(1, 1)
    for c in range(LOOK):
        start_x(c, c % NXB)

    GP = 2 * B
    NG = N_PH // GP

    def group(g, carry):
        for j in range(GP):
            c = g * GP + j
            par = j // B
            xb = j % NXB
            if j % B == 0:
                drain(pe_sems[par], pe_bufs[par])
            drain(x_sems[xb], x_bufs[xb])

            def add_body(k, c2, _xv=x_bufs[xb], _pv=pe_bufs[par]):
                off = k * 16
                plsc.addupdate(_xv.at[pl.ds(off, 16)], _pv[pl.ds(off, 16)])
                return c2

            lax.fori_loop(0, VECS, add_body, 0, unroll=8)

            start_store(c, xb)
            nxb = (j + LOOK) % NXB
            if j < LOOK:

                @pl.when(g > 0)
                def _():
                    drain(st_sems[nxb], x_bufs[nxb])
                    start_x(c + LOOK, nxb)

                @pl.when(g == 0)
                def _():
                    start_x(c + LOOK, nxb)
            elif j >= GP - LOOK:

                @pl.when(g < NG - 1)
                def _():
                    drain(st_sems[nxb], x_bufs[nxb])
                    start_x(c + LOOK, nxb)
            else:
                drain(st_sems[nxb], x_bufs[nxb])
                start_x(c + LOOK, nxb)
            if j % B == B - 1:

                @pl.when(g < NG - 1)
                def _(_par=par):
                    start_pe(2 * (g + 1) + _par, _par)
        return carry

    lax.fori_loop(0, NG, group, 0)

    for c in range(N_PH - NXB, N_PH):
        drain(st_sems[c % NXB], x_bufs[c % NXB])


def kernel(x, pe_table):
    mesh = plsc.VectorSubcoreMesh(core_axis_name="c", subcore_axis_name="s")
    run = pl.kernel(
        _sc_add,
        mesh=mesh,
        out_type=jax.ShapeDtypeStruct((B, S, D), jnp.float32),
        scratch_types=(
            [pltpu.VMEM((CHUNK,), jnp.float32) for _ in range(NXB + 2)]
            + [pltpu.SemaphoreType.DMA for _ in range(NXB + 2 + NXB)]
        ),
    )
    return run(x, pe_table)

# --- scband reference (transcript-rebuilt; emitter-appended) ---
"""Pipeline reference for scband-learnable-positional-encoding-80333068305013 (READ-ONLY COPY).

The authoritative reference and input builder live on the scoring server;
editing this copy changes nothing except your own understanding.
"""

import jax, jax.numpy as jnp
import numpy as np

SEQ_LEN = 8192
IN_DIM = 768
BATCH = 4

def setup_inputs(seed: int = 0) -> dict:
    key = jax.random.key(seed)
    k1, k2 = jax.random.split(key)
    x = jax.random.normal(k1, (BATCH, SEQ_LEN, IN_DIM), dtype=jnp.float32)
    # learned positional embedding table, matching torch.nn.Embedding(seq_len, in_dim)
    pe_table = jax.random.normal(k2, (SEQ_LEN, IN_DIM), dtype=jnp.float32)
    return {"x": x, "pe_table": pe_table}

def reference(x, pe_table):
    # positions = arange(seq_len)[None, :]; pe(positions) -> [1, seq_len, in_dim]
    positions = jnp.arange(SEQ_LEN)
    pe = jnp.take(pe_table, positions, axis=0)[None, :, :]
    out = x + pe
    # dropout_p = 0.0 -> identity (eval-mode dropout)
    return out

if __name__ == "__main__":
    import jax
    _d = setup_inputs()
    print(jax.jit(kernel)(*tuple(_d.values())))

</pallas_src>

<mosaic_0001>
#map = affine_map<(d0, d1) -> (0, 0, 0)>
#map1 = affine_map<(d0, d1) -> (0, 0)>
module attributes {stable_mosaic.version = 14 : i64} {
  func.func @_sc_add(%arg0: i32, %arg1: i32, %arg2: memref<4x8192x768xf32, #tpu.memory_space<hbm>>, %arg3: memref<8192x768xf32, #tpu.memory_space<hbm>>, %arg4: memref<4x8192x768xf32, #tpu.memory_space<hbm>>, %arg5: memref<12288xf32, #tpu.memory_space<vmem>>, %arg6: memref<12288xf32, #tpu.memory_space<vmem>>, %arg7: memref<12288xf32, #tpu.memory_space<vmem>>, %arg8: memref<12288xf32, #tpu.memory_space<vmem>>, %arg9: memref<12288xf32, #tpu.memory_space<vmem>>, %arg10: memref<12288xf32, #tpu.memory_space<vmem>>, %arg11: memref<12288xf32, #tpu.memory_space<vmem>>, %arg12: memref<12288xf32, #tpu.memory_space<vmem>>, %arg13: memref<12288xf32, #tpu.memory_space<vmem>>, %arg14: memref<12288xf32, #tpu.memory_space<vmem>>, %arg15: memref<!tpu.dma_semaphore, #tpu.memory_space<semaphore_mem>>, %arg16: memref<!tpu.dma_semaphore, #tpu.memory_space<semaphore_mem>>, %arg17: memref<!tpu.dma_semaphore, #tpu.memory_space<semaphore_mem>>, %arg18: memref<!tpu.dma_semaphore, #tpu.memory_space<semaphore_mem>>, %arg19: memref<!tpu.dma_semaphore, #tpu.memory_space<semaphore_mem>>, %arg20: memref<!tpu.dma_semaphore, #tpu.memory_space<semaphore_mem>>, %arg21: memref<!tpu.dma_semaphore, #tpu.memory_space<semaphore_mem>>, %arg22: memref<!tpu.dma_semaphore, #tpu.memory_space<semaphore_mem>>, %arg23: memref<!tpu.dma_semaphore, #tpu.memory_space<semaphore_mem>>, %arg24: memref<!tpu.dma_semaphore, #tpu.memory_space<semaphore_mem>>, %arg25: memref<!tpu.dma_semaphore, #tpu.memory_space<semaphore_mem>>, %arg26: memref<!tpu.dma_semaphore, #tpu.memory_space<semaphore_mem>>, %arg27: memref<!tpu.dma_semaphore, #tpu.memory_space<semaphore_mem>>, %arg28: memref<!tpu.dma_semaphore, #tpu.memory_space<semaphore_mem>>, %arg29: memref<!tpu.dma_semaphore, #tpu.memory_space<semaphore_mem>>, %arg30: memref<!tpu.dma_semaphore, #tpu.memory_space<semaphore_mem>>, %arg31: memref<!tpu.dma_semaphore, #tpu.memory_space<semaphore_mem>>, %arg32: memref<!tpu.dma_semaphore, #tpu.memory_space<semaphore_mem>>) attributes {dimension_semantics = [#tpu.dimension_semantics<core_parallel>, #tpu.dimension_semantics<subcore_parallel>], iteration_bounds = array<i64: 2, 16>, scalar_prefetch = 0 : i64, scratch_operands = 28 : i64, tpu.core_type = #tpu.core_type<sc_vector_subcore>, window_params = [{transform_indices = #map}, {transform_indices = #map1}, {transform_indices = #map}]} {
    %mul3A = arith.constant 2 : i32
    %mul3A_0 = arith.muli %arg1, %mul3A : i32
    %add3A = arith.addi %mul3A_0, %arg0 : i32
    %mul3A_1 = arith.constant 256 : i32
    %mul3A_2 = arith.muli %add3A, %mul3A_1 : i32
    %add3A_3 = arith.constant 0 : i32
    %add3A_4 = arith.addi %mul3A_2, %add3A_3 : i32
    %scan3A = arith.constant 0 : i32
    %scan3A_5 = arith.constant 0 : i32
    %scan3A_6 = arith.constant 16 : i32
    %scan3A_7 = arith.addi %scan3A_5, %scan3A_6 : i32
    %scan3A_8 = arith.constant 1 : i32
    scf.for %scan3A_104 = %scan3A_5 to %scan3A_7 step %scan3A_8  : i32 {
      %add3A_105 = arith.addi %add3A_4, %scan3A_104 : i32
      %mul3A_106 = arith.constant 768 : i32
      %mul3A_107 = arith.muli %scan3A_104, %mul3A_106 : i32
      %dma_start3A = tpu.memref_slice %arg13[%mul3A_107] : memref<12288xf32, #tpu.memory_space<vmem>> -> memref<768xf32, #tpu.memory_space<vmem>>
      %dma_start3A_108 = arith.constant 0 : i32
      %dma_start3A_109 = tpu.memref_slice %arg3[%add3A_105, %dma_start3A_108] : memref<8192x768xf32, #tpu.memory_space<hbm>> -> memref<1x768xf32, #tpu.memory_space<hbm>>
      %dma_start3A_110 = tpu.memref_squeeze %dma_start3A_109 : memref<1x768xf32, #tpu.memory_space<hbm>> -> memref<768xf32, #tpu.memory_space<hbm>>
      %dma_start3A_111 = tpu.memref_slice %arg13[%mul3A_107] : memref<12288xf32, #tpu.memory_space<vmem>> -> memref<768xf32, #tpu.memory_space<vmem>>
      %dma_start3A_112 = arith.constant 0 : i32
      %dma_start3A_113 = tpu.memref_slice %arg3[%add3A_105, %dma_start3A_112] : memref<8192x768xf32, #tpu.memory_space<hbm>> -> memref<1x768xf32, #tpu.memory_space<hbm>>
      %dma_start3A_114 = tpu.memref_squeeze %dma_start3A_113 : memref<1x768xf32, #tpu.memory_space<hbm>> -> memref<768xf32, #tpu.memory_space<hbm>>
      tpu.enqueue_dma source(%dma_start3A_114 : memref<768xf32, #tpu.memory_space<hbm>>) target(%dma_start3A_111 : memref<768xf32, #tpu.memory_space<vmem>>) target_semaphore(%arg23 : memref<!tpu.dma_semaphore, #tpu.memory_space<semaphore_mem>>)
    }
    %scan3A_9 = arith.constant 16 : i32
    %add3A_10 = arith.constant 16 : i32
    %add3A_11 = arith.addi %mul3A_2, %add3A_10 : i32
    %scan3A_12 = arith.constant 0 : i32
    %scan3A_13 = arith.constant 0 : i32
    %scan3A_14 = arith.constant 16 : i32
    %scan3A_15 = arith.addi %scan3A_13, %scan3A_14 : i32
    %scan3A_16 = arith.constant 1 : i32
    scf.for %scan3A_104 = %scan3A_13 to %scan3A_15 step %scan3A_16  : i32 {
      %add3A_105 = arith.addi %add3A_11, %scan3A_104 : i32
      %mul3A_106 = arith.constant 768 : i32
      %mul3A_107 = arith.muli %scan3A_104, %mul3A_106 : i32
      %dma_start3A = tpu.memref_slice %arg14[%mul3A_107] : memref<12288xf32, #tpu.memory_space<vmem>> -> memref<768xf32, #tpu.memory_space<vmem>>
      %dma_start3A_108 = arith.constant 0 : i32
      %dma_start3A_109 = tpu.memref_slice %arg3[%add3A_105, %dma_start3A_108] : memref<8192x768xf32, #tpu.memory_space<hbm>> -> memref<1x768xf32, #tpu.memory_space<hbm>>
      %dma_start3A_110 = tpu.memref_squeeze %dma_start3A_109 : memref<1x768xf32, #tpu.memory_space<hbm>> -> memref<768xf32, #tpu.memory_space<hbm>>
      %dma_start3A_111 = tpu.memref_slice %arg14[%mul3A_107] : memref<12288xf32, #tpu.memory_space<vmem>> -> memref<768xf32, #tpu.memory_space<vmem>>
      %dma_start3A_112 = arith.constant 0 : i32
      %dma_start3A_113 = tpu.memref_slice %arg3[%add3A_105, %dma_start3A_112] : memref<8192x768xf32, #tpu.memory_space<hbm>> -> memref<1x768xf32, #tpu.memory_space<hbm>>
      %dma_start3A_114 = tpu.memref_squeeze %dma_start3A_113 : memref<1x768xf32, #tpu.memory_space<hbm>> -> memref<768xf32, #tpu.memory_space<hbm>>
      tpu.enqueue_dma source(%dma_start3A_114 : memref<768xf32, #tpu.memory_space<hbm>>) target(%dma_start3A_111 : memref<768xf32, #tpu.memory_space<vmem>>) target_semaphore(%arg24 : memref<!tpu.dma_semaphore, #tpu.memory_space<semaphore_mem>>)
    }
    %scan3A_17 = arith.constant 16 : i32
    %add3A_18 = arith.constant 0 : i32
    %add3A_19 = arith.addi %mul3A_2, %add3A_18 : i32
    %scan3A_20 = arith.constant 0 : i32
    %scan3A_21 = arith.constant 0 : i32
    %scan3A_22 = arith.constant 16 : i32
    %scan3A_23 = arith.addi %scan3A_21, %scan3A_22 : i32
    %scan3A_24 = arith.constant 1 : i32
    scf.for %scan3A_104 = %scan3A_21 to %scan3A_23 step %scan3A_24  : i32 {
      %add3A_105 = arith.addi %add3A_19, %scan3A_104 : i32
      %mul3A_106 = arith.constant 768 : i32
      %mul3A_107 = arith.muli %scan3A_104, %mul3A_106 : i32
      %dma_start3A = arith.constant 0 : i32
      %dma_start3A_108 = tpu.memref_slice %arg5[%mul3A_107] : memref<12288xf32, #tpu.memory_space<vmem>> -> memref<768xf32, #tpu.memory_space<vmem>>
      %dma_start3A_109 = arith.constant 0 : i32
      %dma_start3A_110 = tpu.memref_slice %arg2[%dma_start3A, %add3A_105, %dma_start3A_109] : memref<4x8192x768xf32, #tpu.memory_space<hbm>> -> memref<1x1x768xf32, #tpu.memory_space<hbm>>
      %dma_start3A_111 = tpu.memref_squeeze %dma_start3A_110 : memref<1x1x768xf32, #tpu.memory_space<hbm>> -> memref<768xf32, #tpu.memory_space<hbm>>
      %dma_start3A_112 = tpu.memref_slice %arg5[%mul3A_107] : memref<12288xf32, #tpu.memory_space<vmem>> -> memref<768xf32, #tpu.memory_space<vmem>>
      %dma_start3A_113 = arith.constant 0 : i32
      %dma_start3A_114 = tpu.memref_slice %arg2[%dma_start3A, %add3A_105, %dma_start3A_113] : memref<4x8192x768xf32, #tpu.memory_space<hbm>> -> memref<1x1x768xf32, #tpu.memory_space<hbm>>
      %dma_start3A_115 = tpu.memref_squeeze %dma_start3A_114 : memref<1x1x768xf32, #tpu.memory_space<hbm>> -> memref<768xf32, #tpu.memory_space<hbm>>
      tpu.enqueue_dma source(%dma_start3A_115 : memref<768xf32, #tpu.memory_space<hbm>>) target(%dma_start3A_112 : memref<768xf32, #tpu.memory_space<vmem>>) target_semaphore(%arg15 : memref<!tpu.dma_semaphore, #tpu.memory_space<semaphore_mem>>)
    }
    %scan3A_25 = arith.constant 16 : i32
    %add3A_26 = arith.constant 0 : i32
    %add3A_27 = arith.addi %mul3A_2, %add3A_26 : i32
    %scan3A_28 = arith.constant 0 : i32
    %scan3A_29 = arith.constant 0 : i32
    %scan3A_30 = arith.constant 16 : i32
    %scan3A_31 = arith.addi %scan3A_29, %scan3A_30 : i32
    %scan3A_32 = arith.constant 1 : i32
    scf.for %scan3A_104 = %scan3A_29 to %scan3A_31 step %scan3A_32  : i32 {
      %add3A_105 = arith.addi %add3A_27, %scan3A_104 : i32
      %mul3A_106 = arith.constant 768 : i32
      %mul3A_107 = arith.muli %scan3A_104, %mul3A_106 : i32
      %dma_start3A = arith.constant 1 : i32
      %dma_start3A_108 = tpu.memref_slice %arg6[%mul3A_107] : memref<12288xf32, #tpu.memory_space<vmem>> -> memref<768xf32, #tpu.memory_space<vmem>>
      %dma_start3A_109 = arith.constant 0 : i32
      %dma_start3A_110 = tpu.memref_slice %arg2[%dma_start3A, %add3A_105, %dma_start3A_109] : memref<4x8192x768xf32, #tpu.memory_space<hbm>> -> memref<1x1x768xf32, #tpu.memory_space<hbm>>
      %dma_start3A_111 = tpu.memref_squeeze %dma_start3A_110 : memref<1x1x768xf32, #tpu.memory_space<hbm>> -> memref<768xf32, #tpu.memory_space<hbm>>
      %dma_start3A_112 = tpu.memref_slice %arg6[%mul3A_107] : memref<12288xf32, #tpu.memory_space<vmem>> -> memref<768xf32, #tpu.memory_space<vmem>>
      %dma_start3A_113 = arith.constant 0 : i32
      %dma_start3A_114 = tpu.memref_slice %arg2[%dma_start3A, %add3A_105, %dma_start3A_113] : memref<4x8192x768xf32, #tpu.memory_space<hbm>> -> memref<1x1x768xf32, #tpu.memory_space<hbm>>
      %dma_start3A_115 = tpu.memref_squeeze %dma_start3A_114 : memref<1x1x768xf32, #tpu.memory_space<hbm>> -> memref<768xf32, #tpu.memory_space<hbm>>
      tpu.enqueue_dma source(%dma_start3A_115 : memref<768xf32, #tpu.memory_space<hbm>>) target(%dma_start3A_112 : memref<768xf32, #tpu.memory_space<vmem>>) target_semaphore(%arg16 : memref<!tpu.dma_semaphore, #tpu.memory_space<semaphore_mem>>)
    }
    %scan3A_33 = arith.constant 16 : i32
    %add3A_34 = arith.constant 0 : i32
    %add3A_35 = arith.addi %mul3A_2, %add3A_34 : i32
    %scan3A_36 = arith.constant 0 : i32
    %scan3A_37 = arith.constant 0 : i32
    %scan3A_38 = arith.constant 16 : i32
    %scan3A_39 = arith.addi %scan3A_37, %scan3A_38 : i32
    %scan3A_40 = arith.constant 1 : i32
    scf.for %scan3A_104 = %scan3A_37 to %scan3A_39 step %scan3A_40  : i32 {
      %add3A_105 = arith.addi %add3A_35, %scan3A_104 : i32
      %mul3A_106 = arith.constant 768 : i32
      %mul3A_107 = arith.muli %scan3A_104, %mul3A_106 : i32
      %dma_start3A = arith.constant 2 : i32
      %dma_start3A_108 = tpu.memref_slice %arg7[%mul3A_107] : memref<12288xf32, #tpu.memory_space<vmem>> -> memref<768xf32, #tpu.memory_space<vmem>>
      %dma_start3A_109 = arith.constant 0 : i32
      %dma_start3A_110 = tpu.memref_slice %arg2[%dma_start3A, %add3A_105, %dma_start3A_109] : memref<4x8192x768xf32, #tpu.memory_space<hbm>> -> memref<1x1x768xf32, #tpu.memory_space<hbm>>
      %dma_start3A_111 = tpu.memref_squeeze %dma_start3A_110 : memref<1x1x768xf32, #tpu.memory_space<hbm>> -> memref<768xf32, #tpu.memory_space<hbm>>
      %dma_start3A_112 = tpu.memref_slice %arg7[%mul3A_107] : memref<12288xf32, #tpu.memory_space<vmem>> -> memref<768xf32, #tpu.memory_space<vmem>>
      %dma_start3A_113 = arith.constant 0 : i32
      %dma_start3A_114 = tpu.memref_slice %arg2[%dma_start3A, %add3A_105, %dma_start3A_113] : memref<4x8192x768xf32, #tpu.memory_space<hbm>> -> memref<1x1x768xf32, #tpu.memory_space<hbm>>
      %dma_start3A_115 = tpu.memref_squeeze %dma_start3A_114 : memref<1x1x768xf32, #tpu.memory_space<hbm>> -> memref<768xf32, #tpu.memory_space<hbm>>
      tpu.enqueue_dma source(%dma_start3A_115 : memref<768xf32, #tpu.memory_space<hbm>>) target(%dma_start3A_112 : memref<768xf32, #tpu.memory_space<vmem>>) target_semaphore(%arg17 : memref<!tpu.dma_semaphore, #tpu.memory_space<semaphore_mem>>)
    }
    %scan3A_41 = arith.constant 16 : i32
    %add3A_42 = arith.constant 0 : i32
    %add3A_43 = arith.addi %mul3A_2, %add3A_42 : i32
    %scan3A_44 = arith.constant 0 : i32
    %scan3A_45 = arith.constant 0 : i32
    %scan3A_46 = arith.constant 16 : i32
    %scan3A_47 = arith.addi %scan3A_45, %scan3A_46 : i32
    %scan3A_48 = arith.constant 1 : i32
    scf.for %scan3A_104 = %scan3A_45 to %scan3A_47 step %scan3A_48  : i32 {
      %add3A_105 = arith.addi %add3A_43, %scan3A_104 : i32
      %mul3A_106 = arith.constant 768 : i32
      %mul3A_107 = arith.muli %scan3A_104, %mul3A_106 : i32
      %dma_start3A = arith.constant 3 : i32
      %dma_start3A_108 = tpu.memref_slice %arg8[%mul3A_107] : memref<12288xf32, #tpu.memory_space<vmem>> -> memref<768xf32, #tpu.memory_space<vmem>>
      %dma_start3A_109 = arith.constant 0 : i32
      %dma_start3A_110 = tpu.memref_slice %arg2[%dma_start3A, %add3A_105, %dma_start3A_109] : memref<4x8192x768xf32, #tpu.memory_space<hbm>> -> memref<1x1x768xf32, #tpu.memory_space<hbm>>
      %dma_start3A_111 = tpu.memref_squeeze %dma_start3A_110 : memref<1x1x768xf32, #tpu.memory_space<hbm>> -> memref<768xf32, #tpu.memory_space<hbm>>
      %dma_start3A_112 = tpu.memref_slice %arg8[%mul3A_107] : memref<12288xf32, #tpu.memory_space<vmem>> -> memref<768xf32, #tpu.memory_space<vmem>>
      %dma_start3A_113 = arith.constant 0 : i32
      %dma_start3A_114 = tpu.memref_slice %arg2[%dma_start3A, %add3A_105, %dma_start3A_113] : memref<4x8192x768xf32, #tpu.memory_space<hbm>> -> memref<1x1x768xf32, #tpu.memory_space<hbm>>
      %dma_start3A_115 = tpu.memref_squeeze %dma_start3A_114 : memref<1x1x768xf32, #tpu.memory_space<hbm>> -> memref<768xf32, #tpu.memory_space<hbm>>
      tpu.enqueue_dma source(%dma_start3A_115 : memref<768xf32, #tpu.memory_space<hbm>>) target(%dma_start3A_112 : memref<768xf32, #tpu.memory_space<vmem>>) target_semaphore(%arg18 : memref<!tpu.dma_semaphore, #tpu.memory_space<semaphore_mem>>)
    }
    %scan3A_49 = arith.constant 16 : i32
    %scan3A_50 = arith.constant 0 : i32
    %scan3A_51 = arith.constant 0 : i32
    %scan3A_52 = arith.constant 8 : i32
    %scan3A_53 = arith.addi %scan3A_51, %scan3A_52 : i32
    %scan3A_54 = arith.constant 1 : i32
    scf.for %scan3A_104 = %scan3A_51 to %scan3A_53 step %scan3A_54  : i32 {
      %mul3A_105 = arith.constant 8 : i32
      %mul3A_106 = arith.muli %scan3A_104, %mul3A_105 : i32
      %add3A_107 = arith.constant 0 : i32
      %add3A_108 = arith.addi %mul3A_106, %add3A_107 : i32
      %scan3A_109 = arith.constant 0 : i32
      %scan3A_110 = arith.constant 0 : i32
      %scan3A_111 = arith.constant 16 : i32
      %scan3A_112 = arith.addi %scan3A_110, %scan3A_111 : i32
      %scan3A_113 = arith.constant 1 : i32
      scf.for %scan3A_686 = %scan3A_110 to %scan3A_112 step %scan3A_113  : i32 {
        %dma_wait3A = arith.constant 0 : i32
        %dma_wait3A_687 = arith.constant 0 : i32
        %dma_wait3A_688 = arith.constant 0 : i32
        %dma_wait3A_689 = tpu.memref_slice %arg13[%dma_wait3A_688] : memref<12288xf32, #tpu.memory_space<vmem>> -> memref<768xf32, #tpu.memory_space<vmem>>
        %dma_wait3A_690 = arith.constant 0 : i32
        %dma_wait3A_691 = tpu.memref_slice %arg2[%dma_wait3A, %dma_wait3A_687, %dma_wait3A_690] : memref<4x8192x768xf32, #tpu.memory_space<hbm>> -> memref<1x1x768xf32, #tpu.memory_space<hbm>>
        %dma_wait3A_692 = tpu.memref_squeeze %dma_wait3A_691 : memref<1x1x768xf32, #tpu.memory_space<hbm>> -> memref<768xf32, #tpu.memory_space<hbm>>
        %dma_wait3A_693 = arith.constant 0 : i32
        %dma_wait3A_694 = tpu.memref_slice %arg13[%dma_wait3A_693] : memref<12288xf32, #tpu.memory_space<vmem>> -> memref<768xf32, #tpu.memory_space<vmem>>
        %dma_wait3A_695 = arith.constant 0 : i32
        %dma_wait3A_696 = tpu.memref_slice %arg2[%dma_wait3A, %dma_wait3A_687, %dma_wait3A_695] : memref<4x8192x768xf32, #tpu.memory_space<hbm>> -> memref<1x1x768xf32, #tpu.memory_space<hbm>>
        %dma_wait3A_697 = tpu.memref_squeeze %dma_wait3A_696 : memref<1x1x768xf32, #tpu.memory_space<hbm>> -> memref<768xf32, #tpu.memory_space<hbm>>
        tpu.wait_dma2 semaphore(%arg23 : memref<!tpu.dma_semaphore, #tpu.memory_space<semaphore_mem>>) src(%dma_wait3A_697 : memref<768xf32, #tpu.memory_space<hbm>>) dst(%dma_wait3A_694 : memref<768xf32, #tpu.memory_space<vmem>>)
      }
      %scan3A_114 = arith.constant 16 : i32
      %scan3A_115 = arith.constant 0 : i32
      %scan3A_116 = arith.constant 0 : i32
      %scan3A_117 = arith.constant 16 : i32
      %scan3A_118 = arith.addi %scan3A_116, %scan3A_117 : i32
      %scan3A_119 = arith.constant 1 : i32
      scf.for %scan3A_686 = %scan3A_116 to %scan3A_118 step %scan3A_119  : i32 {
        %dma_wait3A = arith.constant 0 : i32
        %dma_wait3A_687 = arith.constant 0 : i32
        %dma_wait3A_688 = arith.constant 0 : i32
        %dma_wait3A_689 = tpu.memref_slice %arg5[%dma_wait3A_688] : memref<12288xf32, #tpu.memory_space<vmem>> -> memref<768xf32, #tpu.memory_space<vmem>>
        %dma_wait3A_690 = arith.constant 0 : i32
        %dma_wait3A_691 = tpu.memref_slice %arg2[%dma_wait3A, %dma_wait3A_687, %dma_wait3A_690] : memref<4x8192x768xf32, #tpu.memory_space<hbm>> -> memref<1x1x768xf32, #tpu.memory_space<hbm>>
        %dma_wait3A_692 = tpu.memref_squeeze %dma_wait3A_691 : memref<1x1x768xf32, #tpu.memory_space<hbm>> -> memref<768xf32, #tpu.memory_space<hbm>>
        %dma_wait3A_693 = arith.constant 0 : i32
        %dma_wait3A_694 = tpu.memref_slice %arg5[%dma_wait3A_693] : memref<12288xf32, #tpu.memory_space<vmem>> -> memref<768xf32, #tpu.memory_space<vmem>>
        %dma_wait3A_695 = arith.constant 0 : i32
        %dma_wait3A_696 = tpu.memref_slice %arg2[%dma_wait3A, %dma_wait3A_687, %dma_wait3A_695] : memref<4x8192x768xf32, #tpu.memory_space<hbm>> -> memref<1x1x768xf32, #tpu.memory_space<hbm>>
        %dma_wait3A_697 = tpu.memref_squeeze %dma_wait3A_696 : memref<1x1x768xf32, #tpu.memory_space<hbm>> -> memref<768xf32, #tpu.memory_space<hbm>>
        tpu.wait_dma2 semaphore(%arg15 : memref<!tpu.dma_semaphore, #tpu.memory_space<semaphore_mem>>) src(%dma_wait3A_697 : memref<768xf32, #tpu.memory_space<hbm>>) dst(%dma_wait3A_694 : memref<768xf32, #tpu.memory_space<vmem>>)
      }
      %scan3A_120 = arith.constant 16 : i32
      %scan3A_121 = arith.constant 0 : i32
      %scan3A_122 = arith.constant 0 : i32
      %scan3A_123 = arith.constant 768 : i32
      %scan3A_124 = arith.addi %scan3A_122, %scan3A_123 : i32
      %scan3A_125 = arith.constant 8 : i32
      scf.for %scan3A_686 = %scan3A_122 to %scan3A_124 step %scan3A_125  : i32 {
        %mul3A_687 = arith.constant 16 : i32
        %mul3A_688 = arith.muli %scan3A_686, %mul3A_687 : i32
        %get3A = arith.index_cast %mul3A_688 : i32 to index
        %get3A_689 = tpu.vector_load %arg13[%get3A] {strides = array<i32>} : memref<12288xf32, #tpu.memory_space<vmem>>, vector<16xf32>,
        %get3A_690 = vector.shape_cast %get3A_689 : vector<16xf32> to vector<16xf32>
        %swap3A = arith.index_cast %mul3A_688 : i32 to index
        %swap3A_691 = tpu.vector_load %arg5[%swap3A] {strides = array<i32>} : memref<12288xf32, #tpu.memory_space<vmem>>, vector<16xf32>,
        %swap3A_692 = vector.shape_cast %swap3A_691 : vector<16xf32> to vector<16xf32>
        %swap3A_693 = vector.shape_cast %get3A_690 : vector<16xf32> to vector<16xf32>
        tpu.vector_store %arg5[%swap3A], %swap3A_693 {add = true, strides = array<i32>} : memref<12288xf32, #tpu.memory_space<vmem>>, vector<16xf32>,
        %scan3A_694 = arith.constant 1 : i32
        %scan3A_695 = arith.addi %scan3A_686, %scan3A_694 : i32
        %mul3A_696 = arith.constant 16 : i32
        %mul3A_697 = arith.muli %scan3A_695, %mul3A_696 : i32
        %get3A_698 = arith.index_cast %mul3A_697 : i32 to index
        %get3A_699 = tpu.vector_load %arg13[%get3A_698] {strides = array<i32>} : memref<12288xf32, #tpu.memory_space<vmem>>, vector<16xf32>,
        %get3A_700 = vector.shape_cast %get3A_699 : vector<16xf32> to vector<16xf32>
        %swap3A_701 = arith.index_cast %mul3A_697 : i32 to index
        %swap3A_702 = tpu.vector_load %arg5[%swap3A_701] {strides = array<i32>} : memref<12288xf32, #tpu.memory_space<vmem>>, vector<16xf32>,
        %swap3A_703 = vector.shape_cast %swap3A_702 : vector<16xf32> to vector<16xf32>
        %swap3A_704 = vector.shape_cast %get3A_700 : vector<16xf32> to vector<16xf32>
        tpu.vector_store %arg5[%swap3A_701], %swap3A_704 {add = true, strides = array<i32>} : memref<12288xf32, #tpu.memory_space<vmem>>, vector<16xf32>,
        %scan3A_705 = arith.constant 2 : i32
        %scan3A_706 = arith.addi %scan3A_686, %scan3A_705 : i32
        %mul3A_707 = arith.constant 16 : i32
        %mul3A_708 = arith.muli %scan3A_706, %mul3A_707 : i32
        %get3A_709 = arith.index_cast %mul3A_708 : i32 to index
        %get3A_710 = tpu.vector_load %arg13[%get3A_709] {strides = array<i32>} : memref<12288xf32, #tpu.memory_space<vmem>>, vector<16xf32>,
        %get3A_711 = vector.shape_cast %get3A_710 : vector<16xf32> to vector<16xf32>
        %swap3A_712 = arith.index_cast %mul3A_708 : i32 to index
        %swap3A_713 = tpu.vector_load %arg5[%swap3A_712] {strides = array<i32>} : memref<12288xf32, #tpu.memory_space<vmem>>, vector<16xf32>,
        %swap3A_714 = vector.shape_cast %swap3A_713 : vector<16xf32> to vector<16xf32>
        %swap3A_715 = vector.shape_cast %get3A_711 : vector<16xf32> to vector<16xf32>
        tpu.vector_store %arg5[%swap3A_712], %swap3A_715 {add = true, strides = array<i32>} : memref<12288xf32, #tpu.memory_space<vmem>>, vector<16xf32>,
        %scan3A_716 = arith.constant 3 : i32
        %scan3A_717 = arith.addi %scan3A_686, %scan3A_716 : i32
        %mul3A_718 = arith.constant 16 : i32
        %mul3A_719 = arith.muli %scan3A_717, %mul3A_718 : i32
        %get3A_720 = arith.index_cast %mul3A_719 : i32 to index
        %get3A_721 = tpu.vector_load %arg13[%get3A_720] {strides = array<i32>} : memref<12288xf32, #tpu.memory_space<vmem>>, vector<16xf32>,
        %get3A_722 = vector.shape_cast %get3A_721 : vector<16xf32> to vector<16xf32>
        %swap3A_723 = arith.index_cast %mul3A_719 : i32 to index
        %swap3A_724 = tpu.vector_load %arg5[%swap3A_723] {strides = array<i32>} : memref<12288xf32, #tpu.memory_space<vmem>>, vector<16xf32>,
        %swap3A_725 = vector.shape_cast %swap3A_724 : vector<16xf32> to vector<16xf32>
        %swap3A_726 = vector.shape_cast %get3A_722 : vector<16xf32> to vector<16xf32>
        tpu.vector_store %arg5[%swap3A_723], %swap3A_726 {add = true, strides = array<i32>} : memref<12288xf32, #tpu.memory_space<vmem>>, vector<16xf32>,
        %scan3A_727 = arith.constant 4 : i32
        %scan3A_728 = arith.addi %scan3A_686, %scan3A_727 : i32
        %mul3A_729 = arith.constant 16 : i32
        %mul3A_730 = arith.muli %scan3A_728, %mul3A_729 : i32
        %get3A_731 = arith.index_cast %mul3A_730 : i32 to index
        %get3A_732 = tpu.vector_load %arg13[%get3A_731] {strides = array<i32>} : memref<12288xf32, #tpu.memory_space<vmem>>, vector<16xf32>,
        %get3A_733 = vector.shape_cast %get3A_732 : vector<16xf32> to vector<16xf32>
        %swap3A_734 = arith.index_cast %mul3A_730 : i32 to index
        %swap3A_735 = tpu.vector_load %arg5[%swap3A_734] {strides = array<i32>} : memref<12288xf32, #tpu.memory_space<vmem>>, vector<16xf32>,
        %swap3A_736 = vector.shape_cast %swap3A_735 : vector<16xf32> to vector<16xf32>
        %swap3A_737 = vector.shape_cast %get3A_733 : vector<16xf32> to vector<16xf32>
        tpu.vector_store %arg5[%swap3A_734], %swap3A_737 {add = true, strides = array<i32>} : memref<12288xf32, #tpu.memory_space<vmem>>, vector<16xf32>,
        %scan3A_738 = arith.constant 5 : i32
        %scan3A_739 = arith.addi %scan3A_686, %scan3A_738 : i32
        %mul3A_740 = arith.constant 16 : i32
        %mul3A_741 = arith.muli %scan3A_739, %mul3A_740 : i32
        %get3A_742 = arith.index_cast %mul3A_741 : i32 to index
        %get3A_743 = tpu.vector_load %arg13[%get3A_742] {strides = array<i32>} : memref<12288xf32, #tpu.memory_space<vmem>>, vector<16xf32>,
        %get3A_744 = vector.shape_cast %get3A_743 : vector<16xf32> to vector<16xf32>
        %swap3A_745 = arith.index_cast %mul3A_741 : i32 to index
        %swap3A_746 = tpu.vector_load %arg5[%swap3A_745] {strides = array<i32>} : memref<12288xf32, #tpu.memory_space<vmem>>, vector<16xf32>,
        %swap3A_747 = vector.shape_cast %swap3A_746 : vector<16xf32> to vector<16xf32>
        %swap3A_748 = vector.shape_cast %get3A_744 : vector<16xf32> to vector<16xf32>
        tpu.vector_store %arg5[%swap3A_745], %swap3A_748 {add = true, strides = array<i32>} : memref<12288xf32, #tpu.memory_space<vmem>>, vector<16xf32>,
        %scan3A_749 = arith.constant 6 : i32
        %scan3A_750 = arith.addi %scan3A_686, %scan3A_749 : i32
        %mul3A_751 = arith.constant 16 : i32
        %mul3A_752 = arith.muli %scan3A_750, %mul3A_751 : i32
        %get3A_753 = arith.index_cast %mul3A_752 : i32 to index
        %get3A_754 = tpu.vector_load %arg13[%get3A_753] {strides = array<i32>} : memref<12288xf32, #tpu.memory_space<vmem>>, vector<16xf32>,
        %get3A_755 = vector.shape_cast %get3A_754 : vector<16xf32> to vector<16xf32>
        %swap3A_756 = arith.index_cast %mul3A_752 : i32 to index
        %swap3A_757 = tpu.vector_load %arg5[%swap3A_756] {strides = array<i32>} : memref<12288xf32, #tpu.memory_space<vmem>>, vector<16xf32>,
        %swap3A_758 = vector.shape_cast %swap3A_757 : vector<16xf32> to vector<16xf32>
        %swap3A_759 = vector.shape_cast %get3A_755 : vector<16xf32> to vector<16xf32>
        tpu.vector_store %arg5[%swap3A_756], %swap3A_759 {add = true, strides = array<i32>} : memref<12288xf32, #tpu.memory_space<vmem>>, vector<16xf32>,
        %scan3A_760 = arith.constant 7 : i32
        %scan3A_761 = arith.addi %scan3A_686, %scan3A_760 : i32
        %mul3A_762 = arith.constant 16 : i32
        %mul3A_763 = arith.muli %scan3A_761, %mul3A_762 : i32
        %get3A_764 = arith.index_cast %mul3A_763 : i32 to index
        %get3A_765 = tpu.vector_load %arg13[%get3A_764] {strides = array<i32>} : memref<12288xf32, #tpu.memory_space<vmem>>, vector<16xf32>,
        %get3A_766 = vector.shape_cast %get3A_765 : vector<16xf32> to vector<16xf32>
        %swap3A_767 = arith.index_cast %mul3A_763 : i32 to index
        %swap3A_768 = tpu.vector_load %arg5[%swap3A_767] {strides = array<i32>} : memref<12288xf32, #tpu.memory_space<vmem>>, vector<16xf32>,
        %swap3A_769 = vector.shape_cast %swap3A_768 : vector<16xf32> to vector<16xf32>
        %swap3A_770 = vector.shape_cast %get3A_766 : vector<16xf32> to vector<16xf32>
        tpu.vector_store %arg5[%swap3A_767], %swap3A_770 {add = true, strides = array<i32>} : memref<12288xf32, #tpu.memory_space<vmem>>, vector<16xf32>,
      }
      %scan3A_126 = arith.constant 768 : i32
      %jit3A = arith.constant 4 : i32
      %div3A = arith.divsi %add3A_108, %jit3A : i32
      %sign3A = arith.constant 0 : i32
      %sign3A_127 = arith.cmpi sgt, %add3A_108, %sign3A : i32
      %sign3A_128 = arith.extui %sign3A_127 : i1 to i32
      %sign3A_129 = arith.constant 0 : i32
      %sign3A_130 = arith.cmpi slt, %add3A_108, %sign3A_129 : i32
      %sign3A_131 = arith.extui %sign3A_130 : i1 to i32
      %sign3A_132 = arith.subi %sign3A_128, %sign3A_131 : i32
      %sign3A_133 = arith.constant 0 : i32
      %sign3A_134 = arith.cmpi sgt, %jit3A, %sign3A_133 : i32
      %sign3A_135 = arith.extui %sign3A_134 : i1 to i32
      %sign3A_136 = arith.constant 0 : i32
      %sign3A_137 = arith.cmpi slt, %jit3A, %sign3A_136 : i32
      %sign3A_138 = arith.extui %sign3A_137 : i1 to i32
      %sign3A_139 = arith.subi %sign3A_135, %sign3A_138 : i32
      %ne3A = arith.cmpi ne, %sign3A_132, %sign3A_139 : i32
      %rem3A = arith.remsi %add3A_108, %jit3A : i32
      %ne3A_140 = arith.constant 0 : i32
      %ne3A_141 = arith.cmpi ne, %rem3A, %ne3A_140 : i32
      %and3A = arith.andi %ne3A, %ne3A_141 : i1
      %sub3A = arith.constant 1 : i32
      %sub3A_142 = arith.subi %div3A, %sub3A : i32
      %select_n3A = arith.select %and3A, %sub3A_142, %div3A : i32
      %eq3A = arith.constant 0 : i32
      %eq3A_143 = arith.cmpi eq, %jit3A, %eq3A : i32
      %jit3A_144 = arith.constant 1 : i32
      %select_n3A_145 = arith.select %eq3A_143, %jit3A_144, %jit3A : i32
      %rem3A_146 = arith.remsi %add3A_108, %select_n3A_145 : i32
      %ne3A_147 = arith.constant 0 : i32
      %ne3A_148 = arith.cmpi ne, %rem3A_146, %ne3A_147 : i32
      %lt3A = arith.constant 0 : i32
      %lt3A_149 = arith.cmpi slt, %rem3A_146, %lt3A : i32
      %lt3A_150 = arith.constant 0 : i32
      %lt3A_151 = arith.cmpi slt, %select_n3A_145, %lt3A_150 : i32
      %ne3A_152 = arith.xori %lt3A_149, %lt3A_151 : i1
      %and3A_153 = arith.andi %ne3A_152, %ne3A_148 : i1
      %add3A_154 = arith.addi %rem3A_146, %select_n3A_145 : i32
      %select_n3A_155 = arith.select %and3A_153, %add3A_154, %rem3A_146 : i32
      %mul3A_156 = arith.constant 16 : i32
      %mul3A_157 = arith.muli %select_n3A, %mul3A_156 : i32
      %add3A_158 = arith.addi %mul3A_2, %mul3A_157 : i32
      %scan3A_159 = arith.constant 0 : i32
      %scan3A_160 = arith.constant 0 : i32
      %scan3A_161 = arith.constant 16 : i32
      %scan3A_162 = arith.addi %scan3A_160, %scan3A_161 : i32
      %scan3A_163 = arith.constant 1 : i32
      scf.for %scan3A_686 = %scan3A_160 to %scan3A_162 step %scan3A_163  : i32 {
        %mul3A_687 = arith.constant 768 : i32
        %mul3A_688 = arith.muli %scan3A_686, %mul3A_687 : i32
        %add3A_689 = arith.addi %add3A_158, %scan3A_686 : i32
        %dma_start3A = tpu.memref_slice %arg5[%mul3A_688] : memref<12288xf32, #tpu.memory_space<vmem>> -> memref<768xf32, #tpu.memory_space<vmem>>
        %dma_start3A_690 = arith.constant 0 : i32
        %dma_start3A_691 = tpu.memref_slice %arg4[%select_n3A_155, %add3A_689, %dma_start3A_690] : memref<4x8192x768xf32, #tpu.memory_space<hbm>> -> memref<1x1x768xf32, #tpu.memory_space<hbm>>
        %dma_start3A_692 = tpu.memref_squeeze %dma_start3A_691 : memref<1x1x768xf32, #tpu.memory_space<hbm>> -> memref<768xf32, #tpu.memory_space<hbm>>
        %dma_start3A_693 = arith.constant 0 : i32
        %dma_start3A_694 = tpu.memref_slice %arg4[%select_n3A_155, %add3A_689, %dma_start3A_693] : memref<4x8192x768xf32, #tpu.memory_space<hbm>> -> memref<1x1x768xf32, #tpu.memory_space<hbm>>
        %dma_start3A_695 = tpu.memref_squeeze %dma_start3A_694 : memref<1x1x768xf32, #tpu.memory_space<hbm>> -> memref<768xf32, #tpu.memory_space<hbm>>
        %dma_start3A_696 = tpu.memref_slice %arg5[%mul3A_688] : memref<12288xf32, #tpu.memory_space<vmem>> -> memref<768xf32, #tpu.memory_space<vmem>>
        tpu.enqueue_dma source(%dma_start3A_696 : memref<768xf32, #tpu.memory_space<vmem>>) target(%dma_start3A_695 : memref<768xf32, #tpu.memory_space<hbm>>) target_semaphore(%arg25 : memref<!tpu.dma_semaphore, #tpu.memory_space<semaphore_mem>>)
      }
      %scan3A_164 = arith.constant 16 : i32
      %gt3A = arith.constant 0 : i32
      %gt3A_165 = arith.cmpi sgt, %scan3A_104, %gt3A : i32
      %convert_element_type3A = arith.extui %gt3A_165 : i1 to i32
      %cond3A = arith.constant 0 : i32
      %cond3A_166 = arith.cmpi ne, %convert_element_type3A, %cond3A : i32
      scf.if %cond3A_166 {
        %scan3A_686 = arith.constant 0 : i32
        %scan3A_687 = arith.constant 0 : i32
        %scan3A_688 = arith.constant 16 : i32
        %scan3A_689 = arith.addi %scan3A_687, %scan3A_688 : i32
        %scan3A_690 = arith.constant 1 : i32
        scf.for %scan3A_742 = %scan3A_687 to %scan3A_689 step %scan3A_690  : i32 {
          %dma_wait3A = arith.constant 0 : i32
          %dma_wait3A_743 = arith.constant 0 : i32
          %dma_wait3A_744 = arith.constant 0 : i32
          %dma_wait3A_745 = tpu.memref_slice %arg9[%dma_wait3A_744] : memref<12288xf32, #tpu.memory_space<vmem>> -> memref<768xf32, #tpu.memory_space<vmem>>
          %dma_wait3A_746 = arith.constant 0 : i32
          %dma_wait3A_747 = tpu.memref_slice %arg2[%dma_wait3A, %dma_wait3A_743, %dma_wait3A_746] : memref<4x8192x768xf32, #tpu.memory_space<hbm>> -> memref<1x1x768xf32, #tpu.memory_space<hbm>>
          %dma_wait3A_748 = tpu.memref_squeeze %dma_wait3A_747 : memref<1x1x768xf32, #tpu.memory_space<hbm>> -> memref<768xf32, #tpu.memory_space<hbm>>
          %dma_wait3A_749 = arith.constant 0 : i32
          %dma_wait3A_750 = tpu.memref_slice %arg9[%dma_wait3A_749] : memref<12288xf32, #tpu.memory_space<vmem>> -> memref<768xf32, #tpu.memory_space<vmem>>
          %dma_wait3A_751 = arith.constant 0 : i32
          %dma_wait3A_752 = tpu.memref_slice %arg2[%dma_wait3A, %dma_wait3A_743, %dma_wait3A_751] : memref<4x8192x768xf32, #tpu.memory_space<hbm>> -> memref<1x1x768xf32, #tpu.memory_space<hbm>>
          %dma_wait3A_753 = tpu.memref_squeeze %dma_wait3A_752 : memref<1x1x768xf32, #tpu.memory_space<hbm>> -> memref<768xf32, #tpu.memory_space<hbm>>
          tpu.wait_dma2 semaphore(%arg29 : memref<!tpu.dma_semaphore, #tpu.memory_space<semaphore_mem>>) src(%dma_wait3A_753 : memref<768xf32, #tpu.memory_space<hbm>>) dst(%dma_wait3A_750 : memref<768xf32, #tpu.memory_space<vmem>>)
        }
        %scan3A_691 = arith.constant 16 : i32
        %add3A_692 = arith.constant 4 : i32
        %add3A_693 = arith.addi %add3A_108, %add3A_692 : i32
        %jit3A_694 = arith.constant 4 : i32
        %div3A_695 = arith.divsi %add3A_693, %jit3A_694 : i32
        %sign3A_696 = arith.constant 0 : i32
        %sign3A_697 = arith.cmpi sgt, %add3A_693, %sign3A_696 : i32
        %sign3A_698 = arith.extui %sign3A_697 : i1 to i32
        %sign3A_699 = arith.constant 0 : i32
        %sign3A_700 = arith.cmpi slt, %add3A_693, %sign3A_699 : i32
        %sign3A_701 = arith.extui %sign3A_700 : i1 to i32
        %sign3A_702 = arith.subi %sign3A_698, %sign3A_701 : i32
        %sign3A_703 = arith.constant 0 : i32
        %sign3A_704 = arith.cmpi sgt, %jit3A_694, %sign3A_703 : i32
        %sign3A_705 = arith.extui %sign3A_704 : i1 to i32
        %sign3A_706 = arith.constant 0 : i32
        %sign3A_707 = arith.cmpi slt, %jit3A_694, %sign3A_706 : i32
        %sign3A_708 = arith.extui %sign3A_707 : i1 to i32
        %sign3A_709 = arith.subi %sign3A_705, %sign3A_708 : i32
        %ne3A_710 = arith.cmpi ne, %sign3A_702, %sign3A_709 : i32
        %rem3A_711 = arith.remsi %add3A_693, %jit3A_694 : i32
        %ne3A_712 = arith.constant 0 : i32
        %ne3A_713 = arith.cmpi ne, %rem3A_711, %ne3A_712 : i32
        %and3A_714 = arith.andi %ne3A_710, %ne3A_713 : i1
        %sub3A_715 = arith.constant 1 : i32
        %sub3A_716 = arith.subi %div3A_695, %sub3A_715 : i32
        %select_n3A_717 = arith.select %and3A_714, %sub3A_716, %div3A_695 : i32
        %eq3A_718 = arith.constant 0 : i32
        %eq3A_719 = arith.cmpi eq, %jit3A_694, %eq3A_718 : i32
        %jit3A_720 = arith.constant 1 : i32
        %select_n3A_721 = arith.select %eq3A_719, %jit3A_720, %jit3A_694 : i32
        %rem3A_722 = arith.remsi %add3A_693, %select_n3A_721 : i32
        %ne3A_723 = arith.constant 0 : i32
        %ne3A_724 = arith.cmpi ne, %rem3A_722, %ne3A_723 : i32
        %lt3A_725 = arith.constant 0 : i32
        %lt3A_726 = arith.cmpi slt, %rem3A_722, %lt3A_725 : i32
        %lt3A_727 = arith.constant 0 : i32
        %lt3A_728 = arith.cmpi slt, %select_n3A_721, %lt3A_727 : i32
        %ne3A_729 = arith.xori %lt3A_726, %lt3A_728 : i1
        %and3A_730 = arith.andi %ne3A_729, %ne3A_724 : i1
        %add3A_731 = arith.addi %rem3A_722, %select_n3A_721 : i32
        %select_n3A_732 = arith.select %and3A_730, %add3A_731, %rem3A_722 : i32
        %mul3A_733 = arith.constant 16 : i32
        %mul3A_734 = arith.muli %select_n3A_717, %mul3A_733 : i32
        %add3A_735 = arith.addi %mul3A_2, %mul3A_734 : i32
        %scan3A_736 = arith.constant 0 : i32
        %scan3A_737 = arith.constant 0 : i32
        %scan3A_738 = arith.constant 16 : i32
        %scan3A_739 = arith.addi %scan3A_737, %scan3A_738 : i32
        %scan3A_740 = arith.constant 1 : i32
        scf.for %scan3A_742 = %scan3A_737 to %scan3A_739 step %scan3A_740  : i32 {
          %add3A_743 = arith.addi %add3A_735, %scan3A_742 : i32
          %mul3A_744 = arith.constant 768 : i32
          %mul3A_745 = arith.muli %scan3A_742, %mul3A_744 : i32
          %dma_start3A = tpu.memref_slice %arg9[%mul3A_745] : memref<12288xf32, #tpu.memory_space<vmem>> -> memref<768xf32, #tpu.memory_space<vmem>>
          %dma_start3A_746 = arith.constant 0 : i32
          %dma_start3A_747 = tpu.memref_slice %arg2[%select_n3A_732, %add3A_743, %dma_start3A_746] : memref<4x8192x768xf32, #tpu.memory_space<hbm>> -> memref<1x1x768xf32, #tpu.memory_space<hbm>>
          %dma_start3A_748 = tpu.memref_squeeze %dma_start3A_747 : memref<1x1x768xf32, #tpu.memory_space<hbm>> -> memref<768xf32, #tpu.memory_space<hbm>>
          %dma_start3A_749 = tpu.memref_slice %arg9[%mul3A_745] : memref<12288xf32, #tpu.memory_space<vmem>> -> memref<768xf32, #tpu.memory_space<vmem>>
          %dma_start3A_750 = arith.constant 0 : i32
          %dma_start3A_751 = tpu.memref_slice %arg2[%select_n3A_732, %add3A_743, %dma_start3A_750] : memref<4x8192x768xf32, #tpu.memory_space<hbm>> -> memref<1x1x768xf32, #tpu.memory_space<hbm>>
          %dma_start3A_752 = tpu.memref_squeeze %dma_start3A_751 : memref<1x1x768xf32, #tpu.memory_space<hbm>> -> memref<768xf32, #tpu.memory_space<hbm>>
          tpu.enqueue_dma source(%dma_start3A_752 : memref<768xf32, #tpu.memory_space<hbm>>) target(%dma_start3A_749 : memref<768xf32, #tpu.memory_space<vmem>>) target_semaphore(%arg19 : memref<!tpu.dma_semaphore, #tpu.memory_space<semaphore_mem>>)
        }
        %scan3A_741 = arith.constant 16 : i32
      } else {
      }
      %eq3A_167 = arith.constant 0 : i32
      %eq3A_168 = arith.cmpi eq, %scan3A_104, %eq3A_167 : i32
      %convert_element_type3A_169 = arith.extui %eq3A_168 : i1 to i32
      %cond3A_170 = arith.constant 0 : i32
      %cond3A_171 = arith.cmpi ne, %convert_element_type3A_169, %cond3A_170 : i32
      scf.if %cond3A_171 {
        %add3A_686 = arith.constant 4 : i32
        %add3A_687 = arith.addi %add3A_108, %add3A_686 : i32
        %jit3A_688 = arith.constant 4 : i32
        %div3A_689 = arith.divsi %add3A_687, %jit3A_688 : i32
        %sign3A_690 = arith.constant 0 : i32
        %sign3A_691 = arith.cmpi sgt, %add3A_687, %sign3A_690 : i32
        %sign3A_692 = arith.extui %sign3A_691 : i1 to i32
        %sign3A_693 = arith.constant 0 : i32
        %sign3A_694 = arith.cmpi slt, %add3A_687, %sign3A_693 : i32
        %sign3A_695 = arith.extui %sign3A_694 : i1 to i32
        %sign3A_696 = arith.subi %sign3A_692, %sign3A_695 : i32
        %sign3A_697 = arith.constant 0 : i32
        %sign3A_698 = arith.cmpi sgt, %jit3A_688, %sign3A_697 : i32
        %sign3A_699 = arith.extui %sign3A_698 : i1 to i32
        %sign3A_700 = arith.constant 0 : i32
        %sign3A_701 = arith.cmpi slt, %jit3A_688, %sign3A_700 : i32
        %sign3A_702 = arith.extui %sign3A_701 : i1 to i32
        %sign3A_703 = arith.subi %sign3A_699, %sign3A_702 : i32
        %ne3A_704 = arith.cmpi ne, %sign3A_696, %sign3A_703 : i32
        %rem3A_705 = arith.remsi %add3A_687, %jit3A_688 : i32
        %ne3A_706 = arith.constant 0 : i32
        %ne3A_707 = arith.cmpi ne, %rem3A_705, %ne3A_706 : i32
        %and3A_708 = arith.andi %ne3A_704, %ne3A_707 : i1
        %sub3A_709 = arith.constant 1 : i32
        %sub3A_710 = arith.subi %div3A_689, %sub3A_709 : i32
        %select_n3A_711 = arith.select %and3A_708, %sub3A_710, %div3A_689 : i32
        %eq3A_712 = arith.constant 0 : i32
        %eq3A_713 = arith.cmpi eq, %jit3A_688, %eq3A_712 : i32
        %jit3A_714 = arith.constant 1 : i32
        %select_n3A_715 = arith.select %eq3A_713, %jit3A_714, %jit3A_688 : i32
        %rem3A_716 = arith.remsi %add3A_687, %select_n3A_715 : i32
        %ne3A_717 = arith.constant 0 : i32
        %ne3A_718 = arith.cmpi ne, %rem3A_716, %ne3A_717 : i32
        %lt3A_719 = arith.constant 0 : i32
        %lt3A_720 = arith.cmpi slt, %rem3A_716, %lt3A_719 : i32
        %lt3A_721 = arith.constant 0 : i32
        %lt3A_722 = arith.cmpi slt, %select_n3A_715, %lt3A_721 : i32
        %ne3A_723 = arith.xori %lt3A_720, %lt3A_722 : i1
        %and3A_724 = arith.andi %ne3A_723, %ne3A_718 : i1
        %add3A_725 = arith.addi %rem3A_716, %select_n3A_715 : i32
        %select_n3A_726 = arith.select %and3A_724, %add3A_725, %rem3A_716 : i32
        %mul3A_727 = arith.constant 16 : i32
        %mul3A_728 = arith.muli %select_n3A_711, %mul3A_727 : i32
        %add3A_729 = arith.addi %mul3A_2, %mul3A_728 : i32
        %scan3A_730 = arith.constant 0 : i32
        %scan3A_731 = arith.constant 0 : i32
        %scan3A_732 = arith.constant 16 : i32
        %scan3A_733 = arith.addi %scan3A_731, %scan3A_732 : i32
        %scan3A_734 = arith.constant 1 : i32
        scf.for %scan3A_736 = %scan3A_731 to %scan3A_733 step %scan3A_734  : i32 {
          %add3A_737 = arith.addi %add3A_729, %scan3A_736 : i32
          %mul3A_738 = arith.constant 768 : i32
          %mul3A_739 = arith.muli %scan3A_736, %mul3A_738 : i32
          %dma_start3A = tpu.memref_slice %arg9[%mul3A_739] : memref<12288xf32, #tpu.memory_space<vmem>> -> memref<768xf32, #tpu.memory_space<vmem>>
          %dma_start3A_740 = arith.constant 0 : i32
          %dma_start3A_741 = tpu.memref_slice %arg2[%select_n3A_726, %add3A_737, %dma_start3A_740] : memref<4x8192x768xf32, #tpu.memory_space<hbm>> -> memref<1x1x768xf32, #tpu.memory_space<hbm>>
          %dma_start3A_742 = tpu.memref_squeeze %dma_start3A_741 : memref<1x1x768xf32, #tpu.memory_space<hbm>> -> memref<768xf32, #tpu.memory_space<hbm>>
          %dma_start3A_743 = tpu.memref_slice %arg9[%mul3A_739] : memref<12288xf32, #tpu.memory_space<vmem>> -> memref<768xf32, #tpu.memory_space<vmem>>
          %dma_start3A_744 = arith.constant 0 : i32
          %dma_start3A_745 = tpu.memref_slice %arg2[%select_n3A_726, %add3A_737, %dma_start3A_744] : memref<4x8192x768xf32, #tpu.memory_space<hbm>> -> memref<1x1x768xf32, #tpu.memory_space<hbm>>
          %dma_start3A_746 = tpu.memref_squeeze %dma_start3A_745 : memref<1x1x768xf32, #tpu.memory_space<hbm>> -> memref<768xf32, #tpu.memory_space<hbm>>
          tpu.enqueue_dma source(%dma_start3A_746 : memref<768xf32, #tpu.memory_space<hbm>>) target(%dma_start3A_743 : memref<768xf32, #tpu.memory_space<vmem>>) target_semaphore(%arg19 : memref<!tpu.dma_semaphore, #tpu.memory_space<semaphore_mem>>)
        }
        %scan3A_735 = arith.constant 16 : i32
      } else {
      }
      %mul3A_172 = arith.constant 8 : i32
      %mul3A_173 = arith.muli %scan3A_104, %mul3A_172 : i32
      %add3A_174 = arith.constant 1 : i32
      %add3A_175 = arith.addi %mul3A_173, %add3A_174 : i32
      %scan3A_176 = arith.constant 0 : i32
      %scan3A_177 = arith.constant 0 : i32
      %scan3A_178 = arith.constant 16 : i32
      %scan3A_179 = arith.addi %scan3A_177, %scan3A_178 : i32
      %scan3A_180 = arith.constant 1 : i32
      scf.for %scan3A_686 = %scan3A_177 to %scan3A_179 step %scan3A_180  : i32 {
        %dma_wait3A = arith.constant 0 : i32
        %dma_wait3A_687 = arith.constant 0 : i32
        %dma_wait3A_688 = arith.constant 0 : i32
        %dma_wait3A_689 = tpu.memref_slice %arg6[%dma_wait3A_688] : memref<12288xf32, #tpu.memory_space<vmem>> -> memref<768xf32, #tpu.memory_space<vmem>>
        %dma_wait3A_690 = arith.constant 0 : i32
        %dma_wait3A_691 = tpu.memref_slice %arg2[%dma_wait3A, %dma_wait3A_687, %dma_wait3A_690] : memref<4x8192x768xf32, #tpu.memory_space<hbm>> -> memref<1x1x768xf32, #tpu.memory_space<hbm>>
        %dma_wait3A_692 = tpu.memref_squeeze %dma_wait3A_691 : memref<1x1x768xf32, #tpu.memory_space<hbm>> -> memref<768xf32, #tpu.memory_space<hbm>>
        %dma_wait3A_693 = arith.constant 0 : i32
        %dma_wait3A_694 = tpu.memref_slice %arg6[%dma_wait3A_693] : memref<12288xf32, #tpu.memory_space<vmem>> -> memref<768xf32, #tpu.memory_space<vmem>>
        %dma_wait3A_695 = arith.constant 0 : i32
        %dma_wait3A_696 = tpu.memref_slice %arg2[%dma_wait3A, %dma_wait3A_687, %dma_wait3A_695] : memref<4x8192x768xf32, #tpu.memory_space<hbm>> -> memref<1x1x768xf32, #tpu.memory_space<hbm>>
        %dma_wait3A_697 = tpu.memref_squeeze %dma_wait3A_696 : memref<1x1x768xf32, #tpu.memory_space<hbm>> -> memref<768xf32, #tpu.memory_space<hbm>>
        tpu.wait_dma2 semaphore(%arg16 : memref<!tpu.dma_semaphore, #tpu.memory_space<semaphore_mem>>) src(%dma_wait3A_697 : memref<768xf32, #tpu.memory_space<hbm>>) dst(%dma_wait3A_694 : memref<768xf32, #tpu.memory_space<vmem>>)
      }
      %scan3A_181 = arith.constant 16 : i32
      %scan3A_182 = arith.constant 0 : i32
      %scan3A_183 = arith.constant 0 : i32
      %scan3A_184 = arith.constant 768 : i32
      %scan3A_185 = arith.addi %scan3A_183, %scan3A_184 : i32
      %scan3A_186 = arith.constant 8 : i32
      scf.for %scan3A_686 = %scan3A_183 to %scan3A_185 step %scan3A_186  : i32 {
        %mul3A_687 = arith.constant 16 : i32
        %mul3A_688 = arith.muli %scan3A_686, %mul3A_687 : i32
        %get3A = arith.index_cast %mul3A_688 : i32 to index
        %get3A_689 = tpu.vector_load %arg13[%get3A] {strides = array<i32>} : memref<12288xf32, #tpu.memory_space<vmem>>, vector<16xf32>,
        %get3A_690 = vector.shape_cast %get3A_689 : vector<16xf32> to vector<16xf32>
        %swap3A = arith.index_cast %mul3A_688 : i32 to index
        %swap3A_691 = tpu.vector_load %arg6[%swap3A] {strides = array<i32>} : memref<12288xf32, #tpu.memory_space<vmem>>, vector<16xf32>,
        %swap3A_692 = vector.shape_cast %swap3A_691 : vector<16xf32> to vector<16xf32>
        %swap3A_693 = vector.shape_cast %get3A_690 : vector<16xf32> to vector<16xf32>
        tpu.vector_store %arg6[%swap3A], %swap3A_693 {add = true, strides = array<i32>} : memref<12288xf32, #tpu.memory_space<vmem>>, vector<16xf32>,
        %scan3A_694 = arith.constant 1 : i32
        %scan3A_695 = arith.addi %scan3A_686, %scan3A_694 : i32
        %mul3A_696 = arith.constant 16 : i32
        %mul3A_697 = arith.muli %scan3A_695, %mul3A_696 : i32
        %get3A_698 = arith.index_cast %mul3A_697 : i32 to index
        %get3A_699 = tpu.vector_load %arg13[%get3A_698] {strides = array<i32>} : memref<12288xf32, #tpu.memory_space<vmem>>, vector<16xf32>,
        %get3A_700 = vector.shape_cast %get3A_699 : vector<16xf32> to vector<16xf32>
        %swap3A_701 = arith.index_cast %mul3A_697 : i32 to index
        %swap3A_702 = tpu.vector_load %arg6[%swap3A_701] {strides = array<i32>} : memref<12288xf32, #tpu.memory_space<vmem>>, vector<16xf32>,
        %swap3A_703 = vector.shape_cast %swap3A_702 : vector<16xf32> to vector<16xf32>
        %swap3A_704 = vector.shape_cast %get3A_700 : vector<16xf32> to vector<16xf32>
        tpu.vector_store %arg6[%swap3A_701], %swap3A_704 {add = true, strides = array<i32>} : memref<12288xf32, #tpu.memory_space<vmem>>, vector<16xf32>,
        %scan3A_705 = arith.constant 2 : i32
        %scan3A_706 = arith.addi %scan3A_686, %scan3A_705 : i32
        %mul3A_707 = arith.constant 16 : i32
        %mul3A_708 = arith.muli %scan3A_706, %mul3A_707 : i32
        %get3A_709 = arith.index_cast %mul3A_708 : i32 to index
        %get3A_710 = tpu.vector_load %arg13[%get3A_709] {strides = array<i32>} : memref<12288xf32, #tpu.memory_space<vmem>>, vector<16xf32>,
        %get3A_711 = vector.shape_cast %get3A_710 : vector<16xf32> to vector<16xf32>
        %swap3A_712 = arith.index_cast %mul3A_708 : i32 to index
        %swap3A_713 = tpu.vector_load %arg6[%swap3A_712] {strides = array<i32>} : memref<12288xf32, #tpu.memory_space<vmem>>, vector<16xf32>,
        %swap3A_714 = vector.shape_cast %swap3A_713 : vector<16xf32> to vector<16xf32>
        %swap3A_715 = vector.shape_cast %get3A_711 : vector<16xf32> to vector<16xf32>
        tpu.vector_store %arg6[%swap3A_712], %swap3A_715 {add = true, strides = array<i32>} : memref<12288xf32, #tpu.memory_space<vmem>>, vector<16xf32>,
        %scan3A_716 = arith.constant 3 : i32
        %scan3A_717 = arith.addi %scan3A_686, %scan3A_716 : i32
        %mul3A_718 = arith.constant 16 : i32
        %mul3A_719 = arith.muli %scan3A_717, %mul3A_718 : i32
        %get3A_720 = arith.index_cast %mul3A_719 : i32 to index
        %get3A_721 = tpu.vector_load %arg13[%get3A_720] {strides = array<i32>} : memref<12288xf32, #tpu.memory_space<vmem>>, vector<16xf32>,
        %get3A_722 = vector.shape_cast %get3A_721 : vector<16xf32> to vector<16xf32>
        %swap3A_723 = arith.index_cast %mul3A_719 : i32 to index
        %swap3A_724 = tpu.vector_load %arg6[%swap3A_723] {strides = array<i32>} : memref<12288xf32, #tpu.memory_space<vmem>>, vector<16xf32>,
        %swap3A_725 = vector.shape_cast %swap3A_724 : vector<16xf32> to vector<16xf32>
        %swap3A_726 = vector.shape_cast %get3A_722 : vector<16xf32> to vector<16xf32>
        tpu.vector_store %arg6[%swap3A_723], %swap3A_726 {add = true, strides = array<i32>} : memref<12288xf32, #tpu.memory_space<vmem>>, vector<16xf32>,
        %scan3A_727 = arith.constant 4 : i32
        %scan3A_728 = arith.addi %scan3A_686, %scan3A_727 : i32
        %mul3A_729 = arith.constant 16 : i32
        %mul3A_730 = arith.muli %scan3A_728, %mul3A_729 : i32
        %get3A_731 = arith.index_cast %mul3A_730 : i32 to index
        %get3A_732 = tpu.vector_load %arg13[%get3A_731] {strides = array<i32>} : memref<12288xf32, #tpu.memory_space<vmem>>, vector<16xf32>,
        %get3A_733 = vector.shape_cast %get3A_732 : vector<16xf32> to vector<16xf32>
        %swap3A_734 = arith.index_cast %mul3A_730 : i32 to index
        %swap3A_735 = tpu.vector_load %arg6[%swap3A_734] {strides = array<i32>} : memref<12288xf32, #tpu.memory_space<vmem>>, vector<16xf32>,
        %swap3A_736 = vector.shape_cast %swap3A_735 : vector<16xf32> to vector<16xf32>
        %swap3A_737 = vector.shape_cast %get3A_733 : vector<16xf32> to vector<16xf32>
        tpu.vector_store %arg6[%swap3A_734], %swap3A_737 {add = true, strides = array<i32>} : memref<12288xf32, #tpu.memory_space<vmem>>, vector<16xf32>,
        %scan3A_738 = arith.constant 5 : i32
        %scan3A_739 = arith.addi %scan3A_686, %scan3A_738 : i32
        %mul3A_740 = arith.constant 16 : i32
        %mul3A_741 = arith.muli %scan3A_739, %mul3A_740 : i32
        %get3A_742 = arith.index_cast %mul3A_741 : i32 to index
        %get3A_743 = tpu.vector_load %arg13[%get3A_742] {strides = array<i32>} : memref<12288xf32, #tpu.memory_space<vmem>>, vector<16xf32>,
        %get3A_744 = vector.shape_cast %get3A_743 : vector<16xf32> to vector<16xf32>
        %swap3A_745 = arith.index_cast %mul3A_741 : i32 to index
        %swap3A_746 = tpu.vector_load %arg6[%swap3A_745] {strides = array<i32>} : memref<12288xf32, #tpu.memory_space<vmem>>, vector<16xf32>,
        %swap3A_747 = vector.shape_cast %swap3A_746 : vector<16xf32> to vector<16xf32>
        %swap3A_748 = vector.shape_cast %get3A_744 : vector<16xf32> to vector<16xf32>
        tpu.vector_store %arg6[%swap3A_745], %swap3A_748 {add = true, strides = array<i32>} : memref<12288xf32, #tpu.memory_space<vmem>>, vector<16xf32>,
        %scan3A_749 = arith.constant 6 : i32
        %scan3A_750 = arith.addi %scan3A_686, %scan3A_749 : i32
        %mul3A_751 = arith.constant 16 : i32
        %mul3A_752 = arith.muli %scan3A_750, %mul3A_751 : i32
        %get3A_753 = arith.index_cast %mul3A_752 : i32 to index
        %get3A_754 = tpu.vector_load %arg13[%get3A_753] {strides = array<i32>} : memref<12288xf32, #tpu.memory_space<vmem>>, vector<16xf32>,
        %get3A_755 = vector.shape_cast %get3A_754 : vector<16xf32> to vector<16xf32>
        %swap3A_756 = arith.index_cast %mul3A_752 : i32 to index
        %swap3A_757 = tpu.vector_load %arg6[%swap3A_756] {strides = array<i32>} : memref<12288xf32, #tpu.memory_space<vmem>>, vector<16xf32>,
        %swap3A_758 = vector.shape_cast %swap3A_757 : vector<16xf32> to vector<16xf32>
        %swap3A_759 = vector.shape_cast %get3A_755 : vector<16xf32> to vector<16xf32>
        tpu.vector_store %arg6[%swap3A_756], %swap3A_759 {add = true, strides = array<i32>} : memref<12288xf32, #tpu.memory_space<vmem>>, vector<16xf32>,
        %scan3A_760 = arith.constant 7 : i32
        %scan3A_761 = arith.addi %scan3A_686, %scan3A_760 : i32
        %mul3A_762 = arith.constant 16 : i32
        %mul3A_763 = arith.muli %scan3A_761, %mul3A_762 : i32
        %get3A_764 = arith.index_cast %mul3A_763 : i32 to index
        %get3A_765 = tpu.vector_load %arg13[%get3A_764] {strides = array<i32>} : memref<12288xf32, #tpu.memory_space<vmem>>, vector<16xf32>,
        %get3A_766 = vector.shape_cast %get3A_765 : vector<16xf32> to vector<16xf32>
        %swap3A_767 = arith.index_cast %mul3A_763 : i32 to index
        %swap3A_768 = tpu.vector_load %arg6[%swap3A_767] {strides = array<i32>} : memref<12288xf32, #tpu.memory_space<vmem>>, vector<16xf32>,
        %swap3A_769 = vector.shape_cast %swap3A_768 : vector<16xf32> to vector<16xf32>
        %swap3A_770 = vector.shape_cast %get3A_766 : vector<16xf32> to vector<16xf32>
        tpu.vector_store %arg6[%swap3A_767], %swap3A_770 {add = true, strides = array<i32>} : memref<12288xf32, #tpu.memory_space<vmem>>, vector<16xf32>,
      }
      %scan3A_187 = arith.constant 768 : i32
      %jit3A_188 = arith.constant 4 : i32
      %div3A_189 = arith.divsi %add3A_175, %jit3A_188 : i32
      %sign3A_190 = arith.constant 0 : i32
      %sign3A_191 = arith.cmpi sgt, %add3A_175, %sign3A_190 : i32
      %sign3A_192 = arith.extui %sign3A_191 : i1 to i32
      %sign3A_193 = arith.constant 0 : i32
      %sign3A_194 = arith.cmpi slt, %add3A_175, %sign3A_193 : i32
      %sign3A_195 = arith.extui %sign3A_194 : i1 to i32
      %sign3A_196 = arith.subi %sign3A_192, %sign3A_195 : i32
      %sign3A_197 = arith.constant 0 : i32
      %sign3A_198 = arith.cmpi sgt, %jit3A_188, %sign3A_197 : i32
      %sign3A_199 = arith.extui %sign3A_198 : i1 to i32
      %sign3A_200 = arith.constant 0 : i32
      %sign3A_201 = arith.cmpi slt, %jit3A_188, %sign3A_200 : i32
      %sign3A_202 = arith.extui %sign3A_201 : i1 to i32
      %sign3A_203 = arith.subi %sign3A_199, %sign3A_202 : i32
      %ne3A_204 = arith.cmpi ne, %sign3A_196, %sign3A_203 : i32
      %rem3A_205 = arith.remsi %add3A_175, %jit3A_188 : i32
      %ne3A_206 = arith.constant 0 : i32
      %ne3A_207 = arith.cmpi ne, %rem3A_205, %ne3A_206 : i32
      %and3A_208 = arith.andi %ne3A_204, %ne3A_207 : i1
      %sub3A_209 = arith.constant 1 : i32
      %sub3A_210 = arith.subi %div3A_189, %sub3A_209 : i32
      %select_n3A_211 = arith.select %and3A_208, %sub3A_210, %div3A_189 : i32
      %eq3A_212 = arith.constant 0 : i32
      %eq3A_213 = arith.cmpi eq, %jit3A_188, %eq3A_212 : i32
      %jit3A_214 = arith.constant 1 : i32
      %select_n3A_215 = arith.select %eq3A_213, %jit3A_214, %jit3A_188 : i32
      %rem3A_216 = arith.remsi %add3A_175, %select_n3A_215 : i32
      %ne3A_217 = arith.constant 0 : i32
      %ne3A_218 = arith.cmpi ne, %rem3A_216, %ne3A_217 : i32
      %lt3A_219 = arith.constant 0 : i32
      %lt3A_220 = arith.cmpi slt, %rem3A_216, %lt3A_219 : i32
      %lt3A_221 = arith.constant 0 : i32
      %lt3A_222 = arith.cmpi slt, %select_n3A_215, %lt3A_221 : i32
      %ne3A_223 = arith.xori %lt3A_220, %lt3A_222 : i1
      %and3A_224 = arith.andi %ne3A_223, %ne3A_218 : i1
      %add3A_225 = arith.addi %rem3A_216, %select_n3A_215 : i32
      %select_n3A_226 = arith.select %and3A_224, %add3A_225, %rem3A_216 : i32
      %mul3A_227 = arith.constant 16 : i32
      %mul3A_228 = arith.muli %select_n3A_211, %mul3A_227 : i32
      %add3A_229 = arith.addi %mul3A_2, %mul3A_228 : i32
      %scan3A_230 = arith.constant 0 : i32
      %scan3A_231 = arith.constant 0 : i32
      %scan3A_232 = arith.constant 16 : i32
      %scan3A_233 = arith.addi %scan3A_231, %scan3A_232 : i32
      %scan3A_234 = arith.constant 1 : i32
      scf.for %scan3A_686 = %scan3A_231 to %scan3A_233 step %scan3A_234  : i32 {
        %mul3A_687 = arith.constant 768 : i32
        %mul3A_688 = arith.muli %scan3A_686, %mul3A_687 : i32
        %add3A_689 = arith.addi %add3A_229, %scan3A_686 : i32
        %dma_start3A = tpu.memref_slice %arg6[%mul3A_688] : memref<12288xf32, #tpu.memory_space<vmem>> -> memref<768xf32, #tpu.memory_space<vmem>>
        %dma_start3A_690 = arith.constant 0 : i32
        %dma_start3A_691 = tpu.memref_slice %arg4[%select_n3A_226, %add3A_689, %dma_start3A_690] : memref<4x8192x768xf32, #tpu.memory_space<hbm>> -> memref<1x1x768xf32, #tpu.memory_space<hbm>>
        %dma_start3A_692 = tpu.memref_squeeze %dma_start3A_691 : memref<1x1x768xf32, #tpu.memory_space<hbm>> -> memref<768xf32, #tpu.memory_space<hbm>>
        %dma_start3A_693 = arith.constant 0 : i32
        %dma_start3A_694 = tpu.memref_slice %arg4[%select_n3A_226, %add3A_689, %dma_start3A_693] : memref<4x8192x768xf32, #tpu.memory_space<hbm>> -> memref<1x1x768xf32, #tpu.memory_space<hbm>>
        %dma_start3A_695 = tpu.memref_squeeze %dma_start3A_694 : memref<1x1x768xf32, #tpu.memory_space<hbm>> -> memref<768xf32, #tpu.memory_space<hbm>>
        %dma_start3A_696 = tpu.memref_slice %arg6[%mul3A_688] : memref<12288xf32, #tpu.memory_space<vmem>> -> memref<768xf32, #tpu.memory_space<vmem>>
        tpu.enqueue_dma source(%dma_start3A_696 : memref<768xf32, #tpu.memory_space<vmem>>) target(%dma_start3A_695 : memref<768xf32, #tpu.memory_space<hbm>>) target_semaphore(%arg26 : memref<!tpu.dma_semaphore, #tpu.memory_space<semaphore_mem>>)
      }
      %scan3A_235 = arith.constant 16 : i32
      %gt3A_236 = arith.constant 0 : i32
      %gt3A_237 = arith.cmpi sgt, %scan3A_104, %gt3A_236 : i32
      %convert_element_type3A_238 = arith.extui %gt3A_237 : i1 to i32
      %cond3A_239 = arith.constant 0 : i32
      %cond3A_240 = arith.cmpi ne, %convert_element_type3A_238, %cond3A_239 : i32
      scf.if %cond3A_240 {
        %scan3A_686 = arith.constant 0 : i32
        %scan3A_687 = arith.constant 0 : i32
        %scan3A_688 = arith.constant 16 : i32
        %scan3A_689 = arith.addi %scan3A_687, %scan3A_688 : i32
        %scan3A_690 = arith.constant 1 : i32
        scf.for %scan3A_742 = %scan3A_687 to %scan3A_689 step %scan3A_690  : i32 {
          %dma_wait3A = arith.constant 0 : i32
          %dma_wait3A_743 = arith.constant 0 : i32
          %dma_wait3A_744 = arith.constant 0 : i32
          %dma_wait3A_745 = tpu.memref_slice %arg10[%dma_wait3A_744] : memref<12288xf32, #tpu.memory_space<vmem>> -> memref<768xf32, #tpu.memory_space<vmem>>
          %dma_wait3A_746 = arith.constant 0 : i32
          %dma_wait3A_747 = tpu.memref_slice %arg2[%dma_wait3A, %dma_wait3A_743, %dma_wait3A_746] : memref<4x8192x768xf32, #tpu.memory_space<hbm>> -> memref<1x1x768xf32, #tpu.memory_space<hbm>>
          %dma_wait3A_748 = tpu.memref_squeeze %dma_wait3A_747 : memref<1x1x768xf32, #tpu.memory_space<hbm>> -> memref<768xf32, #tpu.memory_space<hbm>>
          %dma_wait3A_749 = arith.constant 0 : i32
          %dma_wait3A_750 = tpu.memref_slice %arg10[%dma_wait3A_749] : memref<12288xf32, #tpu.memory_space<vmem>> -> memref<768xf32, #tpu.memory_space<vmem>>
          %dma_wait3A_751 = arith.constant 0 : i32
          %dma_wait3A_752 = tpu.memref_slice %arg2[%dma_wait3A, %dma_wait3A_743, %dma_wait3A_751] : memref<4x8192x768xf32, #tpu.memory_space<hbm>> -> memref<1x1x768xf32, #tpu.memory_space<hbm>>
          %dma_wait3A_753 = tpu.memref_squeeze %dma_wait3A_752 : memref<1x1x768xf32, #tpu.memory_space<hbm>> -> memref<768xf32, #tpu.memory_space<hbm>>
          tpu.wait_dma2 semaphore(%arg30 : memref<!tpu.dma_semaphore, #tpu.memory_space<semaphore_mem>>) src(%dma_wait3A_753 : memref<768xf32, #tpu.memory_space<hbm>>) dst(%dma_wait3A_750 : memref<768xf32, #tpu.memory_space<vmem>>)
        }
        %scan3A_691 = arith.constant 16 : i32
        %add3A_692 = arith.constant 4 : i32
        %add3A_693 = arith.addi %add3A_175, %add3A_692 : i32
        %jit3A_694 = arith.constant 4 : i32
        %div3A_695 = arith.divsi %add3A_693, %jit3A_694 : i32
        %sign3A_696 = arith.constant 0 : i32
        %sign3A_697 = arith.cmpi sgt, %add3A_693, %sign3A_696 : i32
        %sign3A_698 = arith.extui %sign3A_697 : i1 to i32
        %sign3A_699 = arith.constant 0 : i32
        %sign3A_700 = arith.cmpi slt, %add3A_693, %sign3A_699 : i32
        %sign3A_701 = arith.extui %sign3A_700 : i1 to i32
        %sign3A_702 = arith.subi %sign3A_698, %sign3A_701 : i32
        %sign3A_703 = arith.constant 0 : i32
        %sign3A_704 = arith.cmpi sgt, %jit3A_694, %sign3A_703 : i32
        %sign3A_705 = arith.extui %sign3A_704 : i1 to i32
        %sign3A_706 = arith.constant 0 : i32
        %sign3A_707 = arith.cmpi slt, %jit3A_694, %sign3A_706 : i32
        %sign3A_708 = arith.extui %sign3A_707 : i1 to i32
        %sign3A_709 = arith.subi %sign3A_705, %sign3A_708 : i32
        %ne3A_710 = arith.cmpi ne, %sign3A_702, %sign3A_709 : i32
        %rem3A_711 = arith.remsi %add3A_693, %jit3A_694 : i32
        %ne3A_712 = arith.constant 0 : i32
        %ne3A_713 = arith.cmpi ne, %rem3A_711, %ne3A_712 : i32
        %and3A_714 = arith.andi %ne3A_710, %ne3A_713 : i1
        %sub3A_715 = arith.constant 1 : i32
        %sub3A_716 = arith.subi %div3A_695, %sub3A_715 : i32
        %select_n3A_717 = arith.select %and3A_714, %sub3A_716, %div3A_695 : i32
        %eq3A_718 = arith.constant 0 : i32
        %eq3A_719 = arith.cmpi eq, %jit3A_694, %eq3A_718 : i32
        %jit3A_720 = arith.constant 1 : i32
        %select_n3A_721 = arith.select %eq3A_719, %jit3A_720, %jit3A_694 : i32
        %rem3A_722 = arith.remsi %add3A_693, %select_n3A_721 : i32
        %ne3A_723 = arith.constant 0 : i32
        %ne3A_724 = arith.cmpi ne, %rem3A_722, %ne3A_723 : i32
        %lt3A_725 = arith.constant 0 : i32
        %lt3A_726 = arith.cmpi slt, %rem3A_722, %lt3A_725 : i32
        %lt3A_727 = arith.constant 0 : i32
        %lt3A_728 = arith.cmpi slt, %select_n3A_721, %lt3A_727 : i32
        %ne3A_729 = arith.xori %lt3A_726, %lt3A_728 : i1
        %and3A_730 = arith.andi %ne3A_729, %ne3A_724 : i1
        %add3A_731 = arith.addi %rem3A_722, %select_n3A_721 : i32
        %select_n3A_732 = arith.select %and3A_730, %add3A_731, %rem3A_722 : i32
        %mul3A_733 = arith.constant 16 : i32
        %mul3A_734 = arith.muli %select_n3A_717, %mul3A_733 : i32
        %add3A_735 = arith.addi %mul3A_2, %mul3A_734 : i32
        %scan3A_736 = arith.constant 0 : i32
        %scan3A_737 = arith.constant 0 : i32
        %scan3A_738 = arith.constant 16 : i32
        %scan3A_739 = arith.addi %scan3A_737, %scan3A_738 : i32
        %scan3A_740 = arith.constant 1 : i32
        scf.for %scan3A_742 = %scan3A_737 to %scan3A_739 step %scan3A_740  : i32 {
          %add3A_743 = arith.addi %add3A_735, %scan3A_742 : i32
          %mul3A_744 = arith.constant 768 : i32
          %mul3A_745 = arith.muli %scan3A_742, %mul3A_744 : i32
          %dma_start3A = tpu.memref_slice %arg10[%mul3A_745] : memref<12288xf32, #tpu.memory_space<vmem>> -> memref<768xf32, #tpu.memory_space<vmem>>
          %dma_start3A_746 = arith.constant 0 : i32
          %dma_start3A_747 = tpu.memref_slice %arg2[%select_n3A_732, %add3A_743, %dma_start3A_746] : memref<4x8192x768xf32, #tpu.memory_space<hbm>> -> memref<1x1x768xf32, #tpu.memory_space<hbm>>
          %dma_start3A_748 = tpu.memref_squeeze %dma_start3A_747 : memref<1x1x768xf32, #tpu.memory_space<hbm>> -> memref<768xf32, #tpu.memory_space<hbm>>
          %dma_start3A_749 = tpu.memref_slice %arg10[%mul3A_745] : memref<12288xf32, #tpu.memory_space<vmem>> -> memref<768xf32, #tpu.memory_space<vmem>>
          %dma_start3A_750 = arith.constant 0 : i32
          %dma_start3A_751 = tpu.memref_slice %arg2[%select_n3A_732, %add3A_743, %dma_start3A_750] : memref<4x8192x768xf32, #tpu.memory_space<hbm>> -> memref<1x1x768xf32, #tpu.memory_space<hbm>>
          %dma_start3A_752 = tpu.memref_squeeze %dma_start3A_751 : memref<1x1x768xf32, #tpu.memory_space<hbm>> -> memref<768xf32, #tpu.memory_space<hbm>>
          tpu.enqueue_dma source(%dma_start3A_752 : memref<768xf32, #tpu.memory_space<hbm>>) target(%dma_start3A_749 : memref<768xf32, #tpu.memory_space<vmem>>) target_semaphore(%arg20 : memref<!tpu.dma_semaphore, #tpu.memory_space<semaphore_mem>>)
        }
        %scan3A_741 = arith.constant 16 : i32
      } else {
      }
      %eq3A_241 = arith.constant 0 : i32
      %eq3A_242 = arith.cmpi eq, %scan3A_104, %eq3A_241 : i32
      %convert_element_type3A_243 = arith.extui %eq3A_242 : i1 to i32
      %cond3A_244 = arith.constant 0 : i32
      %cond3A_245 = arith.cmpi ne, %convert_element_type3A_243, %cond3A_244 : i32
      scf.if %cond3A_245 {
        %add3A_686 = arith.constant 4 : i32
        %add3A_687 = arith.addi %add3A_175, %add3A_686 : i32
        %jit3A_688 = arith.constant 4 : i32
        %div3A_689 = arith.divsi %add3A_687, %jit3A_688 : i32
        %sign3A_690 = arith.constant 0 : i32
        %sign3A_691 = arith.cmpi sgt, %add3A_687, %sign3A_690 : i32
        %sign3A_692 = arith.extui %sign3A_691 : i1 to i32
        %sign3A_693 = arith.constant 0 : i32
        %sign3A_694 = arith.cmpi slt, %add3A_687, %sign3A_693 : i32
        %sign3A_695 = arith.extui %sign3A_694 : i1 to i32
        %sign3A_696 = arith.subi %sign3A_692, %sign3A_695 : i32
        %sign3A_697 = arith.constant 0 : i32
        %sign3A_698 = arith.cmpi sgt, %jit3A_688, %sign3A_697 : i32
        %sign3A_699 = arith.extui %sign3A_698 : i1 to i32
        %sign3A_700 = arith.constant 0 : i32
        %sign3A_701 = arith.cmpi slt, %jit3A_688, %sign3A_700 : i32
        %sign3A_702 = arith.extui %sign3A_701 : i1 to i32
        %sign3A_703 = arith.subi %sign3A_699, %sign3A_702 : i32
        %ne3A_704 = arith.cmpi ne, %sign3A_696, %sign3A_703 : i32
        %rem3A_705 = arith.remsi %add3A_687, %jit3A_688 : i32
        %ne3A_706 = arith.constant 0 : i32
        %ne3A_707 = arith.cmpi ne, %rem3A_705, %ne3A_706 : i32
        %and3A_708 = arith.andi %ne3A_704, %ne3A_707 : i1
        %sub3A_709 = arith.constant 1 : i32
        %sub3A_710 = arith.subi %div3A_689, %sub3A_709 : i32
        %select_n3A_711 = arith.select %and3A_708, %sub3A_710, %div3A_689 : i32
        %eq3A_712 = arith.constant 0 : i32
        %eq3A_713 = arith.cmpi eq, %jit3A_688, %eq3A_712 : i32
        %jit3A_714 = arith.constant 1 : i32
        %select_n3A_715 = arith.select %eq3A_713, %jit3A_714, %jit3A_688 : i32
        %rem3A_716 = arith.remsi %add3A_687, %select_n3A_715 : i32
        %ne3A_717 = arith.constant 0 : i32
        %ne3A_718 = arith.cmpi ne, %rem3A_716, %ne3A_717 : i32
        %lt3A_719 = arith.constant 0 : i32
        %lt3A_720 = arith.cmpi slt, %rem3A_716, %lt3A_719 : i32
        %lt3A_721 = arith.constant 0 : i32
        %lt3A_722 = arith.cmpi slt, %select_n3A_715, %lt3A_721 : i32
        %ne3A_723 = arith.xori %lt3A_720, %lt3A_722 : i1
        %and3A_724 = arith.andi %ne3A_723, %ne3A_718 : i1
        %add3A_725 = arith.addi %rem3A_716, %select_n3A_715 : i32
        %select_n3A_726 = arith.select %and3A_724, %add3A_725, %rem3A_716 : i32
        %mul3A_727 = arith.constant 16 : i32
        %mul3A_728 = arith.muli %select_n3A_711, %mul3A_727 : i32
        %add3A_729 = arith.addi %mul3A_2, %mul3A_728 : i32
        %scan3A_730 = arith.constant 0 : i32
        %scan3A_731 = arith.constant 0 : i32
        %scan3A_732 = arith.constant 16 : i32
        %scan3A_733 = arith.addi %scan3A_731, %scan3A_732 : i32
        %scan3A_734 = arith.constant 1 : i32
        scf.for %scan3A_736 = %scan3A_731 to %scan3A_733 step %scan3A_734  : i32 {
          %add3A_737 = arith.addi %add3A_729, %scan3A_736 : i32
          %mul3A_738 = arith.constant 768 : i32
          %mul3A_739 = arith.muli %scan3A_736, %mul3A_738 : i32
          %dma_start3A = tpu.memref_slice %arg10[%mul3A_739] : memref<12288xf32, #tpu.memory_space<vmem>> -> memref<768xf32, #tpu.memory_space<vmem>>
          %dma_start3A_740 = arith.constant 0 : i32
          %dma_start3A_741 = tpu.memref_slice %arg2[%select_n3A_726, %add3A_737, %dma_start3A_740] : memref<4x8192x768xf32, #tpu.memory_space<hbm>> -> memref<1x1x768xf32, #tpu.memory_space<hbm>>
          %dma_start3A_742 = tpu.memref_squeeze %dma_start3A_741 : memref<1x1x768xf32, #tpu.memory_space<hbm>> -> memref<768xf32, #tpu.memory_space<hbm>>
          %dma_start3A_743 = tpu.memref_slice %arg10[%mul3A_739] : memref<12288xf32, #tpu.memory_space<vmem>> -> memref<768xf32, #tpu.memory_space<vmem>>
          %dma_start3A_744 = arith.constant 0 : i32
          %dma_start3A_745 = tpu.memref_slice %arg2[%select_n3A_726, %add3A_737, %dma_start3A_744] : memref<4x8192x768xf32, #tpu.memory_space<hbm>> -> memref<1x1x768xf32, #tpu.memory_space<hbm>>
          %dma_start3A_746 = tpu.memref_squeeze %dma_start3A_745 : memref<1x1x768xf32, #tpu.memory_space<hbm>> -> memref<768xf32, #tpu.memory_space<hbm>>
          tpu.enqueue_dma source(%dma_start3A_746 : memref<768xf32, #tpu.memory_space<hbm>>) target(%dma_start3A_743 : memref<768xf32, #tpu.memory_space<vmem>>) target_semaphore(%arg20 : memref<!tpu.dma_semaphore, #tpu.memory_space<semaphore_mem>>)
        }
        %scan3A_735 = arith.constant 16 : i32
      } else {
      }
      %mul3A_246 = arith.constant 8 : i32
      %mul3A_247 = arith.muli %scan3A_104, %mul3A_246 : i32
      %add3A_248 = arith.constant 2 : i32
      %add3A_249 = arith.addi %mul3A_247, %add3A_248 : i32
      %scan3A_250 = arith.constant 0 : i32
      %scan3A_251 = arith.constant 0 : i32
      %scan3A_252 = arith.constant 16 : i32
      %scan3A_253 = arith.addi %scan3A_251, %scan3A_252 : i32
      %scan3A_254 = arith.constant 1 : i32
      scf.for %scan3A_686 = %scan3A_251 to %scan3A_253 step %scan3A_254  : i32 {
        %dma_wait3A = arith.constant 0 : i32
        %dma_wait3A_687 = arith.constant 0 : i32
        %dma_wait3A_688 = arith.constant 0 : i32
        %dma_wait3A_689 = tpu.memref_slice %arg7[%dma_wait3A_688] : memref<12288xf32, #tpu.memory_space<vmem>> -> memref<768xf32, #tpu.memory_space<vmem>>
        %dma_wait3A_690 = arith.constant 0 : i32
        %dma_wait3A_691 = tpu.memref_slice %arg2[%dma_wait3A, %dma_wait3A_687, %dma_wait3A_690] : memref<4x8192x768xf32, #tpu.memory_space<hbm>> -> memref<1x1x768xf32, #tpu.memory_space<hbm>>
        %dma_wait3A_692 = tpu.memref_squeeze %dma_wait3A_691 : memref<1x1x768xf32, #tpu.memory_space<hbm>> -> memref<768xf32, #tpu.memory_space<hbm>>
        %dma_wait3A_693 = arith.constant 0 : i32
        %dma_wait3A_694 = tpu.memref_slice %arg7[%dma_wait3A_693] : memref<12288xf32, #tpu.memory_space<vmem>> -> memref<768xf32, #tpu.memory_space<vmem>>
        %dma_wait3A_695 = arith.constant 0 : i32
        %dma_wait3A_696 = tpu.memref_slice %arg2[%dma_wait3A, %dma_wait3A_687, %dma_wait3A_695] : memref<4x8192x768xf32, #tpu.memory_space<hbm>> -> memref<1x1x768xf32, #tpu.memory_space<hbm>>
        %dma_wait3A_697 = tpu.memref_squeeze %dma_wait3A_696 : memref<1x1x768xf32, #tpu.memory_space<hbm>> -> memref<768xf32, #tpu.memory_space<hbm>>
        tpu.wait_dma2 semaphore(%arg17 : memref<!tpu.dma_semaphore, #tpu.memory_space<semaphore_mem>>) src(%dma_wait3A_697 : memref<768xf32, #tpu.memory_space<hbm>>) dst(%dma_wait3A_694 : memref<768xf32, #tpu.memory_space<vmem>>)
      }
      %scan3A_255 = arith.constant 16 : i32
      %scan3A_256 = arith.constant 0 : i32
      %scan3A_257 = arith.constant 0 : i32
      %scan3A_258 = arith.constant 768 : i32
      %scan3A_259 = arith.addi %scan3A_257, %scan3A_258 : i32
      %scan3A_260 = arith.constant 8 : i32
      scf.for %scan3A_686 = %scan3A_257 to %scan3A_259 step %scan3A_260  : i32 {
        %mul3A_687 = arith.constant 16 : i32
        %mul3A_688 = arith.muli %scan3A_686, %mul3A_687 : i32
        %get3A = arith.index_cast %mul3A_688 : i32 to index
        %get3A_689 = tpu.vector_load %arg13[%get3A] {strides = array<i32>} : memref<12288xf32, #tpu.memory_space<vmem>>, vector<16xf32>,
        %get3A_690 = vector.shape_cast %get3A_689 : vector<16xf32> to vector<16xf32>
        %swap3A = arith.index_cast %mul3A_688 : i32 to index
        %swap3A_691 = tpu.vector_load %arg7[%swap3A] {strides = array<i32>} : memref<12288xf32, #tpu.memory_space<vmem>>, vector<16xf32>,
        %swap3A_692 = vector.shape_cast %swap3A_691 : vector<16xf32> to vector<16xf32>
        %swap3A_693 = vector.shape_cast %get3A_690 : vector<16xf32> to vector<16xf32>
        tpu.vector_store %arg7[%swap3A], %swap3A_693 {add = true, strides = array<i32>} : memref<12288xf32, #tpu.memory_space<vmem>>, vector<16xf32>,
        %scan3A_694 = arith.constant 1 : i32
        %scan3A_695 = arith.addi %scan3A_686, %scan3A_694 : i32
        %mul3A_696 = arith.constant 16 : i32
        %mul3A_697 = arith.muli %scan3A_695, %mul3A_696 : i32
        %get3A_698 = arith.index_cast %mul3A_697 : i32 to index
        %get3A_699 = tpu.vector_load %arg13[%get3A_698] {strides = array<i32>} : memref<12288xf32, #tpu.memory_space<vmem>>, vector<16xf32>,
        %get3A_700 = vector.shape_cast %get3A_699 : vector<16xf32> to vector<16xf32>
        %swap3A_701 = arith.index_cast %mul3A_697 : i32 to index
        %swap3A_702 = tpu.vector_load %arg7[%swap3A_701] {strides = array<i32>} : memref<12288xf32, #tpu.memory_space<vmem>>, vector<16xf32>,
        %swap3A_703 = vector.shape_cast %swap3A_702 : vector<16xf32> to vector<16xf32>
        %swap3A_704 = vector.shape_cast %get3A_700 : vector<16xf32> to vector<16xf32>
        tpu.vector_store %arg7[%swap3A_701], %swap3A_704 {add = true, strides = array<i32>} : memref<12288xf32, #tpu.memory_space<vmem>>, vector<16xf32>,
        %scan3A_705 = arith.constant 2 : i32
        %scan3A_706 = arith.addi %scan3A_686, %scan3A_705 : i32
        %mul3A_707 = arith.constant 16 : i32
        %mul3A_708 = arith.muli %scan3A_706, %mul3A_707 : i32
        %get3A_709 = arith.index_cast %mul3A_708 : i32 to index
        %get3A_710 = tpu.vector_load %arg13[%get3A_709] {strides = array<i32>} : memref<12288xf32, #tpu.memory_space<vmem>>, vector<16xf32>,
        %get3A_711 = vector.shape_cast %get3A_710 : vector<16xf32> to vector<16xf32>
        %swap3A_712 = arith.index_cast %mul3A_708 : i32 to index
        %swap3A_713 = tpu.vector_load %arg7[%swap3A_712] {strides = array<i32>} : memref<12288xf32, #tpu.memory_space<vmem>>, vector<16xf32>,
        %swap3A_714 = vector.shape_cast %swap3A_713 : vector<16xf32> to vector<16xf32>
        %swap3A_715 = vector.shape_cast %get3A_711 : vector<16xf32> to vector<16xf32>
        tpu.vector_store %arg7[%swap3A_712], %swap3A_715 {add = true, strides = array<i32>} : memref<12288xf32, #tpu.memory_space<vmem>>, vector<16xf32>,
        %scan3A_716 = arith.constant 3 : i32
        %scan3A_717 = arith.addi %scan3A_686, %scan3A_716 : i32
        %mul3A_718 = arith.constant 16 : i32
        %mul3A_719 = arith.muli %scan3A_717, %mul3A_718 : i32
        %get3A_720 = arith.index_cast %mul3A_719 : i32 to index
        %get3A_721 = tpu.vector_load %arg13[%get3A_720] {strides = array<i32>} : memref<12288xf32, #tpu.memory_space<vmem>>, vector<16xf32>,
        %get3A_722 = vector.shape_cast %get3A_721 : vector<16xf32> to vector<16xf32>
        %swap3A_723 = arith.index_cast %mul3A_719 : i32 to index
        %swap3A_724 = tpu.vector_load %arg7[%swap3A_723] {strides = array<i32>} : memref<12288xf32, #tpu.memory_space<vmem>>, vector<16xf32>,
        %swap3A_725 = vector.shape_cast %swap3A_724 : vector<16xf32> to vector<16xf32>
        %swap3A_726 = vector.shape_cast %get3A_722 : vector<16xf32> to vector<16xf32>
        tpu.vector_store %arg7[%swap3A_723], %swap3A_726 {add = true, strides = array<i32>} : memref<12288xf32, #tpu.memory_space<vmem>>, vector<16xf32>,
        %scan3A_727 = arith.constant 4 : i32
        %scan3A_728 = arith.addi %scan3A_686, %scan3A_727 : i32
        %mul3A_729 = arith.constant 16 : i32
        %mul3A_730 = arith.muli %scan3A_728, %mul3A_729 : i32
        %get3A_731 = arith.index_cast %mul3A_730 : i32 to index
        %get3A_732 = tpu.vector_load %arg13[%get3A_731] {strides = array<i32>} : memref<12288xf32, #tpu.memory_space<vmem>>, vector<16xf32>,
        %get3A_733 = vector.shape_cast %get3A_732 : vector<16xf32> to vector<16xf32>
        %swap3A_734 = arith.index_cast %mul3A_730 : i32 to index
        %swap3A_735 = tpu.vector_load %arg7[%swap3A_734] {strides = array<i32>} : memref<12288xf32, #tpu.memory_space<vmem>>, vector<16xf32>,
        %swap3A_736 = vector.shape_cast %swap3A_735 : vector<16xf32> to vector<16xf32>
        %swap3A_737 = vector.shape_cast %get3A_733 : vector<16xf32> to vector<16xf32>
        tpu.vector_store %arg7[%swap3A_734], %swap3A_737 {add = true, strides = array<i32>} : memref<12288xf32, #tpu.memory_space<vmem>>, vector<16xf32>,
        %scan3A_738 = arith.constant 5 : i32
        %scan3A_739 = arith.addi %scan3A_686, %scan3A_738 : i32
        %mul3A_740 = arith.constant 16 : i32
        %mul3A_741 = arith.muli %scan3A_739, %mul3A_740 : i32
        %get3A_742 = arith.index_cast %mul3A_741 : i32 to index
        %get3A_743 = tpu.vector_load %arg13[%get3A_742] {strides = array<i32>} : memref<12288xf32, #tpu.memory_space<vmem>>, vector<16xf32>,
        %get3A_744 = vector.shape_cast %get3A_743 : vector<16xf32> to vector<16xf32>
        %swap3A_745 = arith.index_cast %mul3A_741 : i32 to index
        %swap3A_746 = tpu.vector_load %arg7[%swap3A_745] {strides = array<i32>} : memref<12288xf32, #tpu.memory_space<vmem>>, vector<16xf32>,
        %swap3A_747 = vector.shape_cast %swap3A_746 : vector<16xf32> to vector<16xf32>
        %swap3A_748 = vector.shape_cast %get3A_744 : vector<16xf32> to vector<16xf32>
        tpu.vector_store %arg7[%swap3A_745], %swap3A_748 {add = true, strides = array<i32>} : memref<12288xf32, #tpu.memory_space<vmem>>, vector<16xf32>,
        %scan3A_749 = arith.constant 6 : i32
        %scan3A_750 = arith.addi %scan3A_686, %scan3A_749 : i32
        %mul3A_751 = arith.constant 16 : i32
        %mul3A_752 = arith.muli %scan3A_750, %mul3A_751 : i32
        %get3A_753 = arith.index_cast %mul3A_752 : i32 to index
        %get3A_754 = tpu.vector_load %arg13[%get3A_753] {strides = array<i32>} : memref<12288xf32, #tpu.memory_space<vmem>>, vector<16xf32>,
        %get3A_755 = vector.shape_cast %get3A_754 : vector<16xf32> to vector<16xf32>
        %swap3A_756 = arith.index_cast %mul3A_752 : i32 to index
        %swap3A_757 = tpu.vector_load %arg7[%swap3A_756] {strides = array<i32>} : memref<12288xf32, #tpu.memory_space<vmem>>, vector<16xf32>,
        %swap3A_758 = vector.shape_cast %swap3A_757 : vector<16xf32> to vector<16xf32>
        %swap3A_759 = vector.shape_cast %get3A_755 : vector<16xf32> to vector<16xf32>
        tpu.vector_store %arg7[%swap3A_756], %swap3A_759 {add = true, strides = array<i32>} : memref<12288xf32, #tpu.memory_space<vmem>>, vector<16xf32>,
        %scan3A_760 = arith.constant 7 : i32
        %scan3A_761 = arith.addi %scan3A_686, %scan3A_760 : i32
        %mul3A_762 = arith.constant 16 : i32
        %mul3A_763 = arith.muli %scan3A_761, %mul3A_762 : i32
        %get3A_764 = arith.index_cast %mul3A_763 : i32 to index
        %get3A_765 = tpu.vector_load %arg13[%get3A_764] {strides = array<i32>} : memref<12288xf32, #tpu.memory_space<vmem>>, vector<16xf32>,
        %get3A_766 = vector.shape_cast %get3A_765 : vector<16xf32> to vector<16xf32>
        %swap3A_767 = arith.index_cast %mul3A_763 : i32 to index
        %swap3A_768 = tpu.vector_load %arg7[%swap3A_767] {strides = array<i32>} : memref<12288xf32, #tpu.memory_space<vmem>>, vector<16xf32>,
        %swap3A_769 = vector.shape_cast %swap3A_768 : vector<16xf32> to vector<16xf32>
        %swap3A_770 = vector.shape_cast %get3A_766 : vector<16xf32> to vector<16xf32>
        tpu.vector_store %arg7[%swap3A_767], %swap3A_770 {add = true, strides = array<i32>} : memref<12288xf32, #tpu.memory_space<vmem>>, vector<16xf32>,
      }
      %scan3A_261 = arith.constant 768 : i32
      %jit3A_262 = arith.constant 4 : i32
      %div3A_263 = arith.divsi %add3A_249, %jit3A_262 : i32
      %sign3A_264 = arith.constant 0 : i32
      %sign3A_265 = arith.cmpi sgt, %add3A_249, %sign3A_264 : i32
      %sign3A_266 = arith.extui %sign3A_265 : i1 to i32
      %sign3A_267 = arith.constant 0 : i32
      %sign3A_268 = arith.cmpi slt, %add3A_249, %sign3A_267 : i32
      %sign3A_269 = arith.extui %sign3A_268 : i1 to i32
      %sign3A_270 = arith.subi %sign3A_266, %sign3A_269 : i32
      %sign3A_271 = arith.constant 0 : i32
      %sign3A_272 = arith.cmpi sgt, %jit3A_262, %sign3A_271 : i32
      %sign3A_273 = arith.extui %sign3A_272 : i1 to i32
      %sign3A_274 = arith.constant 0 : i32
      %sign3A_275 = arith.cmpi slt, %jit3A_262, %sign3A_274 : i32
      %sign3A_276 = arith.extui %sign3A_275 : i1 to i32
      %sign3A_277 = arith.subi %sign3A_273, %sign3A_276 : i32
      %ne3A_278 = arith.cmpi ne, %sign3A_270, %sign3A_277 : i32
      %rem3A_279 = arith.remsi %add3A_249, %jit3A_262 : i32
      %ne3A_280 = arith.constant 0 : i32
      %ne3A_281 = arith.cmpi ne, %rem3A_279, %ne3A_280 : i32
      %and3A_282 = arith.andi %ne3A_278, %ne3A_281 : i1
      %sub3A_283 = arith.constant 1 : i32
      %sub3A_284 = arith.subi %div3A_263, %sub3A_283 : i32
      %select_n3A_285 = arith.select %and3A_282, %sub3A_284, %div3A_263 : i32
      %eq3A_286 = arith.constant 0 : i32
      %eq3A_287 = arith.cmpi eq, %jit3A_262, %eq3A_286 : i32
      %jit3A_288 = arith.constant 1 : i32
      %select_n3A_289 = arith.select %eq3A_287, %jit3A_288, %jit3A_262 : i32
      %rem3A_290 = arith.remsi %add3A_249, %select_n3A_289 : i32
      %ne3A_291 = arith.constant 0 : i32
      %ne3A_292 = arith.cmpi ne, %rem3A_290, %ne3A_291 : i32
      %lt3A_293 = arith.constant 0 : i32
      %lt3A_294 = arith.cmpi slt, %rem3A_290, %lt3A_293 : i32
      %lt3A_295 = arith.constant 0 : i32
      %lt3A_296 = arith.cmpi slt, %select_n3A_289, %lt3A_295 : i32
      %ne3A_297 = arith.xori %lt3A_294, %lt3A_296 : i1
      %and3A_298 = arith.andi %ne3A_297, %ne3A_292 : i1
      %add3A_299 = arith.addi %rem3A_290, %select_n3A_289 : i32
      %select_n3A_300 = arith.select %and3A_298, %add3A_299, %rem3A_290 : i32
      %mul3A_301 = arith.constant 16 : i32
      %mul3A_302 = arith.muli %select_n3A_285, %mul3A_301 : i32
      %add3A_303 = arith.addi %mul3A_2, %mul3A_302 : i32
      %scan3A_304 = arith.constant 0 : i32
      %scan3A_305 = arith.constant 0 : i32
      %scan3A_306 = arith.constant 16 : i32
      %scan3A_307 = arith.addi %scan3A_305, %scan3A_306 : i32
      %scan3A_308 = arith.constant 1 : i32
      scf.for %scan3A_686 = %scan3A_305 to %scan3A_307 step %scan3A_308  : i32 {
        %mul3A_687 = arith.constant 768 : i32
        %mul3A_688 = arith.muli %scan3A_686, %mul3A_687 : i32
        %add3A_689 = arith.addi %add3A_303, %scan3A_686 : i32
        %dma_start3A = tpu.memref_slice %arg7[%mul3A_688] : memref<12288xf32, #tpu.memory_space<vmem>> -> memref<768xf32, #tpu.memory_space<vmem>>
        %dma_start3A_690 = arith.constant 0 : i32
        %dma_start3A_691 = tpu.memref_slice %arg4[%select_n3A_300, %add3A_689, %dma_start3A_690] : memref<4x8192x768xf32, #tpu.memory_space<hbm>> -> memref<1x1x768xf32, #tpu.memory_space<hbm>>
        %dma_start3A_692 = tpu.memref_squeeze %dma_start3A_691 : memref<1x1x768xf32, #tpu.memory_space<hbm>> -> memref<768xf32, #tpu.memory_space<hbm>>
        %dma_start3A_693 = arith.constant 0 : i32
        %dma_start3A_694 = tpu.memref_slice %arg4[%select_n3A_300, %add3A_689, %dma_start3A_693] : memref<4x8192x768xf32, #tpu.memory_space<hbm>> -> memref<1x1x768xf32, #tpu.memory_space<hbm>>
        %dma_start3A_695 = tpu.memref_squeeze %dma_start3A_694 : memref<1x1x768xf32, #tpu.memory_space<hbm>> -> memref<768xf32, #tpu.memory_space<hbm>>
        %dma_start3A_696 = tpu.memref_slice %arg7[%mul3A_688] : memref<12288xf32, #tpu.memory_space<vmem>> -> memref<768xf32, #tpu.memory_space<vmem>>
        tpu.enqueue_dma source(%dma_start3A_696 : memref<768xf32, #tpu.memory_space<vmem>>) target(%dma_start3A_695 : memref<768xf32, #tpu.memory_space<hbm>>) target_semaphore(%arg27 : memref<!tpu.dma_semaphore, #tpu.memory_space<semaphore_mem>>)
      }
      %scan3A_309 = arith.constant 16 : i32
      %gt3A_310 = arith.constant 0 : i32
      %gt3A_311 = arith.cmpi sgt, %scan3A_104, %gt3A_310 : i32
      %convert_element_type3A_312 = arith.extui %gt3A_311 : i1 to i32
      %cond3A_313 = arith.constant 0 : i32
      %cond3A_314 = arith.cmpi ne, %convert_element_type3A_312, %cond3A_313 : i32
      scf.if %cond3A_314 {
        %scan3A_686 = arith.constant 0 : i32
        %scan3A_687 = arith.constant 0 : i32
        %scan3A_688 = arith.constant 16 : i32
        %scan3A_689 = arith.addi %scan3A_687, %scan3A_688 : i32
        %scan3A_690 = arith.constant 1 : i32
        scf.for %scan3A_742 = %scan3A_687 to %scan3A_689 step %scan3A_690  : i32 {
          %dma_wait3A = arith.constant 0 : i32
          %dma_wait3A_743 = arith.constant 0 : i32
          %dma_wait3A_744 = arith.constant 0 : i32
          %dma_wait3A_745 = tpu.memref_slice %arg11[%dma_wait3A_744] : memref<12288xf32, #tpu.memory_space<vmem>> -> memref<768xf32, #tpu.memory_space<vmem>>
          %dma_wait3A_746 = arith.constant 0 : i32
          %dma_wait3A_747 = tpu.memref_slice %arg2[%dma_wait3A, %dma_wait3A_743, %dma_wait3A_746] : memref<4x8192x768xf32, #tpu.memory_space<hbm>> -> memref<1x1x768xf32, #tpu.memory_space<hbm>>
          %dma_wait3A_748 = tpu.memref_squeeze %dma_wait3A_747 : memref<1x1x768xf32, #tpu.memory_space<hbm>> -> memref<768xf32, #tpu.memory_space<hbm>>
          %dma_wait3A_749 = arith.constant 0 : i32
          %dma_wait3A_750 = tpu.memref_slice %arg11[%dma_wait3A_749] : memref<12288xf32, #tpu.memory_space<vmem>> -> memref<768xf32, #tpu.memory_space<vmem>>
          %dma_wait3A_751 = arith.constant 0 : i32
          %dma_wait3A_752 = tpu.memref_slice %arg2[%dma_wait3A, %dma_wait3A_743, %dma_wait3A_751] : memref<4x8192x768xf32, #tpu.memory_space<hbm>> -> memref<1x1x768xf32, #tpu.memory_space<hbm>>
          %dma_wait3A_753 = tpu.memref_squeeze %dma_wait3A_752 : memref<1x1x768xf32, #tpu.memory_space<hbm>> -> memref<768xf32, #tpu.memory_space<hbm>>
          tpu.wait_dma2 semaphore(%arg31 : memref<!tpu.dma_semaphore, #tpu.memory_space<semaphore_mem>>) src(%dma_wait3A_753 : memref<768xf32, #tpu.memory_space<hbm>>) dst(%dma_wait3A_750 : memref<768xf32, #tpu.memory_space<vmem>>)
        }
        %scan3A_691 = arith.constant 16 : i32
        %add3A_692 = arith.constant 4 : i32
        %add3A_693 = arith.addi %add3A_249, %add3A_692 : i32
        %jit3A_694 = arith.constant 4 : i32
        %div3A_695 = arith.divsi %add3A_693, %jit3A_694 : i32
        %sign3A_696 = arith.constant 0 : i32
        %sign3A_697 = arith.cmpi sgt, %add3A_693, %sign3A_696 : i32
        %sign3A_698 = arith.extui %sign3A_697 : i1 to i32
        %sign3A_699 = arith.constant 0 : i32
        %sign3A_700 = arith.cmpi slt, %add3A_693, %sign3A_699 : i32
        %sign3A_701 = arith.extui %sign3A_700 : i1 to i32
        %sign3A_702 = arith.subi %sign3A_698, %sign3A_701 : i32
        %sign3A_703 = arith.constant 0 : i32
        %sign3A_704 = arith.cmpi sgt, %jit3A_694, %sign3A_703 : i32
        %sign3A_705 = arith.extui %sign3A_704 : i1 to i32
        %sign3A_706 = arith.constant 0 : i32
        %sign3A_707 = arith.cmpi slt, %jit3A_694, %sign3A_706 : i32
        %sign3A_708 = arith.extui %sign3A_707 : i1 to i32
        %sign3A_709 = arith.subi %sign3A_705, %sign3A_708 : i32
        %ne3A_710 = arith.cmpi ne, %sign3A_702, %sign3A_709 : i32
        %rem3A_711 = arith.remsi %add3A_693, %jit3A_694 : i32
        %ne3A_712 = arith.constant 0 : i32
        %ne3A_713 = arith.cmpi ne, %rem3A_711, %ne3A_712 : i32
        %and3A_714 = arith.andi %ne3A_710, %ne3A_713 : i1
        %sub3A_715 = arith.constant 1 : i32
        %sub3A_716 = arith.subi %div3A_695, %sub3A_715 : i32
        %select_n3A_717 = arith.select %and3A_714, %sub3A_716, %div3A_695 : i32
        %eq3A_718 = arith.constant 0 : i32
        %eq3A_719 = arith.cmpi eq, %jit3A_694, %eq3A_718 : i32
        %jit3A_720 = arith.constant 1 : i32
        %select_n3A_721 = arith.select %eq3A_719, %jit3A_720, %jit3A_694 : i32
        %rem3A_722 = arith.remsi %add3A_693, %select_n3A_721 : i32
        %ne3A_723 = arith.constant 0 : i32
        %ne3A_724 = arith.cmpi ne, %rem3A_722, %ne3A_723 : i32
        %lt3A_725 = arith.constant 0 : i32
        %lt3A_726 = arith.cmpi slt, %rem3A_722, %lt3A_725 : i32
        %lt3A_727 = arith.constant 0 : i32
        %lt3A_728 = arith.cmpi slt, %select_n3A_721, %lt3A_727 : i32
        %ne3A_729 = arith.xori %lt3A_726, %lt3A_728 : i1
        %and3A_730 = arith.andi %ne3A_729, %ne3A_724 : i1
        %add3A_731 = arith.addi %rem3A_722, %select_n3A_721 : i32
        %select_n3A_732 = arith.select %and3A_730, %add3A_731, %rem3A_722 : i32
        %mul3A_733 = arith.constant 16 : i32
        %mul3A_734 = arith.muli %select_n3A_717, %mul3A_733 : i32
        %add3A_735 = arith.addi %mul3A_2, %mul3A_734 : i32
        %scan3A_736 = arith.constant 0 : i32
        %scan3A_737 = arith.constant 0 : i32
        %scan3A_738 = arith.constant 16 : i32
        %scan3A_739 = arith.addi %scan3A_737, %scan3A_738 : i32
        %scan3A_740 = arith.constant 1 : i32
        scf.for %scan3A_742 = %scan3A_737 to %scan3A_739 step %scan3A_740  : i32 {
          %add3A_743 = arith.addi %add3A_735, %scan3A_742 : i32
          %mul3A_744 = arith.constant 768 : i32
          %mul3A_745 = arith.muli %scan3A_742, %mul3A_744 : i32
          %dma_start3A = tpu.memref_slice %arg11[%mul3A_745] : memref<12288xf32, #tpu.memory_space<vmem>> -> memref<768xf32, #tpu.memory_space<vmem>>
          %dma_start3A_746 = arith.constant 0 : i32
          %dma_start3A_747 = tpu.memref_slice %arg2[%select_n3A_732, %add3A_743, %dma_start3A_746] : memref<4x8192x768xf32, #tpu.memory_space<hbm>> -> memref<1x1x768xf32, #tpu.memory_space<hbm>>
          %dma_start3A_748 = tpu.memref_squeeze %dma_start3A_747 : memref<1x1x768xf32, #tpu.memory_space<hbm>> -> memref<768xf32, #tpu.memory_space<hbm>>
          %dma_start3A_749 = tpu.memref_slice %arg11[%mul3A_745] : memref<12288xf32, #tpu.memory_space<vmem>> -> memref<768xf32, #tpu.memory_space<vmem>>
          %dma_start3A_750 = arith.constant 0 : i32
          %dma_start3A_751 = tpu.memref_slice %arg2[%select_n3A_732, %add3A_743, %dma_start3A_750] : memref<4x8192x768xf32, #tpu.memory_space<hbm>> -> memref<1x1x768xf32, #tpu.memory_space<hbm>>
          %dma_start3A_752 = tpu.memref_squeeze %dma_start3A_751 : memref<1x1x768xf32, #tpu.memory_space<hbm>> -> memref<768xf32, #tpu.memory_space<hbm>>
          tpu.enqueue_dma source(%dma_start3A_752 : memref<768xf32, #tpu.memory_space<hbm>>) target(%dma_start3A_749 : memref<768xf32, #tpu.memory_space<vmem>>) target_semaphore(%arg21 : memref<!tpu.dma_semaphore, #tpu.memory_space<semaphore_mem>>)
        }
        %scan3A_741 = arith.constant 16 : i32
      } else {
      }
      %eq3A_315 = arith.constant 0 : i32
      %eq3A_316 = arith.cmpi eq, %scan3A_104, %eq3A_315 : i32
      %convert_element_type3A_317 = arith.extui %eq3A_316 : i1 to i32
      %cond3A_318 = arith.constant 0 : i32
      %cond3A_319 = arith.cmpi ne, %convert_element_type3A_317, %cond3A_318 : i32
      scf.if %cond3A_319 {
        %add3A_686 = arith.constant 4 : i32
        %add3A_687 = arith.addi %add3A_249, %add3A_686 : i32
        %jit3A_688 = arith.constant 4 : i32
        %div3A_689 = arith.divsi %add3A_687, %jit3A_688 : i32
        %sign3A_690 = arith.constant 0 : i32
        %sign3A_691 = arith.cmpi sgt, %add3A_687, %sign3A_690 : i32
        %sign3A_692 = arith.extui %sign3A_691 : i1 to i32
        %sign3A_693 = arith.constant 0 : i32
        %sign3A_694 = arith.cmpi slt, %add3A_687, %sign3A_693 : i32
        %sign3A_695 = arith.extui %sign3A_694 : i1 to i32
        %sign3A_696 = arith.subi %sign3A_692, %sign3A_695 : i32
        %sign3A_697 = arith.constant 0 : i32
        %sign3A_698 = arith.cmpi sgt, %jit3A_688, %sign3A_697 : i32
        %sign3A_699 = arith.extui %sign3A_698 : i1 to i32
        %sign3A_700 = arith.constant 0 : i32
        %sign3A_701 = arith.cmpi slt, %jit3A_688, %sign3A_700 : i32
        %sign3A_702 = arith.extui %sign3A_701 : i1 to i32
        %sign3A_703 = arith.subi %sign3A_699, %sign3A_702 : i32
        %ne3A_704 = arith.cmpi ne, %sign3A_696, %sign3A_703 : i32
        %rem3A_705 = arith.remsi %add3A_687, %jit3A_688 : i32
        %ne3A_706 = arith.constant 0 : i32
        %ne3A_707 = arith.cmpi ne, %rem3A_705, %ne3A_706 : i32
        %and3A_708 = arith.andi %ne3A_704, %ne3A_707 : i1
        %sub3A_709 = arith.constant 1 : i32
        %sub3A_710 = arith.subi %div3A_689, %sub3A_709 : i32
        %select_n3A_711 = arith.select %and3A_708, %sub3A_710, %div3A_689 : i32
        %eq3A_712 = arith.constant 0 : i32
        %eq3A_713 = arith.cmpi eq, %jit3A_688, %eq3A_712 : i32
        %jit3A_714 = arith.constant 1 : i32
        %select_n3A_715 = arith.select %eq3A_713, %jit3A_714, %jit3A_688 : i32
        %rem3A_716 = arith.remsi %add3A_687, %select_n3A_715 : i32
        %ne3A_717 = arith.constant 0 : i32
        %ne3A_718 = arith.cmpi ne, %rem3A_716, %ne3A_717 : i32
        %lt3A_719 = arith.constant 0 : i32
        %lt3A_720 = arith.cmpi slt, %rem3A_716, %lt3A_719 : i32
        %lt3A_721 = arith.constant 0 : i32
        %lt3A_722 = arith.cmpi slt, %select_n3A_715, %lt3A_721 : i32
        %ne3A_723 = arith.xori %lt3A_720, %lt3A_722 : i1
        %and3A_724 = arith.andi %ne3A_723, %ne3A_718 : i1
        %add3A_725 = arith.addi %rem3A_716, %select_n3A_715 : i32
        %select_n3A_726 = arith.select %and3A_724, %add3A_725, %rem3A_716 : i32
        %mul3A_727 = arith.constant 16 : i32
        %mul3A_728 = arith.muli %select_n3A_711, %mul3A_727 : i32
        %add3A_729 = arith.addi %mul3A_2, %mul3A_728 : i32
        %scan3A_730 = arith.constant 0 : i32
        %scan3A_731 = arith.constant 0 : i32
        %scan3A_732 = arith.constant 16 : i32
        %scan3A_733 = arith.addi %scan3A_731, %scan3A_732 : i32
        %scan3A_734 = arith.constant 1 : i32
        scf.for %scan3A_736 = %scan3A_731 to %scan3A_733 step %scan3A_734  : i32 {
          %add3A_737 = arith.addi %add3A_729, %scan3A_736 : i32
          %mul3A_738 = arith.constant 768 : i32
          %mul3A_739 = arith.muli %scan3A_736, %mul3A_738 : i32
          %dma_start3A = tpu.memref_slice %arg11[%mul3A_739] : memref<12288xf32, #tpu.memory_space<vmem>> -> memref<768xf32, #tpu.memory_space<vmem>>
          %dma_start3A_740 = arith.constant 0 : i32
          %dma_start3A_741 = tpu.memref_slice %arg2[%select_n3A_726, %add3A_737, %dma_start3A_740] : memref<4x8192x768xf32, #tpu.memory_space<hbm>> -> memref<1x1x768xf32, #tpu.memory_space<hbm>>
          %dma_start3A_742 = tpu.memref_squeeze %dma_start3A_741 : memref<1x1x768xf32, #tpu.memory_space<hbm>> -> memref<768xf32, #tpu.memory_space<hbm>>
          %dma_start3A_743 = tpu.memref_slice %arg11[%mul3A_739] : memref<12288xf32, #tpu.memory_space<vmem>> -> memref<768xf32, #tpu.memory_space<vmem>>
          %dma_start3A_744 = arith.constant 0 : i32
          %dma_start3A_745 = tpu.memref_slice %arg2[%select_n3A_726, %add3A_737, %dma_start3A_744] : memref<4x8192x768xf32, #tpu.memory_space<hbm>> -> memref<1x1x768xf32, #tpu.memory_space<hbm>>
          %dma_start3A_746 = tpu.memref_squeeze %dma_start3A_745 : memref<1x1x768xf32, #tpu.memory_space<hbm>> -> memref<768xf32, #tpu.memory_space<hbm>>
          tpu.enqueue_dma source(%dma_start3A_746 : memref<768xf32, #tpu.memory_space<hbm>>) target(%dma_start3A_743 : memref<768xf32, #tpu.memory_space<vmem>>) target_semaphore(%arg21 : memref<!tpu.dma_semaphore, #tpu.memory_space<semaphore_mem>>)
        }
        %scan3A_735 = arith.constant 16 : i32
      } else {
      }
      %mul3A_320 = arith.constant 8 : i32
      %mul3A_321 = arith.muli %scan3A_104, %mul3A_320 : i32
      %add3A_322 = arith.constant 3 : i32
      %add3A_323 = arith.addi %mul3A_321, %add3A_322 : i32
      %scan3A_324 = arith.constant 0 : i32
      %scan3A_325 = arith.constant 0 : i32
      %scan3A_326 = arith.constant 16 : i32
      %scan3A_327 = arith.addi %scan3A_325, %scan3A_326 : i32
      %scan3A_328 = arith.constant 1 : i32
      scf.for %scan3A_686 = %scan3A_325 to %scan3A_327 step %scan3A_328  : i32 {
        %dma_wait3A = arith.constant 0 : i32
        %dma_wait3A_687 = arith.constant 0 : i32
        %dma_wait3A_688 = arith.constant 0 : i32
        %dma_wait3A_689 = tpu.memref_slice %arg8[%dma_wait3A_688] : memref<12288xf32, #tpu.memory_space<vmem>> -> memref<768xf32, #tpu.memory_space<vmem>>
        %dma_wait3A_690 = arith.constant 0 : i32
        %dma_wait3A_691 = tpu.memref_slice %arg2[%dma_wait3A, %dma_wait3A_687, %dma_wait3A_690] : memref<4x8192x768xf32, #tpu.memory_space<hbm>> -> memref<1x1x768xf32, #tpu.memory_space<hbm>>
        %dma_wait3A_692 = tpu.memref_squeeze %dma_wait3A_691 : memref<1x1x768xf32, #tpu.memory_space<hbm>> -> memref<768xf32, #tpu.memory_space<hbm>>
        %dma_wait3A_693 = arith.constant 0 : i32
        %dma_wait3A_694 = tpu.memref_slice %arg8[%dma_wait3A_693] : memref<12288xf32, #tpu.memory_space<vmem>> -> memref<768xf32, #tpu.memory_space<vmem>>
        %dma_wait3A_695 = arith.constant 0 : i32
        %dma_wait3A_696 = tpu.memref_slice %arg2[%dma_wait3A, %dma_wait3A_687, %dma_wait3A_695] : memref<4x8192x768xf32, #tpu.memory_space<hbm>> -> memref<1x1x768xf32, #tpu.memory_space<hbm>>
        %dma_wait3A_697 = tpu.memref_squeeze %dma_wait3A_696 : memref<1x1x768xf32, #tpu.memory_space<hbm>> -> memref<768xf32, #tpu.memory_space<hbm>>
        tpu.wait_dma2 semaphore(%arg18 : memref<!tpu.dma_semaphore, #tpu.memory_space<semaphore_mem>>) src(%dma_wait3A_697 : memref<768xf32, #tpu.memory_space<hbm>>) dst(%dma_wait3A_694 : memref<768xf32, #tpu.memory_space<vmem>>)
      }
      %scan3A_329 = arith.constant 16 : i32
      %scan3A_330 = arith.constant 0 : i32
      %scan3A_331 = arith.constant 0 : i32
      %scan3A_332 = arith.constant 768 : i32
      %scan3A_333 = arith.addi %scan3A_331, %scan3A_332 : i32
      %scan3A_334 = arith.constant 8 : i32
      scf.for %scan3A_686 = %scan3A_331 to %scan3A_333 step %scan3A_334  : i32 {
        %mul3A_687 = arith.constant 16 : i32
        %mul3A_688 = arith.muli %scan3A_686, %mul3A_687 : i32
        %get3A = arith.index_cast %mul3A_688 : i32 to index
        %get3A_689 = tpu.vector_load %arg13[%get3A] {strides = array<i32>} : memref<12288xf32, #tpu.memory_space<vmem>>, vector<16xf32>,
        %get3A_690 = vector.shape_cast %get3A_689 : vector<16xf32> to vector<16xf32>
        %swap3A = arith.index_cast %mul3A_688 : i32 to index
        %swap3A_691 = tpu.vector_load %arg8[%swap3A] {strides = array<i32>} : memref<12288xf32, #tpu.memory_space<vmem>>, vector<16xf32>,
        %swap3A_692 = vector.shape_cast %swap3A_691 : vector<16xf32> to vector<16xf32>
        %swap3A_693 = vector.shape_cast %get3A_690 : vector<16xf32> to vector<16xf32>
        tpu.vector_store %arg8[%swap3A], %swap3A_693 {add = true, strides = array<i32>} : memref<12288xf32, #tpu.memory_space<vmem>>, vector<16xf32>,
        %scan3A_694 = arith.constant 1 : i32
        %scan3A_695 = arith.addi %scan3A_686, %scan3A_694 : i32
        %mul3A_696 = arith.constant 16 : i32
        %mul3A_697 = arith.muli %scan3A_695, %mul3A_696 : i32
        %get3A_698 = arith.index_cast %mul3A_697 : i32 to index
        %get3A_699 = tpu.vector_load %arg13[%get3A_698] {strides = array<i32>} : memref<12288xf32, #tpu.memory_space<vmem>>, vector<16xf32>,
        %get3A_700 = vector.shape_cast %get3A_699 : vector<16xf32> to vector<16xf32>
        %swap3A_701 = arith.index_cast %mul3A_697 : i32 to index
        %swap3A_702 = tpu.vector_load %arg8[%swap3A_701] {strides = array<i32>} : memref<12288xf32, #tpu.memory_space<vmem>>, vector<16xf32>,
        %swap3A_703 = vector.shape_cast %swap3A_702 : vector<16xf32> to vector<16xf32>
        %swap3A_704 = vector.shape_cast %get3A_700 : vector<16xf32> to vector<16xf32>
        tpu.vector_store %arg8[%swap3A_701], %swap3A_704 {add = true, strides = array<i32>} : memref<12288xf32, #tpu.memory_space<vmem>>, vector<16xf32>,
        %scan3A_705 = arith.constant 2 : i32
        %scan3A_706 = arith.addi %scan3A_686, %scan3A_705 : i32
        %mul3A_707 = arith.constant 16 : i32
        %mul3A_708 = arith.muli %scan3A_706, %mul3A_707 : i32
        %get3A_709 = arith.index_cast %mul3A_708 : i32 to index
        %get3A_710 = tpu.vector_load %arg13[%get3A_709] {strides = array<i32>} : memref<12288xf32, #tpu.memory_space<vmem>>, vector<16xf32>,
        %get3A_711 = vector.shape_cast %get3A_710 : vector<16xf32> to vector<16xf32>
        %swap3A_712 = arith.index_cast %mul3A_708 : i32 to index
        %swap3A_713 = tpu.vector_load %arg8[%swap3A_712] {strides = array<i32>} : memref<12288xf32, #tpu.memory_space<vmem>>, vector<16xf32>,
        %swap3A_714 = vector.shape_cast %swap3A_713 : vector<16xf32> to vector<16xf32>
        %swap3A_715 = vector.shape_cast %get3A_711 : vector<16xf32> to vector<16xf32>
        tpu.vector_store %arg8[%swap3A_712], %swap3A_715 {add = true, strides = array<i32>} : memref<12288xf32, #tpu.memory_space<vmem>>, vector<16xf32>,
        %scan3A_716 = arith.constant 3 : i32
        %scan3A_717 = arith.addi %scan3A_686, %scan3A_716 : i32
        %mul3A_718 = arith.constant 16 : i32
        %mul3A_719 = arith.muli %scan3A_717, %mul3A_718 : i32
        %get3A_720 = arith.index_cast %mul3A_719 : i32 to index
        %get3A_721 = tpu.vector_load %arg13[%get3A_720] {strides = array<i32>} : memref<12288xf32, #tpu.memory_space<vmem>>, vector<16xf32>,
        %get3A_722 = vector.shape_cast %get3A_721 : vector<16xf32> to vector<16xf32>
        %swap3A_723 = arith.index_cast %mul3A_719 : i32 to index
        %swap3A_724 = tpu.vector_load %arg8[%swap3A_723] {strides = array<i32>} : memref<12288xf32, #tpu.memory_space<vmem>>, vector<16xf32>,
        %swap3A_725 = vector.shape_cast %swap3A_724 : vector<16xf32> to vector<16xf32>
        %swap3A_726 = vector.shape_cast %get3A_722 : vector<16xf32> to vector<16xf32>
        tpu.vector_store %arg8[%swap3A_723], %swap3A_726 {add = true, strides = array<i32>} : memref<12288xf32, #tpu.memory_space<vmem>>, vector<16xf32>,
        %scan3A_727 = arith.constant 4 : i32
        %scan3A_728 = arith.addi %scan3A_686, %scan3A_727 : i32
        %mul3A_729 = arith.constant 16 : i32
        %mul3A_730 = arith.muli %scan3A_728, %mul3A_729 : i32
        %get3A_731 = arith.index_cast %mul3A_730 : i32 to index
        %get3A_732 = tpu.vector_load %arg13[%get3A_731] {strides = array<i32>} : memref<12288xf32, #tpu.memory_space<vmem>>, vector<16xf32>,
        %get3A_733 = vector.shape_cast %get3A_732 : vector<16xf32> to vector<16xf32>
        %swap3A_734 = arith.index_cast %mul3A_730 : i32 to index
        %swap3A_735 = tpu.vector_load %arg8[%swap3A_734] {strides = array<i32>} : memref<12288xf32, #tpu.memory_space<vmem>>, vector<16xf32>,
        %swap3A_736 = vector.shape_cast %swap3A_735 : vector<16xf32> to vector<16xf32>
        %swap3A_737 = vector.shape_cast %get3A_733 : vector<16xf32> to vector<16xf32>
        tpu.vector_store %arg8[%swap3A_734], %swap3A_737 {add = true, strides = array<i32>} : memref<12288xf32, #tpu.memory_space<vmem>>, vector<16xf32>,
        %scan3A_738 = arith.constant 5 : i32
        %scan3A_739 = arith.addi %scan3A_686, %scan3A_738 : i32
        %mul3A_740 = arith.constant 16 : i32
        %mul3A_741 = arith.muli %scan3A_739, %mul3A_740 : i32
        %get3A_742 = arith.index_cast %mul3A_741 : i32 to index
        %get3A_743 = tpu.vector_load %arg13[%get3A_742] {strides = array<i32>} : memref<12288xf32, #tpu.memory_space<vmem>>, vector<16xf32>,
        %get3A_744 = vector.shape_cast %get3A_743 : vector<16xf32> to vector<16xf32>
        %swap3A_745 = arith.index_cast %mul3A_741 : i32 to index
        %swap3A_746 = tpu.vector_load %arg8[%swap3A_745] {strides = array<i32>} : memref<12288xf32, #tpu.memory_space<vmem>>, vector<16xf32>,
        %swap3A_747 = vector.shape_cast %swap3A_746 : vector<16xf32> to vector<16xf32>
        %swap3A_748 = vector.shape_cast %get3A_744 : vector<16xf32> to vector<16xf32>
        tpu.vector_store %arg8[%swap3A_745], %swap3A_748 {add = true, strides = array<i32>} : memref<12288xf32, #tpu.memory_space<vmem>>, vector<16xf32>,
        %scan3A_749 = arith.constant 6 : i32
        %scan3A_750 = arith.addi %scan3A_686, %scan3A_749 : i32
        %mul3A_751 = arith.constant 16 : i32
        %mul3A_752 = arith.muli %scan3A_750, %mul3A_751 : i32
        %get3A_753 = arith.index_cast %mul3A_752 : i32 to index
        %get3A_754 = tpu.vector_load %arg13[%get3A_753] {strides = array<i32>} : memref<12288xf32, #tpu.memory_space<vmem>>, vector<16xf32>,
        %get3A_755 = vector.shape_cast %get3A_754 : vector<16xf32> to vector<16xf32>
        %swap3A_756 = arith.index_cast %mul3A_752 : i32 to index
        %swap3A_757 = tpu.vector_load %arg8[%swap3A_756] {strides = array<i32>} : memref<12288xf32, #tpu.memory_space<vmem>>, vector<16xf32>,
        %swap3A_758 = vector.shape_cast %swap3A_757 : vector<16xf32> to vector<16xf32>
        %swap3A_759 = vector.shape_cast %get3A_755 : vector<16xf32> to vector<16xf32>
        tpu.vector_store %arg8[%swap3A_756], %swap3A_759 {add = true, strides = array<i32>} : memref<12288xf32, #tpu.memory_space<vmem>>, vector<16xf32>,
        %scan3A_760 = arith.constant 7 : i32
        %scan3A_761 = arith.addi %scan3A_686, %scan3A_760 : i32
        %mul3A_762 = arith.constant 16 : i32
        %mul3A_763 = arith.muli %scan3A_761, %mul3A_762 : i32
        %get3A_764 = arith.index_cast %mul3A_763 : i32 to index
        %get3A_765 = tpu.vector_load %arg13[%get3A_764] {strides = array<i32>} : memref<12288xf32, #tpu.memory_space<vmem>>, vector<16xf32>,
        %get3A_766 = vector.shape_cast %get3A_765 : vector<16xf32> to vector<16xf32>
        %swap3A_767 = arith.index_cast %mul3A_763 : i32 to index
        %swap3A_768 = tpu.vector_load %arg8[%swap3A_767] {strides = array<i32>} : memref<12288xf32, #tpu.memory_space<vmem>>, vector<16xf32>,
        %swap3A_769 = vector.shape_cast %swap3A_768 : vector<16xf32> to vector<16xf32>
        %swap3A_770 = vector.shape_cast %get3A_766 : vector<16xf32> to vector<16xf32>
        tpu.vector_store %arg8[%swap3A_767], %swap3A_770 {add = true, strides = array<i32>} : memref<12288xf32, #tpu.memory_space<vmem>>, vector<16xf32>,
      }
      %scan3A_335 = arith.constant 768 : i32
      %jit3A_336 = arith.constant 4 : i32
      %div3A_337 = arith.divsi %add3A_323, %jit3A_336 : i32
      %sign3A_338 = arith.constant 0 : i32
      %sign3A_339 = arith.cmpi sgt, %add3A_323, %sign3A_338 : i32
      %sign3A_340 = arith.extui %sign3A_339 : i1 to i32
      %sign3A_341 = arith.constant 0 : i32
      %sign3A_342 = arith.cmpi slt, %add3A_323, %sign3A_341 : i32
      %sign3A_343 = arith.extui %sign3A_342 : i1 to i32
      %sign3A_344 = arith.subi %sign3A_340, %sign3A_343 : i32
      %sign3A_345 = arith.constant 0 : i32
      %sign3A_346 = arith.cmpi sgt, %jit3A_336, %sign3A_345 : i32
      %sign3A_347 = arith.extui %sign3A_346 : i1 to i32
      %sign3A_348 = arith.constant 0 : i32
      %sign3A_349 = arith.cmpi slt, %jit3A_336, %sign3A_348 : i32
      %sign3A_350 = arith.extui %sign3A_349 : i1 to i32
      %sign3A_351 = arith.subi %sign3A_347, %sign3A_350 : i32
      %ne3A_352 = arith.cmpi ne, %sign3A_344, %sign3A_351 : i32
      %rem3A_353 = arith.remsi %add3A_323, %jit3A_336 : i32
      %ne3A_354 = arith.constant 0 : i32
      %ne3A_355 = arith.cmpi ne, %rem3A_353, %ne3A_354 : i32
      %and3A_356 = arith.andi %ne3A_352, %ne3A_355 : i1
      %sub3A_357 = arith.constant 1 : i32
      %sub3A_358 = arith.subi %div3A_337, %sub3A_357 : i32
      %select_n3A_359 = arith.select %and3A_356, %sub3A_358, %div3A_337 : i32
      %eq3A_360 = arith.constant 0 : i32
      %eq3A_361 = arith.cmpi eq, %jit3A_336, %eq3A_360 : i32
      %jit3A_362 = arith.constant 1 : i32
      %select_n3A_363 = arith.select %eq3A_361, %jit3A_362, %jit3A_336 : i32
      %rem3A_364 = arith.remsi %add3A_323, %select_n3A_363 : i32
      %ne3A_365 = arith.constant 0 : i32
      %ne3A_366 = arith.cmpi ne, %rem3A_364, %ne3A_365 : i32
      %lt3A_367 = arith.constant 0 : i32
      %lt3A_368 = arith.cmpi slt, %rem3A_364, %lt3A_367 : i32
      %lt3A_369 = arith.constant 0 : i32
      %lt3A_370 = arith.cmpi slt, %select_n3A_363, %lt3A_369 : i32
      %ne3A_371 = arith.xori %lt3A_368, %lt3A_370 : i1
      %and3A_372 = arith.andi %ne3A_371, %ne3A_366 : i1
      %add3A_373 = arith.addi %rem3A_364, %select_n3A_363 : i32
      %select_n3A_374 = arith.select %and3A_372, %add3A_373, %rem3A_364 : i32
      %mul3A_375 = arith.constant 16 : i32
      %mul3A_376 = arith.muli %select_n3A_359, %mul3A_375 : i32
      %add3A_377 = arith.addi %mul3A_2, %mul3A_376 : i32
      %scan3A_378 = arith.constant 0 : i32
      %scan3A_379 = arith.constant 0 : i32
      %scan3A_380 = arith.constant 16 : i32
      %scan3A_381 = arith.addi %scan3A_379, %scan3A_380 : i32
      %scan3A_382 = arith.constant 1 : i32
      scf.for %scan3A_686 = %scan3A_379 to %scan3A_381 step %scan3A_382  : i32 {
        %mul3A_687 = arith.constant 768 : i32
        %mul3A_688 = arith.muli %scan3A_686, %mul3A_687 : i32
        %add3A_689 = arith.addi %add3A_377, %scan3A_686 : i32
        %dma_start3A = tpu.memref_slice %arg8[%mul3A_688] : memref<12288xf32, #tpu.memory_space<vmem>> -> memref<768xf32, #tpu.memory_space<vmem>>
        %dma_start3A_690 = arith.constant 0 : i32
        %dma_start3A_691 = tpu.memref_slice %arg4[%select_n3A_374, %add3A_689, %dma_start3A_690] : memref<4x8192x768xf32, #tpu.memory_space<hbm>> -> memref<1x1x768xf32, #tpu.memory_space<hbm>>
        %dma_start3A_692 = tpu.memref_squeeze %dma_start3A_691 : memref<1x1x768xf32, #tpu.memory_space<hbm>> -> memref<768xf32, #tpu.memory_space<hbm>>
        %dma_start3A_693 = arith.constant 0 : i32
        %dma_start3A_694 = tpu.memref_slice %arg4[%select_n3A_374, %add3A_689, %dma_start3A_693] : memref<4x8192x768xf32, #tpu.memory_space<hbm>> -> memref<1x1x768xf32, #tpu.memory_space<hbm>>
        %dma_start3A_695 = tpu.memref_squeeze %dma_start3A_694 : memref<1x1x768xf32, #tpu.memory_space<hbm>> -> memref<768xf32, #tpu.memory_space<hbm>>
        %dma_start3A_696 = tpu.memref_slice %arg8[%mul3A_688] : memref<12288xf32, #tpu.memory_space<vmem>> -> memref<768xf32, #tpu.memory_space<vmem>>
        tpu.enqueue_dma source(%dma_start3A_696 : memref<768xf32, #tpu.memory_space<vmem>>) target(%dma_start3A_695 : memref<768xf32, #tpu.memory_space<hbm>>) target_semaphore(%arg28 : memref<!tpu.dma_semaphore, #tpu.memory_space<semaphore_mem>>)
      }
      %scan3A_383 = arith.constant 16 : i32
      %gt3A_384 = arith.constant 0 : i32
      %gt3A_385 = arith.cmpi sgt, %scan3A_104, %gt3A_384 : i32
      %convert_element_type3A_386 = arith.extui %gt3A_385 : i1 to i32
      %cond3A_387 = arith.constant 0 : i32
      %cond3A_388 = arith.cmpi ne, %convert_element_type3A_386, %cond3A_387 : i32
      scf.if %cond3A_388 {
        %scan3A_686 = arith.constant 0 : i32
        %scan3A_687 = arith.constant 0 : i32
        %scan3A_688 = arith.constant 16 : i32
        %scan3A_689 = arith.addi %scan3A_687, %scan3A_688 : i32
        %scan3A_690 = arith.constant 1 : i32
        scf.for %scan3A_742 = %scan3A_687 to %scan3A_689 step %scan3A_690  : i32 {
          %dma_wait3A = arith.constant 0 : i32
          %dma_wait3A_743 = arith.constant 0 : i32
          %dma_wait3A_744 = arith.constant 0 : i32
          %dma_wait3A_745 = tpu.memref_slice %arg12[%dma_wait3A_744] : memref<12288xf32, #tpu.memory_space<vmem>> -> memref<768xf32, #tpu.memory_space<vmem>>
          %dma_wait3A_746 = arith.constant 0 : i32
          %dma_wait3A_747 = tpu.memref_slice %arg2[%dma_wait3A, %dma_wait3A_743, %dma_wait3A_746] : memref<4x8192x768xf32, #tpu.memory_space<hbm>> -> memref<1x1x768xf32, #tpu.memory_space<hbm>>
          %dma_wait3A_748 = tpu.memref_squeeze %dma_wait3A_747 : memref<1x1x768xf32, #tpu.memory_space<hbm>> -> memref<768xf32, #tpu.memory_space<hbm>>
          %dma_wait3A_749 = arith.constant 0 : i32
          %dma_wait3A_750 = tpu.memref_slice %arg12[%dma_wait3A_749] : memref<12288xf32, #tpu.memory_space<vmem>> -> memref<768xf32, #tpu.memory_space<vmem>>
          %dma_wait3A_751 = arith.constant 0 : i32
          %dma_wait3A_752 = tpu.memref_slice %arg2[%dma_wait3A, %dma_wait3A_743, %dma_wait3A_751] : memref<4x8192x768xf32, #tpu.memory_space<hbm>> -> memref<1x1x768xf32, #tpu.memory_space<hbm>>
          %dma_wait3A_753 = tpu.memref_squeeze %dma_wait3A_752 : memref<1x1x768xf32, #tpu.memory_space<hbm>> -> memref<768xf32, #tpu.memory_space<hbm>>
          tpu.wait_dma2 semaphore(%arg32 : memref<!tpu.dma_semaphore, #tpu.memory_space<semaphore_mem>>) src(%dma_wait3A_753 : memref<768xf32, #tpu.memory_space<hbm>>) dst(%dma_wait3A_750 : memref<768xf32, #tpu.memory_space<vmem>>)
        }
        %scan3A_691 = arith.constant 16 : i32
        %add3A_692 = arith.constant 4 : i32
        %add3A_693 = arith.addi %add3A_323, %add3A_692 : i32
        %jit3A_694 = arith.constant 4 : i32
        %div3A_695 = arith.divsi %add3A_693, %jit3A_694 : i32
        %sign3A_696 = arith.constant 0 : i32
        %sign3A_697 = arith.cmpi sgt, %add3A_693, %sign3A_696 : i32
        %sign3A_698 = arith.extui %sign3A_697 : i1 to i32
        %sign3A_699 = arith.constant 0 : i32
        %sign3A_700 = arith.cmpi slt, %add3A_693, %sign3A_699 : i32
        %sign3A_701 = arith.extui %sign3A_700 : i1 to i32
        %sign3A_702 = arith.subi %sign3A_698, %sign3A_701 : i32
        %sign3A_703 = arith.constant 0 : i32
        %sign3A_704 = arith.cmpi sgt, %jit3A_694, %sign3A_703 : i32
        %sign3A_705 = arith.extui %sign3A_704 : i1 to i32
        %sign3A_706 = arith.constant 0 : i32
        %sign3A_707 = arith.cmpi slt, %jit3A_694, %sign3A_706 : i32
        %sign3A_708 = arith.extui %sign3A_707 : i1 to i32
        %sign3A_709 = arith.subi %sign3A_705, %sign3A_708 : i32
        %ne3A_710 = arith.cmpi ne, %sign3A_702, %sign3A_709 : i32
        %rem3A_711 = arith.remsi %add3A_693, %jit3A_694 : i32
        %ne3A_712 = arith.constant 0 : i32
        %ne3A_713 = arith.cmpi ne, %rem3A_711, %ne3A_712 : i32
        %and3A_714 = arith.andi %ne3A_710, %ne3A_713 : i1
        %sub3A_715 = arith.constant 1 : i32
        %sub3A_716 = arith.subi %div3A_695, %sub3A_715 : i32
        %select_n3A_717 = arith.select %and3A_714, %sub3A_716, %div3A_695 : i32
        %eq3A_718 = arith.constant 0 : i32
        %eq3A_719 = arith.cmpi eq, %jit3A_694, %eq3A_718 : i32
        %jit3A_720 = arith.constant 1 : i32
        %select_n3A_721 = arith.select %eq3A_719, %jit3A_720, %jit3A_694 : i32
        %rem3A_722 = arith.remsi %add3A_693, %select_n3A_721 : i32
        %ne3A_723 = arith.constant 0 : i32
        %ne3A_724 = arith.cmpi ne, %rem3A_722, %ne3A_723 : i32
        %lt3A_725 = arith.constant 0 : i32
        %lt3A_726 = arith.cmpi slt, %rem3A_722, %lt3A_725 : i32
        %lt3A_727 = arith.constant 0 : i32
        %lt3A_728 = arith.cmpi slt, %select_n3A_721, %lt3A_727 : i32
        %ne3A_729 = arith.xori %lt3A_726, %lt3A_728 : i1
        %and3A_730 = arith.andi %ne3A_729, %ne3A_724 : i1
        %add3A_731 = arith.addi %rem3A_722, %select_n3A_721 : i32
        %select_n3A_732 = arith.select %and3A_730, %add3A_731, %rem3A_722 : i32
        %mul3A_733 = arith.constant 16 : i32
        %mul3A_734 = arith.muli %select_n3A_717, %mul3A_733 : i32
        %add3A_735 = arith.addi %mul3A_2, %mul3A_734 : i32
        %scan3A_736 = arith.constant 0 : i32
        %scan3A_737 = arith.constant 0 : i32
        %scan3A_738 = arith.constant 16 : i32
        %scan3A_739 = arith.addi %scan3A_737, %scan3A_738 : i32
        %scan3A_740 = arith.constant 1 : i32
        scf.for %scan3A_742 = %scan3A_737 to %scan3A_739 step %scan3A_740  : i32 {
          %add3A_743 = arith.addi %add3A_735, %scan3A_742 : i32
          %mul3A_744 = arith.constant 768 : i32
          %mul3A_745 = arith.muli %scan3A_742, %mul3A_744 : i32
          %dma_start3A = tpu.memref_slice %arg12[%mul3A_745] : memref<12288xf32, #tpu.memory_space<vmem>> -> memref<768xf32, #tpu.memory_space<vmem>>
          %dma_start3A_746 = arith.constant 0 : i32
          %dma_start3A_747 = tpu.memref_slice %arg2[%select_n3A_732, %add3A_743, %dma_start3A_746] : memref<4x8192x768xf32, #tpu.memory_space<hbm>> -> memref<1x1x768xf32, #tpu.memory_space<hbm>>
          %dma_start3A_748 = tpu.memref_squeeze %dma_start3A_747 : memref<1x1x768xf32, #tpu.memory_space<hbm>> -> memref<768xf32, #tpu.memory_space<hbm>>
          %dma_start3A_749 = tpu.memref_slice %arg12[%mul3A_745] : memref<12288xf32, #tpu.memory_space<vmem>> -> memref<768xf32, #tpu.memory_space<vmem>>
          %dma_start3A_750 = arith.constant 0 : i32
          %dma_start3A_751 = tpu.memref_slice %arg2[%select_n3A_732, %add3A_743, %dma_start3A_750] : memref<4x8192x768xf32, #tpu.memory_space<hbm>> -> memref<1x1x768xf32, #tpu.memory_space<hbm>>
          %dma_start3A_752 = tpu.memref_squeeze %dma_start3A_751 : memref<1x1x768xf32, #tpu.memory_space<hbm>> -> memref<768xf32, #tpu.memory_space<hbm>>
          tpu.enqueue_dma source(%dma_start3A_752 : memref<768xf32, #tpu.memory_space<hbm>>) target(%dma_start3A_749 : memref<768xf32, #tpu.memory_space<vmem>>) target_semaphore(%arg22 : memref<!tpu.dma_semaphore, #tpu.memory_space<semaphore_mem>>)
        }
        %scan3A_741 = arith.constant 16 : i32
      } else {
      }
      %eq3A_389 = arith.constant 0 : i32
      %eq3A_390 = arith.cmpi eq, %scan3A_104, %eq3A_389 : i32
      %convert_element_type3A_391 = arith.extui %eq3A_390 : i1 to i32
      %cond3A_392 = arith.constant 0 : i32
      %cond3A_393 = arith.cmpi ne, %convert_element_type3A_391, %cond3A_392 : i32
      scf.if %cond3A_393 {
        %add3A_686 = arith.constant 4 : i32
        %add3A_687 = arith.addi %add3A_323, %add3A_686 : i32
        %jit3A_688 = arith.constant 4 : i32
        %div3A_689 = arith.divsi %add3A_687, %jit3A_688 : i32
        %sign3A_690 = arith.constant 0 : i32
        %sign3A_691 = arith.cmpi sgt, %add3A_687, %sign3A_690 : i32
        %sign3A_692 = arith.extui %sign3A_691 : i1 to i32
        %sign3A_693 = arith.constant 0 : i32
        %sign3A_694 = arith.cmpi slt, %add3A_687, %sign3A_693 : i32
        %sign3A_695 = arith.extui %sign3A_694 : i1 to i32
        %sign3A_696 = arith.subi %sign3A_692, %sign3A_695 : i32
        %sign3A_697 = arith.constant 0 : i32
        %sign3A_698 = arith.cmpi sgt, %jit3A_688, %sign3A_697 : i32
        %sign3A_699 = arith.extui %sign3A_698 : i1 to i32
        %sign3A_700 = arith.constant 0 : i32
        %sign3A_701 = arith.cmpi slt, %jit3A_688, %sign3A_700 : i32
        %sign3A_702 = arith.extui %sign3A_701 : i1 to i32
        %sign3A_703 = arith.subi %sign3A_699, %sign3A_702 : i32
        %ne3A_704 = arith.cmpi ne, %sign3A_696, %sign3A_703 : i32
        %rem3A_705 = arith.remsi %add3A_687, %jit3A_688 : i32
        %ne3A_706 = arith.constant 0 : i32
        %ne3A_707 = arith.cmpi ne, %rem3A_705, %ne3A_706 : i32
        %and3A_708 = arith.andi %ne3A_704, %ne3A_707 : i1
        %sub3A_709 = arith.constant 1 : i32
        %sub3A_710 = arith.subi %div3A_689, %sub3A_709 : i32
        %select_n3A_711 = arith.select %and3A_708, %sub3A_710, %div3A_689 : i32
        %eq3A_712 = arith.constant 0 : i32
        %eq3A_713 = arith.cmpi eq, %jit3A_688, %eq3A_712 : i32
        %jit3A_714 = arith.constant 1 : i32
        %select_n3A_715 = arith.select %eq3A_713, %jit3A_714, %jit3A_688 : i32
        %rem3A_716 = arith.remsi %add3A_687, %select_n3A_715 : i32
        %ne3A_717 = arith.constant 0 : i32
        %ne3A_718 = arith.cmpi ne, %rem3A_716, %ne3A_717 : i32
        %lt3A_719 = arith.constant 0 : i32
        %lt3A_720 = arith.cmpi slt, %rem3A_716, %lt3A_719 : i32
        %lt3A_721 = arith.constant 0 : i32
        %lt3A_722 = arith.cmpi slt, %select_n3A_715, %lt3A_721 : i32
        %ne3A_723 = arith.xori %lt3A_720, %lt3A_722 : i1
        %and3A_724 = arith.andi %ne3A_723, %ne3A_718 : i1
        %add3A_725 = arith.addi %rem3A_716, %select_n3A_715 : i32
        %select_n3A_726 = arith.select %and3A_724, %add3A_725, %rem3A_716 : i32
        %mul3A_727 = arith.constant 16 : i32
        %mul3A_728 = arith.muli %select_n3A_711, %mul3A_727 : i32
        %add3A_729 = arith.addi %mul3A_2, %mul3A_728 : i32
        %scan3A_730 = arith.constant 0 : i32
        %scan3A_731 = arith.constant 0 : i32
        %scan3A_732 = arith.constant 16 : i32
        %scan3A_733 = arith.addi %scan3A_731, %scan3A_732 : i32
        %scan3A_734 = arith.constant 1 : i32
        scf.for %scan3A_736 = %scan3A_731 to %scan3A_733 step %scan3A_734  : i32 {
          %add3A_737 = arith.addi %add3A_729, %scan3A_736 : i32
          %mul3A_738 = arith.constant 768 : i32
          %mul3A_739 = arith.muli %scan3A_736, %mul3A_738 : i32
          %dma_start3A = tpu.memref_slice %arg12[%mul3A_739] : memref<12288xf32, #tpu.memory_space<vmem>> -> memref<768xf32, #tpu.memory_space<vmem>>
          %dma_start3A_740 = arith.constant 0 : i32
          %dma_start3A_741 = tpu.memref_slice %arg2[%select_n3A_726, %add3A_737, %dma_start3A_740] : memref<4x8192x768xf32, #tpu.memory_space<hbm>> -> memref<1x1x768xf32, #tpu.memory_space<hbm>>
          %dma_start3A_742 = tpu.memref_squeeze %dma_start3A_741 : memref<1x1x768xf32, #tpu.memory_space<hbm>> -> memref<768xf32, #tpu.memory_space<hbm>>
          %dma_start3A_743 = tpu.memref_slice %arg12[%mul3A_739] : memref<12288xf32, #tpu.memory_space<vmem>> -> memref<768xf32, #tpu.memory_space<vmem>>
          %dma_start3A_744 = arith.constant 0 : i32
          %dma_start3A_745 = tpu.memref_slice %arg2[%select_n3A_726, %add3A_737, %dma_start3A_744] : memref<4x8192x768xf32, #tpu.memory_space<hbm>> -> memref<1x1x768xf32, #tpu.memory_space<hbm>>
          %dma_start3A_746 = tpu.memref_squeeze %dma_start3A_745 : memref<1x1x768xf32, #tpu.memory_space<hbm>> -> memref<768xf32, #tpu.memory_space<hbm>>
          tpu.enqueue_dma source(%dma_start3A_746 : memref<768xf32, #tpu.memory_space<hbm>>) target(%dma_start3A_743 : memref<768xf32, #tpu.memory_space<vmem>>) target_semaphore(%arg22 : memref<!tpu.dma_semaphore, #tpu.memory_space<semaphore_mem>>)
        }
        %scan3A_735 = arith.constant 16 : i32
      } else {
      }
      %lt3A_394 = arith.constant 7 : i32
      %lt3A_395 = arith.cmpi slt, %scan3A_104, %lt3A_394 : i32
      %convert_element_type3A_396 = arith.extui %lt3A_395 : i1 to i32
      %cond3A_397 = arith.constant 0 : i32
      %cond3A_398 = arith.cmpi ne, %convert_element_type3A_396, %cond3A_397 : i32
      scf.if %cond3A_398 {
        %add3A_686 = arith.constant 1 : i32
        %add3A_687 = arith.addi %scan3A_104, %add3A_686 : i32
        %mul3A_688 = arith.constant 2 : i32
        %mul3A_689 = arith.muli %mul3A_688, %add3A_687 : i32
        %add3A_690 = arith.constant 0 : i32
        %add3A_691 = arith.addi %mul3A_689, %add3A_690 : i32
        %mul3A_692 = arith.constant 16 : i32
        %mul3A_693 = arith.muli %add3A_691, %mul3A_692 : i32
        %add3A_694 = arith.addi %mul3A_2, %mul3A_693 : i32
        %scan3A_695 = arith.constant 0 : i32
        %scan3A_696 = arith.constant 0 : i32
        %scan3A_697 = arith.constant 16 : i32
        %scan3A_698 = arith.addi %scan3A_696, %scan3A_697 : i32
        %scan3A_699 = arith.constant 1 : i32
        scf.for %scan3A_701 = %scan3A_696 to %scan3A_698 step %scan3A_699  : i32 {
          %add3A_702 = arith.addi %add3A_694, %scan3A_701 : i32
          %mul3A_703 = arith.constant 768 : i32
          %mul3A_704 = arith.muli %scan3A_701, %mul3A_703 : i32
          %dma_start3A = tpu.memref_slice %arg13[%mul3A_704] : memref<12288xf32, #tpu.memory_space<vmem>> -> memref<768xf32, #tpu.memory_space<vmem>>
          %dma_start3A_705 = arith.constant 0 : i32
          %dma_start3A_706 = tpu.memref_slice %arg3[%add3A_702, %dma_start3A_705] : memref<8192x768xf32, #tpu.memory_space<hbm>> -> memref<1x768xf32, #tpu.memory_space<hbm>>
          %dma_start3A_707 = tpu.memref_squeeze %dma_start3A_706 : memref<1x768xf32, #tpu.memory_space<hbm>> -> memref<768xf32, #tpu.memory_space<hbm>>
          %dma_start3A_708 = tpu.memref_slice %arg13[%mul3A_704] : memref<12288xf32, #tpu.memory_space<vmem>> -> memref<768xf32, #tpu.memory_space<vmem>>
          %dma_start3A_709 = arith.constant 0 : i32
          %dma_start3A_710 = tpu.memref_slice %arg3[%add3A_702, %dma_start3A_709] : memref<8192x768xf32, #tpu.memory_space<hbm>> -> memref<1x768xf32, #tpu.memory_space<hbm>>
          %dma_start3A_711 = tpu.memref_squeeze %dma_start3A_710 : memref<1x768xf32, #tpu.memory_space<hbm>> -> memref<768xf32, #tpu.memory_space<hbm>>
          tpu.enqueue_dma source(%dma_start3A_711 : memref<768xf32, #tpu.memory_space<hbm>>) target(%dma_start3A_708 : memref<768xf32, #tpu.memory_space<vmem>>) target_semaphore(%arg23 : memref<!tpu.dma_semaphore, #tpu.memory_space<semaphore_mem>>)
        }
        %scan3A_700 = arith.constant 16 : i32
      } else {
      }
      %mul3A_399 = arith.constant 8 : i32
      %mul3A_400 = arith.muli %scan3A_104, %mul3A_399 : i32
      %add3A_401 = arith.constant 4 : i32
      %add3A_402 = arith.addi %mul3A_400, %add3A_401 : i32
      %scan3A_403 = arith.constant 0 : i32
      %scan3A_404 = arith.constant 0 : i32
      %scan3A_405 = arith.constant 16 : i32
      %scan3A_406 = arith.addi %scan3A_404, %scan3A_405 : i32
      %scan3A_407 = arith.constant 1 : i32
      scf.for %scan3A_686 = %scan3A_404 to %scan3A_406 step %scan3A_407  : i32 {
        %dma_wait3A = arith.constant 0 : i32
        %dma_wait3A_687 = arith.constant 0 : i32
        %dma_wait3A_688 = arith.constant 0 : i32
        %dma_wait3A_689 = tpu.memref_slice %arg14[%dma_wait3A_688] : memref<12288xf32, #tpu.memory_space<vmem>> -> memref<768xf32, #tpu.memory_space<vmem>>
        %dma_wait3A_690 = arith.constant 0 : i32
        %dma_wait3A_691 = tpu.memref_slice %arg2[%dma_wait3A, %dma_wait3A_687, %dma_wait3A_690] : memref<4x8192x768xf32, #tpu.memory_space<hbm>> -> memref<1x1x768xf32, #tpu.memory_space<hbm>>
        %dma_wait3A_692 = tpu.memref_squeeze %dma_wait3A_691 : memref<1x1x768xf32, #tpu.memory_space<hbm>> -> memref<768xf32, #tpu.memory_space<hbm>>
        %dma_wait3A_693 = arith.constant 0 : i32
        %dma_wait3A_694 = tpu.memref_slice %arg14[%dma_wait3A_693] : memref<12288xf32, #tpu.memory_space<vmem>> -> memref<768xf32, #tpu.memory_space<vmem>>
        %dma_wait3A_695 = arith.constant 0 : i32
        %dma_wait3A_696 = tpu.memref_slice %arg2[%dma_wait3A, %dma_wait3A_687, %dma_wait3A_695] : memref<4x8192x768xf32, #tpu.memory_space<hbm>> -> memref<1x1x768xf32, #tpu.memory_space<hbm>>
        %dma_wait3A_697 = tpu.memref_squeeze %dma_wait3A_696 : memref<1x1x768xf32, #tpu.memory_space<hbm>> -> memref<768xf32, #tpu.memory_space<hbm>>
        tpu.wait_dma2 semaphore(%arg24 : memref<!tpu.dma_semaphore, #tpu.memory_space<semaphore_mem>>) src(%dma_wait3A_697 : memref<768xf32, #tpu.memory_space<hbm>>) dst(%dma_wait3A_694 : memref<768xf32, #tpu.memory_space<vmem>>)
      }
      %scan3A_408 = arith.constant 16 : i32
      %scan3A_409 = arith.constant 0 : i32
      %scan3A_410 = arith.constant 0 : i32
      %scan3A_411 = arith.constant 16 : i32
      %scan3A_412 = arith.addi %scan3A_410, %scan3A_411 : i32
      %scan3A_413 = arith.constant 1 : i32
      scf.for %scan3A_686 = %scan3A_410 to %scan3A_412 step %scan3A_413  : i32 {
        %dma_wait3A = arith.constant 0 : i32
        %dma_wait3A_687 = arith.constant 0 : i32
        %dma_wait3A_688 = arith.constant 0 : i32
        %dma_wait3A_689 = tpu.memref_slice %arg9[%dma_wait3A_688] : memref<12288xf32, #tpu.memory_space<vmem>> -> memref<768xf32, #tpu.memory_space<vmem>>
        %dma_wait3A_690 = arith.constant 0 : i32
        %dma_wait3A_691 = tpu.memref_slice %arg2[%dma_wait3A, %dma_wait3A_687, %dma_wait3A_690] : memref<4x8192x768xf32, #tpu.memory_space<hbm>> -> memref<1x1x768xf32, #tpu.memory_space<hbm>>
        %dma_wait3A_692 = tpu.memref_squeeze %dma_wait3A_691 : memref<1x1x768xf32, #tpu.memory_space<hbm>> -> memref<768xf32, #tpu.memory_space<hbm>>
        %dma_wait3A_693 = arith.constant 0 : i32
        %dma_wait3A_694 = tpu.memref_slice %arg9[%dma_wait3A_693] : memref<12288xf32, #tpu.memory_space<vmem>> -> memref<768xf32, #tpu.memory_space<vmem>>
        %dma_wait3A_695 = arith.constant 0 : i32
        %dma_wait3A_696 = tpu.memref_slice %arg2[%dma_wait3A, %dma_wait3A_687, %dma_wait3A_695] : memref<4x8192x768xf32, #tpu.memory_space<hbm>> -> memref<1x1x768xf32, #tpu.memory_space<hbm>>
        %dma_wait3A_697 = tpu.memref_squeeze %dma_wait3A_696 : memref<1x1x768xf32, #tpu.memory_space<hbm>> -> memref<768xf32, #tpu.memory_space<hbm>>
        tpu.wait_dma2 semaphore(%arg19 : memref<!tpu.dma_semaphore, #tpu.memory_space<semaphore_mem>>) src(%dma_wait3A_697 : memref<768xf32, #tpu.memory_space<hbm>>) dst(%dma_wait3A_694 : memref<768xf32, #tpu.memory_space<vmem>>)
      }
      %scan3A_414 = arith.constant 16 : i32
      %scan3A_415 = arith.constant 0 : i32
      %scan3A_416 = arith.constant 0 : i32
      %scan3A_417 = arith.constant 768 : i32
      %scan3A_418 = arith.addi %scan3A_416, %scan3A_417 : i32
      %scan3A_419 = arith.constant 8 : i32
      scf.for %scan3A_686 = %scan3A_416 to %scan3A_418 step %scan3A_419  : i32 {
        %mul3A_687 = arith.constant 16 : i32
        %mul3A_688 = arith.muli %scan3A_686, %mul3A_687 : i32
        %get3A = arith.index_cast %mul3A_688 : i32 to index
        %get3A_689 = tpu.vector_load %arg14[%get3A] {strides = array<i32>} : memref<12288xf32, #tpu.memory_space<vmem>>, vector<16xf32>,
        %get3A_690 = vector.shape_cast %get3A_689 : vector<16xf32> to vector<16xf32>
        %swap3A = arith.index_cast %mul3A_688 : i32 to index
        %swap3A_691 = tpu.vector_load %arg9[%swap3A] {strides = array<i32>} : memref<12288xf32, #tpu.memory_space<vmem>>, vector<16xf32>,
        %swap3A_692 = vector.shape_cast %swap3A_691 : vector<16xf32> to vector<16xf32>
        %swap3A_693 = vector.shape_cast %get3A_690 : vector<16xf32> to vector<16xf32>
        tpu.vector_store %arg9[%swap3A], %swap3A_693 {add = true, strides = array<i32>} : memref<12288xf32, #tpu.memory_space<vmem>>, vector<16xf32>,
        %scan3A_694 = arith.constant 1 : i32
        %scan3A_695 = arith.addi %scan3A_686, %scan3A_694 : i32
        %mul3A_696 = arith.constant 16 : i32
        %mul3A_697 = arith.muli %scan3A_695, %mul3A_696 : i32
        %get3A_698 = arith.index_cast %mul3A_697 : i32 to index
        %get3A_699 = tpu.vector_load %arg14[%get3A_698] {strides = array<i32>} : memref<12288xf32, #tpu.memory_space<vmem>>, vector<16xf32>,
        %get3A_700 = vector.shape_cast %get3A_699 : vector<16xf32> to vector<16xf32>
        %swap3A_701 = arith.index_cast %mul3A_697 : i32 to index
        %swap3A_702 = tpu.vector_load %arg9[%swap3A_701] {strides = array<i32>} : memref<12288xf32, #tpu.memory_space<vmem>>, vector<16xf32>,
        %swap3A_703 = vector.shape_cast %swap3A_702 : vector<16xf32> to vector<16xf32>
        %swap3A_704 = vector.shape_cast %get3A_700 : vector<16xf32> to vector<16xf32>
        tpu.vector_store %arg9[%swap3A_701], %swap3A_704 {add = true, strides = array<i32>} : memref<12288xf32, #tpu.memory_space<vmem>>, vector<16xf32>,
        %scan3A_705 = arith.constant 2 : i32
        %scan3A_706 = arith.addi %scan3A_686, %scan3A_705 : i32
        %mul3A_707 = arith.constant 16 : i32
        %mul3A_708 = arith.muli %scan3A_706, %mul3A_707 : i32
        %get3A_709 = arith.index_cast %mul3A_708 : i32 to index
        %get3A_710 = tpu.vector_load %arg14[%get3A_709] {strides = array<i32>} : memref<12288xf32, #tpu.memory_space<vmem>>, vector<16xf32>,
        %get3A_711 = vector.shape_cast %get3A_710 : vector<16xf32> to vector<16xf32>
        %swap3A_712 = arith.index_cast %mul3A_708 : i32 to index
        %swap3A_713 = tpu.vector_load %arg9[%swap3A_712] {strides = array<i32>} : memref<12288xf32, #tpu.memory_space<vmem>>, vector<16xf32>,
        %swap3A_714 = vector.shape_cast %swap3A_713 : vector<16xf32> to vector<16xf32>
        %swap3A_715 = vector.shape_cast %get3A_711 : vector<16xf32> to vector<16xf32>
        tpu.vector_store %arg9[%swap3A_712], %swap3A_715 {add = true, strides = array<i32>} : memref<12288xf32, #tpu.memory_space<vmem>>, vector<16xf32>,
        %scan3A_716 = arith.constant 3 : i32
        %scan3A_717 = arith.addi %scan3A_686, %scan3A_716 : i32
        %mul3A_718 = arith.constant 16 : i32
        %mul3A_719 = arith.muli %scan3A_717, %mul3A_718 : i32
        %get3A_720 = arith.index_cast %mul3A_719 : i32 to index
        %get3A_721 = tpu.vector_load %arg14[%get3A_720] {strides = array<i32>} : memref<12288xf32, #tpu.memory_space<vmem>>, vector<16xf32>,
        %get3A_722 = vector.shape_cast %get3A_721 : vector<16xf32> to vector<16xf32>
        %swap3A_723 = arith.index_cast %mul3A_719 : i32 to index
        %swap3A_724 = tpu.vector_load %arg9[%swap3A_723] {strides = array<i32>} : memref<12288xf32, #tpu.memory_space<vmem>>, vector<16xf32>,
        %swap3A_725 = vector.shape_cast %swap3A_724 : vector<16xf32> to vector<16xf32>
        %swap3A_726 = vector.shape_cast %get3A_722 : vector<16xf32> to vector<16xf32>
        tpu.vector_store %arg9[%swap3A_723], %swap3A_726 {add = true, strides = array<i32>} : memref<12288xf32, #tpu.memory_space<vmem>>, vector<16xf32>,
        %scan3A_727 = arith.constant 4 : i32
        %scan3A_728 = arith.addi %scan3A_686, %scan3A_727 : i32
        %mul3A_729 = arith.constant 16 : i32
        %mul3A_730 = arith.muli %scan3A_728, %mul3A_729 : i32
        %get3A_731 = arith.index_cast %mul3A_730 : i32 to index
        %get3A_732 = tpu.vector_load %arg14[%get3A_731] {strides = array<i32>} : memref<12288xf32, #tpu.memory_space<vmem>>, vector<16xf32>,
        %get3A_733 = vector.shape_cast %get3A_732 : vector<16xf32> to vector<16xf32>
        %swap3A_734 = arith.index_cast %mul3A_730 : i32 to index
        %swap3A_735 = tpu.vector_load %arg9[%swap3A_734] {strides = array<i32>} : memref<12288xf32, #tpu.memory_space<vmem>>, vector<16xf32>,
        %swap3A_736 = vector.shape_cast %swap3A_735 : vector<16xf32> to vector<16xf32>
        %swap3A_737 = vector.shape_cast %get3A_733 : vector<16xf32> to vector<16xf32>
        tpu.vector_store %arg9[%swap3A_734], %swap3A_737 {add = true, strides = array<i32>} : memref<12288xf32, #tpu.memory_space<vmem>>, vector<16xf32>,
        %scan3A_738 = arith.constant 5 : i32
        %scan3A_739 = arith.addi %scan3A_686, %scan3A_738 : i32
        %mul3A_740 = arith.constant 16 : i32
        %mul3A_741 = arith.muli %scan3A_739, %mul3A_740 : i32
        %get3A_742 = arith.index_cast %mul3A_741 : i32 to index
        %get3A_743 = tpu.vector_load %arg14[%get3A_742] {strides = array<i32>} : memref<12288xf32, #tpu.memory_space<vmem>>, vector<16xf32>,
        %get3A_744 = vector.shape_cast %get3A_743 : vector<16xf32> to vector<16xf32>
        %swap3A_745 = arith.index_cast %mul3A_741 : i32 to index
        %swap3A_746 = tpu.vector_load %arg9[%swap3A_745] {strides = array<i32>} : memref<12288xf32, #tpu.memory_space<vmem>>, vector<16xf32>,
        %swap3A_747 = vector.shape_cast %swap3A_746 : vector<16xf32> to vector<16xf32>
        %swap3A_748 = vector.shape_cast %get3A_744 : vector<16xf32> to vector<16xf32>
        tpu.vector_store %arg9[%swap3A_745], %swap3A_748 {add = true, strides = array<i32>} : memref<12288xf32, #tpu.memory_space<vmem>>, vector<16xf32>,
        %scan3A_749 = arith.constant 6 : i32
        %scan3A_750 = arith.addi %scan3A_686, %scan3A_749 : i32
        %mul3A_751 = arith.constant 16 : i32
        %mul3A_752 = arith.muli %scan3A_750, %mul3A_751 : i32
        %get3A_753 = arith.index_cast %mul3A_752 : i32 to index
        %get3A_754 = tpu.vector_load %arg14[%get3A_753] {strides = array<i32>} : memref<12288xf32, #tpu.memory_space<vmem>>, vector<16xf32>,
        %get3A_755 = vector.shape_cast %get3A_754 : vector<16xf32> to vector<16xf32>
        %swap3A_756 = arith.index_cast %mul3A_752 : i32 to index
        %swap3A_757 = tpu.vector_load %arg9[%swap3A_756] {strides = array<i32>} : memref<12288xf32, #tpu.memory_space<vmem>>, vector<16xf32>,
        %swap3A_758 = vector.shape_cast %swap3A_757 : vector<16xf32> to vector<16xf32>
        %swap3A_759 = vector.shape_cast %get3A_755 : vector<16xf32> to vector<16xf32>
        tpu.vector_store %arg9[%swap3A_756], %swap3A_759 {add = true, strides = array<i32>} : memref<12288xf32, #tpu.memory_space<vmem>>, vector<16xf32>,
        %scan3A_760 = arith.constant 7 : i32
        %scan3A_761 = arith.addi %scan3A_686, %scan3A_760 : i32
        %mul3A_762 = arith.constant 16 : i32
        %mul3A_763 = arith.muli %scan3A_761, %mul3A_762 : i32
        %get3A_764 = arith.index_cast %mul3A_763 : i32 to index
        %get3A_765 = tpu.vector_load %arg14[%get3A_764] {strides = array<i32>} : memref<12288xf32, #tpu.memory_space<vmem>>, vector<16xf32>,
        %get3A_766 = vector.shape_cast %get3A_765 : vector<16xf32> to vector<16xf32>
        %swap3A_767 = arith.index_cast %mul3A_763 : i32 to index
        %swap3A_768 = tpu.vector_load %arg9[%swap3A_767] {strides = array<i32>} : memref<12288xf32, #tpu.memory_space<vmem>>, vector<16xf32>,
        %swap3A_769 = vector.shape_cast %swap3A_768 : vector<16xf32> to vector<16xf32>
        %swap3A_770 = vector.shape_cast %get3A_766 : vector<16xf32> to vector<16xf32>
        tpu.vector_store %arg9[%swap3A_767], %swap3A_770 {add = true, strides = array<i32>} : memref<12288xf32, #tpu.memory_space<vmem>>, vector<16xf32>,
      }
      %scan3A_420 = arith.constant 768 : i32
      %jit3A_421 = arith.constant 4 : i32
      %div3A_422 = arith.divsi %add3A_402, %jit3A_421 : i32
      %sign3A_423 = arith.constant 0 : i32
      %sign3A_424 = arith.cmpi sgt, %add3A_402, %sign3A_423 : i32
      %sign3A_425 = arith.extui %sign3A_424 : i1 to i32
      %sign3A_426 = arith.constant 0 : i32
      %sign3A_427 = arith.cmpi slt, %add3A_402, %sign3A_426 : i32
      %sign3A_428 = arith.extui %sign3A_427 : i1 to i32
      %sign3A_429 = arith.subi %sign3A_425, %sign3A_428 : i32
      %sign3A_430 = arith.constant 0 : i32
      %sign3A_431 = arith.cmpi sgt, %jit3A_421, %sign3A_430 : i32
      %sign3A_432 = arith.extui %sign3A_431 : i1 to i32
      %sign3A_433 = arith.constant 0 : i32
      %sign3A_434 = arith.cmpi slt, %jit3A_421, %sign3A_433 : i32
      %sign3A_435 = arith.extui %sign3A_434 : i1 to i32
      %sign3A_436 = arith.subi %sign3A_432, %sign3A_435 : i32
      %ne3A_437 = arith.cmpi ne, %sign3A_429, %sign3A_436 : i32
      %rem3A_438 = arith.remsi %add3A_402, %jit3A_421 : i32
      %ne3A_439 = arith.constant 0 : i32
      %ne3A_440 = arith.cmpi ne, %rem3A_438, %ne3A_439 : i32
      %and3A_441 = arith.andi %ne3A_437, %ne3A_440 : i1
      %sub3A_442 = arith.constant 1 : i32
      %sub3A_443 = arith.subi %div3A_422, %sub3A_442 : i32
      %select_n3A_444 = arith.select %and3A_441, %sub3A_443, %div3A_422 : i32
      %eq3A_445 = arith.constant 0 : i32
      %eq3A_446 = arith.cmpi eq, %jit3A_421, %eq3A_445 : i32
      %jit3A_447 = arith.constant 1 : i32
      %select_n3A_448 = arith.select %eq3A_446, %jit3A_447, %jit3A_421 : i32
      %rem3A_449 = arith.remsi %add3A_402, %select_n3A_448 : i32
      %ne3A_450 = arith.constant 0 : i32
      %ne3A_451 = arith.cmpi ne, %rem3A_449, %ne3A_450 : i32
      %lt3A_452 = arith.constant 0 : i32
      %lt3A_453 = arith.cmpi slt, %rem3A_449, %lt3A_452 : i32
      %lt3A_454 = arith.constant 0 : i32
      %lt3A_455 = arith.cmpi slt, %select_n3A_448, %lt3A_454 : i32
      %ne3A_456 = arith.xori %lt3A_453, %lt3A_455 : i1
      %and3A_457 = arith.andi %ne3A_456, %ne3A_451 : i1
      %add3A_458 = arith.addi %rem3A_449, %select_n3A_448 : i32
      %select_n3A_459 = arith.select %and3A_457, %add3A_458, %rem3A_449 : i32
      %mul3A_460 = arith.constant 16 : i32
      %mul3A_461 = arith.muli %select_n3A_444, %mul3A_460 : i32
      %add3A_462 = arith.addi %mul3A_2, %mul3A_461 : i32
      %scan3A_463 = arith.constant 0 : i32
      %scan3A_464 = arith.constant 0 : i32
      %scan3A_465 = arith.constant 16 : i32
      %scan3A_466 = arith.addi %scan3A_464, %scan3A_465 : i32
      %scan3A_467 = arith.constant 1 : i32
      scf.for %scan3A_686 = %scan3A_464 to %scan3A_466 step %scan3A_467  : i32 {
        %mul3A_687 = arith.constant 768 : i32
        %mul3A_688 = arith.muli %scan3A_686, %mul3A_687 : i32
        %add3A_689 = arith.addi %add3A_462, %scan3A_686 : i32
        %dma_start3A = tpu.memref_slice %arg9[%mul3A_688] : memref<12288xf32, #tpu.memory_space<vmem>> -> memref<768xf32, #tpu.memory_space<vmem>>
        %dma_start3A_690 = arith.constant 0 : i32
        %dma_start3A_691 = tpu.memref_slice %arg4[%select_n3A_459, %add3A_689, %dma_start3A_690] : memref<4x8192x768xf32, #tpu.memory_space<hbm>> -> memref<1x1x768xf32, #tpu.memory_space<hbm>>
        %dma_start3A_692 = tpu.memref_squeeze %dma_start3A_691 : memref<1x1x768xf32, #tpu.memory_space<hbm>> -> memref<768xf32, #tpu.memory_space<hbm>>
        %dma_start3A_693 = arith.constant 0 : i32
        %dma_start3A_694 = tpu.memref_slice %arg4[%select_n3A_459, %add3A_689, %dma_start3A_693] : memref<4x8192x768xf32, #tpu.memory_space<hbm>> -> memref<1x1x768xf32, #tpu.memory_space<hbm>>
        %dma_start3A_695 = tpu.memref_squeeze %dma_start3A_694 : memref<1x1x768xf32, #tpu.memory_space<hbm>> -> memref<768xf32, #tpu.memory_space<hbm>>
        %dma_start3A_696 = tpu.memref_slice %arg9[%mul3A_688] : memref<12288xf32, #tpu.memory_space<vmem>> -> memref<768xf32, #tpu.memory_space<vmem>>
        tpu.enqueue_dma source(%dma_start3A_696 : memref<768xf32, #tpu.memory_space<vmem>>) target(%dma_start3A_695 : memref<768xf32, #tpu.memory_space<hbm>>) target_semaphore(%arg29 : memref<!tpu.dma_semaphore, #tpu.memory_space<semaphore_mem>>)
      }
      %scan3A_468 = arith.constant 16 : i32
      %lt3A_469 = arith.constant 7 : i32
      %lt3A_470 = arith.cmpi slt, %scan3A_104, %lt3A_469 : i32
      %convert_element_type3A_471 = arith.extui %lt3A_470 : i1 to i32
      %cond3A_472 = arith.constant 0 : i32
      %cond3A_473 = arith.cmpi ne, %convert_element_type3A_471, %cond3A_472 : i32
      scf.if %cond3A_473 {
        %scan3A_686 = arith.constant 0 : i32
        %scan3A_687 = arith.constant 0 : i32
        %scan3A_688 = arith.constant 16 : i32
        %scan3A_689 = arith.addi %scan3A_687, %scan3A_688 : i32
        %scan3A_690 = arith.constant 1 : i32
        scf.for %scan3A_742 = %scan3A_687 to %scan3A_689 step %scan3A_690  : i32 {
          %dma_wait3A = arith.constant 0 : i32
          %dma_wait3A_743 = arith.constant 0 : i32
          %dma_wait3A_744 = arith.constant 0 : i32
          %dma_wait3A_745 = tpu.memref_slice %arg5[%dma_wait3A_744] : memref<12288xf32, #tpu.memory_space<vmem>> -> memref<768xf32, #tpu.memory_space<vmem>>
          %dma_wait3A_746 = arith.constant 0 : i32
          %dma_wait3A_747 = tpu.memref_slice %arg2[%dma_wait3A, %dma_wait3A_743, %dma_wait3A_746] : memref<4x8192x768xf32, #tpu.memory_space<hbm>> -> memref<1x1x768xf32, #tpu.memory_space<hbm>>
          %dma_wait3A_748 = tpu.memref_squeeze %dma_wait3A_747 : memref<1x1x768xf32, #tpu.memory_space<hbm>> -> memref<768xf32, #tpu.memory_space<hbm>>
          %dma_wait3A_749 = arith.constant 0 : i32
          %dma_wait3A_750 = tpu.memref_slice %arg5[%dma_wait3A_749] : memref<12288xf32, #tpu.memory_space<vmem>> -> memref<768xf32, #tpu.memory_space<vmem>>
          %dma_wait3A_751 = arith.constant 0 : i32
          %dma_wait3A_752 = tpu.memref_slice %arg2[%dma_wait3A, %dma_wait3A_743, %dma_wait3A_751] : memref<4x8192x768xf32, #tpu.memory_space<hbm>> -> memref<1x1x768xf32, #tpu.memory_space<hbm>>
          %dma_wait3A_753 = tpu.memref_squeeze %dma_wait3A_752 : memref<1x1x768xf32, #tpu.memory_space<hbm>> -> memref<768xf32, #tpu.memory_space<hbm>>
          tpu.wait_dma2 semaphore(%arg25 : memref<!tpu.dma_semaphore, #tpu.memory_space<semaphore_mem>>) src(%dma_wait3A_753 : memref<768xf32, #tpu.memory_space<hbm>>) dst(%dma_wait3A_750 : memref<768xf32, #tpu.memory_space<vmem>>)
        }
        %scan3A_691 = arith.constant 16 : i32
        %add3A_692 = arith.constant 4 : i32
        %add3A_693 = arith.addi %add3A_402, %add3A_692 : i32
        %jit3A_694 = arith.constant 4 : i32
        %div3A_695 = arith.divsi %add3A_693, %jit3A_694 : i32
        %sign3A_696 = arith.constant 0 : i32
        %sign3A_697 = arith.cmpi sgt, %add3A_693, %sign3A_696 : i32
        %sign3A_698 = arith.extui %sign3A_697 : i1 to i32
        %sign3A_699 = arith.constant 0 : i32
        %sign3A_700 = arith.cmpi slt, %add3A_693, %sign3A_699 : i32
        %sign3A_701 = arith.extui %sign3A_700 : i1 to i32
        %sign3A_702 = arith.subi %sign3A_698, %sign3A_701 : i32
        %sign3A_703 = arith.constant 0 : i32
        %sign3A_704 = arith.cmpi sgt, %jit3A_694, %sign3A_703 : i32
        %sign3A_705 = arith.extui %sign3A_704 : i1 to i32
        %sign3A_706 = arith.constant 0 : i32
        %sign3A_707 = arith.cmpi slt, %jit3A_694, %sign3A_706 : i32
        %sign3A_708 = arith.extui %sign3A_707 : i1 to i32
        %sign3A_709 = arith.subi %sign3A_705, %sign3A_708 : i32
        %ne3A_710 = arith.cmpi ne, %sign3A_702, %sign3A_709 : i32
        %rem3A_711 = arith.remsi %add3A_693, %jit3A_694 : i32
        %ne3A_712 = arith.constant 0 : i32
        %ne3A_713 = arith.cmpi ne, %rem3A_711, %ne3A_712 : i32
        %and3A_714 = arith.andi %ne3A_710, %ne3A_713 : i1
        %sub3A_715 = arith.constant 1 : i32
        %sub3A_716 = arith.subi %div3A_695, %sub3A_715 : i32
        %select_n3A_717 = arith.select %and3A_714, %sub3A_716, %div3A_695 : i32
        %eq3A_718 = arith.constant 0 : i32
        %eq3A_719 = arith.cmpi eq, %jit3A_694, %eq3A_718 : i32
        %jit3A_720 = arith.constant 1 : i32
        %select_n3A_721 = arith.select %eq3A_719, %jit3A_720, %jit3A_694 : i32
        %rem3A_722 = arith.remsi %add3A_693, %select_n3A_721 : i32
        %ne3A_723 = arith.constant 0 : i32
        %ne3A_724 = arith.cmpi ne, %rem3A_722, %ne3A_723 : i32
        %lt3A_725 = arith.constant 0 : i32
        %lt3A_726 = arith.cmpi slt, %rem3A_722, %lt3A_725 : i32
        %lt3A_727 = arith.constant 0 : i32
        %lt3A_728 = arith.cmpi slt, %select_n3A_721, %lt3A_727 : i32
        %ne3A_729 = arith.xori %lt3A_726, %lt3A_728 : i1
        %and3A_730 = arith.andi %ne3A_729, %ne3A_724 : i1
        %add3A_731 = arith.addi %rem3A_722, %select_n3A_721 : i32
        %select_n3A_732 = arith.select %and3A_730, %add3A_731, %rem3A_722 : i32
        %mul3A_733 = arith.constant 16 : i32
        %mul3A_734 = arith.muli %select_n3A_717, %mul3A_733 : i32
        %add3A_735 = arith.addi %mul3A_2, %mul3A_734 : i32
        %scan3A_736 = arith.constant 0 : i32
        %scan3A_737 = arith.constant 0 : i32
        %scan3A_738 = arith.constant 16 : i32
        %scan3A_739 = arith.addi %scan3A_737, %scan3A_738 : i32
        %scan3A_740 = arith.constant 1 : i32
        scf.for %scan3A_742 = %scan3A_737 to %scan3A_739 step %scan3A_740  : i32 {
          %add3A_743 = arith.addi %add3A_735, %scan3A_742 : i32
          %mul3A_744 = arith.constant 768 : i32
          %mul3A_745 = arith.muli %scan3A_742, %mul3A_744 : i32
          %dma_start3A = tpu.memref_slice %arg5[%mul3A_745] : memref<12288xf32, #tpu.memory_space<vmem>> -> memref<768xf32, #tpu.memory_space<vmem>>
          %dma_start3A_746 = arith.constant 0 : i32
          %dma_start3A_747 = tpu.memref_slice %arg2[%select_n3A_732, %add3A_743, %dma_start3A_746] : memref<4x8192x768xf32, #tpu.memory_space<hbm>> -> memref<1x1x768xf32, #tpu.memory_space<hbm>>
          %dma_start3A_748 = tpu.memref_squeeze %dma_start3A_747 : memref<1x1x768xf32, #tpu.memory_space<hbm>> -> memref<768xf32, #tpu.memory_space<hbm>>
          %dma_start3A_749 = tpu.memref_slice %arg5[%mul3A_745] : memref<12288xf32, #tpu.memory_space<vmem>> -> memref<768xf32, #tpu.memory_space<vmem>>
          %dma_start3A_750 = arith.constant 0 : i32
          %dma_start3A_751 = tpu.memref_slice %arg2[%select_n3A_732, %add3A_743, %dma_start3A_750] : memref<4x8192x768xf32, #tpu.memory_space<hbm>> -> memref<1x1x768xf32, #tpu.memory_space<hbm>>
          %dma_start3A_752 = tpu.memref_squeeze %dma_start3A_751 : memref<1x1x768xf32, #tpu.memory_space<hbm>> -> memref<768xf32, #tpu.memory_space<hbm>>
          tpu.enqueue_dma source(%dma_start3A_752 : memref<768xf32, #tpu.memory_space<hbm>>) target(%dma_start3A_749 : memref<768xf32, #tpu.memory_space<vmem>>) target_semaphore(%arg15 : memref<!tpu.dma_semaphore, #tpu.memory_space<semaphore_mem>>)
        }
        %scan3A_741 = arith.constant 16 : i32
      } else {
      }
      %mul3A_474 = arith.constant 8 : i32
      %mul3A_475 = arith.muli %scan3A_104, %mul3A_474 : i32
      %add3A_476 = arith.constant 5 : i32
      %add3A_477 = arith.addi %mul3A_475, %add3A_476 : i32
      %scan3A_478 = arith.constant 0 : i32
      %scan3A_479 = arith.constant 0 : i32
      %scan3A_480 = arith.constant 16 : i32
      %scan3A_481 = arith.addi %scan3A_479, %scan3A_480 : i32
      %scan3A_482 = arith.constant 1 : i32
      scf.for %scan3A_686 = %scan3A_479 to %scan3A_481 step %scan3A_482  : i32 {
        %dma_wait3A = arith.constant 0 : i32
        %dma_wait3A_687 = arith.constant 0 : i32
        %dma_wait3A_688 = arith.constant 0 : i32
        %dma_wait3A_689 = tpu.memref_slice %arg10[%dma_wait3A_688] : memref<12288xf32, #tpu.memory_space<vmem>> -> memref<768xf32, #tpu.memory_space<vmem>>
        %dma_wait3A_690 = arith.constant 0 : i32
        %dma_wait3A_691 = tpu.memref_slice %arg2[%dma_wait3A, %dma_wait3A_687, %dma_wait3A_690] : memref<4x8192x768xf32, #tpu.memory_space<hbm>> -> memref<1x1x768xf32, #tpu.memory_space<hbm>>
        %dma_wait3A_692 = tpu.memref_squeeze %dma_wait3A_691 : memref<1x1x768xf32, #tpu.memory_space<hbm>> -> memref<768xf32, #tpu.memory_space<hbm>>
        %dma_wait3A_693 = arith.constant 0 : i32
        %dma_wait3A_694 = tpu.memref_slice %arg10[%dma_wait3A_693] : memref<12288xf32, #tpu.memory_space<vmem>> -> memref<768xf32, #tpu.memory_space<vmem>>
        %dma_wait3A_695 = arith.constant 0 : i32
        %dma_wait3A_696 = tpu.memref_slice %arg2[%dma_wait3A, %dma_wait3A_687, %dma_wait3A_695] : memref<4x8192x768xf32, #tpu.memory_space<hbm>> -> memref<1x1x768xf32, #tpu.memory_space<hbm>>
        %dma_wait3A_697 = tpu.memref_squeeze %dma_wait3A_696 : memref<1x1x768xf32, #tpu.memory_space<hbm>> -> memref<768xf32, #tpu.memory_space<hbm>>
        tpu.wait_dma2 semaphore(%arg20 : memref<!tpu.dma_semaphore, #tpu.memory_space<semaphore_mem>>) src(%dma_wait3A_697 : memref<768xf32, #tpu.memory_space<hbm>>) dst(%dma_wait3A_694 : memref<768xf32, #tpu.memory_space<vmem>>)
      }
      %scan3A_483 = arith.constant 16 : i32
      %scan3A_484 = arith.constant 0 : i32
      %scan3A_485 = arith.constant 0 : i32
      %scan3A_486 = arith.constant 768 : i32
      %scan3A_487 = arith.addi %scan3A_485, %scan3A_486 : i32
      %scan3A_488 = arith.constant 8 : i32
      scf.for %scan3A_686 = %scan3A_485 to %scan3A_487 step %scan3A_488  : i32 {
        %mul3A_687 = arith.constant 16 : i32
        %mul3A_688 = arith.muli %scan3A_686, %mul3A_687 : i32
        %get3A = arith.index_cast %mul3A_688 : i32 to index
        %get3A_689 = tpu.vector_load %arg14[%get3A] {strides = array<i32>} : memref<12288xf32, #tpu.memory_space<vmem>>, vector<16xf32>,
        %get3A_690 = vector.shape_cast %get3A_689 : vector<16xf32> to vector<16xf32>
        %swap3A = arith.index_cast %mul3A_688 : i32 to index
        %swap3A_691 = tpu.vector_load %arg10[%swap3A] {strides = array<i32>} : memref<12288xf32, #tpu.memory_space<vmem>>, vector<16xf32>,
        %swap3A_692 = vector.shape_cast %swap3A_691 : vector<16xf32> to vector<16xf32>
        %swap3A_693 = vector.shape_cast %get3A_690 : vector<16xf32> to vector<16xf32>
        tpu.vector_store %arg10[%swap3A], %swap3A_693 {add = true, strides = array<i32>} : memref<12288xf32, #tpu.memory_space<vmem>>, vector<16xf32>,
        %scan3A_694 = arith.constant 1 : i32
        %scan3A_695 = arith.addi %scan3A_686, %scan3A_694 : i32
        %mul3A_696 = arith.constant 16 : i32
        %mul3A_697 = arith.muli %scan3A_695, %mul3A_696 : i32
        %get3A_698 = arith.index_cast %mul3A_697 : i32 to index
        %get3A_699 = tpu.vector_load %arg14[%get3A_698] {strides = array<i32>} : memref<12288xf32, #tpu.memory_space<vmem>>, vector<16xf32>,
        %get3A_700 = vector.shape_cast %get3A_699 : vector<16xf32> to vector<16xf32>
        %swap3A_701 = arith.index_cast %mul3A_697 : i32 to index
        %swap3A_702 = tpu.vector_load %arg10[%swap3A_701] {strides = array<i32>} : memref<12288xf32, #tpu.memory_space<vmem>>, vector<16xf32>,
        %swap3A_703 = vector.shape_cast %swap3A_702 : vector<16xf32> to vector<16xf32>
        %swap3A_704 = vector.shape_cast %get3A_700 : vector<16xf32> to vector<16xf32>
        tpu.vector_store %arg10[%swap3A_701], %swap3A_704 {add = true, strides = array<i32>} : memref<12288xf32, #tpu.memory_space<vmem>>, vector<16xf32>,
        %scan3A_705 = arith.constant 2 : i32
        %scan3A_706 = arith.addi %scan3A_686, %scan3A_705 : i32
        %mul3A_707 = arith.constant 16 : i32
        %mul3A_708 = arith.muli %scan3A_706, %mul3A_707 : i32
        %get3A_709 = arith.index_cast %mul3A_708 : i32 to index
        %get3A_710 = tpu.vector_load %arg14[%get3A_709] {strides = array<i32>} : memref<12288xf32, #tpu.memory_space<vmem>>, vector<16xf32>,
        %get3A_711 = vector.shape_cast %get3A_710 : vector<16xf32> to vector<16xf32>
        %swap3A_712 = arith.index_cast %mul3A_708 : i32 to index
        %swap3A_713 = tpu.vector_load %arg10[%swap3A_712] {strides = array<i32>} : memref<12288xf32, #tpu.memory_space<vmem>>, vector<16xf32>,
        %swap3A_714 = vector.shape_cast %swap3A_713 : vector<16xf32> to vector<16xf32>
        %swap3A_715 = vector.shape_cast %get3A_711 : vector<16xf32> to vector<16xf32>
        tpu.vector_store %arg10[%swap3A_712], %swap3A_715 {add = true, strides = array<i32>} : memref<12288xf32, #tpu.memory_space<vmem>>, vector<16xf32>,
        %scan3A_716 = arith.constant 3 : i32
        %scan3A_717 = arith.addi %scan3A_686, %scan3A_716 : i32
        %mul3A_718 = arith.constant 16 : i32
        %mul3A_719 = arith.muli %scan3A_717, %mul3A_718 : i32
        %get3A_720 = arith.index_cast %mul3A_719 : i32 to index
        %get3A_721 = tpu.vector_load %arg14[%get3A_720] {strides = array<i32>} : memref<12288xf32, #tpu.memory_space<vmem>>, vector<16xf32>,
        %get3A_722 = vector.shape_cast %get3A_721 : vector<16xf32> to vector<16xf32>
        %swap3A_723 = arith.index_cast %mul3A_719 : i32 to index
        %swap3A_724 = tpu.vector_load %arg10[%swap3A_723] {strides = array<i32>} : memref<12288xf32, #tpu.memory_space<vmem>>, vector<16xf32>,
        %swap3A_725 = vector.shape_cast %swap3A_724 : vector<16xf32> to vector<16xf32>
        %swap3A_726 = vector.shape_cast %get3A_722 : vector<16xf32> to vector<16xf32>
        tpu.vector_store %arg10[%swap3A_723], %swap3A_726 {add = true, strides = array<i32>} : memref<12288xf32, #tpu.memory_space<vmem>>, vector<16xf32>,
        %scan3A_727 = arith.constant 4 : i32
        %scan3A_728 = arith.addi %scan3A_686, %scan3A_727 : i32
        %mul3A_729 = arith.constant 16 : i32
        %mul3A_730 = arith.muli %scan3A_728, %mul3A_729 : i32
        %get3A_731 = arith.index_cast %mul3A_730 : i32 to index
        %get3A_732 = tpu.vector_load %arg14[%get3A_731] {strides = array<i32>} : memref<12288xf32, #tpu.memory_space<vmem>>, vector<16xf32>,
        %get3A_733 = vector.shape_cast %get3A_732 : vector<16xf32> to vector<16xf32>
        %swap3A_734 = arith.index_cast %mul3A_730 : i32 to index
        %swap3A_735 = tpu.vector_load %arg10[%swap3A_734] {strides = array<i32>} : memref<12288xf32, #tpu.memory_space<vmem>>, vector<16xf32>,
        %swap3A_736 = vector.shape_cast %swap3A_735 : vector<16xf32> to vector<16xf32>
        %swap3A_737 = vector.shape_cast %get3A_733 : vector<16xf32> to vector<16xf32>
        tpu.vector_store %arg10[%swap3A_734], %swap3A_737 {add = true, strides = array<i32>} : memref<12288xf32, #tpu.memory_space<vmem>>, vector<16xf32>,
        %scan3A_738 = arith.constant 5 : i32
        %scan3A_739 = arith.addi %scan3A_686, %scan3A_738 : i32
        %mul3A_740 = arith.constant 16 : i32
        %mul3A_741 = arith.muli %scan3A_739, %mul3A_740 : i32
        %get3A_742 = arith.index_cast %mul3A_741 : i32 to index
        %get3A_743 = tpu.vector_load %arg14[%get3A_742] {strides = array<i32>} : memref<12288xf32, #tpu.memory_space<vmem>>, vector<16xf32>,
        %get3A_744 = vector.shape_cast %get3A_743 : vector<16xf32> to vector<16xf32>
        %swap3A_745 = arith.index_cast %mul3A_741 : i32 to index
        %swap3A_746 = tpu.vector_load %arg10[%swap3A_745] {strides = array<i32>} : memref<12288xf32, #tpu.memory_space<vmem>>, vector<16xf32>,
        %swap3A_747 = vector.shape_cast %swap3A_746 : vector<16xf32> to vector<16xf32>
        %swap3A_748 = vector.shape_cast %get3A_744 : vector<16xf32> to vector<16xf32>
        tpu.vector_store %arg10[%swap3A_745], %swap3A_748 {add = true, strides = array<i32>} : memref<12288xf32, #tpu.memory_space<vmem>>, vector<16xf32>,
        %scan3A_749 = arith.constant 6 : i32
        %scan3A_750 = arith.addi %scan3A_686, %scan3A_749 : i32
        %mul3A_751 = arith.constant 16 : i32
        %mul3A_752 = arith.muli %scan3A_750, %mul3A_751 : i32
        %get3A_753 = arith.index_cast %mul3A_752 : i32 to index
        %get3A_754 = tpu.vector_load %arg14[%get3A_753] {strides = array<i32>} : memref<12288xf32, #tpu.memory_space<vmem>>, vector<16xf32>,
        %get3A_755 = vector.shape_cast %get3A_754 : vector<16xf32> to vector<16xf32>
        %swap3A_756 = arith.index_cast %mul3A_752 : i32 to index
        %swap3A_757 = tpu.vector_load %arg10[%swap3A_756] {strides = array<i32>} : memref<12288xf32, #tpu.memory_space<vmem>>, vector<16xf32>,
        %swap3A_758 = vector.shape_cast %swap3A_757 : vector<16xf32> to vector<16xf32>
        %swap3A_759 = vector.shape_cast %get3A_755 : vector<16xf32> to vector<16xf32>
        tpu.vector_store %arg10[%swap3A_756], %swap3A_759 {add = true, strides = array<i32>} : memref<12288xf32, #tpu.memory_space<vmem>>, vector<16xf32>,
        %scan3A_760 = arith.constant 7 : i32
        %scan3A_761 = arith.addi %scan3A_686, %scan3A_760 : i32
        %mul3A_762 = arith.constant 16 : i32
        %mul3A_763 = arith.muli %scan3A_761, %mul3A_762 : i32
        %get3A_764 = arith.index_cast %mul3A_763 : i32 to index
        %get3A_765 = tpu.vector_load %arg14[%get3A_764] {strides = array<i32>} : memref<12288xf32, #tpu.memory_space<vmem>>, vector<16xf32>,
        %get3A_766 = vector.shape_cast %get3A_765 : vector<16xf32> to vector<16xf32>
        %swap3A_767 = arith.index_cast %mul3A_763 : i32 to index
        %swap3A_768 = tpu.vector_load %arg10[%swap3A_767] {strides = array<i32>} : memref<12288xf32, #tpu.memory_space<vmem>>, vector<16xf32>,
        %swap3A_769 = vector.shape_cast %swap3A_768 : vector<16xf32> to vector<16xf32>
        %swap3A_770 = vector.shape_cast %get3A_766 : vector<16xf32> to vector<16xf32>
        tpu.vector_store %arg10[%swap3A_767], %swap3A_770 {add = true, strides = array<i32>} : memref<12288xf32, #tpu.memory_space<vmem>>, vector<16xf32>,
      }
      %scan3A_489 = arith.constant 768 : i32
      %jit3A_490 = arith.constant 4 : i32
      %div3A_491 = arith.divsi %add3A_477, %jit3A_490 : i32
      %sign3A_492 = arith.constant 0 : i32
      %sign3A_493 = arith.cmpi sgt, %add3A_477, %sign3A_492 : i32
      %sign3A_494 = arith.extui %sign3A_493 : i1 to i32
      %sign3A_495 = arith.constant 0 : i32
      %sign3A_496 = arith.cmpi slt, %add3A_477, %sign3A_495 : i32
      %sign3A_497 = arith.extui %sign3A_496 : i1 to i32
      %sign3A_498 = arith.subi %sign3A_494, %sign3A_497 : i32
      %sign3A_499 = arith.constant 0 : i32
      %sign3A_500 = arith.cmpi sgt, %jit3A_490, %sign3A_499 : i32
      %sign3A_501 = arith.extui %sign3A_500 : i1 to i32
      %sign3A_502 = arith.constant 0 : i32
      %sign3A_503 = arith.cmpi slt, %jit3A_490, %sign3A_502 : i32
      %sign3A_504 = arith.extui %sign3A_503 : i1 to i32
      %sign3A_505 = arith.subi %sign3A_501, %sign3A_504 : i32
      %ne3A_506 = arith.cmpi ne, %sign3A_498, %sign3A_505 : i32
      %rem3A_507 = arith.remsi %add3A_477, %jit3A_490 : i32
      %ne3A_508 = arith.constant 0 : i32
      %ne3A_509 = arith.cmpi ne, %rem3A_507, %ne3A_508 : i32
      %and3A_510 = arith.andi %ne3A_506, %ne3A_509 : i1
      %sub3A_511 = arith.constant 1 : i32
      %sub3A_512 = arith.subi %div3A_491, %sub3A_511 : i32
      %select_n3A_513 = arith.select %and3A_510, %sub3A_512, %div3A_491 : i32
      %eq3A_514 = arith.constant 0 : i32
      %eq3A_515 = arith.cmpi eq, %jit3A_490, %eq3A_514 : i32
      %jit3A_516 = arith.constant 1 : i32
      %select_n3A_517 = arith.select %eq3A_515, %jit3A_516, %jit3A_490 : i32
      %rem3A_518 = arith.remsi %add3A_477, %select_n3A_517 : i32
      %ne3A_519 = arith.constant 0 : i32
      %ne3A_520 = arith.cmpi ne, %rem3A_518, %ne3A_519 : i32
      %lt3A_521 = arith.constant 0 : i32
      %lt3A_522 = arith.cmpi slt, %rem3A_518, %lt3A_521 : i32
      %lt3A_523 = arith.constant 0 : i32
      %lt3A_524 = arith.cmpi slt, %select_n3A_517, %lt3A_523 : i32
      %ne3A_525 = arith.xori %lt3A_522, %lt3A_524 : i1
      %and3A_526 = arith.andi %ne3A_525, %ne3A_520 : i1
      %add3A_527 = arith.addi %rem3A_518, %select_n3A_517 : i32
      %select_n3A_528 = arith.select %and3A_526, %add3A_527, %rem3A_518 : i32
      %mul3A_529 = arith.constant 16 : i32
      %mul3A_530 = arith.muli %select_n3A_513, %mul3A_529 : i32
      %add3A_531 = arith.addi %mul3A_2, %mul3A_530 : i32
      %scan3A_532 = arith.constant 0 : i32
      %scan3A_533 = arith.constant 0 : i32
      %scan3A_534 = arith.constant 16 : i32
      %scan3A_535 = arith.addi %scan3A_533, %scan3A_534 : i32
      %scan3A_536 = arith.constant 1 : i32
      scf.for %scan3A_686 = %scan3A_533 to %scan3A_535 step %scan3A_536  : i32 {
        %mul3A_687 = arith.constant 768 : i32
        %mul3A_688 = arith.muli %scan3A_686, %mul3A_687 : i32
        %add3A_689 = arith.addi %add3A_531, %scan3A_686 : i32
        %dma_start3A = tpu.memref_slice %arg10[%mul3A_688] : memref<12288xf32, #tpu.memory_space<vmem>> -> memref<768xf32, #tpu.memory_space<vmem>>
        %dma_start3A_690 = arith.constant 0 : i32
        %dma_start3A_691 = tpu.memref_slice %arg4[%select_n3A_528, %add3A_689, %dma_start3A_690] : memref<4x8192x768xf32, #tpu.memory_space<hbm>> -> memref<1x1x768xf32, #tpu.memory_space<hbm>>
        %dma_start3A_692 = tpu.memref_squeeze %dma_start3A_691 : memref<1x1x768xf32, #tpu.memory_space<hbm>> -> memref<768xf32, #tpu.memory_space<hbm>>
        %dma_start3A_693 = arith.constant 0 : i32
        %dma_start3A_694 = tpu.memref_slice %arg4[%select_n3A_528, %add3A_689, %dma_start3A_693] : memref<4x8192x768xf32, #tpu.memory_space<hbm>> -> memref<1x1x768xf32, #tpu.memory_space<hbm>>
        %dma_start3A_695 = tpu.memref_squeeze %dma_start3A_694 : memref<1x1x768xf32, #tpu.memory_space<hbm>> -> memref<768xf32, #tpu.memory_space<hbm>>
        %dma_start3A_696 = tpu.memref_slice %arg10[%mul3A_688] : memref<12288xf32, #tpu.memory_space<vmem>> -> memref<768xf32, #tpu.memory_space<vmem>>
        tpu.enqueue_dma source(%dma_start3A_696 : memref<768xf32, #tpu.memory_space<vmem>>) target(%dma_start3A_695 : memref<768xf32, #tpu.memory_space<hbm>>) target_semaphore(%arg30 : memref<!tpu.dma_semaphore, #tpu.memory_space<semaphore_mem>>)
      }
      %scan3A_537 = arith.constant 16 : i32
      %lt3A_538 = arith.constant 7 : i32
      %lt3A_539 = arith.cmpi slt, %scan3A_104, %lt3A_538 : i32
      %convert_element_type3A_540 = arith.extui %lt3A_539 : i1 to i32
      %cond3A_541 = arith.constant 0 : i32
      %cond3A_542 = arith.cmpi ne, %convert_element_type3A_540, %cond3A_541 : i32
      scf.if %cond3A_542 {
        %scan3A_686 = arith.constant 0 : i32
        %scan3A_687 = arith.constant 0 : i32
        %scan3A_688 = arith.constant 16 : i32
        %scan3A_689 = arith.addi %scan3A_687, %scan3A_688 : i32
        %scan3A_690 = arith.constant 1 : i32
        scf.for %scan3A_742 = %scan3A_687 to %scan3A_689 step %scan3A_690  : i32 {
          %dma_wait3A = arith.constant 0 : i32
          %dma_wait3A_743 = arith.constant 0 : i32
          %dma_wait3A_744 = arith.constant 0 : i32
          %dma_wait3A_745 = tpu.memref_slice %arg6[%dma_wait3A_744] : memref<12288xf32, #tpu.memory_space<vmem>> -> memref<768xf32, #tpu.memory_space<vmem>>
          %dma_wait3A_746 = arith.constant 0 : i32
          %dma_wait3A_747 = tpu.memref_slice %arg2[%dma_wait3A, %dma_wait3A_743, %dma_wait3A_746] : memref<4x8192x768xf32, #tpu.memory_space<hbm>> -> memref<1x1x768xf32, #tpu.memory_space<hbm>>
          %dma_wait3A_748 = tpu.memref_squeeze %dma_wait3A_747 : memref<1x1x768xf32, #tpu.memory_space<hbm>> -> memref<768xf32, #tpu.memory_space<hbm>>
          %dma_wait3A_749 = arith.constant 0 : i32
          %dma_wait3A_750 = tpu.memref_slice %arg6[%dma_wait3A_749] : memref<12288xf32, #tpu.memory_space<vmem>> -> memref<768xf32, #tpu.memory_space<vmem>>
          %dma_wait3A_751 = arith.constant 0 : i32
          %dma_wait3A_752 = tpu.memref_slice %arg2[%dma_wait3A, %dma_wait3A_743, %dma_wait3A_751] : memref<4x8192x768xf32, #tpu.memory_space<hbm>> -> memref<1x1x768xf32, #tpu.memory_space<hbm>>
          %dma_wait3A_753 = tpu.memref_squeeze %dma_wait3A_752 : memref<1x1x768xf32, #tpu.memory_space<hbm>> -> memref<768xf32, #tpu.memory_space<hbm>>
          tpu.wait_dma2 semaphore(%arg26 : memref<!tpu.dma_semaphore, #tpu.memory_space<semaphore_mem>>) src(%dma_wait3A_753 : memref<768xf32, #tpu.memory_space<hbm>>) dst(%dma_wait3A_750 : memref<768xf32, #tpu.memory_space<vmem>>)
        }
        %scan3A_691 = arith.constant 16 : i32
        %add3A_692 = arith.constant 4 : i32
        %add3A_693 = arith.addi %add3A_477, %add3A_692 : i32
        %jit3A_694 = arith.constant 4 : i32
        %div3A_695 = arith.divsi %add3A_693, %jit3A_694 : i32
        %sign3A_696 = arith.constant 0 : i32
        %sign3A_697 = arith.cmpi sgt, %add3A_693, %sign3A_696 : i32
        %sign3A_698 = arith.extui %sign3A_697 : i1 to i32
        %sign3A_699 = arith.constant 0 : i32
        %sign3A_700 = arith.cmpi slt, %add3A_693, %sign3A_699 : i32
        %sign3A_701 = arith.extui %sign3A_700 : i1 to i32
        %sign3A_702 = arith.subi %sign3A_698, %sign3A_701 : i32
        %sign3A_703 = arith.constant 0 : i32
        %sign3A_704 = arith.cmpi sgt, %jit3A_694, %sign3A_703 : i32
        %sign3A_705 = arith.extui %sign3A_704 : i1 to i32
        %sign3A_706 = arith.constant 0 : i32
        %sign3A_707 = arith.cmpi slt, %jit3A_694, %sign3A_706 : i32
        %sign3A_708 = arith.extui %sign3A_707 : i1 to i32
        %sign3A_709 = arith.subi %sign3A_705, %sign3A_708 : i32
        %ne3A_710 = arith.cmpi ne, %sign3A_702, %sign3A_709 : i32
        %rem3A_711 = arith.remsi %add3A_693, %jit3A_694 : i32
        %ne3A_712 = arith.constant 0 : i32
        %ne3A_713 = arith.cmpi ne, %rem3A_711, %ne3A_712 : i32
        %and3A_714 = arith.andi %ne3A_710, %ne3A_713 : i1
        %sub3A_715 = arith.constant 1 : i32
        %sub3A_716 = arith.subi %div3A_695, %sub3A_715 : i32
        %select_n3A_717 = arith.select %and3A_714, %sub3A_716, %div3A_695 : i32
        %eq3A_718 = arith.constant 0 : i32
        %eq3A_719 = arith.cmpi eq, %jit3A_694, %eq3A_718 : i32
        %jit3A_720 = arith.constant 1 : i32
        %select_n3A_721 = arith.select %eq3A_719, %jit3A_720, %jit3A_694 : i32
        %rem3A_722 = arith.remsi %add3A_693, %select_n3A_721 : i32
        %ne3A_723 = arith.constant 0 : i32
        %ne3A_724 = arith.cmpi ne, %rem3A_722, %ne3A_723 : i32
        %lt3A_725 = arith.constant 0 : i32
        %lt3A_726 = arith.cmpi slt, %rem3A_722, %lt3A_725 : i32
        %lt3A_727 = arith.constant 0 : i32
        %lt3A_728 = arith.cmpi slt, %select_n3A_721, %lt3A_727 : i32
        %ne3A_729 = arith.xori %lt3A_726, %lt3A_728 : i1
        %and3A_730 = arith.andi %ne3A_729, %ne3A_724 : i1
        %add3A_731 = arith.addi %rem3A_722, %select_n3A_721 : i32
        %select_n3A_732 = arith.select %and3A_730, %add3A_731, %rem3A_722 : i32
        %mul3A_733 = arith.constant 16 : i32
        %mul3A_734 = arith.muli %select_n3A_717, %mul3A_733 : i32
        %add3A_735 = arith.addi %mul3A_2, %mul3A_734 : i32
        %scan3A_736 = arith.constant 0 : i32
        %scan3A_737 = arith.constant 0 : i32
        %scan3A_738 = arith.constant 16 : i32
        %scan3A_739 = arith.addi %scan3A_737, %scan3A_738 : i32
        %scan3A_740 = arith.constant 1 : i32
        scf.for %scan3A_742 = %scan3A_737 to %scan3A_739 step %scan3A_740  : i32 {
          %add3A_743 = arith.addi %add3A_735, %scan3A_742 : i32
          %mul3A_744 = arith.constant 768 : i32
          %mul3A_745 = arith.muli %scan3A_742, %mul3A_744 : i32
          %dma_start3A = tpu.memref_slice %arg6[%mul3A_745] : memref<12288xf32, #tpu.memory_space<vmem>> -> memref<768xf32, #tpu.memory_space<vmem>>
          %dma_start3A_746 = arith.constant 0 : i32
          %dma_start3A_747 = tpu.memref_slice %arg2[%select_n3A_732, %add3A_743, %dma_start3A_746] : memref<4x8192x768xf32, #tpu.memory_space<hbm>> -> memref<1x1x768xf32, #tpu.memory_space<hbm>>
          %dma_start3A_748 = tpu.memref_squeeze %dma_start3A_747 : memref<1x1x768xf32, #tpu.memory_space<hbm>> -> memref<768xf32, #tpu.memory_space<hbm>>
          %dma_start3A_749 = tpu.memref_slice %arg6[%mul3A_745] : memref<12288xf32, #tpu.memory_space<vmem>> -> memref<768xf32, #tpu.memory_space<vmem>>
          %dma_start3A_750 = arith.constant 0 : i32
          %dma_start3A_751 = tpu.memref_slice %arg2[%select_n3A_732, %add3A_743, %dma_start3A_750] : memref<4x8192x768xf32, #tpu.memory_space<hbm>> -> memref<1x1x768xf32, #tpu.memory_space<hbm>>
          %dma_start3A_752 = tpu.memref_squeeze %dma_start3A_751 : memref<1x1x768xf32, #tpu.memory_space<hbm>> -> memref<768xf32, #tpu.memory_space<hbm>>
          tpu.enqueue_dma source(%dma_start3A_752 : memref<768xf32, #tpu.memory_space<hbm>>) target(%dma_start3A_749 : memref<768xf32, #tpu.memory_space<vmem>>) target_semaphore(%arg16 : memref<!tpu.dma_semaphore, #tpu.memory_space<semaphore_mem>>)
        }
        %scan3A_741 = arith.constant 16 : i32
      } else {
      }
      %mul3A_543 = arith.constant 8 : i32
      %mul3A_544 = arith.muli %scan3A_104, %mul3A_543 : i32
      %add3A_545 = arith.constant 6 : i32
      %add3A_546 = arith.addi %mul3A_544, %add3A_545 : i32
      %scan3A_547 = arith.constant 0 : i32
      %scan3A_548 = arith.constant 0 : i32
      %scan3A_549 = arith.constant 16 : i32
      %scan3A_550 = arith.addi %scan3A_548, %scan3A_549 : i32
      %scan3A_551 = arith.constant 1 : i32
      scf.for %scan3A_686 = %scan3A_548 to %scan3A_550 step %scan3A_551  : i32 {
        %dma_wait3A = arith.constant 0 : i32
        %dma_wait3A_687 = arith.constant 0 : i32
        %dma_wait3A_688 = arith.constant 0 : i32
        %dma_wait3A_689 = tpu.memref_slice %arg11[%dma_wait3A_688] : memref<12288xf32, #tpu.memory_space<vmem>> -> memref<768xf32, #tpu.memory_space<vmem>>
        %dma_wait3A_690 = arith.constant 0 : i32
        %dma_wait3A_691 = tpu.memref_slice %arg2[%dma_wait3A, %dma_wait3A_687, %dma_wait3A_690] : memref<4x8192x768xf32, #tpu.memory_space<hbm>> -> memref<1x1x768xf32, #tpu.memory_space<hbm>>
        %dma_wait3A_692 = tpu.memref_squeeze %dma_wait3A_691 : memref<1x1x768xf32, #tpu.memory_space<hbm>> -> memref<768xf32, #tpu.memory_space<hbm>>
        %dma_wait3A_693 = arith.constant 0 : i32
        %dma_wait3A_694 = tpu.memref_slice %arg11[%dma_wait3A_693] : memref<12288xf32, #tpu.memory_space<vmem>> -> memref<768xf32, #tpu.memory_space<vmem>>
        %dma_wait3A_695 = arith.constant 0 : i32
        %dma_wait3A_696 = tpu.memref_slice %arg2[%dma_wait3A, %dma_wait3A_687, %dma_wait3A_695] : memref<4x8192x768xf32, #tpu.memory_space<hbm>> -> memref<1x1x768xf32, #tpu.memory_space<hbm>>
        %dma_wait3A_697 = tpu.memref_squeeze %dma_wait3A_696 : memref<1x1x768xf32, #tpu.memory_space<hbm>> -> memref<768xf32, #tpu.memory_space<hbm>>
        tpu.wait_dma2 semaphore(%arg21 : memref<!tpu.dma_semaphore, #tpu.memory_space<semaphore_mem>>) src(%dma_wait3A_697 : memref<768xf32, #tpu.memory_space<hbm>>) dst(%dma_wait3A_694 : memref<768xf32, #tpu.memory_space<vmem>>)
      }
      %scan3A_552 = arith.constant 16 : i32
      %scan3A_553 = arith.constant 0 : i32
      %scan3A_554 = arith.constant 0 : i32
      %scan3A_555 = arith.constant 768 : i32
      %scan3A_556 = arith.addi %scan3A_554, %scan3A_555 : i32
      %scan3A_557 = arith.constant 8 : i32
      scf.for %scan3A_686 = %scan3A_554 to %scan3A_556 step %scan3A_557  : i32 {
        %mul3A_687 = arith.constant 16 : i32
        %mul3A_688 = arith.muli %scan3A_686, %mul3A_687 : i32
        %get3A = arith.index_cast %mul3A_688 : i32 to index
        %get3A_689 = tpu.vector_load %arg14[%get3A] {strides = array<i32>} : memref<12288xf32, #tpu.memory_space<vmem>>, vector<16xf32>,
        %get3A_690 = vector.shape_cast %get3A_689 : vector<16xf32> to vector<16xf32>
        %swap3A = arith.index_cast %mul3A_688 : i32 to index
        %swap3A_691 = tpu.vector_load %arg11[%swap3A] {strides = array<i32>} : memref<12288xf32, #tpu.memory_space<vmem>>, vector<16xf32>,
        %swap3A_692 = vector.shape_cast %swap3A_691 : vector<16xf32> to vector<16xf32>
        %swap3A_693 = vector.shape_cast %get3A_690 : vector<16xf32> to vector<16xf32>
        tpu.vector_store %arg11[%swap3A], %swap3A_693 {add = true, strides = array<i32>} : memref<12288xf32, #tpu.memory_space<vmem>>, vector<16xf32>,
        %scan3A_694 = arith.constant 1 : i32
        %scan3A_695 = arith.addi %scan3A_686, %scan3A_694 : i32
        %mul3A_696 = arith.constant 16 : i32
        %mul3A_697 = arith.muli %scan3A_695, %mul3A_696 : i32
        %get3A_698 = arith.index_cast %mul3A_697 : i32 to index
        %get3A_699 = tpu.vector_load %arg14[%get3A_698] {strides = array<i32>} : memref<12288xf32, #tpu.memory_space<vmem>>, vector<16xf32>,
        %get3A_700 = vector.shape_cast %get3A_699 : vector<16xf32> to vector<16xf32>
        %swap3A_701 = arith.index_cast %mul3A_697 : i32 to index
        %swap3A_702 = tpu.vector_load %arg11[%swap3A_701] {strides = array<i32>} : memref<12288xf32, #tpu.memory_space<vmem>>, vector<16xf32>,
        %swap3A_703 = vector.shape_cast %swap3A_702 : vector<16xf32> to vector<16xf32>
        %swap3A_704 = vector.shape_cast %get3A_700 : vector<16xf32> to vector<16xf32>
        tpu.vector_store %arg11[%swap3A_701], %swap3A_704 {add = true, strides = array<i32>} : memref<12288xf32, #tpu.memory_space<vmem>>, vector<16xf32>,
        %scan3A_705 = arith.constant 2 : i32
        %scan3A_706 = arith.addi %scan3A_686, %scan3A_705 : i32
        %mul3A_707 = arith.constant 16 : i32
        %mul3A_708 = arith.muli %scan3A_706, %mul3A_707 : i32
        %get3A_709 = arith.index_cast %mul3A_708 : i32 to index
        %get3A_710 = tpu.vector_load %arg14[%get3A_709] {strides = array<i32>} : memref<12288xf32, #tpu.memory_space<vmem>>, vector<16xf32>,
        %get3A_711 = vector.shape_cast %get3A_710 : vector<16xf32> to vector<16xf32>
        %swap3A_712 = arith.index_cast %mul3A_708 : i32 to index
        %swap3A_713 = tpu.vector_load %arg11[%swap3A_712] {strides = array<i32>} : memref<12288xf32, #tpu.memory_space<vmem>>, vector<16xf32>,
        %swap3A_714 = vector.shape_cast %swap3A_713 : vector<16xf32> to vector<16xf32>
        %swap3A_715 = vector.shape_cast %get3A_711 : vector<16xf32> to vector<16xf32>
        tpu.vector_store %arg11[%swap3A_712], %swap3A_715 {add = true, strides = array<i32>} : memref<12288xf32, #tpu.memory_space<vmem>>, vector<16xf32>,
        %scan3A_716 = arith.constant 3 : i32
        %scan3A_717 = arith.addi %scan3A_686, %scan3A_716 : i32
        %mul3A_718 = arith.constant 16 : i32
        %mul3A_719 = arith.muli %scan3A_717, %mul3A_718 : i32
        %get3A_720 = arith.index_cast %mul3A_719 : i32 to index
        %get3A_721 = tpu.vector_load %arg14[%get3A_720] {strides = array<i32>} : memref<12288xf32, #tpu.memory_space<vmem>>, vector<16xf32>,
        %get3A_722 = vector.shape_cast %get3A_721 : vector<16xf32> to vector<16xf32>
        %swap3A_723 = arith.index_cast %mul3A_719 : i32 to index
        %swap3A_724 = tpu.vector_load %arg11[%swap3A_723] {strides = array<i32>} : memref<12288xf32, #tpu.memory_space<vmem>>, vector<16xf32>,
        %swap3A_725 = vector.shape_cast %swap3A_724 : vector<16xf32> to vector<16xf32>
        %swap3A_726 = vector.shape_cast %get3A_722 : vector<16xf32> to vector<16xf32>
        tpu.vector_store %arg11[%swap3A_723], %swap3A_726 {add = true, strides = array<i32>} : memref<12288xf32, #tpu.memory_space<vmem>>, vector<16xf32>,
        %scan3A_727 = arith.constant 4 : i32
        %scan3A_728 = arith.addi %scan3A_686, %scan3A_727 : i32
        %mul3A_729 = arith.constant 16 : i32
        %mul3A_730 = arith.muli %scan3A_728, %mul3A_729 : i32
        %get3A_731 = arith.index_cast %mul3A_730 : i32 to index
        %get3A_732 = tpu.vector_load %arg14[%get3A_731] {strides = array<i32>} : memref<12288xf32, #tpu.memory_space<vmem>>, vector<16xf32>,
        %get3A_733 = vector.shape_cast %get3A_732 : vector<16xf32> to vector<16xf32>
        %swap3A_734 = arith.index_cast %mul3A_730 : i32 to index
        %swap3A_735 = tpu.vector_load %arg11[%swap3A_734] {strides = array<i32>} : memref<12288xf32, #tpu.memory_space<vmem>>, vector<16xf32>,
        %swap3A_736 = vector.shape_cast %swap3A_735 : vector<16xf32> to vector<16xf32>
        %swap3A_737 = vector.shape_cast %get3A_733 : vector<16xf32> to vector<16xf32>
        tpu.vector_store %arg11[%swap3A_734], %swap3A_737 {add = true, strides = array<i32>} : memref<12288xf32, #tpu.memory_space<vmem>>, vector<16xf32>,
        %scan3A_738 = arith.constant 5 : i32
        %scan3A_739 = arith.addi %scan3A_686, %scan3A_738 : i32
        %mul3A_740 = arith.constant 16 : i32
        %mul3A_741 = arith.muli %scan3A_739, %mul3A_740 : i32
        %get3A_742 = arith.index_cast %mul3A_741 : i32 to index
        %get3A_743 = tpu.vector_load %arg14[%get3A_742] {strides = array<i32>} : memref<12288xf32, #tpu.memory_space<vmem>>, vector<16xf32>,
        %get3A_744 = vector.shape_cast %get3A_743 : vector<16xf32> to vector<16xf32>
        %swap3A_745 = arith.index_cast %mul3A_741 : i32 to index
        %swap3A_746 = tpu.vector_load %arg11[%swap3A_745] {strides = array<i32>} : memref<12288xf32, #tpu.memory_space<vmem>>, vector<16xf32>,
        %swap3A_747 = vector.shape_cast %swap3A_746 : vector<16xf32> to vector<16xf32>
        %swap3A_748 = vector.shape_cast %get3A_744 : vector<16xf32> to vector<16xf32>
        tpu.vector_store %arg11[%swap3A_745], %swap3A_748 {add = true, strides = array<i32>} : memref<12288xf32, #tpu.memory_space<vmem>>, vector<16xf32>,
        %scan3A_749 = arith.constant 6 : i32
        %scan3A_750 = arith.addi %scan3A_686, %scan3A_749 : i32
        %mul3A_751 = arith.constant 16 : i32
        %mul3A_752 = arith.muli %scan3A_750, %mul3A_751 : i32
        %get3A_753 = arith.index_cast %mul3A_752 : i32 to index
        %get3A_754 = tpu.vector_load %arg14[%get3A_753] {strides = array<i32>} : memref<12288xf32, #tpu.memory_space<vmem>>, vector<16xf32>,
        %get3A_755 = vector.shape_cast %get3A_754 : vector<16xf32> to vector<16xf32>
        %swap3A_756 = arith.index_cast %mul3A_752 : i32 to index
        %swap3A_757 = tpu.vector_load %arg11[%swap3A_756] {strides = array<i32>} : memref<12288xf32, #tpu.memory_space<vmem>>, vector<16xf32>,
        %swap3A_758 = vector.shape_cast %swap3A_757 : vector<16xf32> to vector<16xf32>
        %swap3A_759 = vector.shape_cast %get3A_755 : vector<16xf32> to vector<16xf32>
        tpu.vector_store %arg11[%swap3A_756], %swap3A_759 {add = true, strides = array<i32>} : memref<12288xf32, #tpu.memory_space<vmem>>, vector<16xf32>,
        %scan3A_760 = arith.constant 7 : i32
        %scan3A_761 = arith.addi %scan3A_686, %scan3A_760 : i32
        %mul3A_762 = arith.constant 16 : i32
        %mul3A_763 = arith.muli %scan3A_761, %mul3A_762 : i32
        %get3A_764 = arith.index_cast %mul3A_763 : i32 to index
        %get3A_765 = tpu.vector_load %arg14[%get3A_764] {strides = array<i32>} : memref<12288xf32, #tpu.memory_space<vmem>>, vector<16xf32>,
        %get3A_766 = vector.shape_cast %get3A_765 : vector<16xf32> to vector<16xf32>
        %swap3A_767 = arith.index_cast %mul3A_763 : i32 to index
        %swap3A_768 = tpu.vector_load %arg11[%swap3A_767] {strides = array<i32>} : memref<12288xf32, #tpu.memory_space<vmem>>, vector<16xf32>,
        %swap3A_769 = vector.shape_cast %swap3A_768 : vector<16xf32> to vector<16xf32>
        %swap3A_770 = vector.shape_cast %get3A_766 : vector<16xf32> to vector<16xf32>
        tpu.vector_store %arg11[%swap3A_767], %swap3A_770 {add = true, strides = array<i32>} : memref<12288xf32, #tpu.memory_space<vmem>>, vector<16xf32>,
      }
      %scan3A_558 = arith.constant 768 : i32
      %jit3A_559 = arith.constant 4 : i32
      %div3A_560 = arith.divsi %add3A_546, %jit3A_559 : i32
      %sign3A_561 = arith.constant 0 : i32
      %sign3A_562 = arith.cmpi sgt, %add3A_546, %sign3A_561 : i32
      %sign3A_563 = arith.extui %sign3A_562 : i1 to i32
      %sign3A_564 = arith.constant 0 : i32
      %sign3A_565 = arith.cmpi slt, %add3A_546, %sign3A_564 : i32
      %sign3A_566 = arith.extui %sign3A_565 : i1 to i32
      %sign3A_567 = arith.subi %sign3A_563, %sign3A_566 : i32
      %sign3A_568 = arith.constant 0 : i32
      %sign3A_569 = arith.cmpi sgt, %jit3A_559, %sign3A_568 : i32
      %sign3A_570 = arith.extui %sign3A_569 : i1 to i32
      %sign3A_571 = arith.constant 0 : i32
      %sign3A_572 = arith.cmpi slt, %jit3A_559, %sign3A_571 : i32
      %sign3A_573 = arith.extui %sign3A_572 : i1 to i32
      %sign3A_574 = arith.subi %sign3A_570, %sign3A_573 : i32
      %ne3A_575 = arith.cmpi ne, %sign3A_567, %sign3A_574 : i32
      %rem3A_576 = arith.remsi %add3A_546, %jit3A_559 : i32
      %ne3A_577 = arith.constant 0 : i32
      %ne3A_578 = arith.cmpi ne, %rem3A_576, %ne3A_577 : i32
      %and3A_579 = arith.andi %ne3A_575, %ne3A_578 : i1
      %sub3A_580 = arith.constant 1 : i32
      %sub3A_581 = arith.subi %div3A_560, %sub3A_580 : i32
      %select_n3A_582 = arith.select %and3A_579, %sub3A_581, %div3A_560 : i32
      %eq3A_583 = arith.constant 0 : i32
      %eq3A_584 = arith.cmpi eq, %jit3A_559, %eq3A_583 : i32
      %jit3A_585 = arith.constant 1 : i32
      %select_n3A_586 = arith.select %eq3A_584, %jit3A_585, %jit3A_559 : i32
      %rem3A_587 = arith.remsi %add3A_546, %select_n3A_586 : i32
      %ne3A_588 = arith.constant 0 : i32
      %ne3A_589 = arith.cmpi ne, %rem3A_587, %ne3A_588 : i32
      %lt3A_590 = arith.constant 0 : i32
      %lt3A_591 = arith.cmpi slt, %rem3A_587, %lt3A_590 : i32
      %lt3A_592 = arith.constant 0 : i32
      %lt3A_593 = arith.cmpi slt, %select_n3A_586, %lt3A_592 : i32
      %ne3A_594 = arith.xori %lt3A_591, %lt3A_593 : i1
      %and3A_595 = arith.andi %ne3A_594, %ne3A_589 : i1
      %add3A_596 = arith.addi %rem3A_587, %select_n3A_586 : i32
      %select_n3A_597 = arith.select %and3A_595, %add3A_596, %rem3A_587 : i32
      %mul3A_598 = arith.constant 16 : i32
      %mul3A_599 = arith.muli %select_n3A_582, %mul3A_598 : i32
      %add3A_600 = arith.addi %mul3A_2, %mul3A_599 : i32
      %scan3A_601 = arith.constant 0 : i32
      %scan3A_602 = arith.constant 0 : i32
      %scan3A_603 = arith.constant 16 : i32
      %scan3A_604 = arith.addi %scan3A_602, %scan3A_603 : i32
      %scan3A_605 = arith.constant 1 : i32
      scf.for %scan3A_686 = %scan3A_602 to %scan3A_604 step %scan3A_605  : i32 {
        %mul3A_687 = arith.constant 768 : i32
        %mul3A_688 = arith.muli %scan3A_686, %mul3A_687 : i32
        %add3A_689 = arith.addi %add3A_600, %scan3A_686 : i32
        %dma_start3A = tpu.memref_slice %arg11[%mul3A_688] : memref<12288xf32, #tpu.memory_space<vmem>> -> memref<768xf32, #tpu.memory_space<vmem>>
        %dma_start3A_690 = arith.constant 0 : i32
        %dma_start3A_691 = tpu.memref_slice %arg4[%select_n3A_597, %add3A_689, %dma_start3A_690] : memref<4x8192x768xf32, #tpu.memory_space<hbm>> -> memref<1x1x768xf32, #tpu.memory_space<hbm>>
        %dma_start3A_692 = tpu.memref_squeeze %dma_start3A_691 : memref<1x1x768xf32, #tpu.memory_space<hbm>> -> memref<768xf32, #tpu.memory_space<hbm>>
        %dma_start3A_693 = arith.constant 0 : i32
        %dma_start3A_694 = tpu.memref_slice %arg4[%select_n3A_597, %add3A_689, %dma_start3A_693] : memref<4x8192x768xf32, #tpu.memory_space<hbm>> -> memref<1x1x768xf32, #tpu.memory_space<hbm>>
        %dma_start3A_695 = tpu.memref_squeeze %dma_start3A_694 : memref<1x1x768xf32, #tpu.memory_space<hbm>> -> memref<768xf32, #tpu.memory_space<hbm>>
        %dma_start3A_696 = tpu.memref_slice %arg11[%mul3A_688] : memref<12288xf32, #tpu.memory_space<vmem>> -> memref<768xf32, #tpu.memory_space<vmem>>
        tpu.enqueue_dma source(%dma_start3A_696 : memref<768xf32, #tpu.memory_space<vmem>>) target(%dma_start3A_695 : memref<768xf32, #tpu.memory_space<hbm>>) target_semaphore(%arg31 : memref<!tpu.dma_semaphore, #tpu.memory_space<semaphore_mem>>)
      }
      %scan3A_606 = arith.constant 16 : i32
      %lt3A_607 = arith.constant 7 : i32
      %lt3A_608 = arith.cmpi slt, %scan3A_104, %lt3A_607 : i32
      %convert_element_type3A_609 = arith.extui %lt3A_608 : i1 to i32
      %cond3A_610 = arith.constant 0 : i32
      %cond3A_611 = arith.cmpi ne, %convert_element_type3A_609, %cond3A_610 : i32
      scf.if %cond3A_611 {
        %scan3A_686 = arith.constant 0 : i32
        %scan3A_687 = arith.constant 0 : i32
        %scan3A_688 = arith.constant 16 : i32
        %scan3A_689 = arith.addi %scan3A_687, %scan3A_688 : i32
        %scan3A_690 = arith.constant 1 : i32
        scf.for %scan3A_742 = %scan3A_687 to %scan3A_689 step %scan3A_690  : i32 {
          %dma_wait3A = arith.constant 0 : i32
          %dma_wait3A_743 = arith.constant 0 : i32
          %dma_wait3A_744 = arith.constant 0 : i32
          %dma_wait3A_745 = tpu.memref_slice %arg7[%dma_wait3A_744] : memref<12288xf32, #tpu.memory_space<vmem>> -> memref<768xf32, #tpu.memory_space<vmem>>
          %dma_wait3A_746 = arith.constant 0 : i32
          %dma_wait3A_747 = tpu.memref_slice %arg2[%dma_wait3A, %dma_wait3A_743, %dma_wait3A_746] : memref<4x8192x768xf32, #tpu.memory_space<hbm>> -> memref<1x1x768xf32, #tpu.memory_space<hbm>>
          %dma_wait3A_748 = tpu.memref_squeeze %dma_wait3A_747 : memref<1x1x768xf32, #tpu.memory_space<hbm>> -> memref<768xf32, #tpu.memory_space<hbm>>
          %dma_wait3A_749 = arith.constant 0 : i32
          %dma_wait3A_750 = tpu.memref_slice %arg7[%dma_wait3A_749] : memref<12288xf32, #tpu.memory_space<vmem>> -> memref<768xf32, #tpu.memory_space<vmem>>
          %dma_wait3A_751 = arith.constant 0 : i32
          %dma_wait3A_752 = tpu.memref_slice %arg2[%dma_wait3A, %dma_wait3A_743, %dma_wait3A_751] : memref<4x8192x768xf32, #tpu.memory_space<hbm>> -> memref<1x1x768xf32, #tpu.memory_space<hbm>>
          %dma_wait3A_753 = tpu.memref_squeeze %dma_wait3A_752 : memref<1x1x768xf32, #tpu.memory_space<hbm>> -> memref<768xf32, #tpu.memory_space<hbm>>
          tpu.wait_dma2 semaphore(%arg27 : memref<!tpu.dma_semaphore, #tpu.memory_space<semaphore_mem>>) src(%dma_wait3A_753 : memref<768xf32, #tpu.memory_space<hbm>>) dst(%dma_wait3A_750 : memref<768xf32, #tpu.memory_space<vmem>>)
        }
        %scan3A_691 = arith.constant 16 : i32
        %add3A_692 = arith.constant 4 : i32
        %add3A_693 = arith.addi %add3A_546, %add3A_692 : i32
        %jit3A_694 = arith.constant 4 : i32
        %div3A_695 = arith.divsi %add3A_693, %jit3A_694 : i32
        %sign3A_696 = arith.constant 0 : i32
        %sign3A_697 = arith.cmpi sgt, %add3A_693, %sign3A_696 : i32
        %sign3A_698 = arith.extui %sign3A_697 : i1 to i32
        %sign3A_699 = arith.constant 0 : i32
        %sign3A_700 = arith.cmpi slt, %add3A_693, %sign3A_699 : i32
        %sign3A_701 = arith.extui %sign3A_700 : i1 to i32
        %sign3A_702 = arith.subi %sign3A_698, %sign3A_701 : i32
        %sign3A_703 = arith.constant 0 : i32
        %sign3A_704 = arith.cmpi sgt, %jit3A_694, %sign3A_703 : i32
        %sign3A_705 = arith.extui %sign3A_704 : i1 to i32
        %sign3A_706 = arith.constant 0 : i32
        %sign3A_707 = arith.cmpi slt, %jit3A_694, %sign3A_706 : i32
        %sign3A_708 = arith.extui %sign3A_707 : i1 to i32
        %sign3A_709 = arith.subi %sign3A_705, %sign3A_708 : i32
        %ne3A_710 = arith.cmpi ne, %sign3A_702, %sign3A_709 : i32
        %rem3A_711 = arith.remsi %add3A_693, %jit3A_694 : i32
        %ne3A_712 = arith.constant 0 : i32
        %ne3A_713 = arith.cmpi ne, %rem3A_711, %ne3A_712 : i32
        %and3A_714 = arith.andi %ne3A_710, %ne3A_713 : i1
        %sub3A_715 = arith.constant 1 : i32
        %sub3A_716 = arith.subi %div3A_695, %sub3A_715 : i32
        %select_n3A_717 = arith.select %and3A_714, %sub3A_716, %div3A_695 : i32
        %eq3A_718 = arith.constant 0 : i32
        %eq3A_719 = arith.cmpi eq, %jit3A_694, %eq3A_718 : i32
        %jit3A_720 = arith.constant 1 : i32
        %select_n3A_721 = arith.select %eq3A_719, %jit3A_720, %jit3A_694 : i32
        %rem3A_722 = arith.remsi %add3A_693, %select_n3A_721 : i32
        %ne3A_723 = arith.constant 0 : i32
        %ne3A_724 = arith.cmpi ne, %rem3A_722, %ne3A_723 : i32
        %lt3A_725 = arith.constant 0 : i32
        %lt3A_726 = arith.cmpi slt, %rem3A_722, %lt3A_725 : i32
        %lt3A_727 = arith.constant 0 : i32
        %lt3A_728 = arith.cmpi slt, %select_n3A_721, %lt3A_727 : i32
        %ne3A_729 = arith.xori %lt3A_726, %lt3A_728 : i1
        %and3A_730 = arith.andi %ne3A_729, %ne3A_724 : i1
        %add3A_731 = arith.addi %rem3A_722, %select_n3A_721 : i32
        %select_n3A_732 = arith.select %and3A_730, %add3A_731, %rem3A_722 : i32
        %mul3A_733 = arith.constant 16 : i32
        %mul3A_734 = arith.muli %select_n3A_717, %mul3A_733 : i32
        %add3A_735 = arith.addi %mul3A_2, %mul3A_734 : i32
        %scan3A_736 = arith.constant 0 : i32
        %scan3A_737 = arith.constant 0 : i32
        %scan3A_738 = arith.constant 16 : i32
        %scan3A_739 = arith.addi %scan3A_737, %scan3A_738 : i32
        %scan3A_740 = arith.constant 1 : i32
        scf.for %scan3A_742 = %scan3A_737 to %scan3A_739 step %scan3A_740  : i32 {
          %add3A_743 = arith.addi %add3A_735, %scan3A_742 : i32
          %mul3A_744 = arith.constant 768 : i32
          %mul3A_745 = arith.muli %scan3A_742, %mul3A_744 : i32
          %dma_start3A = tpu.memref_slice %arg7[%mul3A_745] : memref<12288xf32, #tpu.memory_space<vmem>> -> memref<768xf32, #tpu.memory_space<vmem>>
          %dma_start3A_746 = arith.constant 0 : i32
          %dma_start3A_747 = tpu.memref_slice %arg2[%select_n3A_732, %add3A_743, %dma_start3A_746] : memref<4x8192x768xf32, #tpu.memory_space<hbm>> -> memref<1x1x768xf32, #tpu.memory_space<hbm>>
          %dma_start3A_748 = tpu.memref_squeeze %dma_start3A_747 : memref<1x1x768xf32, #tpu.memory_space<hbm>> -> memref<768xf32, #tpu.memory_space<hbm>>
          %dma_start3A_749 = tpu.memref_slice %arg7[%mul3A_745] : memref<12288xf32, #tpu.memory_space<vmem>> -> memref<768xf32, #tpu.memory_space<vmem>>
          %dma_start3A_750 = arith.constant 0 : i32
          %dma_start3A_751 = tpu.memref_slice %arg2[%select_n3A_732, %add3A_743, %dma_start3A_750] : memref<4x8192x768xf32, #tpu.memory_space<hbm>> -> memref<1x1x768xf32, #tpu.memory_space<hbm>>
          %dma_start3A_752 = tpu.memref_squeeze %dma_start3A_751 : memref<1x1x768xf32, #tpu.memory_space<hbm>> -> memref<768xf32, #tpu.memory_space<hbm>>
          tpu.enqueue_dma source(%dma_start3A_752 : memref<768xf32, #tpu.memory_space<hbm>>) target(%dma_start3A_749 : memref<768xf32, #tpu.memory_space<vmem>>) target_semaphore(%arg17 : memref<!tpu.dma_semaphore, #tpu.memory_space<semaphore_mem>>)
        }
        %scan3A_741 = arith.constant 16 : i32
      } else {
      }
      %mul3A_612 = arith.constant 8 : i32
      %mul3A_613 = arith.muli %scan3A_104, %mul3A_612 : i32
      %add3A_614 = arith.constant 7 : i32
      %add3A_615 = arith.addi %mul3A_613, %add3A_614 : i32
      %scan3A_616 = arith.constant 0 : i32
      %scan3A_617 = arith.constant 0 : i32
      %scan3A_618 = arith.constant 16 : i32
      %scan3A_619 = arith.addi %scan3A_617, %scan3A_618 : i32
      %scan3A_620 = arith.constant 1 : i32
      scf.for %scan3A_686 = %scan3A_617 to %scan3A_619 step %scan3A_620  : i32 {
        %dma_wait3A = arith.constant 0 : i32
        %dma_wait3A_687 = arith.constant 0 : i32
        %dma_wait3A_688 = arith.constant 0 : i32
        %dma_wait3A_689 = tpu.memref_slice %arg12[%dma_wait3A_688] : memref<12288xf32, #tpu.memory_space<vmem>> -> memref<768xf32, #tpu.memory_space<vmem>>
        %dma_wait3A_690 = arith.constant 0 : i32
        %dma_wait3A_691 = tpu.memref_slice %arg2[%dma_wait3A, %dma_wait3A_687, %dma_wait3A_690] : memref<4x8192x768xf32, #tpu.memory_space<hbm>> -> memref<1x1x768xf32, #tpu.memory_space<hbm>>
        %dma_wait3A_692 = tpu.memref_squeeze %dma_wait3A_691 : memref<1x1x768xf32, #tpu.memory_space<hbm>> -> memref<768xf32, #tpu.memory_space<hbm>>
        %dma_wait3A_693 = arith.constant 0 : i32
        %dma_wait3A_694 = tpu.memref_slice %arg12[%dma_wait3A_693] : memref<12288xf32, #tpu.memory_space<vmem>> -> memref<768xf32, #tpu.memory_space<vmem>>
        %dma_wait3A_695 = arith.constant 0 : i32
        %dma_wait3A_696 = tpu.memref_slice %arg2[%dma_wait3A, %dma_wait3A_687, %dma_wait3A_695] : memref<4x8192x768xf32, #tpu.memory_space<hbm>> -> memref<1x1x768xf32, #tpu.memory_space<hbm>>
        %dma_wait3A_697 = tpu.memref_squeeze %dma_wait3A_696 : memref<1x1x768xf32, #tpu.memory_space<hbm>> -> memref<768xf32, #tpu.memory_space<hbm>>
        tpu.wait_dma2 semaphore(%arg22 : memref<!tpu.dma_semaphore, #tpu.memory_space<semaphore_mem>>) src(%dma_wait3A_697 : memref<768xf32, #tpu.memory_space<hbm>>) dst(%dma_wait3A_694 : memref<768xf32, #tpu.memory_space<vmem>>)
      }
      %scan3A_621 = arith.constant 16 : i32
      %scan3A_622 = arith.constant 0 : i32
      %scan3A_623 = arith.constant 0 : i32
      %scan3A_624 = arith.constant 768 : i32
      %scan3A_625 = arith.addi %scan3A_623, %scan3A_624 : i32
      %scan3A_626 = arith.constant 8 : i32
      scf.for %scan3A_686 = %scan3A_623 to %scan3A_625 step %scan3A_626  : i32 {
        %mul3A_687 = arith.constant 16 : i32
        %mul3A_688 = arith.muli %scan3A_686, %mul3A_687 : i32
        %get3A = arith.index_cast %mul3A_688 : i32 to index
        %get3A_689 = tpu.vector_load %arg14[%get3A] {strides = array<i32>} : memref<12288xf32, #tpu.memory_space<vmem>>, vector<16xf32>,
        %get3A_690 = vector.shape_cast %get3A_689 : vector<16xf32> to vector<16xf32>
        %swap3A = arith.index_cast %mul3A_688 : i32 to index
        %swap3A_691 = tpu.vector_load %arg12[%swap3A] {strides = array<i32>} : memref<12288xf32, #tpu.memory_space<vmem>>, vector<16xf32>,
        %swap3A_692 = vector.shape_cast %swap3A_691 : vector<16xf32> to vector<16xf32>
        %swap3A_693 = vector.shape_cast %get3A_690 : vector<16xf32> to vector<16xf32>
        tpu.vector_store %arg12[%swap3A], %swap3A_693 {add = true, strides = array<i32>} : memref<12288xf32, #tpu.memory_space<vmem>>, vector<16xf32>,
        %scan3A_694 = arith.constant 1 : i32
        %scan3A_695 = arith.addi %scan3A_686, %scan3A_694 : i32
        %mul3A_696 = arith.constant 16 : i32
        %mul3A_697 = arith.muli %scan3A_695, %mul3A_696 : i32
        %get3A_698 = arith.index_cast %mul3A_697 : i32 to index
        %get3A_699 = tpu.vector_load %arg14[%get3A_698] {strides = array<i32>} : memref<12288xf32, #tpu.memory_space<vmem>>, vector<16xf32>,
        %get3A_700 = vector.shape_cast %get3A_699 : vector<16xf32> to vector<16xf32>
        %swap3A_701 = arith.index_cast %mul3A_697 : i32 to index
        %swap3A_702 = tpu.vector_load %arg12[%swap3A_701] {strides = array<i32>} : memref<12288xf32, #tpu.memory_space<vmem>>, vector<16xf32>,
        %swap3A_703 = vector.shape_cast %swap3A_702 : vector<16xf32> to vector<16xf32>
        %swap3A_704 = vector.shape_cast %get3A_700 : vector<16xf32> to vector<16xf32>
        tpu.vector_store %arg12[%swap3A_701], %swap3A_704 {add = true, strides = array<i32>} : memref<12288xf32, #tpu.memory_space<vmem>>, vector<16xf32>,
        %scan3A_705 = arith.constant 2 : i32
        %scan3A_706 = arith.addi %scan3A_686, %scan3A_705 : i32
        %mul3A_707 = arith.constant 16 : i32
        %mul3A_708 = arith.muli %scan3A_706, %mul3A_707 : i32
        %get3A_709 = arith.index_cast %mul3A_708 : i32 to index
        %get3A_710 = tpu.vector_load %arg14[%get3A_709] {strides = array<i32>} : memref<12288xf32, #tpu.memory_space<vmem>>, vector<16xf32>,
        %get3A_711 = vector.shape_cast %get3A_710 : vector<16xf32> to vector<16xf32>
        %swap3A_712 = arith.index_cast %mul3A_708 : i32 to index
        %swap3A_713 = tpu.vector_load %arg12[%swap3A_712] {strides = array<i32>} : memref<12288xf32, #tpu.memory_space<vmem>>, vector<16xf32>,
        %swap3A_714 = vector.shape_cast %swap3A_713 : vector<16xf32> to vector<16xf32>
        %swap3A_715 = vector.shape_cast %get3A_711 : vector<16xf32> to vector<16xf32>
        tpu.vector_store %arg12[%swap3A_712], %swap3A_715 {add = true, strides = array<i32>} : memref<12288xf32, #tpu.memory_space<vmem>>, vector<16xf32>,
        %scan3A_716 = arith.constant 3 : i32
        %scan3A_717 = arith.addi %scan3A_686, %scan3A_716 : i32
        %mul3A_718 = arith.constant 16 : i32
        %mul3A_719 = arith.muli %scan3A_717, %mul3A_718 : i32
        %get3A_720 = arith.index_cast %mul3A_719 : i32 to index
        %get3A_721 = tpu.vector_load %arg14[%get3A_720] {strides = array<i32>} : memref<12288xf32, #tpu.memory_space<vmem>>, vector<16xf32>,
        %get3A_722 = vector.shape_cast %get3A_721 : vector<16xf32> to vector<16xf32>
        %swap3A_723 = arith.index_cast %mul3A_719 : i32 to index
        %swap3A_724 = tpu.vector_load %arg12[%swap3A_723] {strides = array<i32>} : memref<12288xf32, #tpu.memory_space<vmem>>, vector<16xf32>,
        %swap3A_725 = vector.shape_cast %swap3A_724 : vector<16xf32> to vector<16xf32>
        %swap3A_726 = vector.shape_cast %get3A_722 : vector<16xf32> to vector<16xf32>
        tpu.vector_store %arg12[%swap3A_723], %swap3A_726 {add = true, strides = array<i32>} : memref<12288xf32, #tpu.memory_space<vmem>>, vector<16xf32>,
        %scan3A_727 = arith.constant 4 : i32
        %scan3A_728 = arith.addi %scan3A_686, %scan3A_727 : i32
        %mul3A_729 = arith.constant 16 : i32
        %mul3A_730 = arith.muli %scan3A_728, %mul3A_729 : i32
        %get3A_731 = arith.index_cast %mul3A_730 : i32 to index
        %get3A_732 = tpu.vector_load %arg14[%get3A_731] {strides = array<i32>} : memref<12288xf32, #tpu.memory_space<vmem>>, vector<16xf32>,
        %get3A_733 = vector.shape_cast %get3A_732 : vector<16xf32> to vector<16xf32>
        %swap3A_734 = arith.index_cast %mul3A_730 : i32 to index
        %swap3A_735 = tpu.vector_load %arg12[%swap3A_734] {strides = array<i32>} : memref<12288xf32, #tpu.memory_space<vmem>>, vector<16xf32>,
        %swap3A_736 = vector.shape_cast %swap3A_735 : vector<16xf32> to vector<16xf32>
        %swap3A_737 = vector.shape_cast %get3A_733 : vector<16xf32> to vector<16xf32>
        tpu.vector_store %arg12[%swap3A_734], %swap3A_737 {add = true, strides = array<i32>} : memref<12288xf32, #tpu.memory_space<vmem>>, vector<16xf32>,
        %scan3A_738 = arith.constant 5 : i32
        %scan3A_739 = arith.addi %scan3A_686, %scan3A_738 : i32
        %mul3A_740 = arith.constant 16 : i32
        %mul3A_741 = arith.muli %scan3A_739, %mul3A_740 : i32
        %get3A_742 = arith.index_cast %mul3A_741 : i32 to index
        %get3A_743 = tpu.vector_load %arg14[%get3A_742] {strides = array<i32>} : memref<12288xf32, #tpu.memory_space<vmem>>, vector<16xf32>,
        %get3A_744 = vector.shape_cast %get3A_743 : vector<16xf32> to vector<16xf32>
        %swap3A_745 = arith.index_cast %mul3A_741 : i32 to index
        %swap3A_746 = tpu.vector_load %arg12[%swap3A_745] {strides = array<i32>} : memref<12288xf32, #tpu.memory_space<vmem>>, vector<16xf32>,
        %swap3A_747 = vector.shape_cast %swap3A_746 : vector<16xf32> to vector<16xf32>
        %swap3A_748 = vector.shape_cast %get3A_744 : vector<16xf32> to vector<16xf32>
        tpu.vector_store %arg12[%swap3A_745], %swap3A_748 {add = true, strides = array<i32>} : memref<12288xf32, #tpu.memory_space<vmem>>, vector<16xf32>,
        %scan3A_749 = arith.constant 6 : i32
        %scan3A_750 = arith.addi %scan3A_686, %scan3A_749 : i32
        %mul3A_751 = arith.constant 16 : i32
        %mul3A_752 = arith.muli %scan3A_750, %mul3A_751 : i32
        %get3A_753 = arith.index_cast %mul3A_752 : i32 to index
        %get3A_754 = tpu.vector_load %arg14[%get3A_753] {strides = array<i32>} : memref<12288xf32, #tpu.memory_space<vmem>>, vector<16xf32>,
        %get3A_755 = vector.shape_cast %get3A_754 : vector<16xf32> to vector<16xf32>
        %swap3A_756 = arith.index_cast %mul3A_752 : i32 to index
        %swap3A_757 = tpu.vector_load %arg12[%swap3A_756] {strides = array<i32>} : memref<12288xf32, #tpu.memory_space<vmem>>, vector<16xf32>,
        %swap3A_758 = vector.shape_cast %swap3A_757 : vector<16xf32> to vector<16xf32>
        %swap3A_759 = vector.shape_cast %get3A_755 : vector<16xf32> to vector<16xf32>
        tpu.vector_store %arg12[%swap3A_756], %swap3A_759 {add = true, strides = array<i32>} : memref<12288xf32, #tpu.memory_space<vmem>>, vector<16xf32>,
        %scan3A_760 = arith.constant 7 : i32
        %scan3A_761 = arith.addi %scan3A_686, %scan3A_760 : i32
        %mul3A_762 = arith.constant 16 : i32
        %mul3A_763 = arith.muli %scan3A_761, %mul3A_762 : i32
        %get3A_764 = arith.index_cast %mul3A_763 : i32 to index
        %get3A_765 = tpu.vector_load %arg14[%get3A_764] {strides = array<i32>} : memref<12288xf32, #tpu.memory_space<vmem>>, vector<16xf32>,
        %get3A_766 = vector.shape_cast %get3A_765 : vector<16xf32> to vector<16xf32>
        %swap3A_767 = arith.index_cast %mul3A_763 : i32 to index
        %swap3A_768 = tpu.vector_load %arg12[%swap3A_767] {strides = array<i32>} : memref<12288xf32, #tpu.memory_space<vmem>>, vector<16xf32>,
        %swap3A_769 = vector.shape_cast %swap3A_768 : vector<16xf32> to vector<16xf32>
        %swap3A_770 = vector.shape_cast %get3A_766 : vector<16xf32> to vector<16xf32>
        tpu.vector_store %arg12[%swap3A_767], %swap3A_770 {add = true, strides = array<i32>} : memref<12288xf32, #tpu.memory_space<vmem>>, vector<16xf32>,
      }
      %scan3A_627 = arith.constant 768 : i32
      %jit3A_628 = arith.constant 4 : i32
      %div3A_629 = arith.divsi %add3A_615, %jit3A_628 : i32
      %sign3A_630 = arith.constant 0 : i32
      %sign3A_631 = arith.cmpi sgt, %add3A_615, %sign3A_630 : i32
      %sign3A_632 = arith.extui %sign3A_631 : i1 to i32
      %sign3A_633 = arith.constant 0 : i32
      %sign3A_634 = arith.cmpi slt, %add3A_615, %sign3A_633 : i32
      %sign3A_635 = arith.extui %sign3A_634 : i1 to i32
      %sign3A_636 = arith.subi %sign3A_632, %sign3A_635 : i32
      %sign3A_637 = arith.constant 0 : i32
      %sign3A_638 = arith.cmpi sgt, %jit3A_628, %sign3A_637 : i32
      %sign3A_639 = arith.extui %sign3A_638 : i1 to i32
      %sign3A_640 = arith.constant 0 : i32
      %sign3A_641 = arith.cmpi slt, %jit3A_628, %sign3A_640 : i32
      %sign3A_642 = arith.extui %sign3A_641 : i1 to i32
      %sign3A_643 = arith.subi %sign3A_639, %sign3A_642 : i32
      %ne3A_644 = arith.cmpi ne, %sign3A_636, %sign3A_643 : i32
      %rem3A_645 = arith.remsi %add3A_615, %jit3A_628 : i32
      %ne3A_646 = arith.constant 0 : i32
      %ne3A_647 = arith.cmpi ne, %rem3A_645, %ne3A_646 : i32
      %and3A_648 = arith.andi %ne3A_644, %ne3A_647 : i1
      %sub3A_649 = arith.constant 1 : i32
      %sub3A_650 = arith.subi %div3A_629, %sub3A_649 : i32
      %select_n3A_651 = arith.select %and3A_648, %sub3A_650, %div3A_629 : i32
      %eq3A_652 = arith.constant 0 : i32
      %eq3A_653 = arith.cmpi eq, %jit3A_628, %eq3A_652 : i32
      %jit3A_654 = arith.constant 1 : i32
      %select_n3A_655 = arith.select %eq3A_653, %jit3A_654, %jit3A_628 : i32
      %rem3A_656 = arith.remsi %add3A_615, %select_n3A_655 : i32
      %ne3A_657 = arith.constant 0 : i32
      %ne3A_658 = arith.cmpi ne, %rem3A_656, %ne3A_657 : i32
      %lt3A_659 = arith.constant 0 : i32
      %lt3A_660 = arith.cmpi slt, %rem3A_656, %lt3A_659 : i32
      %lt3A_661 = arith.constant 0 : i32
      %lt3A_662 = arith.cmpi slt, %select_n3A_655, %lt3A_661 : i32
      %ne3A_663 = arith.xori %lt3A_660, %lt3A_662 : i1
      %and3A_664 = arith.andi %ne3A_663, %ne3A_658 : i1
      %add3A_665 = arith.addi %rem3A_656, %select_n3A_655 : i32
      %select_n3A_666 = arith.select %and3A_664, %add3A_665, %rem3A_656 : i32
      %mul3A_667 = arith.constant 16 : i32
      %mul3A_668 = arith.muli %select_n3A_651, %mul3A_667 : i32
      %add3A_669 = arith.addi %mul3A_2, %mul3A_668 : i32
      %scan3A_670 = arith.constant 0 : i32
      %scan3A_671 = arith.constant 0 : i32
      %scan3A_672 = arith.constant 16 : i32
      %scan3A_673 = arith.addi %scan3A_671, %scan3A_672 : i32
      %scan3A_674 = arith.constant 1 : i32
      scf.for %scan3A_686 = %scan3A_671 to %scan3A_673 step %scan3A_674  : i32 {
        %mul3A_687 = arith.constant 768 : i32
        %mul3A_688 = arith.muli %scan3A_686, %mul3A_687 : i32
        %add3A_689 = arith.addi %add3A_669, %scan3A_686 : i32
        %dma_start3A = tpu.memref_slice %arg12[%mul3A_688] : memref<12288xf32, #tpu.memory_space<vmem>> -> memref<768xf32, #tpu.memory_space<vmem>>
        %dma_start3A_690 = arith.constant 0 : i32
        %dma_start3A_691 = tpu.memref_slice %arg4[%select_n3A_666, %add3A_689, %dma_start3A_690] : memref<4x8192x768xf32, #tpu.memory_space<hbm>> -> memref<1x1x768xf32, #tpu.memory_space<hbm>>
        %dma_start3A_692 = tpu.memref_squeeze %dma_start3A_691 : memref<1x1x768xf32, #tpu.memory_space<hbm>> -> memref<768xf32, #tpu.memory_space<hbm>>
        %dma_start3A_693 = arith.constant 0 : i32
        %dma_start3A_694 = tpu.memref_slice %arg4[%select_n3A_666, %add3A_689, %dma_start3A_693] : memref<4x8192x768xf32, #tpu.memory_space<hbm>> -> memref<1x1x768xf32, #tpu.memory_space<hbm>>
        %dma_start3A_695 = tpu.memref_squeeze %dma_start3A_694 : memref<1x1x768xf32, #tpu.memory_space<hbm>> -> memref<768xf32, #tpu.memory_space<hbm>>
        %dma_start3A_696 = tpu.memref_slice %arg12[%mul3A_688] : memref<12288xf32, #tpu.memory_space<vmem>> -> memref<768xf32, #tpu.memory_space<vmem>>
        tpu.enqueue_dma source(%dma_start3A_696 : memref<768xf32, #tpu.memory_space<vmem>>) target(%dma_start3A_695 : memref<768xf32, #tpu.memory_space<hbm>>) target_semaphore(%arg32 : memref<!tpu.dma_semaphore, #tpu.memory_space<semaphore_mem>>)
      }
      %scan3A_675 = arith.constant 16 : i32
      %lt3A_676 = arith.constant 7 : i32
      %lt3A_677 = arith.cmpi slt, %scan3A_104, %lt3A_676 : i32
      %convert_element_type3A_678 = arith.extui %lt3A_677 : i1 to i32
      %cond3A_679 = arith.constant 0 : i32
      %cond3A_680 = arith.cmpi ne, %convert_element_type3A_678, %cond3A_679 : i32
      scf.if %cond3A_680 {
        %scan3A_686 = arith.constant 0 : i32
        %scan3A_687 = arith.constant 0 : i32
        %scan3A_688 = arith.constant 16 : i32
        %scan3A_689 = arith.addi %scan3A_687, %scan3A_688 : i32
        %scan3A_690 = arith.constant 1 : i32
        scf.for %scan3A_742 = %scan3A_687 to %scan3A_689 step %scan3A_690  : i32 {
          %dma_wait3A = arith.constant 0 : i32
          %dma_wait3A_743 = arith.constant 0 : i32
          %dma_wait3A_744 = arith.constant 0 : i32
          %dma_wait3A_745 = tpu.memref_slice %arg8[%dma_wait3A_744] : memref<12288xf32, #tpu.memory_space<vmem>> -> memref<768xf32, #tpu.memory_space<vmem>>
          %dma_wait3A_746 = arith.constant 0 : i32
          %dma_wait3A_747 = tpu.memref_slice %arg2[%dma_wait3A, %dma_wait3A_743, %dma_wait3A_746] : memref<4x8192x768xf32, #tpu.memory_space<hbm>> -> memref<1x1x768xf32, #tpu.memory_space<hbm>>
          %dma_wait3A_748 = tpu.memref_squeeze %dma_wait3A_747 : memref<1x1x768xf32, #tpu.memory_space<hbm>> -> memref<768xf32, #tpu.memory_space<hbm>>
          %dma_wait3A_749 = arith.constant 0 : i32
          %dma_wait3A_750 = tpu.memref_slice %arg8[%dma_wait3A_749] : memref<12288xf32, #tpu.memory_space<vmem>> -> memref<768xf32, #tpu.memory_space<vmem>>
          %dma_wait3A_751 = arith.constant 0 : i32
          %dma_wait3A_752 = tpu.memref_slice %arg2[%dma_wait3A, %dma_wait3A_743, %dma_wait3A_751] : memref<4x8192x768xf32, #tpu.memory_space<hbm>> -> memref<1x1x768xf32, #tpu.memory_space<hbm>>
          %dma_wait3A_753 = tpu.memref_squeeze %dma_wait3A_752 : memref<1x1x768xf32, #tpu.memory_space<hbm>> -> memref<768xf32, #tpu.memory_space<hbm>>
          tpu.wait_dma2 semaphore(%arg28 : memref<!tpu.dma_semaphore, #tpu.memory_space<semaphore_mem>>) src(%dma_wait3A_753 : memref<768xf32, #tpu.memory_space<hbm>>) dst(%dma_wait3A_750 : memref<768xf32, #tpu.memory_space<vmem>>)
        }
        %scan3A_691 = arith.constant 16 : i32
        %add3A_692 = arith.constant 4 : i32
        %add3A_693 = arith.addi %add3A_615, %add3A_692 : i32
        %jit3A_694 = arith.constant 4 : i32
        %div3A_695 = arith.divsi %add3A_693, %jit3A_694 : i32
        %sign3A_696 = arith.constant 0 : i32
        %sign3A_697 = arith.cmpi sgt, %add3A_693, %sign3A_696 : i32
        %sign3A_698 = arith.extui %sign3A_697 : i1 to i32
        %sign3A_699 = arith.constant 0 : i32
        %sign3A_700 = arith.cmpi slt, %add3A_693, %sign3A_699 : i32
        %sign3A_701 = arith.extui %sign3A_700 : i1 to i32
        %sign3A_702 = arith.subi %sign3A_698, %sign3A_701 : i32
        %sign3A_703 = arith.constant 0 : i32
        %sign3A_704 = arith.cmpi sgt, %jit3A_694, %sign3A_703 : i32
        %sign3A_705 = arith.extui %sign3A_704 : i1 to i32
        %sign3A_706 = arith.constant 0 : i32
        %sign3A_707 = arith.cmpi slt, %jit3A_694, %sign3A_706 : i32
        %sign3A_708 = arith.extui %sign3A_707 : i1 to i32
        %sign3A_709 = arith.subi %sign3A_705, %sign3A_708 : i32
        %ne3A_710 = arith.cmpi ne, %sign3A_702, %sign3A_709 : i32
        %rem3A_711 = arith.remsi %add3A_693, %jit3A_694 : i32
        %ne3A_712 = arith.constant 0 : i32
        %ne3A_713 = arith.cmpi ne, %rem3A_711, %ne3A_712 : i32
        %and3A_714 = arith.andi %ne3A_710, %ne3A_713 : i1
        %sub3A_715 = arith.constant 1 : i32
        %sub3A_716 = arith.subi %div3A_695, %sub3A_715 : i32
        %select_n3A_717 = arith.select %and3A_714, %sub3A_716, %div3A_695 : i32
        %eq3A_718 = arith.constant 0 : i32
        %eq3A_719 = arith.cmpi eq, %jit3A_694, %eq3A_718 : i32
        %jit3A_720 = arith.constant 1 : i32
        %select_n3A_721 = arith.select %eq3A_719, %jit3A_720, %jit3A_694 : i32
        %rem3A_722 = arith.remsi %add3A_693, %select_n3A_721 : i32
        %ne3A_723 = arith.constant 0 : i32
        %ne3A_724 = arith.cmpi ne, %rem3A_722, %ne3A_723 : i32
        %lt3A_725 = arith.constant 0 : i32
        %lt3A_726 = arith.cmpi slt, %rem3A_722, %lt3A_725 : i32
        %lt3A_727 = arith.constant 0 : i32
        %lt3A_728 = arith.cmpi slt, %select_n3A_721, %lt3A_727 : i32
        %ne3A_729 = arith.xori %lt3A_726, %lt3A_728 : i1
        %and3A_730 = arith.andi %ne3A_729, %ne3A_724 : i1
        %add3A_731 = arith.addi %rem3A_722, %select_n3A_721 : i32
        %select_n3A_732 = arith.select %and3A_730, %add3A_731, %rem3A_722 : i32
        %mul3A_733 = arith.constant 16 : i32
        %mul3A_734 = arith.muli %select_n3A_717, %mul3A_733 : i32
        %add3A_735 = arith.addi %mul3A_2, %mul3A_734 : i32
        %scan3A_736 = arith.constant 0 : i32
        %scan3A_737 = arith.constant 0 : i32
        %scan3A_738 = arith.constant 16 : i32
        %scan3A_739 = arith.addi %scan3A_737, %scan3A_738 : i32
        %scan3A_740 = arith.constant 1 : i32
        scf.for %scan3A_742 = %scan3A_737 to %scan3A_739 step %scan3A_740  : i32 {
          %add3A_743 = arith.addi %add3A_735, %scan3A_742 : i32
          %mul3A_744 = arith.constant 768 : i32
          %mul3A_745 = arith.muli %scan3A_742, %mul3A_744 : i32
          %dma_start3A = tpu.memref_slice %arg8[%mul3A_745] : memref<12288xf32, #tpu.memory_space<vmem>> -> memref<768xf32, #tpu.memory_space<vmem>>
          %dma_start3A_746 = arith.constant 0 : i32
          %dma_start3A_747 = tpu.memref_slice %arg2[%select_n3A_732, %add3A_743, %dma_start3A_746] : memref<4x8192x768xf32, #tpu.memory_space<hbm>> -> memref<1x1x768xf32, #tpu.memory_space<hbm>>
          %dma_start3A_748 = tpu.memref_squeeze %dma_start3A_747 : memref<1x1x768xf32, #tpu.memory_space<hbm>> -> memref<768xf32, #tpu.memory_space<hbm>>
          %dma_start3A_749 = tpu.memref_slice %arg8[%mul3A_745] : memref<12288xf32, #tpu.memory_space<vmem>> -> memref<768xf32, #tpu.memory_space<vmem>>
          %dma_start3A_750 = arith.constant 0 : i32
          %dma_start3A_751 = tpu.memref_slice %arg2[%select_n3A_732, %add3A_743, %dma_start3A_750] : memref<4x8192x768xf32, #tpu.memory_space<hbm>> -> memref<1x1x768xf32, #tpu.memory_space<hbm>>
          %dma_start3A_752 = tpu.memref_squeeze %dma_start3A_751 : memref<1x1x768xf32, #tpu.memory_space<hbm>> -> memref<768xf32, #tpu.memory_space<hbm>>
          tpu.enqueue_dma source(%dma_start3A_752 : memref<768xf32, #tpu.memory_space<hbm>>) target(%dma_start3A_749 : memref<768xf32, #tpu.memory_space<vmem>>) target_semaphore(%arg18 : memref<!tpu.dma_semaphore, #tpu.memory_space<semaphore_mem>>)
        }
        %scan3A_741 = arith.constant 16 : i32
      } else {
      }
      %lt3A_681 = arith.constant 7 : i32
      %lt3A_682 = arith.cmpi slt, %scan3A_104, %lt3A_681 : i32
      %convert_element_type3A_683 = arith.extui %lt3A_682 : i1 to i32
      %cond3A_684 = arith.constant 0 : i32
      %cond3A_685 = arith.cmpi ne, %convert_element_type3A_683, %cond3A_684 : i32
      scf.if %cond3A_685 {
        %add3A_686 = arith.constant 1 : i32
        %add3A_687 = arith.addi %scan3A_104, %add3A_686 : i32
        %mul3A_688 = arith.constant 2 : i32
        %mul3A_689 = arith.muli %mul3A_688, %add3A_687 : i32
        %add3A_690 = arith.constant 1 : i32
        %add3A_691 = arith.addi %mul3A_689, %add3A_690 : i32
        %mul3A_692 = arith.constant 16 : i32
        %mul3A_693 = arith.muli %add3A_691, %mul3A_692 : i32
        %add3A_694 = arith.addi %mul3A_2, %mul3A_693 : i32
        %scan3A_695 = arith.constant 0 : i32
        %scan3A_696 = arith.constant 0 : i32
        %scan3A_697 = arith.constant 16 : i32
        %scan3A_698 = arith.addi %scan3A_696, %scan3A_697 : i32
        %scan3A_699 = arith.constant 1 : i32
        scf.for %scan3A_701 = %scan3A_696 to %scan3A_698 step %scan3A_699  : i32 {
          %add3A_702 = arith.addi %add3A_694, %scan3A_701 : i32
          %mul3A_703 = arith.constant 768 : i32
          %mul3A_704 = arith.muli %scan3A_701, %mul3A_703 : i32
          %dma_start3A = tpu.memref_slice %arg14[%mul3A_704] : memref<12288xf32, #tpu.memory_space<vmem>> -> memref<768xf32, #tpu.memory_space<vmem>>
          %dma_start3A_705 = arith.constant 0 : i32
          %dma_start3A_706 = tpu.memref_slice %arg3[%add3A_702, %dma_start3A_705] : memref<8192x768xf32, #tpu.memory_space<hbm>> -> memref<1x768xf32, #tpu.memory_space<hbm>>
          %dma_start3A_707 = tpu.memref_squeeze %dma_start3A_706 : memref<1x768xf32, #tpu.memory_space<hbm>> -> memref<768xf32, #tpu.memory_space<hbm>>
          %dma_start3A_708 = tpu.memref_slice %arg14[%mul3A_704] : memref<12288xf32, #tpu.memory_space<vmem>> -> memref<768xf32, #tpu.memory_space<vmem>>
          %dma_start3A_709 = arith.constant 0 : i32
          %dma_start3A_710 = tpu.memref_slice %arg3[%add3A_702, %dma_start3A_709] : memref<8192x768xf32, #tpu.memory_space<hbm>> -> memref<1x768xf32, #tpu.memory_space<hbm>>
          %dma_start3A_711 = tpu.memref_squeeze %dma_start3A_710 : memref<1x768xf32, #tpu.memory_space<hbm>> -> memref<768xf32, #tpu.memory_space<hbm>>
          tpu.enqueue_dma source(%dma_start3A_711 : memref<768xf32, #tpu.memory_space<hbm>>) target(%dma_start3A_708 : memref<768xf32, #tpu.memory_space<vmem>>) target_semaphore(%arg24 : memref<!tpu.dma_semaphore, #tpu.memory_space<semaphore_mem>>)
        }
        %scan3A_700 = arith.constant 16 : i32
      } else {
      }
    }
    %scan3A_55 = arith.constant 8 : i32
    %scan3A_56 = arith.constant 0 : i32
    %scan3A_57 = arith.constant 0 : i32
    %scan3A_58 = arith.constant 16 : i32
    %scan3A_59 = arith.addi %scan3A_57, %scan3A_58 : i32
    %scan3A_60 = arith.constant 1 : i32
    scf.for %scan3A_104 = %scan3A_57 to %scan3A_59 step %scan3A_60  : i32 {
      %dma_wait3A = arith.constant 0 : i32
      %dma_wait3A_105 = arith.constant 0 : i32
      %dma_wait3A_106 = arith.constant 0 : i32
      %dma_wait3A_107 = tpu.memref_slice %arg5[%dma_wait3A_106] : memref<12288xf32, #tpu.memory_space<vmem>> -> memref<768xf32, #tpu.memory_space<vmem>>
      %dma_wait3A_108 = arith.constant 0 : i32
      %dma_wait3A_109 = tpu.memref_slice %arg2[%dma_wait3A, %dma_wait3A_105, %dma_wait3A_108] : memref<4x8192x768xf32, #tpu.memory_space<hbm>> -> memref<1x1x768xf32, #tpu.memory_space<hbm>>
      %dma_wait3A_110 = tpu.memref_squeeze %dma_wait3A_109 : memref<1x1x768xf32, #tpu.memory_space<hbm>> -> memref<768xf32, #tpu.memory_space<hbm>>
      %dma_wait3A_111 = arith.constant 0 : i32
      %dma_wait3A_112 = tpu.memref_slice %arg5[%dma_wait3A_111] : memref<12288xf32, #tpu.memory_space<vmem>> -> memref<768xf32, #tpu.memory_space<vmem>>
      %dma_wait3A_113 = arith.constant 0 : i32
      %dma_wait3A_114 = tpu.memref_slice %arg2[%dma_wait3A, %dma_wait3A_105, %dma_wait3A_113] : memref<4x8192x768xf32, #tpu.memory_space<hbm>> -> memref<1x1x768xf32, #tpu.memory_space<hbm>>
      %dma_wait3A_115 = tpu.memref_squeeze %dma_wait3A_114 : memref<1x1x768xf32, #tpu.memory_space<hbm>> -> memref<768xf32, #tpu.memory_space<hbm>>
      tpu.wait_dma2 semaphore(%arg25 : memref<!tpu.dma_semaphore, #tpu.memory_space<semaphore_mem>>) src(%dma_wait3A_115 : memref<768xf32, #tpu.memory_space<hbm>>) dst(%dma_wait3A_112 : memref<768xf32, #tpu.memory_space<vmem>>)
    }
    %scan3A_61 = arith.constant 16 : i32
    %scan3A_62 = arith.constant 0 : i32
    %scan3A_63 = arith.constant 0 : i32
    %scan3A_64 = arith.constant 16 : i32
    %scan3A_65 = arith.addi %scan3A_63, %scan3A_64 : i32
    %scan3A_66 = arith.constant 1 : i32
    scf.for %scan3A_104 = %scan3A_63 to %scan3A_65 step %scan3A_66  : i32 {
      %dma_wait3A = arith.constant 0 : i32
      %dma_wait3A_105 = arith.constant 0 : i32
      %dma_wait3A_106 = arith.constant 0 : i32
      %dma_wait3A_107 = tpu.memref_slice %arg6[%dma_wait3A_106] : memref<12288xf32, #tpu.memory_space<vmem>> -> memref<768xf32, #tpu.memory_space<vmem>>
      %dma_wait3A_108 = arith.constant 0 : i32
      %dma_wait3A_109 = tpu.memref_slice %arg2[%dma_wait3A, %dma_wait3A_105, %dma_wait3A_108] : memref<4x8192x768xf32, #tpu.memory_space<hbm>> -> memref<1x1x768xf32, #tpu.memory_space<hbm>>
      %dma_wait3A_110 = tpu.memref_squeeze %dma_wait3A_109 : memref<1x1x768xf32, #tpu.memory_space<hbm>> -> memref<768xf32, #tpu.memory_space<hbm>>
      %dma_wait3A_111 = arith.constant 0 : i32
      %dma_wait3A_112 = tpu.memref_slice %arg6[%dma_wait3A_111] : memref<12288xf32, #tpu.memory_space<vmem>> -> memref<768xf32, #tpu.memory_space<vmem>>
      %dma_wait3A_113 = arith.constant 0 : i32
      %dma_wait3A_114 = tpu.memref_slice %arg2[%dma_wait3A, %dma_wait3A_105, %dma_wait3A_113] : memref<4x8192x768xf32, #tpu.memory_space<hbm>> -> memref<1x1x768xf32, #tpu.memory_space<hbm>>
      %dma_wait3A_115 = tpu.memref_squeeze %dma_wait3A_114 : memref<1x1x768xf32, #tpu.memory_space<hbm>> -> memref<768xf32, #tpu.memory_space<hbm>>
      tpu.wait_dma2 semaphore(%arg26 : memref<!tpu.dma_semaphore, #tpu.memory_space<semaphore_mem>>) src(%dma_wait3A_115 : memref<768xf32, #tpu.memory_space<hbm>>) dst(%dma_wait3A_112 : memref<768xf32, #tpu.memory_space<vmem>>)
    }
    %scan3A_67 = arith.constant 16 : i32
    %scan3A_68 = arith.constant 0 : i32
    %scan3A_69 = arith.constant 0 : i32
    %scan3A_70 = arith.constant 16 : i32
    %scan3A_71 = arith.addi %scan3A_69, %scan3A_70 : i32
    %scan3A_72 = arith.constant 1 : i32
    scf.for %scan3A_104 = %scan3A_69 to %scan3A_71 step %scan3A_72  : i32 {
      %dma_wait3A = arith.constant 0 : i32
      %dma_wait3A_105 = arith.constant 0 : i32
      %dma_wait3A_106 = arith.constant 0 : i32
      %dma_wait3A_107 = tpu.memref_slice %arg7[%dma_wait3A_106] : memref<12288xf32, #tpu.memory_space<vmem>> -> memref<768xf32, #tpu.memory_space<vmem>>
      %dma_wait3A_108 = arith.constant 0 : i32
      %dma_wait3A_109 = tpu.memref_slice %arg2[%dma_wait3A, %dma_wait3A_105, %dma_wait3A_108] : memref<4x8192x768xf32, #tpu.memory_space<hbm>> -> memref<1x1x768xf32, #tpu.memory_space<hbm>>
      %dma_wait3A_110 = tpu.memref_squeeze %dma_wait3A_109 : memref<1x1x768xf32, #tpu.memory_space<hbm>> -> memref<768xf32, #tpu.memory_space<hbm>>
      %dma_wait3A_111 = arith.constant 0 : i32
      %dma_wait3A_112 = tpu.memref_slice %arg7[%dma_wait3A_111] : memref<12288xf32, #tpu.memory_space<vmem>> -> memref<768xf32, #tpu.memory_space<vmem>>
      %dma_wait3A_113 = arith.constant 0 : i32
      %dma_wait3A_114 = tpu.memref_slice %arg2[%dma_wait3A, %dma_wait3A_105, %dma_wait3A_113] : memref<4x8192x768xf32, #tpu.memory_space<hbm>> -> memref<1x1x768xf32, #tpu.memory_space<hbm>>
      %dma_wait3A_115 = tpu.memref_squeeze %dma_wait3A_114 : memref<1x1x768xf32, #tpu.memory_space<hbm>> -> memref<768xf32, #tpu.memory_space<hbm>>
      tpu.wait_dma2 semaphore(%arg27 : memref<!tpu.dma_semaphore, #tpu.memory_space<semaphore_mem>>) src(%dma_wait3A_115 : memref<768xf32, #tpu.memory_space<hbm>>) dst(%dma_wait3A_112 : memref<768xf32, #tpu.memory_space<vmem>>)
    }
    %scan3A_73 = arith.constant 16 : i32
    %scan3A_74 = arith.constant 0 : i32
    %scan3A_75 = arith.constant 0 : i32
    %scan3A_76 = arith.constant 16 : i32
    %scan3A_77 = arith.addi %scan3A_75, %scan3A_76 : i32
    %scan3A_78 = arith.constant 1 : i32
    scf.for %scan3A_104 = %scan3A_75 to %scan3A_77 step %scan3A_78  : i32 {
      %dma_wait3A = arith.constant 0 : i32
      %dma_wait3A_105 = arith.constant 0 : i32
      %dma_wait3A_106 = arith.constant 0 : i32
      %dma_wait3A_107 = tpu.memref_slice %arg8[%dma_wait3A_106] : memref<12288xf32, #tpu.memory_space<vmem>> -> memref<768xf32, #tpu.memory_space<vmem>>
      %dma_wait3A_108 = arith.constant 0 : i32
      %dma_wait3A_109 = tpu.memref_slice %arg2[%dma_wait3A, %dma_wait3A_105, %dma_wait3A_108] : memref<4x8192x768xf32, #tpu.memory_space<hbm>> -> memref<1x1x768xf32, #tpu.memory_space<hbm>>
      %dma_wait3A_110 = tpu.memref_squeeze %dma_wait3A_109 : memref<1x1x768xf32, #tpu.memory_space<hbm>> -> memref<768xf32, #tpu.memory_space<hbm>>
      %dma_wait3A_111 = arith.constant 0 : i32
      %dma_wait3A_112 = tpu.memref_slice %arg8[%dma_wait3A_111] : memref<12288xf32, #tpu.memory_space<vmem>> -> memref<768xf32, #tpu.memory_space<vmem>>
      %dma_wait3A_113 = arith.constant 0 : i32
      %dma_wait3A_114 = tpu.memref_slice %arg2[%dma_wait3A, %dma_wait3A_105, %dma_wait3A_113] : memref<4x8192x768xf32, #tpu.memory_space<hbm>> -> memref<1x1x768xf32, #tpu.memory_space<hbm>>
      %dma_wait3A_115 = tpu.memref_squeeze %dma_wait3A_114 : memref<1x1x768xf32, #tpu.memory_space<hbm>> -> memref<768xf32, #tpu.memory_space<hbm>>
      tpu.wait_dma2 semaphore(%arg28 : memref<!tpu.dma_semaphore, #tpu.memory_space<semaphore_mem>>) src(%dma_wait3A_115 : memref<768xf32, #tpu.memory_space<hbm>>) dst(%dma_wait3A_112 : memref<768xf32, #tpu.memory_space<vmem>>)
    }
    %scan3A_79 = arith.constant 16 : i32
    %scan3A_80 = arith.constant 0 : i32
    %scan3A_81 = arith.constant 0 : i32
    %scan3A_82 = arith.constant 16 : i32
    %scan3A_83 = arith.addi %scan3A_81, %scan3A_82 : i32
    %scan3A_84 = arith.constant 1 : i32
    scf.for %scan3A_104 = %scan3A_81 to %scan3A_83 step %scan3A_84  : i32 {
      %dma_wait3A = arith.constant 0 : i32
      %dma_wait3A_105 = arith.constant 0 : i32
      %dma_wait3A_106 = arith.constant 0 : i32
      %dma_wait3A_107 = tpu.memref_slice %arg9[%dma_wait3A_106] : memref<12288xf32, #tpu.memory_space<vmem>> -> memref<768xf32, #tpu.memory_space<vmem>>
      %dma_wait3A_108 = arith.constant 0 : i32
      %dma_wait3A_109 = tpu.memref_slice %arg2[%dma_wait3A, %dma_wait3A_105, %dma_wait3A_108] : memref<4x8192x768xf32, #tpu.memory_space<hbm>> -> memref<1x1x768xf32, #tpu.memory_space<hbm>>
      %dma_wait3A_110 = tpu.memref_squeeze %dma_wait3A_109 : memref<1x1x768xf32, #tpu.memory_space<hbm>> -> memref<768xf32, #tpu.memory_space<hbm>>
      %dma_wait3A_111 = arith.constant 0 : i32
      %dma_wait3A_112 = tpu.memref_slice %arg9[%dma_wait3A_111] : memref<12288xf32, #tpu.memory_space<vmem>> -> memref<768xf32, #tpu.memory_space<vmem>>
      %dma_wait3A_113 = arith.constant 0 : i32
      %dma_wait3A_114 = tpu.memref_slice %arg2[%dma_wait3A, %dma_wait3A_105, %dma_wait3A_113] : memref<4x8192x768xf32, #tpu.memory_space<hbm>> -> memref<1x1x768xf32, #tpu.memory_space<hbm>>
      %dma_wait3A_115 = tpu.memref_squeeze %dma_wait3A_114 : memref<1x1x768xf32, #tpu.memory_space<hbm>> -> memref<768xf32, #tpu.memory_space<hbm>>
      tpu.wait_dma2 semaphore(%arg29 : memref<!tpu.dma_semaphore, #tpu.memory_space<semaphore_mem>>) src(%dma_wait3A_115 : memref<768xf32, #tpu.memory_space<hbm>>) dst(%dma_wait3A_112 : memref<768xf32, #tpu.memory_space<vmem>>)
    }
    %scan3A_85 = arith.constant 16 : i32
    %scan3A_86 = arith.constant 0 : i32
    %scan3A_87 = arith.constant 0 : i32
    %scan3A_88 = arith.constant 16 : i32
    %scan3A_89 = arith.addi %scan3A_87, %scan3A_88 : i32
    %scan3A_90 = arith.constant 1 : i32
    scf.for %scan3A_104 = %scan3A_87 to %scan3A_89 step %scan3A_90  : i32 {
      %dma_wait3A = arith.constant 0 : i32
      %dma_wait3A_105 = arith.constant 0 : i32
      %dma_wait3A_106 = arith.constant 0 : i32
      %dma_wait3A_107 = tpu.memref_slice %arg10[%dma_wait3A_106] : memref<12288xf32, #tpu.memory_space<vmem>> -> memref<768xf32, #tpu.memory_space<vmem>>
      %dma_wait3A_108 = arith.constant 0 : i32
      %dma_wait3A_109 = tpu.memref_slice %arg2[%dma_wait3A, %dma_wait3A_105, %dma_wait3A_108] : memref<4x8192x768xf32, #tpu.memory_space<hbm>> -> memref<1x1x768xf32, #tpu.memory_space<hbm>>
      %dma_wait3A_110 = tpu.memref_squeeze %dma_wait3A_109 : memref<1x1x768xf32, #tpu.memory_space<hbm>> -> memref<768xf32, #tpu.memory_space<hbm>>
      %dma_wait3A_111 = arith.constant 0 : i32
      %dma_wait3A_112 = tpu.memref_slice %arg10[%dma_wait3A_111] : memref<12288xf32, #tpu.memory_space<vmem>> -> memref<768xf32, #tpu.memory_space<vmem>>
      %dma_wait3A_113 = arith.constant 0 : i32
      %dma_wait3A_114 = tpu.memref_slice %arg2[%dma_wait3A, %dma_wait3A_105, %dma_wait3A_113] : memref<4x8192x768xf32, #tpu.memory_space<hbm>> -> memref<1x1x768xf32, #tpu.memory_space<hbm>>
      %dma_wait3A_115 = tpu.memref_squeeze %dma_wait3A_114 : memref<1x1x768xf32, #tpu.memory_space<hbm>> -> memref<768xf32, #tpu.memory_space<hbm>>
      tpu.wait_dma2 semaphore(%arg30 : memref<!tpu.dma_semaphore, #tpu.memory_space<semaphore_mem>>) src(%dma_wait3A_115 : memref<768xf32, #tpu.memory_space<hbm>>) dst(%dma_wait3A_112 : memref<768xf32, #tpu.memory_space<vmem>>)
    }
    %scan3A_91 = arith.constant 16 : i32
    %scan3A_92 = arith.constant 0 : i32
    %scan3A_93 = arith.constant 0 : i32
    %scan3A_94 = arith.constant 16 : i32
    %scan3A_95 = arith.addi %scan3A_93, %scan3A_94 : i32
    %scan3A_96 = arith.constant 1 : i32
    scf.for %scan3A_104 = %scan3A_93 to %scan3A_95 step %scan3A_96  : i32 {
      %dma_wait3A = arith.constant 0 : i32
      %dma_wait3A_105 = arith.constant 0 : i32
      %dma_wait3A_106 = arith.constant 0 : i32
      %dma_wait3A_107 = tpu.memref_slice %arg11[%dma_wait3A_106] : memref<12288xf32, #tpu.memory_space<vmem>> -> memref<768xf32, #tpu.memory_space<vmem>>
      %dma_wait3A_108 = arith.constant 0 : i32
      %dma_wait3A_109 = tpu.memref_slice %arg2[%dma_wait3A, %dma_wait3A_105, %dma_wait3A_108] : memref<4x8192x768xf32, #tpu.memory_space<hbm>> -> memref<1x1x768xf32, #tpu.memory_space<hbm>>
      %dma_wait3A_110 = tpu.memref_squeeze %dma_wait3A_109 : memref<1x1x768xf32, #tpu.memory_space<hbm>> -> memref<768xf32, #tpu.memory_space<hbm>>
      %dma_wait3A_111 = arith.constant 0 : i32
      %dma_wait3A_112 = tpu.memref_slice %arg11[%dma_wait3A_111] : memref<12288xf32, #tpu.memory_space<vmem>> -> memref<768xf32, #tpu.memory_space<vmem>>
      %dma_wait3A_113 = arith.constant 0 : i32
      %dma_wait3A_114 = tpu.memref_slice %arg2[%dma_wait3A, %dma_wait3A_105, %dma_wait3A_113] : memref<4x8192x768xf32, #tpu.memory_space<hbm>> -> memref<1x1x768xf32, #tpu.memory_space<hbm>>
      %dma_wait3A_115 = tpu.memref_squeeze %dma_wait3A_114 : memref<1x1x768xf32, #tpu.memory_space<hbm>> -> memref<768xf32, #tpu.memory_space<hbm>>
      tpu.wait_dma2 semaphore(%arg31 : memref<!tpu.dma_semaphore, #tpu.memory_space<semaphore_mem>>) src(%dma_wait3A_115 : memref<768xf32, #tpu.memory_space<hbm>>) dst(%dma_wait3A_112 : memref<768xf32, #tpu.memory_space<vmem>>)
    }
    %scan3A_97 = arith.constant 16 : i32
    %scan3A_98 = arith.constant 0 : i32
    %scan3A_99 = arith.constant 0 : i32
    %scan3A_100 = arith.constant 16 : i32
    %scan3A_101 = arith.addi %scan3A_99, %scan3A_100 : i32
    %scan3A_102 = arith.constant 1 : i32
    scf.for %scan3A_104 = %scan3A_99 to %scan3A_101 step %scan3A_102  : i32 {
      %dma_wait3A = arith.constant 0 : i32
      %dma_wait3A_105 = arith.constant 0 : i32
      %dma_wait3A_106 = arith.constant 0 : i32
      %dma_wait3A_107 = tpu.memref_slice %arg12[%dma_wait3A_106] : memref<12288xf32, #tpu.memory_space<vmem>> -> memref<768xf32, #tpu.memory_space<vmem>>
      %dma_wait3A_108 = arith.constant 0 : i32
      %dma_wait3A_109 = tpu.memref_slice %arg2[%dma_wait3A, %dma_wait3A_105, %dma_wait3A_108] : memref<4x8192x768xf32, #tpu.memory_space<hbm>> -> memref<1x1x768xf32, #tpu.memory_space<hbm>>
      %dma_wait3A_110 = tpu.memref_squeeze %dma_wait3A_109 : memref<1x1x768xf32, #tpu.memory_space<hbm>> -> memref<768xf32, #tpu.memory_space<hbm>>
      %dma_wait3A_111 = arith.constant 0 : i32
      %dma_wait3A_112 = tpu.memref_slice %arg12[%dma_wait3A_111] : memref<12288xf32, #tpu.memory_space<vmem>> -> memref<768xf32, #tpu.memory_space<vmem>>
      %dma_wait3A_113 = arith.constant 0 : i32
      %dma_wait3A_114 = tpu.memref_slice %arg2[%dma_wait3A, %dma_wait3A_105, %dma_wait3A_113] : memref<4x8192x768xf32, #tpu.memory_space<hbm>> -> memref<1x1x768xf32, #tpu.memory_space<hbm>>
      %dma_wait3A_115 = tpu.memref_squeeze %dma_wait3A_114 : memref<1x1x768xf32, #tpu.memory_space<hbm>> -> memref<768xf32, #tpu.memory_space<hbm>>
      tpu.wait_dma2 semaphore(%arg32 : memref<!tpu.dma_semaphore, #tpu.memory_space<semaphore_mem>>) src(%dma_wait3A_115 : memref<768xf32, #tpu.memory_space<hbm>>) dst(%dma_wait3A_112 : memref<768xf32, #tpu.memory_space<vmem>>)
    }
    %scan3A_103 = arith.constant 16 : i32
    return
  }
}

</mosaic_0001>

<sc_bundles>
// kernel: kernel.3.cloned.1.call-start
scs
__scs_entry_jumppad:
0x0: {  	(pc) =	sbr.rel $0x88, $3  }
0x1: {  	(tag) =	ssettag $0x0;
	lr =	simm.s32 $0x1  }
0x2: {  	[smem:$0x3F9F] =	sst lr;
	_ =	strace $0xD0000000  }
0x3: {  	_ = 	snop  }
0x4: {  	_ = 	snop  }
0x5: {  	_ = 	snop  }
0x6: {  	_ = 	snop  }
0x7: {  	_ = 	snop  }
__scs_overlays_trampoline_lowered:
0x8: {  	[smem:$0x3FAE] =	sst s0  }
0x9: {  	[smem:$0x3FAF] =	sst s1  }
0xa: {  	[smem:$0x3FB0] =	sst s2  }
0xb: {  	[smem:$0x3FB1] =	sst s3  }
0xc: {  	[smem:$0x3FB2] =	sst s4  }
0xd: {  	[smem:$0x3FB3] =	sst s5  }
0xe: {  	[smem:$0x3FB4] =	sst s6  }
0xf: {  	[smem:$0x3FB5] =	sst s7  }
0x10: {  	[smem:$0x3FB6] =	sst s8  }
0x11: {  	[smem:$0x3FB7] =	sst s9;
	s0 =	simm.s32 @!p0 $0x0  }
0x12: {  	s1 =	sld [smem:$0x3F9D];
	s0 =	simm.s32 @p0 $0x1  }
0x13: {  	[smem:$0x3FB8] =	sst s0;
	s0 =	simm.s32 @!p1 $0x0  }
0x14: {  	s2 =	sld [smem:$0x3F9C];
	s0 =	simm.s32 @p1 $0x1  }
0x15: {  	[smem:$0x3FB9] =	sst s0;
	s0 =	simm.s32 @!p2 $0x0  }
0x16: {  	s3 =	sld [smem:$0x3FDB];
	s0 =	simm.s32 @p2 $0x1  }
0x17: {  	s4 =	simm.s32 $0x1BF5;
	[smem:$0x3FBB] =	sst s0  }
0x18: {  	s0 =	sld [smem:$0x3F9E];
	_ =	swait.ge [sflag:s4], $0x0  }
0x19: {  	s7 =	sld [smem:$0x3F9F]  }
0x1a: {  	s8 =	sadd.s32 $0xFFFFE003, lr  }
0x1b: {  	s9 =	sadd.s32 $0xFFFFFEF7, lr;
	s5 =	simm.s32 $0xFFFFFFFF;
	p2 =	slt.u32 s8, $0xFFFFF086  }
0x1c: {  	p1 =	slt.u32 s9, $0xF7A;
	s5 =	simm.s32 @!p2 $0x0  }
0x1d: {  	s5 =	simm.s32 @p1 $0x1;
	p0 =	seq.s32 s7, s2  }
0x1e: {  	s7 =	smul.u32 @!p0 $0xF7A, s2;
	p2 =	seq.s32 @!p0 s5, $0x0  }
0x1f: {  	s9 =	smul.u32 $0xF7A, s1;
	s8 =	simm.s32 @!p0 $0x1BF5;
	p2 =	por !p2, p0  }
0x20: {  	[sflag:s8] =	ssyncset.s32 @!p0 $0xFFFFF086;
	s6 =	sadd.s32 @!p0 s3, s7;
	s7 =	simm.s32 @!p0 $0x108  }
0x21: {  	s3 =	sadd.s32 s3, s9;
	s6 =	sadd.s32 @!p0 $0x88, s6;
	s7 =	simm.s32 @p2 $0x1082  }
0x22: {  	[simem:s7], [sflag:s8] =	dma.local @!p0 [hbm:s6], $0xF7A  }
0x23: {  	s9 =	sor.u32 $0xD0000000, s2;
	s6 =	simm.s32 $0x108;
	_ =	swait.ge @!p0 [sflag:s8], $0x0  }
0x24: {  	s3 =	sadd.s32 $0x88, s3;
	s6 =	simm.s32 @!p1 $0x1082;
	[sflag:s4] =	ssyncset.s32 $0xFFFFF086  }
0x25: {  	[simem:s6], [sflag:s4] =	dma.local [hbm:s3], $0xF7A  }
0x26: {  	[smem:$0x3F9F] =	sst s1;
	(tag) =	ssettag s2;
	_ =	strace s9  }
0x27: {  	s1 =	sld [smem:$0x3FAF]  }
0x28: {  	s2 =	sld [smem:$0x3FB0]  }
0x29: {  	s4 =	sld [smem:$0x3FB2]  }
0x2a: {  	p0 =	seq.s32 s5, $0x0;
	s5 =	sld [smem:$0x3FB3]  }
0x2b: {  	s6 =	sld [smem:$0x3FB4]  }
0x2c: {  	s7 =	sld [smem:$0x3FB5]  }
0x2d: {  	s3 =	simm.s32 $0x108;
	s8 =	sld [smem:$0x3FB6]  }
0x2e: {  	s3 =	simm.s32 @!p0 $0x1082;
	s9 =	sld [smem:$0x3FB7]  }
0x2f: {  	lr =	sadd.s32 s0, s3;
	s0 =	sld [smem:$0x3FAE]  }
0x30: {  	s3 =	sld [smem:$0x3FB1]  }
0x31: {  	[smem:$0x3FBA] =	sst s10  }
0x32: {  	s10 =	sld [smem:$0x3FB8];
	_ =	sdelay $0x3  }
0x33: {  	p0 =	seq.s32 s10, $0x1;
	s10 =	sld [smem:$0x3FBA];
	_ =	sdelay $0x3  }
0x34: {  	[smem:$0x3FBA] =	sst s10  }
0x35: {  	s10 =	sld [smem:$0x3FB9];
	_ =	sdelay $0x3  }
0x36: {  	p1 =	seq.s32 s10, $0x1;
	s10 =	sld [smem:$0x3FBA];
	_ =	sdelay $0x3  }
0x37: {  	[smem:$0x3FBA] =	sst s10  }
0x38: {  	s10 =	sld [smem:$0x3FBB]  }
0x39: {  	_ = 	snop;
	(pc) =	sbr.ind lr, $3  }
0x3a: {  	_ = 	snop  }
0x3b: {  	_ = 	snop  }
0x3c: {  	p2 =	seq.s32 s10, $0x1;
	s10 =	sld [smem:$0x3FBA]  }
0x3d: {  	_ =	shalt  }
0x3e: {  	_ =	shalt  }
0x3f: {  	_ =	shalt  }
0x40: {  	_ =	shalt  }
0x41: {  	_ =	shalt  }
0x42: {  	_ =	shalt  }
0x43: {  	_ =	shalt  }
0x44: {  	_ =	shalt  }
0x45: {  	_ =	shalt  }
0x46: {  	_ =	shalt  }
0x47: {  	_ =	shalt  }
0x48: {  	_ =	shalt  }
0x49: {  	_ =	shalt  }
0x4a: {  	_ =	shalt  }
0x4b: {  	_ =	shalt  }
0x4c: {  	_ =	shalt  }
0x4d: {  	_ =	shalt  }
0x4e: {  	_ =	shalt  }
0x4f: {  	_ =	shalt  }
0x50: {  	_ =	shalt  }
0x51: {  	_ =	shalt  }
0x52: {  	_ =	shalt  }
0x53: {  	_ =	shalt  }
0x54: {  	_ =	shalt  }
0x55: {  	_ =	shalt  }
0x56: {  	_ =	shalt  }
0x57: {  	_ =	shalt  }
0x58: {  	_ =	shalt  }
0x59: {  	_ =	shalt  }
0x5a: {  	_ =	shalt  }
0x5b: {  	_ =	shalt  }
0x5c: {  	_ =	shalt  }
0x5d: {  	_ =	shalt  }
0x5e: {  	_ =	shalt  }
0x5f: {  	_ =	shalt  }
0x60: {  	_ =	shalt  }
0x61: {  	_ =	shalt  }
0x62: {  	_ =	shalt  }
0x63: {  	_ =	shalt  }
0x64: {  	_ =	shalt  }
0x65: {  	_ =	shalt  }
0x66: {  	_ =	shalt  }
0x67: {  	_ =	shalt  }
0x68: {  	_ =	shalt  }
0x69: {  	_ =	shalt  }
0x6a: {  	_ =	shalt  }
0x6b: {  	_ =	shalt  }
0x6c: {  	_ =	shalt  }
0x6d: {  	_ =	shalt  }
0x6e: {  	_ =	shalt  }
0x6f: {  	_ =	shalt  }
0x70: {  	_ =	shalt  }
0x71: {  	_ =	shalt  }
0x72: {  	_ =	shalt  }
0x73: {  	_ =	shalt  }
0x74: {  	_ =	shalt  }
0x75: {  	_ =	shalt  }
0x76: {  	_ =	shalt  }
0x77: {  	_ =	shalt  }
0x78: {  	_ =	shalt  }
0x79: {  	_ =	shalt  }
0x7a: {  	_ =	shalt  }
0x7b: {  	_ =	shalt  }
0x7c: {  	_ =	shalt  }
0x7d: {  	_ =	shalt  }
0x7e: {  	_ =	shalt  }
0x7f: {  	_ =	shalt  }
0x80: {  	_ =	shalt  }
0x81: {  	_ =	shalt  }
0x82: {  	_ =	shalt  }
0x83: {  	_ =	shalt  }
0x84: {  	_ =	shalt  }
0x85: {  	_ =	shalt  }
0x86: {  	_ =	shalt  }
0x87: {  	_ =	shalt  }
.Lfunc_end0:
.L_simem_size_0:
called_computation_lowered:
.L_overlay_start_0:
0x88: {  	s2 =	sld [smem:$0x3FD9]  }
0x89: {  	s3 =	sld [smem:$0x3FFE];
	_ =	sdelay $0x1  }
0x8a: {  	s1 =	srdreg.scid  }
0x8b: {  	s0 =	sand.u32 $0x1, s1  }
0x8c: {  	s18 =	sshll.u32 s0, $0xA;
	s2 =	sadd.s32 s3, s2  }
0x8d: {  	s2 =	sadd.s32 s2, s18  }
0x8e: {  	[smem:$0x3FC6] =	sst s2  }
0x8f: {  	_ = 	snop  }
0x90: {  	s2 =	sld [smem:$0x3FC9]  }
0x91: {  	s19 =	sld [smem:$0x3FC8]  }
0x92: {  	s4 =	sld [smem:$0x3FD0];
	(tm) =	ssettm $0x1  }
0x93: {  	s5 =	sld [smem:$0x3FFB];
	_ =	sdelay $0x3  }
0x94: {  	_ =	strace s5  }
0x95: {  	s5 =	sld [smem:$0x3FFC];
	_ =	sdelay $0x3  }
0x96: {  	_ =	strace s5  }
0x97: {  	s5 =	sld [smem:$0x3FFD];
	_ =	sdelay $0x3  }
0x98: {  	_ =	strace s5  }
0x99: {  	_ =	strace $0x8FFFFFFF  }
0x9a: {  	s20 =	sld [smem:$0x3FDB];
	_ =	sdelay $0x1  }
0x9b: {  	s6 =	simm.s32 $_scs_section_size  }
0x9c: {  	s7 =	simm.s32 $_size__tile_overlayer_lowered;
	s8 =	simm.s32 $_tile_overlayer_lowered  }
0x9d: {  	s23 =	simm.s32 $0x1BFF;
	s22 =	sshll.u32 s8, $0x1;
	s5 =	sadd.s32 s6, s20  }
0x9e: {  	s9 =	simm.s32 $0x0;
	s21 =	sshll.u32 s7, $0x1;
	s7 =	sadd.s32 s22, s5  }
0x9f: {  	[timem:s9], [sflag:s23] =	dma.local [hbm:s7], s21  }
0xa0: {  	_ =	swait.ge [sflag:s23], s21  }
0xa1: {  	s6 =	ssub.s32 $0x0, s21;
	[sflag:s23] =	ssyncset.done $0x0  }
0xa2: {  	[sflag:s23] =	ssyncadd.s32 s6;
	_ =	sdelay $0x1  }
0xa3: {  	s24 =	simm.s32 $0x1B8B  }
0xa4: {  	_ =	swait.ge [sflag:s24], $0x1  }
0xa5: {  	[sflag:s24] =	ssyncset.done $0x0  }
0xa6: {  	s25 =	simm.s32 $0x1B8E;
	[sflag:s24] =	ssyncadd.s32 $0xFFFFFFFF  }
0xa7: {  	s26 =	simm.s32 $execute0_lowered;
	[smem:$0x3FD2] =	sst s25  }
0xa8: {  	s6 =	sshll.u32 s26, $0x1;
	_ =	strace $0x80000046;
	[dreg:$0x1] =	wrdreg $0xFFFFFFFF  }
0xa9: {  	s28 =	simm.s32 $_size_execute0_lowered;
	s5 =	sadd.s32 s5, s6;
	[dreg:$0x0] =	wrdreg $0x0  }
0xaa: {  	s6 =	sshll.u32 s28, $0x1;
	[dreg:$0x2] =	wrdreg s5  }
0xab: {  	[dreg:$0x3] =	wrdreg s6  }
0xac: {  	[dreg:$0x4] =	wrdreg $0xC0  }
0xad: {  	_ =	task [dreg:s9], $0x5FFFF  }
0xae: {  	[dreg:$0x1] =	wrdreg $0xFFFFFFFF  }
0xaf: {  	[dreg:$0x0] =	wrdreg $0x60  }
0xb0: {  	[dreg:$0x2] =	wrdreg s2  }
0xb1: {  	[dreg:$0x3] =	wrdreg s19  }
0xb2: {  	[dreg:$0x4] =	wrdreg s4  }
0xb3: {  	[dreg:$0x5] =	wrdreg $0x9  }
0xb4: {  	_ =	task.clear_ibuf [dreg:s9], $0x6FFFF;
	_ =	strace $0x90000046  }
0xb5: {  	s29 =	simm.s32 $0x9;
	_ =	strace $0x80000048  }
0xb6: {  	_ =	swait.ge [sflag:s29], $0x1  }
0xb7: {  	[sflag:s29] =	ssyncadd.s32 $0xFFFFFFFF  }
0xb8: {  	_ =	strace $0x90000048  }
0xb9: {  	_ =	sfence  }
0xba: {  	s30 =	sld [smem:$0x0];
	_ =	sdelay $0x2  }
0xbb: {  	s31 =	sshll.u32 s1, $0xD;
	s1 =	sshrl.u32 s1, $0x2  }
0xbc: {  	s3 =	sand.u32 $0x4000, s31;
	s1 =	sadd.s32 s1, s30  }
0xbd: {  	s0 =	sor.u32 s3, s0;
	s1 =	sshll.u32 s1, $0x11  }
0xbe: {  	s0 =	sor.u32 s1, s0  }
0xbf: {  	s0 =	sadd.s32 $0x8F2B, s0  }
0xc0: {  	[sflag:s0] =	ssyncadd.remote.s32 $0x1  }
0xc1: {  	_ =	sfence.sel $0xFFFF  }
0xc2: {  	[dreg:$0x0] =	wrdreg $0xFFFFFFFF;
	(pc) =	sbr.abs _section_cstart, $3  }
0xc3: {  	[dreg:$0x1] =	wrdreg $0xFFFFFFFF  }
0xc4: {  	_ =	task.clear_ibuf [dreg:s9], $0x2FFFF;
	_ =	strace $0x9FFFFFFF  }
0xc5: {  	(tm) =	ssettm $0x7FFFFFFF  }
tec
execute0_lowered:
.L_overlay_start_1:
0x0: {  	(tag) =	ssettag $0x1  }
0x1: {  	s1 =	rddreg [dreg:$0x0]  }
0x2: {  	s2 =	rddreg [dreg:$0x1];
	s0 =	srdreg.scid  }
0x3: {  	s3 =	rddreg [dreg:$0x2];
	s5 =	simm.s32 $0x0;
	s6 =	stileid.u32  }
0x4: {  	s11 =	simm.s32 $0x80;
	s12 =	simm.s32 $0x400;
	s13 =	simm.s32 $0x9  }
0x5: {  	s14 =	simm.s32 $0x1;
	s15 =	simm.s32 $0x2;
	s16 =	simm.s32 $0x3  }
0x6: {  	s17 =	simm.s32 $0x4;
	s18 =	simm.s32 $0xA;
	s19 =	simm.s32 $0x5  }
0x7: {  	s20 =	simm.s32 $0x6;
	s21 =	simm.s32 $0x7;
	s22 =	simm.s32 $0x8  }
0x8: {  	s28 =	simm.s32 $0xF;
	s0 =	sand.u32 $0x1, s0;
	[smem:$0x7FF] =	sst s5  }
0x9: {  	s24 =	sshll.u32 s6, $0x9;
	s4 =	ssub.s32 $0x2, s0;
	s0 =	sshll.u32 s0, $0x8  }
0xa: {  	s29 =	simm.s32 $0x10;
	_ =	strace $0x80000047;
	s0 =	sor.u32 s0, s24  }
.Ltmp0:
0xb: {  	s25 =	sor.u32 $0x20, s0;
	[dreg:$0x5] =	wrdreg s0;
	(pc) =	sbr.rel .LBB2_1-.Ltmp0, $4  }
0xc: {  	s23 =	sshrl.u32 s4, $0x1;
	s26 =	sor.u32 $0x10, s0;
	[dreg:$0x6] =	wrdreg s25  }
0xd: {  	s4 =	ssub.s32 s4, s23;
	s0 =	sor.u32 $0x30, s0;
	[dreg:$0x7] =	wrdreg s26  }
0xe: {  	s30 =	simm.s32 $0x11;
	s4 =	smax.u32 s4, $0x1;
	[dreg:$0x8] =	wrdreg s0  }
0xf: {  	s31 =	simm.s32 $0x12;
	[dreg:$0x4] =	wrdreg s4;
	s4 =	simm.s32 $0x0  }
.LBB2_96:
0x10: {  	s0 =	simm.s32 $0xB  }
0x11: {  	_ =	swait.ge [sflag:s0], $0x300  }
0x12: {  	[sflag:s0] =	ssyncset.done $0x0  }
0x13: {  	[sflag:s0] =	ssyncadd.s32 $0xFFFFFD00  }
0x14: {  	_ =	swait.ge [sflag:s0], $0x300  }
0x15: {  	[sflag:s0] =	ssyncset.done $0x0  }
0x16: {  	[sflag:s0] =	ssyncadd.s32 $0xFFFFFD00  }
0x17: {  	_ =	swait.ge [sflag:s0], $0x300  }
0x18: {  	[sflag:s0] =	ssyncset.done $0x0  }
0x19: {  	[sflag:s0] =	ssyncadd.s32 $0xFFFFFD00  }
0x1a: {  	_ =	swait.ge [sflag:s0], $0x300  }
0x1b: {  	[sflag:s0] =	ssyncset.done $0x0  }
0x1c: {  	[sflag:s0] =	ssyncadd.s32 $0xFFFFFD00  }
0x1d: {  	_ =	swait.ge [sflag:s0], $0x300  }
0x1e: {  	[sflag:s0] =	ssyncset.done $0x0  }
0x1f: {  	[sflag:s0] =	ssyncadd.s32 $0xFFFFFD00  }
0x20: {  	_ =	swait.ge [sflag:s0], $0x300  }
0x21: {  	[sflag:s0] =	ssyncset.done $0x0  }
0x22: {  	[sflag:s0] =	ssyncadd.s32 $0xFFFFFD00  }
0x23: {  	_ =	swait.ge [sflag:s0], $0x300  }
0x24: {  	[sflag:s0] =	ssyncset.done $0x0  }
0x25: {  	[sflag:s0] =	ssyncadd.s32 $0xFFFFFD00  }
0x26: {  	_ =	swait.ge [sflag:s0], $0x300  }
0x27: {  	[sflag:s0] =	ssyncset.done $0x0  }
0x28: {  	[sflag:s0] =	ssyncadd.s32 $0xFFFFFD00  }
0x29: {  	_ =	swait.ge [sflag:s0], $0x300  }
0x2a: {  	[sflag:s0] =	ssyncset.done $0x0  }
0x2b: {  	[sflag:s0] =	ssyncadd.s32 $0xFFFFFD00  }
0x2c: {  	_ =	swait.ge [sflag:s0], $0x300  }
0x2d: {  	[sflag:s0] =	ssyncset.done $0x0  }
0x2e: {  	[sflag:s0] =	ssyncadd.s32 $0xFFFFFD00  }
0x2f: {  	_ =	swait.ge [sflag:s0], $0x300  }
0x30: {  	[sflag:s0] =	ssyncset.done $0x0  }
0x31: {  	[sflag:s0] =	ssyncadd.s32 $0xFFFFFD00  }
0x32: {  	_ =	swait.ge [sflag:s0], $0x300  }
0x33: {  	[sflag:s0] =	ssyncset.done $0x0  }
0x34: {  	[sflag:s0] =	ssyncadd.s32 $0xFFFFFD00  }
0x35: {  	_ =	swait.ge [sflag:s0], $0x300  }
0x36: {  	[sflag:s0] =	ssyncset.done $0x0  }
0x37: {  	[sflag:s0] =	ssyncadd.s32 $0xFFFFFD00  }
0x38: {  	_ =	swait.ge [sflag:s0], $0x300  }
0x39: {  	[sflag:s0] =	ssyncset.done $0x0  }
0x3a: {  	[sflag:s0] =	ssyncadd.s32 $0xFFFFFD00  }
0x3b: {  	_ =	swait.ge [sflag:s0], $0x300  }
0x3c: {  	[sflag:s0] =	ssyncset.done $0x0  }
0x3d: {  	[sflag:s0] =	ssyncadd.s32 $0xFFFFFD00  }
0x3e: {  	_ =	swait.ge [sflag:s0], $0x300  }
0x3f: {  	[sflag:s0] =	ssyncset.done $0x0  }
0x40: {  	s23 =	simm.s32 $0xC;
	[sflag:s0] =	ssyncadd.s32 $0xFFFFFD00  }
0x41: {  	_ =	swait.ge [sflag:s23], $0x300  }
0x42: {  	[sflag:s23] =	ssyncset.done $0x0  }
0x43: {  	[sflag:s23] =	ssyncadd.s32 $0xFFFFFD00  }
0x44: {  	_ =	swait.ge [sflag:s23], $0x300  }
0x45: {  	[sflag:s23] =	ssyncset.done $0x0  }
0x46: {  	[sflag:s23] =	ssyncadd.s32 $0xFFFFFD00  }
0x47: {  	_ =	swait.ge [sflag:s23], $0x300  }
0x48: {  	[sflag:s23] =	ssyncset.done $0x0  }
0x49: {  	[sflag:s23] =	ssyncadd.s32 $0xFFFFFD00  }
0x4a: {  	_ =	swait.ge [sflag:s23], $0x300  }
0x4b: {  	[sflag:s23] =	ssyncset.done $0x0  }
0x4c: {  	[sflag:s23] =	ssyncadd.s32 $0xFFFFFD00  }
0x4d: {  	_ =	swait.ge [sflag:s23], $0x300  }
0x4e: {  	[sflag:s23] =	ssyncset.done $0x0  }
0x4f: {  	[sflag:s23] =	ssyncadd.s32 $0xFFFFFD00  }
0x50: {  	_ =	swait.ge [sflag:s23], $0x300  }
0x51: {  	[sflag:s23] =	ssyncset.done $0x0  }
0x52: {  	[sflag:s23] =	ssyncadd.s32 $0xFFFFFD00  }
0x53: {  	_ =	swait.ge [sflag:s23], $0x300  }
0x54: {  	[sflag:s23] =	ssyncset.done $0x0  }
0x55: {  	[sflag:s23] =	ssyncadd.s32 $0xFFFFFD00  }
0x56: {  	_ =	swait.ge [sflag:s23], $0x300  }
0x57: {  	[sflag:s23] =	ssyncset.done $0x0  }
0x58: {  	[sflag:s23] =	ssyncadd.s32 $0xFFFFFD00  }
0x59: {  	_ =	swait.ge [sflag:s23], $0x300  }
0x5a: {  	[sflag:s23] =	ssyncset.done $0x0  }
0x5b: {  	[sflag:s23] =	ssyncadd.s32 $0xFFFFFD00  }
0x5c: {  	_ =	swait.ge [sflag:s23], $0x300  }
0x5d: {  	[sflag:s23] =	ssyncset.done $0x0  }
0x5e: {  	[sflag:s23] =	ssyncadd.s32 $0xFFFFFD00  }
0x5f: {  	_ =	swait.ge [sflag:s23], $0x300  }
0x60: {  	[sflag:s23] =	ssyncset.done $0x0  }
0x61: {  	[sflag:s23] =	ssyncadd.s32 $0xFFFFFD00  }
0x62: {  	_ =	swait.ge [sflag:s23], $0x300  }
0x63: {  	[sflag:s23] =	ssyncset.done $0x0  }
0x64: {  	[sflag:s23] =	ssyncadd.s32 $0xFFFFFD00  }
0x65: {  	_ =	swait.ge [sflag:s23], $0x300  }
0x66: {  	[sflag:s23] =	ssyncset.done $0x0  }
0x67: {  	[sflag:s23] =	ssyncadd.s32 $0xFFFFFD00  }
0x68: {  	_ =	swait.ge [sflag:s23], $0x300  }
0x69: {  	[sflag:s23] =	ssyncset.done $0x0  }
0x6a: {  	[sflag:s23] =	ssyncadd.s32 $0xFFFFFD00  }
0x6b: {  	_ =	swait.ge [sflag:s23], $0x300  }
0x6c: {  	[sflag:s23] =	ssyncset.done $0x0  }
0x6d: {  	[sflag:s23] =	ssyncadd.s32 $0xFFFFFD00  }
0x6e: {  	_ =	swait.ge [sflag:s23], $0x300  }
0x6f: {  	[sflag:s23] =	ssyncset.done $0x0  }
0x70: {  	s24 =	simm.s32 $0xD;
	[sflag:s23] =	ssyncadd.s32 $0xFFFFFD00  }
0x71: {  	_ =	swait.ge [sflag:s24], $0x300  }
0x72: {  	[sflag:s24] =	ssyncset.done $0x0  }
0x73: {  	[sflag:s24] =	ssyncadd.s32 $0xFFFFFD00  }
0x74: {  	_ =	swait.ge [sflag:s24], $0x300  }
0x75: {  	[sflag:s24] =	ssyncset.done $0x0  }
0x76: {  	[sflag:s24] =	ssyncadd.s32 $0xFFFFFD00  }
0x77: {  	_ =	swait.ge [sflag:s24], $0x300  }
0x78: {  	[sflag:s24] =	ssyncset.done $0x0  }
0x79: {  	[sflag:s24] =	ssyncadd.s32 $0xFFFFFD00  }
0x7a: {  	_ =	swait.ge [sflag:s24], $0x300  }
0x7b: {  	[sflag:s24] =	ssyncset.done $0x0  }
0x7c: {  	[sflag:s24] =	ssyncadd.s32 $0xFFFFFD00  }
0x7d: {  	_ =	swait.ge [sflag:s24], $0x300  }
0x7e: {  	[sflag:s24] =	ssyncset.done $0x0  }
0x7f: {  	[sflag:s24] =	ssyncadd.s32 $0xFFFFFD00  }
0x80: {  	_ =	swait.ge [sflag:s24], $0x300  }
0x81: {  	[sflag:s24] =	ssyncset.done $0x0  }
0x82: {  	[sflag:s24] =	ssyncadd.s32 $0xFFFFFD00  }
0x83: {  	_ =	swait.ge [sflag:s24], $0x300  }
0x84: {  	[sflag:s24] =	ssyncset.done $0x0  }
0x85: {  	[sflag:s24] =	ssyncadd.s32 $0xFFFFFD00  }
0x86: {  	_ =	swait.ge [sflag:s24], $0x300  }
0x87: {  	[sflag:s24] =	ssyncset.done $0x0  }
0x88: {  	[sflag:s24] =	ssyncadd.s32 $0xFFFFFD00  }
0x89: {  	_ =	swait.ge [sflag:s24], $0x300  }
0x8a: {  	[sflag:s24] =	ssyncset.done $0x0  }
0x8b: {  	[sflag:s24] =	ssyncadd.s32 $0xFFFFFD00  }
0x8c: {  	_ =	swait.ge [sflag:s24], $0x300  }
0x8d: {  	[sflag:s24] =	ssyncset.done $0x0  }
0x8e: {  	[sflag:s24] =	ssyncadd.s32 $0xFFFFFD00  }
0x8f: {  	_ =	swait.ge [sflag:s24], $0x300  }
0x90: {  	[sflag:s24] =	ssyncset.done $0x0  }
0x91: {  	[sflag:s24] =	ssyncadd.s32 $0xFFFFFD00  }
0x92: {  	_ =	swait.ge [sflag:s24], $0x300  }
0x93: {  	[sflag:s24] =	ssyncset.done $0x0  }
0x94: {  	[sflag:s24] =	ssyncadd.s32 $0xFFFFFD00  }
0x95: {  	_ =	swait.ge [sflag:s24], $0x300  }
0x96: {  	[sflag:s24] =	ssyncset.done $0x0  }
0x97: {  	[sflag:s24] =	ssyncadd.s32 $0xFFFFFD00  }
0x98: {  	_ =	swait.ge [sflag:s24], $0x300  }
0x99: {  	[sflag:s24] =	ssyncset.done $0x0  }
0x9a: {  	[sflag:s24] =	ssyncadd.s32 $0xFFFFFD00  }
0x9b: {  	_ =	swait.ge [sflag:s24], $0x300  }
0x9c: {  	[sflag:s24] =	ssyncset.done $0x0  }
0x9d: {  	[sflag:s24] =	ssyncadd.s32 $0xFFFFFD00  }
0x9e: {  	_ =	swait.ge [sflag:s24], $0x300  }
0x9f: {  	[sflag:s24] =	ssyncset.done $0x0  }
0xa0: {  	s25 =	simm.s32 $0xE;
	[sflag:s24] =	ssyncadd.s32 $0xFFFFFD00  }
0xa1: {  	_ =	swait.ge [sflag:s25], $0x300  }
0xa2: {  	[sflag:s25] =	ssyncset.done $0x0  }
0xa3: {  	[sflag:s25] =	ssyncadd.s32 $0xFFFFFD00  }
0xa4: {  	_ =	swait.ge [sflag:s25], $0x300  }
0xa5: {  	[sflag:s25] =	ssyncset.done $0x0  }
0xa6: {  	[sflag:s25] =	ssyncadd.s32 $0xFFFFFD00  }
0xa7: {  	_ =	swait.ge [sflag:s25], $0x300  }
0xa8: {  	[sflag:s25] =	ssyncset.done $0x0  }
0xa9: {  	[sflag:s25] =	ssyncadd.s32 $0xFFFFFD00  }
0xaa: {  	_ =	swait.ge [sflag:s25], $0x300  }
0xab: {  	[sflag:s25] =	ssyncset.done $0x0  }
0xac: {  	[sflag:s25] =	ssyncadd.s32 $0xFFFFFD00  }
0xad: {  	_ =	swait.ge [sflag:s25], $0x300  }
0xae: {  	[sflag:s25] =	ssyncset.done $0x0  }
0xaf: {  	[sflag:s25] =	ssyncadd.s32 $0xFFFFFD00  }
0xb0: {  	_ =	swait.ge [sflag:s25], $0x300  }
0xb1: {  	[sflag:s25] =	ssyncset.done $0x0  }
0xb2: {  	[sflag:s25] =	ssyncadd.s32 $0xFFFFFD00  }
0xb3: {  	_ =	swait.ge [sflag:s25], $0x300  }
0xb4: {  	[sflag:s25] =	ssyncset.done $0x0  }
0xb5: {  	[sflag:s25] =	ssyncadd.s32 $0xFFFFFD00  }
0xb6: {  	_ =	swait.ge [sflag:s25], $0x300  }
0xb7: {  	[sflag:s25] =	ssyncset.done $0x0  }
0xb8: {  	[sflag:s25] =	ssyncadd.s32 $0xFFFFFD00  }
0xb9: {  	_ =	swait.ge [sflag:s25], $0x300  }
0xba: {  	[sflag:s25] =	ssyncset.done $0x0  }
0xbb: {  	[sflag:s25] =	ssyncadd.s32 $0xFFFFFD00  }
0xbc: {  	_ =	swait.ge [sflag:s25], $0x300  }
0xbd: {  	[sflag:s25] =	ssyncset.done $0x0  }
0xbe: {  	[sflag:s25] =	ssyncadd.s32 $0xFFFFFD00  }
0xbf: {  	_ =	swait.ge [sflag:s25], $0x300  }
0xc0: {  	[sflag:s25] =	ssyncset.done $0x0  }
0xc1: {  	[sflag:s25] =	ssyncadd.s32 $0xFFFFFD00  }
0xc2: {  	_ =	swait.ge [sflag:s25], $0x300  }
0xc3: {  	[sflag:s25] =	ssyncset.done $0x0  }
0xc4: {  	[sflag:s25] =	ssyncadd.s32 $0xFFFFFD00  }
0xc5: {  	_ =	swait.ge [sflag:s25], $0x300  }
0xc6: {  	[sflag:s25] =	ssyncset.done $0x0  }
0xc7: {  	[sflag:s25] =	ssyncadd.s32 $0xFFFFFD00  }
0xc8: {  	_ =	swait.ge [sflag:s25], $0x300  }
0xc9: {  	[sflag:s25] =	ssyncset.done $0x0  }
0xca: {  	[sflag:s25] =	ssyncadd.s32 $0xFFFFFD00  }
0xcb: {  	_ =	swait.ge [sflag:s25], $0x300  }
0xcc: {  	[sflag:s25] =	ssyncset.done $0x0  }
0xcd: {  	[sflag:s25] =	ssyncadd.s32 $0xFFFFFD00  }
0xce: {  	_ =	swait.ge [sflag:s25], $0x300  }
0xcf: {  	[sflag:s25] =	ssyncset.done $0x0  }
0xd0: {  	[sflag:s25] =	ssyncadd.s32 $0xFFFFFD00  }
0xd1: {  	_ =	swait.ge [sflag:s28], $0x300  }
0xd2: {  	[sflag:s28] =	ssyncset.done $0x0  }
0xd3: {  	[sflag:s28] =	ssyncadd.s32 $0xFFFFFD00  }
0xd4: {  	_ =	swait.ge [sflag:s28], $0x300  }
0xd5: {  	[sflag:s28] =	ssyncset.done $0x0  }
0xd6: {  	[sflag:s28] =	ssyncadd.s32 $0xFFFFFD00  }
0xd7: {  	_ =	swait.ge [sflag:s28], $0x300  }
0xd8: {  	[sflag:s28] =	ssyncset.done $0x0  }
0xd9: {  	[sflag:s28] =	ssyncadd.s32 $0xFFFFFD00  }
0xda: {  	_ =	swait.ge [sflag:s28], $0x300  }
0xdb: {  	[sflag:s28] =	ssyncset.done $0x0  }
0xdc: {  	[sflag:s28] =	ssyncadd.s32 $0xFFFFFD00  }
0xdd: {  	_ =	swait.ge [sflag:s28], $0x300  }
0xde: {  	[sflag:s28] =	ssyncset.done $0x0  }
0xdf: {  	[sflag:s28] =	ssyncadd.s32 $0xFFFFFD00  }
0xe0: {  	_ =	swait.ge [sflag:s28], $0x300  }
0xe1: {  	[sflag:s28] =	ssyncset.done $0x0  }
0xe2: {  	[sflag:s28] =	ssyncadd.s32 $0xFFFFFD00  }
0xe3: {  	_ =	swait.ge [sflag:s28], $0x300  }
0xe4: {  	[sflag:s28] =	ssyncset.done $0x0  }
0xe5: {  	[sflag:s28] =	ssyncadd.s32 $0xFFFFFD00  }
0xe6: {  	_ =	swait.ge [sflag:s28], $0x300  }
0xe7: {  	[sflag:s28] =	ssyncset.done $0x0  }
0xe8: {  	[sflag:s28] =	ssyncadd.s32 $0xFFFFFD00  }
0xe9: {  	_ =	swait.ge [sflag:s28], $0x300  }
0xea: {  	[sflag:s28] =	ssyncset.done $0x0  }
0xeb: {  	[sflag:s28] =	ssyncadd.s32 $0xFFFFFD00  }
0xec: {  	_ =	swait.ge [sflag:s28], $0x300  }
0xed: {  	[sflag:s28] =	ssyncset.done $0x0  }
0xee: {  	[sflag:s28] =	ssyncadd.s32 $0xFFFFFD00  }
0xef: {  	_ =	swait.ge [sflag:s28], $0x300  }
0xf0: {  	[sflag:s28] =	ssyncset.done $0x0  }
0xf1: {  	[sflag:s28] =	ssyncadd.s32 $0xFFFFFD00  }
0xf2: {  	_ =	swait.ge [sflag:s28], $0x300  }
0xf3: {  	[sflag:s28] =	ssyncset.done $0x0  }
0xf4: {  	[sflag:s28] =	ssyncadd.s32 $0xFFFFFD00  }
0xf5: {  	_ =	swait.ge [sflag:s28], $0x300  }
0xf6: {  	[sflag:s28] =	ssyncset.done $0x0  }
0xf7: {  	[sflag:s28] =	ssyncadd.s32 $0xFFFFFD00  }
0xf8: {  	_ =	swait.ge [sflag:s28], $0x300  }
0xf9: {  	[sflag:s28] =	ssyncset.done $0x0  }
0xfa: {  	[sflag:s28] =	ssyncadd.s32 $0xFFFFFD00  }
0xfb: {  	_ =	swait.ge [sflag:s28], $0x300  }
0xfc: {  	[sflag:s28] =	ssyncset.done $0x0  }
0xfd: {  	[sflag:s28] =	ssyncadd.s32 $0xFFFFFD00  }
0xfe: {  	_ =	swait.ge [sflag:s28], $0x300  }
0xff: {  	[sflag:s28] =	ssyncset.done $0x0  }
0x100: {  	[sflag:s28] =	ssyncadd.s32 $0xFFFFFD00  }
0x101: {  	_ =	swait.ge [sflag:s29], $0x300  }
0x102: {  	[sflag:s29] =	ssyncset.done $0x0  }
0x103: {  	[sflag:s29] =	ssyncadd.s32 $0xFFFFFD00  }
0x104: {  	_ =	swait.ge [sflag:s29], $0x300  }
0x105: {  	[sflag:s29] =	ssyncset.done $0x0  }
0x106: {  	[sflag:s29] =	ssyncadd.s32 $0xFFFFFD00  }
0x107: {  	_ =	swait.ge [sflag:s29], $0x300  }
0x108: {  	[sflag:s29] =	ssyncset.done $0x0  }
0x109: {  	[sflag:s29] =	ssyncadd.s32 $0xFFFFFD00  }
0x10a: {  	_ =	swait.ge [sflag:s29], $0x300  }
0x10b: {  	[sflag:s29] =	ssyncset.done $0x0  }
0x10c: {  	[sflag:s29] =	ssyncadd.s32 $0xFFFFFD00  }
0x10d: {  	_ =	swait.ge [sflag:s29], $0x300  }
0x10e: {  	[sflag:s29] =	ssyncset.done $0x0  }
0x10f: {  	[sflag:s29] =	ssyncadd.s32 $0xFFFFFD00  }
0x110: {  	_ =	swait.ge [sflag:s29], $0x300  }
0x111: {  	[sflag:s29] =	ssyncset.done $0x0  }
0x112: {  	[sflag:s29] =	ssyncadd.s32 $0xFFFFFD00  }
0x113: {  	_ =	swait.ge [sflag:s29], $0x300  }
0x114: {  	[sflag:s29] =	ssyncset.done $0x0  }
0x115: {  	[sflag:s29] =	ssyncadd.s32 $0xFFFFFD00  }
0x116: {  	_ =	swait.ge [sflag:s29], $0x300  }
0x117: {  	[sflag:s29] =	ssyncset.done $0x0  }
0x118: {  	[sflag:s29] =	ssyncadd.s32 $0xFFFFFD00  }
0x119: {  	_ =	swait.ge [sflag:s29], $0x300  }
0x11a: {  	[sflag:s29] =	ssyncset.done $0x0  }
0x11b: {  	[sflag:s29] =	ssyncadd.s32 $0xFFFFFD00  }
0x11c: {  	_ =	swait.ge [sflag:s29], $0x300  }
0x11d: {  	[sflag:s29] =	ssyncset.done $0x0  }
0x11e: {  	[sflag:s29] =	ssyncadd.s32 $0xFFFFFD00  }
0x11f: {  	_ =	swait.ge [sflag:s29], $0x300  }
0x120: {  	[sflag:s29] =	ssyncset.done $0x0  }
0x121: {  	[sflag:s29] =	ssyncadd.s32 $0xFFFFFD00  }
0x122: {  	_ =	swait.ge [sflag:s29], $0x300  }
0x123: {  	[sflag:s29] =	ssyncset.done $0x0  }
0x124: {  	[sflag:s29] =	ssyncadd.s32 $0xFFFFFD00  }
0x125: {  	_ =	swait.ge [sflag:s29], $0x300  }
0x126: {  	[sflag:s29] =	ssyncset.done $0x0  }
0x127: {  	[sflag:s29] =	ssyncadd.s32 $0xFFFFFD00  }
0x128: {  	_ =	swait.ge [sflag:s29], $0x300  }
0x129: {  	[sflag:s29] =	ssyncset.done $0x0  }
0x12a: {  	[sflag:s29] =	ssyncadd.s32 $0xFFFFFD00  }
0x12b: {  	_ =	swait.ge [sflag:s29], $0x300  }
0x12c: {  	[sflag:s29] =	ssyncset.done $0x0  }
0x12d: {  	[sflag:s29] =	ssyncadd.s32 $0xFFFFFD00  }
0x12e: {  	_ =	swait.ge [sflag:s29], $0x300  }
0x12f: {  	[sflag:s29] =	ssyncset.done $0x0  }
0x130: {  	[sflag:s29] =	ssyncadd.s32 $0xFFFFFD00  }
0x131: {  	_ =	swait.ge [sflag:s30], $0x300  }
0x132: {  	[sflag:s30] =	ssyncset.done $0x0  }
0x133: {  	[sflag:s30] =	ssyncadd.s32 $0xFFFFFD00  }
0x134: {  	_ =	swait.ge [sflag:s30], $0x300  }
0x135: {  	[sflag:s30] =	ssyncset.done $0x0  }
0x136: {  	[sflag:s30] =	ssyncadd.s32 $0xFFFFFD00  }
0x137: {  	_ =	swait.ge [sflag:s30], $0x300  }
0x138: {  	[sflag:s30] =	ssyncset.done $0x0  }
0x139: {  	[sflag:s30] =	ssyncadd.s32 $0xFFFFFD00  }
0x13a: {  	_ =	swait.ge [sflag:s30], $0x300  }
0x13b: {  	[sflag:s30] =	ssyncset.done $0x0  }
0x13c: {  	[sflag:s30] =	ssyncadd.s32 $0xFFFFFD00  }
0x13d: {  	_ =	swait.ge [sflag:s30], $0x300  }
0x13e: {  	[sflag:s30] =	ssyncset.done $0x0  }
0x13f: {  	[sflag:s30] =	ssyncadd.s32 $0xFFFFFD00  }
0x140: {  	_ =	swait.ge [sflag:s30], $0x300  }
0x141: {  	[sflag:s30] =	ssyncset.done $0x0  }
0x142: {  	[sflag:s30] =	ssyncadd.s32 $0xFFFFFD00  }
0x143: {  	_ =	swait.ge [sflag:s30], $0x300  }
0x144: {  	[sflag:s30] =	ssyncset.done $0x0  }
0x145: {  	[sflag:s30] =	ssyncadd.s32 $0xFFFFFD00  }
0x146: {  	_ =	swait.ge [sflag:s30], $0x300  }
0x147: {  	[sflag:s30] =	ssyncset.done $0x0  }
0x148: {  	[sflag:s30] =	ssyncadd.s32 $0xFFFFFD00  }
0x149: {  	_ =	swait.ge [sflag:s30], $0x300  }
0x14a: {  	[sflag:s30] =	ssyncset.done $0x0  }
0x14b: {  	[sflag:s30] =	ssyncadd.s32 $0xFFFFFD00  }
0x14c: {  	_ =	swait.ge [sflag:s30], $0x300  }
0x14d: {  	[sflag:s30] =	ssyncset.done $0x0  }
0x14e: {  	[sflag:s30] =	ssyncadd.s32 $0xFFFFFD00  }
0x14f: {  	_ =	swait.ge [sflag:s30], $0x300  }
0x150: {  	[sflag:s30] =	ssyncset.done $0x0  }
0x151: {  	[sflag:s30] =	ssyncadd.s32 $0xFFFFFD00  }
0x152: {  	_ =	swait.ge [sflag:s30], $0x300  }
0x153: {  	[sflag:s30] =	ssyncset.done $0x0  }
0x154: {  	[sflag:s30] =	ssyncadd.s32 $0xFFFFFD00  }
0x155: {  	_ =	swait.ge [sflag:s30], $0x300  }
0x156: {  	[sflag:s30] =	ssyncset.done $0x0  }
0x157: {  	[sflag:s30] =	ssyncadd.s32 $0xFFFFFD00  }
0x158: {  	_ =	swait.ge [sflag:s30], $0x300  }
0x159: {  	[sflag:s30] =	ssyncset.done $0x0  }
0x15a: {  	[sflag:s30] =	ssyncadd.s32 $0xFFFFFD00  }
0x15b: {  	_ =	swait.ge [sflag:s30], $0x300  }
0x15c: {  	[sflag:s30] =	ssyncset.done $0x0  }
0x15d: {  	[sflag:s30] =	ssyncadd.s32 $0xFFFFFD00  }
0x15e: {  	_ =	swait.ge [sflag:s30], $0x300  }
0x15f: {  	[sflag:s30] =	ssyncset.done $0x0  }
0x160: {  	[sflag:s30] =	ssyncadd.s32 $0xFFFFFD00  }
0x161: {  	_ =	swait.ge [sflag:s31], $0x300  }
0x162: {  	[sflag:s31] =	ssyncset.done $0x0  }
0x163: {  	[sflag:s31] =	ssyncadd.s32 $0xFFFFFD00  }
0x164: {  	_ =	swait.ge [sflag:s31], $0x300  }
0x165: {  	[sflag:s31] =	ssyncset.done $0x0  }
0x166: {  	[sflag:s31] =	ssyncadd.s32 $0xFFFFFD00  }
0x167: {  	_ =	swait.ge [sflag:s31], $0x300  }
0x168: {  	[sflag:s31] =	ssyncset.done $0x0  }
0x169: {  	[sflag:s31] =	ssyncadd.s32 $0xFFFFFD00  }
0x16a: {  	_ =	swait.ge [sflag:s31], $0x300  }
0x16b: {  	[sflag:s31] =	ssyncset.done $0x0  }
0x16c: {  	[sflag:s31] =	ssyncadd.s32 $0xFFFFFD00  }
0x16d: {  	_ =	swait.ge [sflag:s31], $0x300  }
0x16e: {  	[sflag:s31] =	ssyncset.done $0x0  }
0x16f: {  	[sflag:s31] =	ssyncadd.s32 $0xFFFFFD00  }
0x170: {  	_ =	swait.ge [sflag:s31], $0x300  }
0x171: {  	[sflag:s31] =	ssyncset.done $0x0  }
0x172: {  	[sflag:s31] =	ssyncadd.s32 $0xFFFFFD00  }
0x173: {  	_ =	swait.ge [sflag:s31], $0x300  }
0x174: {  	[sflag:s31] =	ssyncset.done $0x0  }
0x175: {  	[sflag:s31] =	ssyncadd.s32 $0xFFFFFD00  }
0x176: {  	_ =	swait.ge [sflag:s31], $0x300  }
0x177: {  	[sflag:s31] =	ssyncset.done $0x0  }
0x178: {  	[sflag:s31] =	ssyncadd.s32 $0xFFFFFD00  }
0x179: {  	_ =	swait.ge [sflag:s31], $0x300  }
0x17a: {  	[sflag:s31] =	ssyncset.done $0x0  }
0x17b: {  	[sflag:s31] =	ssyncadd.s32 $0xFFFFFD00  }
0x17c: {  	_ =	swait.ge [sflag:s31], $0x300  }
0x17d: {  	[sflag:s31] =	ssyncset.done $0x0  }
0x17e: {  	[sflag:s31] =	ssyncadd.s32 $0xFFFFFD00  }
0x17f: {  	_ =	swait.ge [sflag:s31], $0x300  }
0x180: {  	[sflag:s31] =	ssyncset.done $0x0  }
0x181: {  	[sflag:s31] =	ssyncadd.s32 $0xFFFFFD00  }
0x182: {  	_ =	swait.ge [sflag:s31], $0x300  }
0x183: {  	[sflag:s31] =	ssyncset.done $0x0  }
0x184: {  	[sflag:s31] =	ssyncadd.s32 $0xFFFFFD00  }
0x185: {  	_ =	swait.ge [sflag:s31], $0x300  }
0x186: {  	[sflag:s31] =	ssyncset.done $0x0  }
0x187: {  	[sflag:s31] =	ssyncadd.s32 $0xFFFFFD00  }
0x188: {  	_ =	swait.ge [sflag:s31], $0x300  }
0x189: {  	[sflag:s31] =	ssyncset.done $0x0  }
0x18a: {  	[sflag:s31] =	ssyncadd.s32 $0xFFFFFD00  }
0x18b: {  	_ =	swait.ge [sflag:s31], $0x300  }
0x18c: {  	[sflag:s31] =	ssyncset.done $0x0  }
0x18d: {  	[sflag:s31] =	ssyncadd.s32 $0xFFFFFD00  }
0x18e: {  	_ =	swait.ge [sflag:s31], $0x300  }
0x18f: {  	s4 =	rddreg [dreg:$0x9]  }
0x190: {  	s26 =	rddreg [dreg:$0x4];
	s4 =	sadd.s32 $0x1, s4  }
0x191: {  	p0 =	sne.s32 s4, s26  }
.Ltmp1:
0x192: {  	_ = 	snop;
	(pc) =	sbr.rel @!p0 .LBB2_97-.Ltmp1, $3  }
0x193: {  	_ =	sdelay $0x1  }
0x194: {  	[sflag:s31] =	ssyncset.done $0x0  }
0x195: {  	[sflag:s31] =	ssyncadd.s32 $0xFFFFFD00  }
.LBB2_1:
0x196: {  	s5 =	rddreg [dreg:$0x5]  }
0x197: {  	s0 =	sshrl.u32 s5, $0x3  }
0x198: {  	s25 =	simm.s32 $0x0;
	s24 =	smul.u32 $0x1800, s0  }
0x199: {  	[dreg:$0x9] =	wrdreg s4;
	s0 =	sand.u32 $0x380, s25  }
0x19a: {  	s26 =	simm.s32 $0x80;
	s7 =	sadd.s32 $0x1, s5;
	s0 =	sor.u32 s0, s24  }
0x19b: {  	s5 =	sshrl.u32 s7, $0x3;
	[dreg:$0xb] =	wrdreg s7;
	s4 =	sshrl.u32 s0, $0x3  }
0x19c: {  	s5 =	smul.u32 $0x1800, s5;
	s0 =	simm.s32 $0x18000;
	s4 =	sadd.s32 s2, s4  }
0x19d: {  	[tilespmem:s0], [sflag:$0x9] =	stream.strided.gather [hbm4b:s4+s11], $0x300, s12, s11, $0x38;
	[tilespmem:$0x1E000] =	vst v63  }
0x19e: {  	[dreg:$0xa] =	wrdreg s24;
	s4 =	sand.u32 $0x380, s26  }
0x19f: {  	[dreg:$0xc] =	wrdreg s5;
	s5 =	sor.u32 s4, s5  }
0x1a0: {  	s4 =	simm.s32 $0x100;
	s6 =	sshrl.u32 s5, $0x3;
	s5 =	sadd.s32 $0x1, s7  }
.LBB2_2:
0x1a1: {  	s7 =	sshrl.u32 s5, $0x3;
	s6 =	sadd.s32 s2, s6  }
0x1a2: {  	s0 =	sadd.s32 $0x300, s0;
	s8 =	smov.u32 s4;
	p0 =	sne.s32 s4, $0x780  }
0x1a3: {  	[tilespmem:s0], [sflag:$0x9] =	stream.strided.gather [hbm4b:s6+s11], $0x300, s12, s11, $0x38;
	[tilespmem:$0x1E000] =	vst v63  }
.Ltmp2:
0x1a4: {  	_ = 	snop;
	(pc) =	sbr.rel @p0 .LBB2_2-.Ltmp2, $4  }
0x1a5: {  	s4 =	sadd.s32 $0x80, s4;
	s6 =	smul.u32 $0x1800, s7  }
0x1a6: {  	s7 =	sand.u32 $0x380, s8  }
0x1a7: {  	s6 =	sor.u32 s7, s6  }
0x1a8: {  	s5 =	sadd.s32 $0x1, s5;
	s6 =	sshrl.u32 s6, $0x3  }
0x1a9: {  	s4 =	sadd.s32 s2, s6;
	s0 =	sadd.s32 $0x300, s0  }
0x1aa: {  	[tilespmem:s0], [sflag:$0x9] =	stream.strided.gather [hbm4b:s4+s11], $0x300, s12, s11, $0x38;
	[tilespmem:$0x1E000] =	vst v63  }
0x1ab: {  	s0 =	simm.s32 $0x0  }
0x1ac: {  	s5 =	rddreg [dreg:$0xa];
	s25 =	sand.u32 $0x380, s0  }
0x1ad: {  	s4 =	sor.u32 s25, s5  }
0x1ae: {  	s5 =	sadd.s32 $0x3000, s4  }
0x1af: {  	s6 =	simm.s32 $0x1B000;
	s5 =	sshrl.u32 s5, $0x3  }
0x1b0: {  	s7 =	simm.s32 $0x80;
	s8 =	rddreg [dreg:$0xc];
	s5 =	sadd.s32 s2, s5  }
0x1b1: {  	[tilespmem:s6], [sflag:$0xA] =	stream.strided.gather [hbm4b:s5+s11], $0x300, s12, s11, $0x38;
	[tilespmem:$0x1E000] =	vst v63  }
0x1b2: {  	s26 =	rddreg [dreg:$0xb];
	s5 =	sand.u32 $0x380, s7  }
0x1b3: {  	s7 =	simm.s32 $0x100;
	s9 =	sor.u32 s5, s8;
	s8 =	sadd.s32 $0x1, s26  }
.LBB2_4:
0x1b4: {  	s10 =	sshrl.u32 s8, $0x3;
	s9 =	sadd.s32 $0x3000, s9  }
0x1b5: {  	s23 =	smov.u32 s7;
	p0 =	sne.s32 s7, $0x780;
	s10 =	smul.u32 $0x1800, s10  }
.Ltmp3:
0x1b6: {  	s6 =	sadd.s32 $0x300, s6;
	s9 =	sshrl.u32 s9, $0x3;
	(pc) =	sbr.rel @p0 .LBB2_4-.Ltmp3, $4  }
0x1b7: {  	s7 =	sadd.s32 $0x80, s7;
	s9 =	sadd.s32 s2, s9  }
0x1b8: {  	[tilespmem:s6], [sflag:$0xA] =	stream.strided.gather [hbm4b:s9+s11], $0x300, s12, s11, $0x38;
	[tilespmem:$0x1E000] =	vst v63  }
0x1b9: {  	s9 =	sand.u32 $0x380, s23  }
0x1ba: {  	s8 =	sadd.s32 $0x1, s8;
	s9 =	sor.u32 s9, s10  }
0x1bb: {  	s7 =	sadd.s32 $0x3000, s9  }
0x1bc: {  	s6 =	sadd.s32 $0x300, s6;
	s7 =	sshrl.u32 s7, $0x3  }
0x1bd: {  	s4 =	sshrl.u32 s4, $0x3;
	s25 =	rddreg [dreg:$0xc];
	s7 =	sadd.s32 s2, s7  }
0x1be: {  	[tilespmem:s6], [sflag:$0xA] =	stream.strided.gather [hbm4b:s7+s11], $0x300, s12, s11, $0x38;
	[tilespmem:$0x1E000] =	vst v63  }
0x1bf: {  	s26 =	rddreg [dreg:$0xb];
	s4 =	sadd.s32 s1, s4;
	s5 =	sor.u32 s5, s25  }
0x1c0: {  	[tilespmem:s0], [sflag:$0x1] =	stream.strided.gather [hbm4b:s4+s11], $0x300, s12, s11, $0x38;
	[tilespmem:$0x1E000] =	vst v63  }
0x1c1: {  	s6 =	sshrl.u32 s5, $0x3;
	s5 =	sadd.s32 $0x1, s26;
	s4 =	simm.s32 $0x100  }
.LBB2_6:
0x1c2: {  	s7 =	sshrl.u32 s5, $0x3;
	s6 =	sadd.s32 s1, s6  }
0x1c3: {  	s0 =	sadd.s32 $0x300, s0;
	s8 =	smov.u32 s4;
	p0 =	sne.s32 s4, $0x780  }
0x1c4: {  	[tilespmem:s0], [sflag:$0x1] =	stream.strided.gather [hbm4b:s6+s11], $0x300, s12, s11, $0x38;
	[tilespmem:$0x1E000] =	vst v63  }
.Ltmp4:
0x1c5: {  	_ = 	snop;
	(pc) =	sbr.rel @p0 .LBB2_6-.Ltmp4, $4  }
0x1c6: {  	s4 =	sadd.s32 $0x80, s4;
	s6 =	smul.u32 $0x1800, s7  }
0x1c7: {  	s7 =	sand.u32 $0x380, s8  }
0x1c8: {  	s6 =	sor.u32 s7, s6  }
0x1c9: {  	s5 =	sadd.s32 $0x1, s5;
	s6 =	sshrl.u32 s6, $0x3  }
0x1ca: {  	s4 =	sadd.s32 s1, s6;
	s0 =	sadd.s32 $0x300, s0;
	s23 =	simm.s32 $0x0  }
0x1cb: {  	[tilespmem:s0], [sflag:$0x1] =	stream.strided.gather [hbm4b:s4+s11], $0x300, s12, s11, $0x38;
	[tilespmem:$0x1E000] =	vst v63  }
0x1cc: {  	s24 =	rddreg [dreg:$0xa];
	s0 =	sand.u32 $0x380, s23  }
0x1cd: {  	s0 =	sor.u32 s0, s24  }
0x1ce: {  	s4 =	sadd.s32 $0x600000, s0  }
0x1cf: {  	s5 =	simm.s32 $0x3000;
	s4 =	sshrl.u32 s4, $0x3  }
0x1d0: {  	s25 =	simm.s32 $0x80;
	s7 =	rddreg [dreg:$0xc];
	s4 =	sadd.s32 s1, s4  }
0x1d1: {  	[tilespmem:s5], [sflag:$0x2] =	stream.strided.gather [hbm4b:s4+s11], $0x300, s12, s11, $0x38;
	[tilespmem:$0x1E000] =	vst v63  }
0x1d2: {  	s26 =	rddreg [dreg:$0xb];
	s4 =	sand.u32 $0x380, s25  }
0x1d3: {  	s6 =	simm.s32 $0x100;
	s8 =	sor.u32 s4, s7;
	s7 =	sadd.s32 $0x1, s26  }
.LBB2_8:
0x1d4: {  	s9 =	sshrl.u32 s7, $0x3;
	s8 =	sadd.s32 $0x600000, s8  }
0x1d5: {  	s10 =	smov.u32 s6;
	p0 =	sne.s32 s6, $0x780;
	s9 =	smul.u32 $0x1800, s9  }
.Ltmp5:
0x1d6: {  	s5 =	sadd.s32 $0x300, s5;
	s8 =	sshrl.u32 s8, $0x3;
	(pc) =	sbr.rel @p0 .LBB2_8-.Ltmp5, $4  }
0x1d7: {  	s6 =	sadd.s32 $0x80, s6;
	s8 =	sadd.s32 s1, s8  }
0x1d8: {  	[tilespmem:s5], [sflag:$0x2] =	stream.strided.gather [hbm4b:s8+s11], $0x300, s12, s11, $0x38;
	[tilespmem:$0x1E000] =	vst v63  }
0x1d9: {  	s8 =	sand.u32 $0x380, s10  }
0x1da: {  	s7 =	sadd.s32 $0x1, s7;
	s8 =	sor.u32 s8, s9  }
0x1db: {  	s6 =	sadd.s32 $0x600000, s8  }
0x1dc: {  	s5 =	sadd.s32 $0x300, s5;
	s0 =	sadd.s32 $0xC00000, s0;
	s6 =	sshrl.u32 s6, $0x3  }
0x1dd: {  	s25 =	rddreg [dreg:$0xc];
	s24 =	sshrl.u32 s0, $0x3;
	s6 =	sadd.s32 s1, s6  }
0x1de: {  	[tilespmem:s5], [sflag:$0x2] =	stream.strided.gather [hbm4b:s6+s11], $0x300, s12, s11, $0x38;
	[tilespmem:$0x1E000] =	vst v63  }
0x1df: {  	s26 =	rddreg [dreg:$0xb];
	s0 =	simm.s32 $0x6000;
	s5 =	sadd.s32 s1, s24  }
0x1e0: {  	[tilespmem:s0], [sflag:$0x3] =	stream.strided.gather [hbm4b:s5+s11], $0x300, s12, s11, $0x38;
	[tilespmem:$0x1E000] =	vst v63  }
0x1e1: {  	s6 =	sor.u32 s4, s25;
	s4 =	sadd.s32 $0x1, s26;
	s5 =	simm.s32 $0x100  }
.LBB2_10:
0x1e2: {  	s7 =	sshrl.u32 s4, $0x3;
	s6 =	sadd.s32 $0xC00000, s6  }
0x1e3: {  	s8 =	smov.u32 s5;
	p0 =	sne.s32 s5, $0x780;
	s7 =	smul.u32 $0x1800, s7  }
.Ltmp6:
0x1e4: {  	s0 =	sadd.s32 $0x300, s0;
	s6 =	sshrl.u32 s6, $0x3;
	(pc) =	sbr.rel @p0 .LBB2_10-.Ltmp6, $4  }
0x1e5: {  	s5 =	sadd.s32 $0x80, s5;
	s6 =	sadd.s32 s1, s6  }
0x1e6: {  	[tilespmem:s0], [sflag:$0x3] =	stream.strided.gather [hbm4b:s6+s11], $0x300, s12, s11, $0x38;
	[tilespmem:$0x1E000] =	vst v63  }
0x1e7: {  	s6 =	sand.u32 $0x380, s8  }
0x1e8: {  	s4 =	sadd.s32 $0x1, s4;
	s6 =	sor.u32 s6, s7  }
0x1e9: {  	s4 =	sadd.s32 $0xC00000, s6  }
0x1ea: {  	s0 =	sadd.s32 $0x300, s0;
	s8 =	simm.s32 $0x0;
	s4 =	sshrl.u32 s4, $0x3  }
0x1eb: {  	s23 =	rddreg [dreg:$0xa];
	s10 =	sand.u32 $0x380, s8;
	s4 =	sadd.s32 s1, s4  }
0x1ec: {  	[tilespmem:s0], [sflag:$0x3] =	stream.strided.gather [hbm4b:s4+s11], $0x300, s12, s11, $0x38;
	[tilespmem:$0x1E000] =	vst v63  }
0x1ed: {  	s25 =	rddreg [dreg:$0xc];
	s0 =	sor.u32 s10, s23  }
0x1ee: {  	s9 =	simm.s32 $0x0;
	s26 =	rddreg [dreg:$0xb];
	s0 =	sadd.s32 $0x1200000, s0  }
0x1ef: {  	s5 =	simm.s32 $0x80;
	[dreg:$0xd] =	wrdreg s9;
	s24 =	sshrl.u32 s0, $0x3  }
0x1f0: {  	s5 =	sand.u32 $0x380, s5;
	s0 =	simm.s32 $0x9000;
	s4 =	sadd.s32 s1, s24  }
0x1f1: {  	[tilespmem:s0], [sflag:$0x4] =	stream.strided.gather [hbm4b:s4+s11], $0x300, s12, s11, $0x38;
	[tilespmem:$0x1E000] =	vst v63  }
0x1f2: {  	s6 =	sor.u32 s5, s25;
	s5 =	sadd.s32 $0x1, s26;
	s4 =	simm.s32 $0x100  }
.LBB2_12:
0x1f3: {  	s7 =	sshrl.u32 s5, $0x3;
	s6 =	sadd.s32 $0x1200000, s6  }
0x1f4: {  	s8 =	smov.u32 s4;
	p0 =	sne.s32 s4, $0x780;
	s7 =	smul.u32 $0x1800, s7  }
.Ltmp7:
0x1f5: {  	s0 =	sadd.s32 $0x300, s0;
	s6 =	sshrl.u32 s6, $0x3;
	(pc) =	sbr.rel @p0 .LBB2_12-.Ltmp7, $4  }
0x1f6: {  	s4 =	sadd.s32 $0x80, s4;
	s6 =	sadd.s32 s1, s6  }
0x1f7: {  	[tilespmem:s0], [sflag:$0x4] =	stream.strided.gather [hbm4b:s6+s11], $0x300, s12, s11, $0x38;
	[tilespmem:$0x1E000] =	vst v63  }
0x1f8: {  	s6 =	sand.u32 $0x380, s8  }
0x1f9: {  	s5 =	sadd.s32 $0x1, s5;
	s6 =	sor.u32 s6, s7  }
.Ltmp8:
0x1fa: {  	s24 =	rddreg [dreg:$0x8];
	(pc) =	sbr.rel .LBB2_14-.Ltmp8, $4  }
0x1fb: {  	s4 =	sadd.s32 $0x1200000, s6;
	s25 =	rddreg [dreg:$0x7]  }
0x1fc: {  	s7 =	rddreg [dreg:$0x6];
	s4 =	sshrl.u32 s4, $0x3  }
0x1fd: {  	s0 =	sadd.s32 $0x300, s0;
	s9 =	rddreg [dreg:$0x5];
	s4 =	sadd.s32 s1, s4  }
0x1fe: {  	[tilespmem:s0], [sflag:$0x4] =	stream.strided.gather [hbm4b:s4+s11], $0x300, s12, s11, $0x38;
	[tilespmem:$0x1E000] =	vst v63  }
.LBB2_95:
0x1ff: {  	s0 =	rddreg [dreg:$0xd]  }
0x200: {  	s0 =	sadd.s32 $0x1, s0  }
0x201: {  	p0 =	sne.s32 s0, $0x8  }
.Ltmp9:
0x202: {  	_ = 	snop;
	(pc) =	sbr.rel @!p0 .LBB2_96-.Ltmp9, $3  }
0x203: {  	_ =	sdelay $0x1  }
0x204: {  	s9 =	rddreg [dreg:$0x10];
	s7 =	sadd.s32 $0x20, s7;
	s25 =	sadd.s32 $0x20, s25  }
0x205: {  	s24 =	sadd.s32 $0x20, s24;
	s9 =	sadd.s32 $0x20, s9;
	[dreg:$0xd] =	wrdreg s0  }
.LBB2_14:
0x206: {  	[dreg:$0xf] =	wrdreg s25  }
0x207: {  	[dreg:$0xe] =	wrdreg s24  }
0x208: {  	_ =	swait.ge [sflag:s13], $0x300  }
0x209: {  	[sflag:s13] =	ssyncset.done $0x0  }
0x20a: {  	[sflag:s13] =	ssyncadd.s32 $0xFFFFFD00  }
0x20b: {  	_ =	swait.ge [sflag:s13], $0x300  }
0x20c: {  	[sflag:s13] =	ssyncset.done $0x0  }
0x20d: {  	[sflag:s13] =	ssyncadd.s32 $0xFFFFFD00  }
0x20e: {  	_ =	swait.ge [sflag:s13], $0x300  }
0x20f: {  	[sflag:s13] =	ssyncset.done $0x0  }
0x210: {  	[sflag:s13] =	ssyncadd.s32 $0xFFFFFD00  }
0x211: {  	_ =	swait.ge [sflag:s13], $0x300  }
0x212: {  	[sflag:s13] =	ssyncset.done $0x0  }
0x213: {  	[sflag:s13] =	ssyncadd.s32 $0xFFFFFD00  }
0x214: {  	_ =	swait.ge [sflag:s13], $0x300  }
0x215: {  	[sflag:s13] =	ssyncset.done $0x0  }
0x216: {  	[sflag:s13] =	ssyncadd.s32 $0xFFFFFD00  }
0x217: {  	_ =	swait.ge [sflag:s13], $0x300  }
0x218: {  	[sflag:s13] =	ssyncset.done $0x0  }
0x219: {  	[sflag:s13] =	ssyncadd.s32 $0xFFFFFD00  }
0x21a: {  	_ =	swait.ge [sflag:s13], $0x300  }
0x21b: {  	[sflag:s13] =	ssyncset.done $0x0  }
0x21c: {  	[sflag:s13] =	ssyncadd.s32 $0xFFFFFD00  }
0x21d: {  	_ =	swait.ge [sflag:s13], $0x300  }
0x21e: {  	[sflag:s13] =	ssyncset.done $0x0  }
0x21f: {  	[sflag:s13] =	ssyncadd.s32 $0xFFFFFD00  }
0x220: {  	_ =	swait.ge [sflag:s13], $0x300  }
0x221: {  	[sflag:s13] =	ssyncset.done $0x0  }
0x222: {  	[sflag:s13] =	ssyncadd.s32 $0xFFFFFD00  }
0x223: {  	_ =	swait.ge [sflag:s13], $0x300  }
0x224: {  	[sflag:s13] =	ssyncset.done $0x0  }
0x225: {  	[sflag:s13] =	ssyncadd.s32 $0xFFFFFD00  }
0x226: {  	_ =	swait.ge [sflag:s13], $0x300  }
0x227: {  	[sflag:s13] =	ssyncset.done $0x0  }
0x228: {  	[sflag:s13] =	ssyncadd.s32 $0xFFFFFD00  }
0x229: {  	_ =	swait.ge [sflag:s13], $0x300  }
0x22a: {  	[sflag:s13] =	ssyncset.done $0x0  }
0x22b: {  	[sflag:s13] =	ssyncadd.s32 $0xFFFFFD00  }
0x22c: {  	_ =	swait.ge [sflag:s13], $0x300  }
0x22d: {  	[sflag:s13] =	ssyncset.done $0x0  }
0x22e: {  	[sflag:s13] =	ssyncadd.s32 $0xFFFFFD00  }
0x22f: {  	_ =	swait.ge [sflag:s13], $0x300  }
0x230: {  	[sflag:s13] =	ssyncset.done $0x0  }
0x231: {  	[sflag:s13] =	ssyncadd.s32 $0xFFFFFD00  }
0x232: {  	_ =	swait.ge [sflag:s13], $0x300  }
0x233: {  	[sflag:s13] =	ssyncset.done $0x0  }
0x234: {  	[sflag:s13] =	ssyncadd.s32 $0xFFFFFD00  }
0x235: {  	_ =	swait.ge [sflag:s13], $0x300  }
0x236: {  	[sflag:s13] =	ssyncset.done $0x0  }
0x237: {  	[sflag:s13] =	ssyncadd.s32 $0xFFFFFD00  }
0x238: {  	_ =	swait.ge [sflag:s14], $0x300  }
0x239: {  	[sflag:s14] =	ssyncset.done $0x0  }
0x23a: {  	[sflag:s14] =	ssyncadd.s32 $0xFFFFFD00  }
0x23b: {  	_ =	swait.ge [sflag:s14], $0x300  }
0x23c: {  	[sflag:s14] =	ssyncset.done $0x0  }
0x23d: {  	[sflag:s14] =	ssyncadd.s32 $0xFFFFFD00  }
0x23e: {  	_ =	swait.ge [sflag:s14], $0x300  }
0x23f: {  	[sflag:s14] =	ssyncset.done $0x0  }
0x240: {  	[sflag:s14] =	ssyncadd.s32 $0xFFFFFD00  }
0x241: {  	_ =	swait.ge [sflag:s14], $0x300  }
0x242: {  	[sflag:s14] =	ssyncset.done $0x0  }
0x243: {  	[sflag:s14] =	ssyncadd.s32 $0xFFFFFD00  }
0x244: {  	_ =	swait.ge [sflag:s14], $0x300  }
0x245: {  	[sflag:s14] =	ssyncset.done $0x0  }
0x246: {  	[sflag:s14] =	ssyncadd.s32 $0xFFFFFD00  }
0x247: {  	_ =	swait.ge [sflag:s14], $0x300  }
0x248: {  	[sflag:s14] =	ssyncset.done $0x0  }
0x249: {  	[sflag:s14] =	ssyncadd.s32 $0xFFFFFD00  }
0x24a: {  	_ =	swait.ge [sflag:s14], $0x300  }
0x24b: {  	[sflag:s14] =	ssyncset.done $0x0  }
0x24c: {  	[sflag:s14] =	ssyncadd.s32 $0xFFFFFD00  }
0x24d: {  	_ =	swait.ge [sflag:s14], $0x300  }
0x24e: {  	[sflag:s14] =	ssyncset.done $0x0  }
0x24f: {  	[sflag:s14] =	ssyncadd.s32 $0xFFFFFD00  }
0x250: {  	_ =	swait.ge [sflag:s14], $0x300  }
0x251: {  	[sflag:s14] =	ssyncset.done $0x0  }
0x252: {  	[sflag:s14] =	ssyncadd.s32 $0xFFFFFD00  }
0x253: {  	_ =	swait.ge [sflag:s14], $0x300  }
0x254: {  	[sflag:s14] =	ssyncset.done $0x0  }
0x255: {  	[sflag:s14] =	ssyncadd.s32 $0xFFFFFD00  }
0x256: {  	_ =	swait.ge [sflag:s14], $0x300  }
0x257: {  	[sflag:s14] =	ssyncset.done $0x0  }
0x258: {  	[sflag:s14] =	ssyncadd.s32 $0xFFFFFD00  }
0x259: {  	_ =	swait.ge [sflag:s14], $0x300  }
0x25a: {  	[sflag:s14] =	ssyncset.done $0x0  }
0x25b: {  	[sflag:s14] =	ssyncadd.s32 $0xFFFFFD00  }
0x25c: {  	_ =	swait.ge [sflag:s14], $0x300  }
0x25d: {  	[sflag:s14] =	ssyncset.done $0x0  }
0x25e: {  	[sflag:s14] =	ssyncadd.s32 $0xFFFFFD00  }
0x25f: {  	_ =	swait.ge [sflag:s14], $0x300  }
0x260: {  	[sflag:s14] =	ssyncset.done $0x0  }
0x261: {  	[sflag:s14] =	ssyncadd.s32 $0xFFFFFD00  }
0x262: {  	_ =	swait.ge [sflag:s14], $0x300  }
0x263: {  	[sflag:s14] =	ssyncset.done $0x0  }
0x264: {  	[sflag:s14] =	ssyncadd.s32 $0xFFFFFD00  }
0x265: {  	_ =	swait.ge [sflag:s14], $0x300  }
0x266: {  	[sflag:s14] =	ssyncset.done $0x0  }
0x267: {  	s6 =	simm.s32 $0x0;
	[sflag:s14] =	ssyncadd.s32 $0xFFFFFD00  }
0x268: {  	v0 =	vld [tilespmem:s6+$0x18070]  }
0x269: {  	v1 =	vld [tilespmem:s6+$0x18000]  }
0x26a: {  	v2 =	vld [tilespmem:s6+$0x18010]  }
0x26b: {  	v3 =	vld [tilespmem:s6+$0x18020]  }
0x26c: {  	v4 =	vld [tilespmem:s6+$0x18030]  }
0x26d: {  	v5 =	vld [tilespmem:s6+$0x18040]  }
0x26e: {  	v6 =	vld [tilespmem:s6+$0x18050]  }
0x26f: {  	[tilespmem:s6+$0x70] =	vst.add.f32.msk $0xffff, v0  }
0x270: {  	v0 =	vld [tilespmem:s6+$0x18060]  }
0x271: {  	[tilespmem:s6+$0x0] =	vst.add.f32.msk $0xffff, v1  }
0x272: {  	[tilespmem:s6+$0x10] =	vst.add.f32.msk $0xffff, v2  }
0x273: {  	[tilespmem:s6+$0x20] =	vst.add.f32.msk $0xffff, v3  }
0x274: {  	[tilespmem:s6+$0x30] =	vst.add.f32.msk $0xffff, v4  }
0x275: {  	[tilespmem:s6+$0x40] =	vst.add.f32.msk $0xffff, v5  }
0x276: {  	s0 =	simm.s32 $0x0;
	s4 =	simm.s32 $0x0;
	s5 =	simm.s32 $0x200;
	[tilespmem:s6+$0x50] =	vst.add.f32.msk $0xffff, v6  }
.LBB2_15:
0x277: {  	s4 =	sadd.s32 $0x8, s4;
	[tilespmem:s6+$0x60] =	vst.add.f32.msk $0xffff, v0;
	s6 =	sshra.s32 s5, $0x2  }
0x278: {  	v0 =	vld [tilespmem:s6+$0x18070];
	p0 =	slt.u32 s4, $0x2F8  }
0x279: {  	v1 =	vld [tilespmem:s6+$0x18000]  }
0x27a: {  	v2 =	vld [tilespmem:s6+$0x18010]  }
0x27b: {  	v3 =	vld [tilespmem:s6+$0x18020]  }
0x27c: {  	v4 =	vld [tilespmem:s6+$0x18030]  }
0x27d: {  	[tilespmem:s6+$0x70] =	vst.add.f32.msk $0xffff, v0  }
0x27e: {  	v5 =	vld [tilespmem:s6+$0x18040]  }
0x27f: {  	v6 =	vld [tilespmem:s6+$0x18050]  }
0x280: {  	v0 =	vld [tilespmem:s6+$0x18060]  }
0x281: {  	[tilespmem:s6+$0x0] =	vst.add.f32.msk $0xffff, v1  }
.Ltmp10:
0x282: {  	[tilespmem:s6+$0x10] =	vst.add.f32.msk $0xffff, v2;
	(pc) =	sbr.rel @p0 .LBB2_15-.Ltmp10, $4  }
0x283: {  	[tilespmem:s6+$0x20] =	vst.add.f32.msk $0xffff, v3  }
0x284: {  	[tilespmem:s6+$0x30] =	vst.add.f32.msk $0xffff, v4  }
0x285: {  	[tilespmem:s6+$0x40] =	vst.add.f32.msk $0xffff, v5  }
0x286: {  	s5 =	sadd.s32 $0x200, s5;
	[tilespmem:s6+$0x50] =	vst.add.f32.msk $0xffff, v6  }
0x287: {  	s5 =	sshrl.u32 s9, $0x3  }
0x288: {  	s10 =	smul.u32 $0x1800, s5  }
0x289: {  	s4 =	sand.u32 $0x380, s0  }
0x28a: {  	s4 =	sor.u32 s4, s10  }
0x28b: {  	s8 =	sshrl.u32 s4, $0x3;
	s4 =	sadd.s32 $0x1, s9  }
0x28c: {  	[tilespmem:s6+$0x60] =	vst.add.f32.msk $0xffff, v0;
	s25 =	sshrl.u32 s4, $0x3;
	s8 =	sadd.s32 s3, s8  }
0x28d: {  	[hbm4b:s8+s11] =	stream.strided.scatter [tilespmem:s0], [sflag:$0xB], $0x300, s12, s11, $0x38;
	[tilespmem:$0x1E000] =	vst v63  }
0x28e: {  	[dreg:$0x10] =	wrdreg s9;
	s26 =	simm.s32 $0x80;
	s9 =	smul.u32 $0x1800, s25  }
0x28f: {  	s8 =	sand.u32 $0x380, s26  }
0x290: {  	[dreg:$0x11] =	wrdreg s25;
	s23 =	sor.u32 s8, s9  }
0x291: {  	s8 =	simm.s32 $0x100;
	s24 =	sshrl.u32 s23, $0x3;
	s23 =	sadd.s32 $0x1, s4  }
.LBB2_17:
0x292: {  	s25 =	sshrl.u32 s23, $0x3;
	s24 =	sadd.s32 s3, s24  }
0x293: {  	s0 =	sadd.s32 $0x300, s0;
	s26 =	smov.u32 s8;
	p0 =	sne.s32 s8, $0x780  }
0x294: {  	[hbm4b:s24+s11] =	stream.strided.scatter [tilespmem:s0], [sflag:$0xB], $0x300, s12, s11, $0x38;
	[tilespmem:$0x1E000] =	vst v63  }
.Ltmp11:
0x295: {  	_ = 	snop;
	(pc) =	sbr.rel @p0 .LBB2_17-.Ltmp11, $4  }
0x296: {  	s8 =	sadd.s32 $0x80, s8;
	s24 =	smul.u32 $0x1800, s25  }
0x297: {  	s25 =	sand.u32 $0x380, s26  }
0x298: {  	s24 =	sor.u32 s25, s24  }
0x299: {  	s23 =	sadd.s32 $0x1, s23;
	s24 =	sshrl.u32 s24, $0x3  }
0x29a: {  	s26 =	rddreg [dreg:$0xd]  }
0x29b: {  	p0 =	seq.s32 s26, $0x0  }
.Ltmp12:
0x29c: {  	_ = 	snop;
	(pc) =	sbr.rel @p0 .LBB2_19-.Ltmp12, $3  }
0x29d: {  	_ =	sdelay $0x1  }
0x29e: {  	s8 =	sadd.s32 s3, s24;
	s0 =	sadd.s32 $0x300, s0  }
0x29f: {  	[hbm4b:s8+s11] =	stream.strided.scatter [tilespmem:s0], [sflag:$0xB], $0x300, s12, s11, $0x38;
	[tilespmem:$0x1E000] =	vst v63  }
0x2a0: {  	_ =	swait.ge [sflag:s28], $0x300  }
0x2a1: {  	[sflag:s28] =	ssyncset.done $0x0  }
0x2a2: {  	[sflag:s28] =	ssyncadd.s32 $0xFFFFFD00  }
0x2a3: {  	_ =	swait.ge [sflag:s28], $0x300  }
0x2a4: {  	[sflag:s28] =	ssyncset.done $0x0  }
0x2a5: {  	[sflag:s28] =	ssyncadd.s32 $0xFFFFFD00  }
0x2a6: {  	_ =	swait.ge [sflag:s28], $0x300  }
0x2a7: {  	[sflag:s28] =	ssyncset.done $0x0  }
0x2a8: {  	[sflag:s28] =	ssyncadd.s32 $0xFFFFFD00  }
0x2a9: {  	_ =	swait.ge [sflag:s28], $0x300  }
0x2aa: {  	[sflag:s28] =	ssyncset.done $0x0  }
0x2ab: {  	[sflag:s28] =	ssyncadd.s32 $0xFFFFFD00  }
0x2ac: {  	_ =	swait.ge [sflag:s28], $0x300  }
0x2ad: {  	[sflag:s28] =	ssyncset.done $0x0  }
0x2ae: {  	[sflag:s28] =	ssyncadd.s32 $0xFFFFFD00  }
0x2af: {  	_ =	swait.ge [sflag:s28], $0x300  }
0x2b0: {  	[sflag:s28] =	ssyncset.done $0x0  }
0x2b1: {  	[sflag:s28] =	ssyncadd.s32 $0xFFFFFD00  }
0x2b2: {  	_ =	swait.ge [sflag:s28], $0x300  }
0x2b3: {  	[sflag:s28] =	ssyncset.done $0x0  }
0x2b4: {  	[sflag:s28] =	ssyncadd.s32 $0xFFFFFD00  }
0x2b5: {  	_ =	swait.ge [sflag:s28], $0x300  }
0x2b6: {  	[sflag:s28] =	ssyncset.done $0x0  }
0x2b7: {  	[sflag:s28] =	ssyncadd.s32 $0xFFFFFD00  }
0x2b8: {  	_ =	swait.ge [sflag:s28], $0x300  }
0x2b9: {  	[sflag:s28] =	ssyncset.done $0x0  }
0x2ba: {  	[sflag:s28] =	ssyncadd.s32 $0xFFFFFD00  }
0x2bb: {  	_ =	swait.ge [sflag:s28], $0x300  }
0x2bc: {  	[sflag:s28] =	ssyncset.done $0x0  }
0x2bd: {  	[sflag:s28] =	ssyncadd.s32 $0xFFFFFD00  }
0x2be: {  	_ =	swait.ge [sflag:s28], $0x300  }
0x2bf: {  	[sflag:s28] =	ssyncset.done $0x0  }
0x2c0: {  	[sflag:s28] =	ssyncadd.s32 $0xFFFFFD00  }
0x2c1: {  	_ =	swait.ge [sflag:s28], $0x300  }
0x2c2: {  	[sflag:s28] =	ssyncset.done $0x0  }
0x2c3: {  	[sflag:s28] =	ssyncadd.s32 $0xFFFFFD00  }
0x2c4: {  	_ =	swait.ge [sflag:s28], $0x300  }
0x2c5: {  	[sflag:s28] =	ssyncset.done $0x0  }
0x2c6: {  	[sflag:s28] =	ssyncadd.s32 $0xFFFFFD00  }
0x2c7: {  	_ =	swait.ge [sflag:s28], $0x300  }
0x2c8: {  	[sflag:s28] =	ssyncset.done $0x0  }
0x2c9: {  	s0 =	sor.u32 $0x2, s5;
	[sflag:s28] =	ssyncadd.s32 $0xFFFFFD00  }
0x2ca: {  	s8 =	simm.s32 $0x0;
	s0 =	smul.u32 $0x1800, s0;
	_ =	swait.ge [sflag:s28], $0x300  }
0x2cb: {  	s8 =	sand.u32 $0x380, s8;
	[sflag:s28] =	ssyncset.done $0x0  }
0x2cc: {  	s0 =	sor.u32 s8, s0;
	[sflag:s28] =	ssyncadd.s32 $0xFFFFFD00  }
0x2cd: {  	s8 =	sshrl.u32 s0, $0x3;
	_ =	swait.ge [sflag:s28], $0x300  }
0x2ce: {  	s0 =	simm.s32 $0xC000;
	[sflag:s28] =	ssyncset.done $0x0;
	s6 =	rddreg [dreg:$0x11]  }
0x2cf: {  	s8 =	sadd.s32 s1, s8;
	[sflag:s28] =	ssyncadd.s32 $0xFFFFFD00;
	s24 =	sor.u32 $0x2, s6  }
0x2d0: {  	[tilespmem:s0], [sflag:$0x5] =	stream.strided.gather [hbm4b:s8+s11], $0x300, s12, s11, $0x38;
	[tilespmem:$0x1E000] =	vst v63  }
0x2d1: {  	s23 =	simm.s32 $0x80;
	s24 =	smul.u32 $0x1800, s24  }
0x2d2: {  	s25 =	sand.u32 $0x380, s23;
	s23 =	sadd.s32 $0x1, s4;
	s8 =	simm.s32 $0x100  }
.LBB2_23:
0x2d3: {  	s26 =	sshrl.u32 s23, $0x3;
	s24 =	sor.u32 s25, s24  }
0x2d4: {  	s25 =	smov.u32 s8;
	s0 =	sadd.s32 $0x300, s0;
	p1 =	seq.s32 s8, $0x780  }
.Ltmp13:
0x2d5: {  	s26 =	sor.u32 $0x2, s26;
	s24 =	sshrl.u32 s24, $0x3;
	(pc) =	sbr.rel @!p1 .LBB2_23-.Ltmp13, $4  }
0x2d6: {  	s8 =	sadd.s32 $0x80, s8;
	s24 =	sadd.s32 s1, s24  }
0x2d7: {  	[tilespmem:s0], [sflag:$0x5] =	stream.strided.gather [hbm4b:s24+s11], $0x300, s12, s11, $0x38;
	[tilespmem:$0x1E000] =	vst v63  }
0x2d8: {  	s24 =	smul.u32 $0x1800, s26  }
0x2d9: {  	s23 =	sadd.s32 $0x1, s23;
	s25 =	sand.u32 $0x380, s25  }
.Ltmp14:
0x2da: {  	(pc) =	sbr.rel .LBB2_25-.Ltmp14, $4  }
0x2db: {  	s8 =	sor.u32 s25, s24  }
0x2dc: {  	s8 =	sshrl.u32 s8, $0x3  }
0x2dd: {  	s0 =	sadd.s32 $0x300, s0;
	s8 =	sadd.s32 s1, s8  }
0x2de: {  	[tilespmem:s0], [sflag:$0x5] =	stream.strided.gather [hbm4b:s8+s11], $0x300, s12, s11, $0x38;
	[tilespmem:$0x1E000] =	vst v63  }
.LBB2_19:
0x2df: {  	s8 =	simm.s32 $0x0  }
0x2e0: {  	s6 =	rddreg [dreg:$0xa];
	s8 =	sand.u32 $0x380, s8  }
0x2e1: {  	s8 =	sor.u32 s8, s6  }
0x2e2: {  	s0 =	simm.s32 $0xC000;
	s8 =	sadd.s32 $0x3000, s8  }
0x2e3: {  	s23 =	simm.s32 $0x80;
	s25 =	rddreg [dreg:$0xc];
	s8 =	sshrl.u32 s8, $0x3  }
0x2e4: {  	s26 =	rddreg [dreg:$0xb];
	s23 =	sand.u32 $0x380, s23;
	s8 =	sadd.s32 s1, s8  }
0x2e5: {  	[tilespmem:s0], [sflag:$0x5] =	stream.strided.gather [hbm4b:s8+s11], $0x300, s12, s11, $0x38;
	[tilespmem:$0x1E000] =	vst v63  }
0x2e6: {  	s24 =	sor.u32 s23, s25;
	s23 =	sadd.s32 $0x1, s26;
	s8 =	simm.s32 $0x100  }
.LBB2_20:
0x2e7: {  	s25 =	sshrl.u32 s23, $0x3;
	s24 =	sadd.s32 $0x3000, s24  }
0x2e8: {  	s26 =	smov.u32 s8;
	p1 =	sne.s32 s8, $0x780;
	s25 =	smul.u32 $0x1800, s25  }
.Ltmp15:
0x2e9: {  	s0 =	sadd.s32 $0x300, s0;
	s24 =	sshrl.u32 s24, $0x3;
	(pc) =	sbr.rel @p1 .LBB2_20-.Ltmp15, $4  }
0x2ea: {  	s8 =	sadd.s32 $0x80, s8;
	s24 =	sadd.s32 s1, s24  }
0x2eb: {  	[tilespmem:s0], [sflag:$0x5] =	stream.strided.gather [hbm4b:s24+s11], $0x300, s12, s11, $0x38;
	[tilespmem:$0x1E000] =	vst v63  }
0x2ec: {  	s24 =	sand.u32 $0x380, s26  }
0x2ed: {  	s23 =	sadd.s32 $0x1, s23;
	s24 =	sor.u32 s24, s25  }
0x2ee: {  	s8 =	sadd.s32 $0x3000, s24  }
0x2ef: {  	s8 =	sshrl.u32 s8, $0x3  }
0x2f0: {  	s0 =	sadd.s32 $0x300, s0;
	s8 =	sadd.s32 s1, s8  }
0x2f1: {  	[tilespmem:s0], [sflag:$0x5] =	stream.strided.gather [hbm4b:s8+s11], $0x300, s12, s11, $0x38;
	[tilespmem:$0x1E000] =	vst v63  }
.LBB2_25:
0x2f2: {  	_ =	swait.ge [sflag:s15], $0x300  }
0x2f3: {  	[sflag:s15] =	ssyncset.done $0x0  }
0x2f4: {  	[sflag:s15] =	ssyncadd.s32 $0xFFFFFD00  }
0x2f5: {  	_ =	swait.ge [sflag:s15], $0x300  }
0x2f6: {  	[sflag:s15] =	ssyncset.done $0x0  }
0x2f7: {  	[sflag:s15] =	ssyncadd.s32 $0xFFFFFD00  }
0x2f8: {  	_ =	swait.ge [sflag:s15], $0x300  }
0x2f9: {  	[sflag:s15] =	ssyncset.done $0x0  }
0x2fa: {  	[sflag:s15] =	ssyncadd.s32 $0xFFFFFD00  }
0x2fb: {  	_ =	swait.ge [sflag:s15], $0x300  }
0x2fc: {  	[sflag:s15] =	ssyncset.done $0x0  }
0x2fd: {  	[sflag:s15] =	ssyncadd.s32 $0xFFFFFD00  }
0x2fe: {  	_ =	swait.ge [sflag:s15], $0x300  }
0x2ff: {  	[sflag:s15] =	ssyncset.done $0x0  }
0x300: {  	[sflag:s15] =	ssyncadd.s32 $0xFFFFFD00  }
0x301: {  	_ =	swait.ge [sflag:s15], $0x300  }
0x302: {  	[sflag:s15] =	ssyncset.done $0x0  }
0x303: {  	[sflag:s15] =	ssyncadd.s32 $0xFFFFFD00  }
0x304: {  	_ =	swait.ge [sflag:s15], $0x300  }
0x305: {  	[sflag:s15] =	ssyncset.done $0x0  }
0x306: {  	[sflag:s15] =	ssyncadd.s32 $0xFFFFFD00  }
0x307: {  	_ =	swait.ge [sflag:s15], $0x300  }
0x308: {  	[sflag:s15] =	ssyncset.done $0x0  }
0x309: {  	[sflag:s15] =	ssyncadd.s32 $0xFFFFFD00  }
0x30a: {  	_ =	swait.ge [sflag:s15], $0x300  }
0x30b: {  	[sflag:s15] =	ssyncset.done $0x0  }
0x30c: {  	[sflag:s15] =	ssyncadd.s32 $0xFFFFFD00  }
0x30d: {  	_ =	swait.ge [sflag:s15], $0x300  }
0x30e: {  	[sflag:s15] =	ssyncset.done $0x0  }
0x30f: {  	[sflag:s15] =	ssyncadd.s32 $0xFFFFFD00  }
0x310: {  	_ =	swait.ge [sflag:s15], $0x300  }
0x311: {  	[sflag:s15] =	ssyncset.done $0x0  }
0x312: {  	[sflag:s15] =	ssyncadd.s32 $0xFFFFFD00  }
0x313: {  	_ =	swait.ge [sflag:s15], $0x300  }
0x314: {  	[sflag:s15] =	ssyncset.done $0x0  }
0x315: {  	[sflag:s15] =	ssyncadd.s32 $0xFFFFFD00  }
0x316: {  	_ =	swait.ge [sflag:s15], $0x300  }
0x317: {  	[sflag:s15] =	ssyncset.done $0x0  }
0x318: {  	[sflag:s15] =	ssyncadd.s32 $0xFFFFFD00  }
0x319: {  	_ =	swait.ge [sflag:s15], $0x300  }
0x31a: {  	[sflag:s15] =	ssyncset.done $0x0  }
0x31b: {  	[sflag:s15] =	ssyncadd.s32 $0xFFFFFD00  }
0x31c: {  	_ =	swait.ge [sflag:s15], $0x300  }
0x31d: {  	[sflag:s15] =	ssyncset.done $0x0  }
0x31e: {  	[sflag:s15] =	ssyncadd.s32 $0xFFFFFD00  }
0x31f: {  	_ =	swait.ge [sflag:s15], $0x300  }
0x320: {  	[sflag:s15] =	ssyncset.done $0x0  }
0x321: {  	s0 =	simm.s32 $0x0;
	[sflag:s15] =	ssyncadd.s32 $0xFFFFFD00  }
0x322: {  	v0 =	vld [tilespmem:s0+$0x18070]  }
0x323: {  	v1 =	vld [tilespmem:s0+$0x18000]  }
0x324: {  	v2 =	vld [tilespmem:s0+$0x18010]  }
0x325: {  	v3 =	vld [tilespmem:s0+$0x18020]  }
0x326: {  	v4 =	vld [tilespmem:s0+$0x18030]  }
0x327: {  	v5 =	vld [tilespmem:s0+$0x18040]  }
0x328: {  	v6 =	vld [tilespmem:s0+$0x18050]  }
0x329: {  	[tilespmem:s0+$0x3070] =	vst.add.f32.msk $0xffff, v0  }
0x32a: {  	v0 =	vld [tilespmem:s0+$0x18060]  }
0x32b: {  	[tilespmem:s0+$0x3000] =	vst.add.f32.msk $0xffff, v1  }
0x32c: {  	[tilespmem:s0+$0x3010] =	vst.add.f32.msk $0xffff, v2  }
0x32d: {  	[tilespmem:s0+$0x3020] =	vst.add.f32.msk $0xffff, v3  }
0x32e: {  	[tilespmem:s0+$0x3030] =	vst.add.f32.msk $0xffff, v4  }
0x32f: {  	[tilespmem:s0+$0x3040] =	vst.add.f32.msk $0xffff, v5  }
0x330: {  	s23 =	simm.s32 $0x0;
	s24 =	simm.s32 $0x0;
	s25 =	simm.s32 $0x200;
	[tilespmem:s0+$0x3050] =	vst.add.f32.msk $0xffff, v6  }
.LBB2_26:
0x331: {  	s24 =	sadd.s32 $0x8, s24;
	[tilespmem:s0+$0x3060] =	vst.add.f32.msk $0xffff, v0;
	s0 =	sshra.s32 s25, $0x2  }
0x332: {  	v0 =	vld [tilespmem:s0+$0x18070];
	p1 =	slt.u32 s24, $0x2F8  }
0x333: {  	v1 =	vld [tilespmem:s0+$0x18000]  }
0x334: {  	v2 =	vld [tilespmem:s0+$0x18010]  }
0x335: {  	v3 =	vld [tilespmem:s0+$0x18020]  }
0x336: {  	v4 =	vld [tilespmem:s0+$0x18030]  }
0x337: {  	s8 =	simm.s32 $0x3000;
	[tilespmem:s0+$0x3070] =	vst.add.f32.msk $0xffff, v0  }
0x338: {  	v5 =	vld [tilespmem:s0+$0x18040]  }
0x339: {  	v6 =	vld [tilespmem:s0+$0x18050]  }
0x33a: {  	v0 =	vld [tilespmem:s0+$0x18060]  }
0x33b: {  	[tilespmem:s0+$0x3000] =	vst.add.f32.msk $0xffff, v1  }
.Ltmp16:
0x33c: {  	[tilespmem:s0+$0x3010] =	vst.add.f32.msk $0xffff, v2;
	(pc) =	sbr.rel @p1 .LBB2_26-.Ltmp16, $4  }
0x33d: {  	[tilespmem:s0+$0x3020] =	vst.add.f32.msk $0xffff, v3  }
0x33e: {  	[tilespmem:s0+$0x3030] =	vst.add.f32.msk $0xffff, v4  }
0x33f: {  	[tilespmem:s0+$0x3040] =	vst.add.f32.msk $0xffff, v5  }
0x340: {  	s25 =	sadd.s32 $0x200, s25;
	[tilespmem:s0+$0x3050] =	vst.add.f32.msk $0xffff, v6  }
0x341: {  	s23 =	sand.u32 $0x380, s23  }
0x342: {  	s23 =	sor.u32 s23, s10  }
0x343: {  	s23 =	sadd.s32 $0x600000, s23  }
0x344: {  	s25 =	simm.s32 $0x80;
	s23 =	sshrl.u32 s23, $0x3  }
0x345: {  	[tilespmem:s0+$0x3060] =	vst.add.f32.msk $0xffff, v0;
	s26 =	sand.u32 $0x380, s25;
	s23 =	sadd.s32 s3, s23  }
0x346: {  	[hbm4b:s23+s11] =	stream.strided.scatter [tilespmem:s8], [sflag:$0xC], $0x300, s12, s11, $0x38;
	[tilespmem:$0x1E000] =	vst v63  }
0x347: {  	s0 =	simm.s32 $0x100;
	s24 =	sor.u32 s26, s9;
	s23 =	sadd.s32 $0x1, s4  }
.LBB2_28:
0x348: {  	s25 =	sshrl.u32 s23, $0x3;
	s24 =	sadd.s32 $0x600000, s24  }
0x349: {  	s26 =	smov.u32 s0;
	p1 =	sne.s32 s0, $0x780;
	s25 =	smul.u32 $0x1800, s25  }
.Ltmp17:
0x34a: {  	s8 =	sadd.s32 $0x300, s8;
	s24 =	sshrl.u32 s24, $0x3;
	(pc) =	sbr.rel @p1 .LBB2_28-.Ltmp17, $4  }
0x34b: {  	s0 =	sadd.s32 $0x80, s0;
	s24 =	sadd.s32 s3, s24  }
0x34c: {  	[hbm4b:s24+s11] =	stream.strided.scatter [tilespmem:s8], [sflag:$0xC], $0x300, s12, s11, $0x38;
	[tilespmem:$0x1E000] =	vst v63  }
0x34d: {  	s24 =	sand.u32 $0x380, s26  }
0x34e: {  	s23 =	sadd.s32 $0x1, s23;
	s24 =	sor.u32 s24, s25  }
.Ltmp18:
0x34f: {  	(pc) =	sbr.rel @p0 .LBB2_30-.Ltmp18, $4  }
0x350: {  	s0 =	sadd.s32 $0x600000, s24  }
0x351: {  	s0 =	sshrl.u32 s0, $0x3  }
0x352: {  	s8 =	sadd.s32 $0x300, s8;
	s0 =	sadd.s32 s3, s0  }
0x353: {  	[hbm4b:s0+s11] =	stream.strided.scatter [tilespmem:s8], [sflag:$0xC], $0x300, s12, s11, $0x38;
	[tilespmem:$0x1E000] =	vst v63  }
0x354: {  	_ =	swait.ge [sflag:s29], $0x300  }
0x355: {  	[sflag:s29] =	ssyncset.done $0x0  }
0x356: {  	[sflag:s29] =	ssyncadd.s32 $0xFFFFFD00  }
0x357: {  	_ =	swait.ge [sflag:s29], $0x300  }
0x358: {  	[sflag:s29] =	ssyncset.done $0x0  }
0x359: {  	[sflag:s29] =	ssyncadd.s32 $0xFFFFFD00  }
0x35a: {  	_ =	swait.ge [sflag:s29], $0x300  }
0x35b: {  	[sflag:s29] =	ssyncset.done $0x0  }
0x35c: {  	[sflag:s29] =	ssyncadd.s32 $0xFFFFFD00  }
0x35d: {  	_ =	swait.ge [sflag:s29], $0x300  }
0x35e: {  	[sflag:s29] =	ssyncset.done $0x0  }
0x35f: {  	[sflag:s29] =	ssyncadd.s32 $0xFFFFFD00  }
0x360: {  	_ =	swait.ge [sflag:s29], $0x300  }
0x361: {  	[sflag:s29] =	ssyncset.done $0x0  }
0x362: {  	[sflag:s29] =	ssyncadd.s32 $0xFFFFFD00  }
0x363: {  	_ =	swait.ge [sflag:s29], $0x300  }
0x364: {  	[sflag:s29] =	ssyncset.done $0x0  }
0x365: {  	[sflag:s29] =	ssyncadd.s32 $0xFFFFFD00  }
0x366: {  	_ =	swait.ge [sflag:s29], $0x300  }
0x367: {  	[sflag:s29] =	ssyncset.done $0x0  }
0x368: {  	[sflag:s29] =	ssyncadd.s32 $0xFFFFFD00  }
0x369: {  	_ =	swait.ge [sflag:s29], $0x300  }
0x36a: {  	[sflag:s29] =	ssyncset.done $0x0  }
0x36b: {  	[sflag:s29] =	ssyncadd.s32 $0xFFFFFD00  }
0x36c: {  	_ =	swait.ge [sflag:s29], $0x300  }
0x36d: {  	[sflag:s29] =	ssyncset.done $0x0  }
0x36e: {  	[sflag:s29] =	ssyncadd.s32 $0xFFFFFD00  }
0x36f: {  	_ =	swait.ge [sflag:s29], $0x300  }
0x370: {  	[sflag:s29] =	ssyncset.done $0x0  }
0x371: {  	[sflag:s29] =	ssyncadd.s32 $0xFFFFFD00  }
0x372: {  	_ =	swait.ge [sflag:s29], $0x300  }
0x373: {  	[sflag:s29] =	ssyncset.done $0x0  }
0x374: {  	[sflag:s29] =	ssyncadd.s32 $0xFFFFFD00  }
0x375: {  	_ =	swait.ge [sflag:s29], $0x300  }
0x376: {  	[sflag:s29] =	ssyncset.done $0x0  }
0x377: {  	[sflag:s29] =	ssyncadd.s32 $0xFFFFFD00  }
0x378: {  	_ =	swait.ge [sflag:s29], $0x300  }
0x379: {  	[sflag:s29] =	ssyncset.done $0x0  }
0x37a: {  	[sflag:s29] =	ssyncadd.s32 $0xFFFFFD00  }
0x37b: {  	_ =	swait.ge [sflag:s29], $0x300  }
0x37c: {  	s0 =	sor.u32 $0x2, s5;
	[sflag:s29] =	ssyncset.done $0x0  }
0x37d: {  	s8 =	simm.s32 $0x0;
	s0 =	smul.u32 $0x1800, s0;
	[sflag:s29] =	ssyncadd.s32 $0xFFFFFD00  }
0x37e: {  	s8 =	sand.u32 $0x380, s8;
	_ =	swait.ge [sflag:s29], $0x300  }
0x37f: {  	s0 =	sor.u32 s8, s0;
	[sflag:s29] =	ssyncset.done $0x0  }
0x380: {  	s23 =	simm.s32 $0x80;
	s0 =	sadd.s32 $0x600000, s0;
	[sflag:s29] =	ssyncadd.s32 $0xFFFFFD00  }
0x381: {  	s25 =	sand.u32 $0x380, s23;
	s26 =	sshrl.u32 s0, $0x3;
	_ =	swait.ge [sflag:s29], $0x300  }
0x382: {  	s0 =	simm.s32 $0xF000;
	[sflag:s29] =	ssyncset.done $0x0;
	s6 =	rddreg [dreg:$0x11]  }
0x383: {  	s8 =	sadd.s32 s1, s26;
	[sflag:s29] =	ssyncadd.s32 $0xFFFFFD00;
	s24 =	sor.u32 $0x2, s6  }
0x384: {  	[tilespmem:s0], [sflag:$0x6] =	stream.strided.gather [hbm4b:s8+s11], $0x300, s12, s11, $0x38;
	[tilespmem:$0x1E000] =	vst v63  }
0x385: {  	s23 =	sadd.s32 $0x1, s4;
	s8 =	simm.s32 $0x100;
	s24 =	smul.u32 $0x1800, s24  }
.LBB2_34:
0x386: {  	s26 =	sshrl.u32 s23, $0x3  }
0x387: {  	s24 =	sor.u32 s25, s24;
	s25 =	smov.u32 s8;
	p1 =	seq.s32 s8, $0x780  }
.Ltmp19:
0x388: {  	s26 =	sor.u32 $0x2, s26;
	s24 =	sadd.s32 $0x600000, s24;
	(pc) =	sbr.rel @!p1 .LBB2_34-.Ltmp19, $4  }
0x389: {  	s8 =	sadd.s32 $0x80, s8;
	s6 =	sshrl.u32 s24, $0x3  }
0x38a: {  	s0 =	sadd.s32 $0x300, s0;
	s24 =	smul.u32 $0x1800, s26;
	s6 =	sadd.s32 s1, s6  }
0x38b: {  	[tilespmem:s0], [sflag:$0x6] =	stream.strided.gather [hbm4b:s6+s11], $0x300, s12, s11, $0x38;
	[tilespmem:$0x1E000] =	vst v63  }
0x38c: {  	s23 =	sadd.s32 $0x1, s23;
	s25 =	sand.u32 $0x380, s25  }
.Ltmp20:
0x38d: {  	s6 =	sor.u32 s25, s24;
	(pc) =	sbr.rel .LBB2_36-.Ltmp20, $4  }
0x38e: {  	s6 =	sadd.s32 $0x600000, s6  }
0x38f: {  	s6 =	sshrl.u32 s6, $0x3  }
0x390: {  	s0 =	sadd.s32 $0x300, s0;
	s6 =	sadd.s32 s1, s6  }
0x391: {  	[tilespmem:s0], [sflag:$0x6] =	stream.strided.gather [hbm4b:s6+s11], $0x300, s12, s11, $0x38;
	[tilespmem:$0x1E000] =	vst v63  }
.LBB2_30:
0x392: {  	s8 =	simm.s32 $0x0  }
0x393: {  	s23 =	rddreg [dreg:$0xa];
	s6 =	sand.u32 $0x380, s8  }
0x394: {  	s0 =	simm.s32 $0xF000;
	s24 =	simm.s32 $0x80;
	s6 =	sor.u32 s6, s23  }
0x395: {  	s26 =	rddreg [dreg:$0xb];
	s25 =	sand.u32 $0x380, s24;
	s6 =	sadd.s32 $0x603000, s6  }
0x396: {  	s8 =	simm.s32 $0x100;
	s23 =	rddreg [dreg:$0xc];
	s6 =	sshrl.u32 s6, $0x3  }
0x397: {  	s24 =	sor.u32 s25, s23;
	s23 =	sadd.s32 $0x1, s26;
	s6 =	sadd.s32 s1, s6  }
0x398: {  	[tilespmem:s0], [sflag:$0x6] =	stream.strided.gather [hbm4b:s6+s11], $0x300, s12, s11, $0x38;
	[tilespmem:$0x1E000] =	vst v63  }
.LBB2_31:
0x399: {  	s6 =	sshrl.u32 s23, $0x3;
	s24 =	sadd.s32 $0x603000, s24  }
0x39a: {  	s25 =	smov.u32 s8;
	p1 =	sne.s32 s8, $0x780;
	s6 =	smul.u32 $0x1800, s6  }
.Ltmp21:
0x39b: {  	s0 =	sadd.s32 $0x300, s0;
	s24 =	sshrl.u32 s24, $0x3;
	(pc) =	sbr.rel @p1 .LBB2_31-.Ltmp21, $4  }
0x39c: {  	s8 =	sadd.s32 $0x80, s8;
	s24 =	sadd.s32 s1, s24  }
0x39d: {  	[tilespmem:s0], [sflag:$0x6] =	stream.strided.gather [hbm4b:s24+s11], $0x300, s12, s11, $0x38;
	[tilespmem:$0x1E000] =	vst v63  }
0x39e: {  	s24 =	sand.u32 $0x380, s25  }
0x39f: {  	s23 =	sadd.s32 $0x1, s23;
	s24 =	sor.u32 s24, s6  }
0x3a0: {  	s6 =	sadd.s32 $0x603000, s24  }
0x3a1: {  	s6 =	sshrl.u32 s6, $0x3  }
0x3a2: {  	s0 =	sadd.s32 $0x300, s0;
	s6 =	sadd.s32 s1, s6  }
0x3a3: {  	[tilespmem:s0], [sflag:$0x6] =	stream.strided.gather [hbm4b:s6+s11], $0x300, s12, s11, $0x38;
	[tilespmem:$0x1E000] =	vst v63  }
.LBB2_36:
0x3a4: {  	_ =	swait.ge [sflag:s16], $0x300  }
0x3a5: {  	[sflag:s16] =	ssyncset.done $0x0  }
0x3a6: {  	[sflag:s16] =	ssyncadd.s32 $0xFFFFFD00  }
0x3a7: {  	_ =	swait.ge [sflag:s16], $0x300  }
0x3a8: {  	[sflag:s16] =	ssyncset.done $0x0  }
0x3a9: {  	[sflag:s16] =	ssyncadd.s32 $0xFFFFFD00  }
0x3aa: {  	_ =	swait.ge [sflag:s16], $0x300  }
0x3ab: {  	[sflag:s16] =	ssyncset.done $0x0  }
0x3ac: {  	[sflag:s16] =	ssyncadd.s32 $0xFFFFFD00  }
0x3ad: {  	_ =	swait.ge [sflag:s16], $0x300  }
0x3ae: {  	[sflag:s16] =	ssyncset.done $0x0  }
0x3af: {  	[sflag:s16] =	ssyncadd.s32 $0xFFFFFD00  }
0x3b0: {  	_ =	swait.ge [sflag:s16], $0x300  }
0x3b1: {  	[sflag:s16] =	ssyncset.done $0x0  }
0x3b2: {  	[sflag:s16] =	ssyncadd.s32 $0xFFFFFD00  }
0x3b3: {  	_ =	swait.ge [sflag:s16], $0x300  }
0x3b4: {  	[sflag:s16] =	ssyncset.done $0x0  }
0x3b5: {  	[sflag:s16] =	ssyncadd.s32 $0xFFFFFD00  }
0x3b6: {  	_ =	swait.ge [sflag:s16], $0x300  }
0x3b7: {  	[sflag:s16] =	ssyncset.done $0x0  }
0x3b8: {  	[sflag:s16] =	ssyncadd.s32 $0xFFFFFD00  }
0x3b9: {  	_ =	swait.ge [sflag:s16], $0x300  }
0x3ba: {  	[sflag:s16] =	ssyncset.done $0x0  }
0x3bb: {  	[sflag:s16] =	ssyncadd.s32 $0xFFFFFD00  }
0x3bc: {  	_ =	swait.ge [sflag:s16], $0x300  }
0x3bd: {  	[sflag:s16] =	ssyncset.done $0x0  }
0x3be: {  	[sflag:s16] =	ssyncadd.s32 $0xFFFFFD00  }
0x3bf: {  	_ =	swait.ge [sflag:s16], $0x300  }
0x3c0: {  	[sflag:s16] =	ssyncset.done $0x0  }
0x3c1: {  	[sflag:s16] =	ssyncadd.s32 $0xFFFFFD00  }
0x3c2: {  	_ =	swait.ge [sflag:s16], $0x300  }
0x3c3: {  	[sflag:s16] =	ssyncset.done $0x0  }
0x3c4: {  	[sflag:s16] =	ssyncadd.s32 $0xFFFFFD00  }
0x3c5: {  	_ =	swait.ge [sflag:s16], $0x300  }
0x3c6: {  	[sflag:s16] =	ssyncset.done $0x0  }
0x3c7: {  	[sflag:s16] =	ssyncadd.s32 $0xFFFFFD00  }
0x3c8: {  	_ =	swait.ge [sflag:s16], $0x300  }
0x3c9: {  	[sflag:s16] =	ssyncset.done $0x0  }
0x3ca: {  	[sflag:s16] =	ssyncadd.s32 $0xFFFFFD00  }
0x3cb: {  	_ =	swait.ge [sflag:s16], $0x300  }
0x3cc: {  	[sflag:s16] =	ssyncset.done $0x0  }
0x3cd: {  	[sflag:s16] =	ssyncadd.s32 $0xFFFFFD00  }
0x3ce: {  	_ =	swait.ge [sflag:s16], $0x300  }
0x3cf: {  	[sflag:s16] =	ssyncset.done $0x0  }
0x3d0: {  	[sflag:s16] =	ssyncadd.s32 $0xFFFFFD00  }
0x3d1: {  	_ =	swait.ge [sflag:s16], $0x300  }
0x3d2: {  	[sflag:s16] =	ssyncset.done $0x0  }
0x3d3: {  	s0 =	simm.s32 $0x0;
	[sflag:s16] =	ssyncadd.s32 $0xFFFFFD00  }
0x3d4: {  	v0 =	vld [tilespmem:s0+$0x18070]  }
0x3d5: {  	v1 =	vld [tilespmem:s0+$0x18000]  }
0x3d6: {  	v2 =	vld [tilespmem:s0+$0x18010]  }
0x3d7: {  	v3 =	vld [tilespmem:s0+$0x18020]  }
0x3d8: {  	v4 =	vld [tilespmem:s0+$0x18030]  }
0x3d9: {  	v5 =	vld [tilespmem:s0+$0x18040]  }
0x3da: {  	v6 =	vld [tilespmem:s0+$0x18050]  }
0x3db: {  	[tilespmem:s0+$0x6070] =	vst.add.f32.msk $0xffff, v0  }
0x3dc: {  	v0 =	vld [tilespmem:s0+$0x18060]  }
0x3dd: {  	[tilespmem:s0+$0x6000] =	vst.add.f32.msk $0xffff, v1  }
0x3de: {  	[tilespmem:s0+$0x6010] =	vst.add.f32.msk $0xffff, v2  }
0x3df: {  	[tilespmem:s0+$0x6020] =	vst.add.f32.msk $0xffff, v3  }
0x3e0: {  	[tilespmem:s0+$0x6030] =	vst.add.f32.msk $0xffff, v4  }
0x3e1: {  	[tilespmem:s0+$0x6040] =	vst.add.f32.msk $0xffff, v5  }
0x3e2: {  	s23 =	simm.s32 $0x0;
	s24 =	simm.s32 $0x0;
	s25 =	simm.s32 $0x200;
	[tilespmem:s0+$0x6050] =	vst.add.f32.msk $0xffff, v6  }
.LBB2_37:
0x3e3: {  	s24 =	sadd.s32 $0x8, s24;
	[tilespmem:s0+$0x6060] =	vst.add.f32.msk $0xffff, v0;
	s0 =	sshra.s32 s25, $0x2  }
0x3e4: {  	v0 =	vld [tilespmem:s0+$0x18070];
	p1 =	slt.u32 s24, $0x2F8  }
0x3e5: {  	v1 =	vld [tilespmem:s0+$0x18000]  }
0x3e6: {  	v2 =	vld [tilespmem:s0+$0x18010]  }
0x3e7: {  	v3 =	vld [tilespmem:s0+$0x18020]  }
0x3e8: {  	v4 =	vld [tilespmem:s0+$0x18030]  }
0x3e9: {  	s8 =	simm.s32 $0x6000;
	[tilespmem:s0+$0x6070] =	vst.add.f32.msk $0xffff, v0  }
0x3ea: {  	v5 =	vld [tilespmem:s0+$0x18040]  }
0x3eb: {  	v6 =	vld [tilespmem:s0+$0x18050]  }
0x3ec: {  	v0 =	vld [tilespmem:s0+$0x18060]  }
0x3ed: {  	[tilespmem:s0+$0x6000] =	vst.add.f32.msk $0xffff, v1  }
.Ltmp22:
0x3ee: {  	[tilespmem:s0+$0x6010] =	vst.add.f32.msk $0xffff, v2;
	(pc) =	sbr.rel @p1 .LBB2_37-.Ltmp22, $4  }
0x3ef: {  	[tilespmem:s0+$0x6020] =	vst.add.f32.msk $0xffff, v3  }
0x3f0: {  	[tilespmem:s0+$0x6030] =	vst.add.f32.msk $0xffff, v4  }
0x3f1: {  	[tilespmem:s0+$0x6040] =	vst.add.f32.msk $0xffff, v5  }
0x3f2: {  	s25 =	sadd.s32 $0x200, s25;
	[tilespmem:s0+$0x6050] =	vst.add.f32.msk $0xffff, v6  }
0x3f3: {  	s6 =	sand.u32 $0x380, s23  }
0x3f4: {  	s6 =	sor.u32 s6, s10  }
0x3f5: {  	s25 =	simm.s32 $0x80;
	s6 =	sadd.s32 $0xC00000, s6  }
0x3f6: {  	[tilespmem:s0+$0x6060] =	vst.add.f32.msk $0xffff, v0;
	s0 =	simm.s32 $0x100;
	s26 =	sand.u32 $0x380, s25;
	s6 =	sshrl.u32 s6, $0x3  }
0x3f7: {  	s23 =	sadd.s32 $0x1, s4;
	s24 =	sor.u32 s26, s9;
	s6 =	sadd.s32 s3, s6  }
0x3f8: {  	[hbm4b:s6+s11] =	stream.strided.scatter [tilespmem:s8], [sflag:$0xD], $0x300, s12, s11, $0x38;
	[tilespmem:$0x1E000] =	vst v63  }
.LBB2_39:
0x3f9: {  	s6 =	sshrl.u32 s23, $0x3;
	s24 =	sadd.s32 $0xC00000, s24  }
0x3fa: {  	s25 =	smov.u32 s0;
	p1 =	sne.s32 s0, $0x780;
	s6 =	smul.u32 $0x1800, s6  }
.Ltmp23:
0x3fb: {  	s8 =	sadd.s32 $0x300, s8;
	s24 =	sshrl.u32 s24, $0x3;
	(pc) =	sbr.rel @p1 .LBB2_39-.Ltmp23, $4  }
0x3fc: {  	s0 =	sadd.s32 $0x80, s0;
	s24 =	sadd.s32 s3, s24  }
0x3fd: {  	[hbm4b:s24+s11] =	stream.strided.scatter [tilespmem:s8], [sflag:$0xD], $0x300, s12, s11, $0x38;
	[tilespmem:$0x1E000] =	vst v63  }
0x3fe: {  	s24 =	sand.u32 $0x380, s25  }
0x3ff: {  	s23 =	sadd.s32 $0x1, s23;
	s24 =	sor.u32 s24, s6  }
.Ltmp24:
0x400: {  	(pc) =	sbr.rel @p0 .LBB2_41-.Ltmp24, $4  }
0x401: {  	s0 =	sadd.s32 $0xC00000, s24  }
0x402: {  	s0 =	sshrl.u32 s0, $0x3  }
0x403: {  	s6 =	sadd.s32 $0x300, s8;
	s0 =	sadd.s32 s3, s0  }
0x404: {  	[hbm4b:s0+s11] =	stream.strided.scatter [tilespmem:s6], [sflag:$0xD], $0x300, s12, s11, $0x38;
	[tilespmem:$0x1E000] =	vst v63  }
0x405: {  	_ =	swait.ge [sflag:s30], $0x300  }
0x406: {  	[sflag:s30] =	ssyncset.done $0x0  }
0x407: {  	[sflag:s30] =	ssyncadd.s32 $0xFFFFFD00  }
0x408: {  	_ =	swait.ge [sflag:s30], $0x300  }
0x409: {  	[sflag:s30] =	ssyncset.done $0x0  }
0x40a: {  	[sflag:s30] =	ssyncadd.s32 $0xFFFFFD00  }
0x40b: {  	_ =	swait.ge [sflag:s30], $0x300  }
0x40c: {  	[sflag:s30] =	ssyncset.done $0x0  }
0x40d: {  	[sflag:s30] =	ssyncadd.s32 $0xFFFFFD00  }
0x40e: {  	_ =	swait.ge [sflag:s30], $0x300  }
0x40f: {  	[sflag:s30] =	ssyncset.done $0x0  }
0x410: {  	[sflag:s30] =	ssyncadd.s32 $0xFFFFFD00  }
0x411: {  	_ =	swait.ge [sflag:s30], $0x300  }
0x412: {  	[sflag:s30] =	ssyncset.done $0x0  }
0x413: {  	[sflag:s30] =	ssyncadd.s32 $0xFFFFFD00  }
0x414: {  	_ =	swait.ge [sflag:s30], $0x300  }
0x415: {  	[sflag:s30] =	ssyncset.done $0x0  }
0x416: {  	[sflag:s30] =	ssyncadd.s32 $0xFFFFFD00  }
0x417: {  	_ =	swait.ge [sflag:s30], $0x300  }
0x418: {  	[sflag:s30] =	ssyncset.done $0x0  }
0x419: {  	[sflag:s30] =	ssyncadd.s32 $0xFFFFFD00  }
0x41a: {  	_ =	swait.ge [sflag:s30], $0x300  }
0x41b: {  	[sflag:s30] =	ssyncset.done $0x0  }
0x41c: {  	[sflag:s30] =	ssyncadd.s32 $0xFFFFFD00  }
0x41d: {  	_ =	swait.ge [sflag:s30], $0x300  }
0x41e: {  	[sflag:s30] =	ssyncset.done $0x0  }
0x41f: {  	[sflag:s30] =	ssyncadd.s32 $0xFFFFFD00  }
0x420: {  	_ =	swait.ge [sflag:s30], $0x300  }
0x421: {  	[sflag:s30] =	ssyncset.done $0x0  }
0x422: {  	[sflag:s30] =	ssyncadd.s32 $0xFFFFFD00  }
0x423: {  	_ =	swait.ge [sflag:s30], $0x300  }
0x424: {  	[sflag:s30] =	ssyncset.done $0x0  }
0x425: {  	[sflag:s30] =	ssyncadd.s32 $0xFFFFFD00  }
0x426: {  	_ =	swait.ge [sflag:s30], $0x300  }
0x427: {  	[sflag:s30] =	ssyncset.done $0x0  }
0x428: {  	[sflag:s30] =	ssyncadd.s32 $0xFFFFFD00  }
0x429: {  	_ =	swait.ge [sflag:s30], $0x300  }
0x42a: {  	[sflag:s30] =	ssyncset.done $0x0  }
0x42b: {  	[sflag:s30] =	ssyncadd.s32 $0xFFFFFD00  }
0x42c: {  	_ =	swait.ge [sflag:s30], $0x300  }
0x42d: {  	s0 =	sor.u32 $0x2, s5;
	[sflag:s30] =	ssyncset.done $0x0  }
0x42e: {  	s6 =	simm.s32 $0x0;
	s0 =	smul.u32 $0x1800, s0;
	[sflag:s30] =	ssyncadd.s32 $0xFFFFFD00  }
0x42f: {  	s6 =	sand.u32 $0x380, s6;
	_ =	swait.ge [sflag:s30], $0x300  }
0x430: {  	s0 =	sor.u32 s6, s0;
	[sflag:s30] =	ssyncset.done $0x0  }
0x431: {  	s26 =	simm.s32 $0x80;
	s0 =	sadd.s32 $0xC00000, s0;
	[sflag:s30] =	ssyncadd.s32 $0xFFFFFD00  }
0x432: {  	s25 =	sshrl.u32 s0, $0x3;
	s0 =	simm.s32 $0x12000;
	_ =	swait.ge [sflag:s30], $0x300  }
0x433: {  	s6 =	sadd.s32 s1, s25;
	[sflag:s30] =	ssyncset.done $0x0;
	s8 =	rddreg [dreg:$0x11]  }
0x434: {  	s25 =	sand.u32 $0x380, s26;
	[sflag:s30] =	ssyncadd.s32 $0xFFFFFD00;
	s23 =	sor.u32 $0x2, s8  }
0x435: {  	[tilespmem:s0], [sflag:$0x7] =	stream.strided.gather [hbm4b:s6+s11], $0x300, s12, s11, $0x38;
	[tilespmem:$0x1E000] =	vst v63  }
0x436: {  	s8 =	simm.s32 $0x100;
	s24 =	smul.u32 $0x1800, s23;
	s23 =	sadd.s32 $0x1, s4  }
.LBB2_45:
0x437: {  	s6 =	sshrl.u32 s23, $0x3  }
0x438: {  	s24 =	sor.u32 s25, s24;
	s25 =	smov.u32 s8;
	p1 =	seq.s32 s8, $0x780  }
.Ltmp25:
0x439: {  	s6 =	sor.u32 $0x2, s6;
	s24 =	sadd.s32 $0xC00000, s24;
	(pc) =	sbr.rel @!p1 .LBB2_45-.Ltmp25, $4  }
0x43a: {  	s8 =	sadd.s32 $0x80, s8;
	s26 =	sshrl.u32 s24, $0x3  }
0x43b: {  	s0 =	sadd.s32 $0x300, s0;
	s24 =	smul.u32 $0x1800, s6;
	s6 =	sadd.s32 s1, s26  }
0x43c: {  	[tilespmem:s0], [sflag:$0x7] =	stream.strided.gather [hbm4b:s6+s11], $0x300, s12, s11, $0x38;
	[tilespmem:$0x1E000] =	vst v63  }
0x43d: {  	s23 =	sadd.s32 $0x1, s23;
	s25 =	sand.u32 $0x380, s25  }
.Ltmp26:
0x43e: {  	s6 =	sor.u32 s25, s24;
	(pc) =	sbr.rel .LBB2_47-.Ltmp26, $4  }
0x43f: {  	s6 =	sadd.s32 $0xC00000, s6  }
0x440: {  	s6 =	sshrl.u32 s6, $0x3  }
0x441: {  	s0 =	sadd.s32 $0x300, s0;
	s6 =	sadd.s32 s1, s6  }
0x442: {  	[tilespmem:s0], [sflag:$0x7] =	stream.strided.gather [hbm4b:s6+s11], $0x300, s12, s11, $0x38;
	[tilespmem:$0x1E000] =	vst v63  }
.LBB2_41:
0x443: {  	s8 =	simm.s32 $0x0  }
0x444: {  	s23 =	rddreg [dreg:$0xa];
	s6 =	sand.u32 $0x380, s8  }
0x445: {  	s0 =	simm.s32 $0x12000;
	s24 =	simm.s32 $0x80;
	s6 =	sor.u32 s6, s23  }
0x446: {  	s26 =	rddreg [dreg:$0xb];
	s25 =	sand.u32 $0x380, s24;
	s6 =	sadd.s32 $0xC03000, s6  }
0x447: {  	s8 =	simm.s32 $0x100;
	s23 =	rddreg [dreg:$0xc];
	s6 =	sshrl.u32 s6, $0x3  }
0x448: {  	s24 =	sor.u32 s25, s23;
	s23 =	sadd.s32 $0x1, s26;
	s6 =	sadd.s32 s1, s6  }
0x449: {  	[tilespmem:s0], [sflag:$0x7] =	stream.strided.gather [hbm4b:s6+s11], $0x300, s12, s11, $0x38;
	[tilespmem:$0x1E000] =	vst v63  }
.LBB2_42:
0x44a: {  	s6 =	sshrl.u32 s23, $0x3;
	s24 =	sadd.s32 $0xC03000, s24  }
0x44b: {  	s25 =	smov.u32 s8;
	p1 =	sne.s32 s8, $0x780;
	s6 =	smul.u32 $0x1800, s6  }
.Ltmp27:
0x44c: {  	s0 =	sadd.s32 $0x300, s0;
	s24 =	sshrl.u32 s24, $0x3;
	(pc) =	sbr.rel @p1 .LBB2_42-.Ltmp27, $4  }
0x44d: {  	s8 =	sadd.s32 $0x80, s8;
	s24 =	sadd.s32 s1, s24  }
0x44e: {  	[tilespmem:s0], [sflag:$0x7] =	stream.strided.gather [hbm4b:s24+s11], $0x300, s12, s11, $0x38;
	[tilespmem:$0x1E000] =	vst v63  }
0x44f: {  	s24 =	sand.u32 $0x380, s25  }
0x450: {  	s23 =	sadd.s32 $0x1, s23;
	s24 =	sor.u32 s24, s6  }
0x451: {  	s6 =	sadd.s32 $0xC03000, s24  }
0x452: {  	s6 =	sshrl.u32 s6, $0x3  }
0x453: {  	s0 =	sadd.s32 $0x300, s0;
	s6 =	sadd.s32 s1, s6  }
0x454: {  	[tilespmem:s0], [sflag:$0x7] =	stream.strided.gather [hbm4b:s6+s11], $0x300, s12, s11, $0x38;
	[tilespmem:$0x1E000] =	vst v63  }
.LBB2_47:
0x455: {  	_ =	swait.ge [sflag:s17], $0x300  }
0x456: {  	[sflag:s17] =	ssyncset.done $0x0  }
0x457: {  	[sflag:s17] =	ssyncadd.s32 $0xFFFFFD00  }
0x458: {  	_ =	swait.ge [sflag:s17], $0x300  }
0x459: {  	[sflag:s17] =	ssyncset.done $0x0  }
0x45a: {  	[sflag:s17] =	ssyncadd.s32 $0xFFFFFD00  }
0x45b: {  	_ =	swait.ge [sflag:s17], $0x300  }
0x45c: {  	[sflag:s17] =	ssyncset.done $0x0  }
0x45d: {  	[sflag:s17] =	ssyncadd.s32 $0xFFFFFD00  }
0x45e: {  	_ =	swait.ge [sflag:s17], $0x300  }
0x45f: {  	[sflag:s17] =	ssyncset.done $0x0  }
0x460: {  	[sflag:s17] =	ssyncadd.s32 $0xFFFFFD00  }
0x461: {  	_ =	swait.ge [sflag:s17], $0x300  }
0x462: {  	[sflag:s17] =	ssyncset.done $0x0  }
0x463: {  	[sflag:s17] =	ssyncadd.s32 $0xFFFFFD00  }
0x464: {  	_ =	swait.ge [sflag:s17], $0x300  }
0x465: {  	[sflag:s17] =	ssyncset.done $0x0  }
0x466: {  	[sflag:s17] =	ssyncadd.s32 $0xFFFFFD00  }
0x467: {  	_ =	swait.ge [sflag:s17], $0x300  }
0x468: {  	[sflag:s17] =	ssyncset.done $0x0  }
0x469: {  	[sflag:s17] =	ssyncadd.s32 $0xFFFFFD00  }
0x46a: {  	_ =	swait.ge [sflag:s17], $0x300  }
0x46b: {  	[sflag:s17] =	ssyncset.done $0x0  }
0x46c: {  	[sflag:s17] =	ssyncadd.s32 $0xFFFFFD00  }
0x46d: {  	_ =	swait.ge [sflag:s17], $0x300  }
0x46e: {  	[sflag:s17] =	ssyncset.done $0x0  }
0x46f: {  	[sflag:s17] =	ssyncadd.s32 $0xFFFFFD00  }
0x470: {  	_ =	swait.ge [sflag:s17], $0x300  }
0x471: {  	[sflag:s17] =	ssyncset.done $0x0  }
0x472: {  	[sflag:s17] =	ssyncadd.s32 $0xFFFFFD00  }
0x473: {  	_ =	swait.ge [sflag:s17], $0x300  }
0x474: {  	[sflag:s17] =	ssyncset.done $0x0  }
0x475: {  	[sflag:s17] =	ssyncadd.s32 $0xFFFFFD00  }
0x476: {  	_ =	swait.ge [sflag:s17], $0x300  }
0x477: {  	[sflag:s17] =	ssyncset.done $0x0  }
0x478: {  	[sflag:s17] =	ssyncadd.s32 $0xFFFFFD00  }
0x479: {  	_ =	swait.ge [sflag:s17], $0x300  }
0x47a: {  	[sflag:s17] =	ssyncset.done $0x0  }
0x47b: {  	[sflag:s17] =	ssyncadd.s32 $0xFFFFFD00  }
0x47c: {  	_ =	swait.ge [sflag:s17], $0x300  }
0x47d: {  	[sflag:s17] =	ssyncset.done $0x0  }
0x47e: {  	[sflag:s17] =	ssyncadd.s32 $0xFFFFFD00  }
0x47f: {  	_ =	swait.ge [sflag:s17], $0x300  }
0x480: {  	[sflag:s17] =	ssyncset.done $0x0  }
0x481: {  	[sflag:s17] =	ssyncadd.s32 $0xFFFFFD00  }
0x482: {  	_ =	swait.ge [sflag:s17], $0x300  }
0x483: {  	[sflag:s17] =	ssyncset.done $0x0  }
0x484: {  	s0 =	simm.s32 $0x0;
	[sflag:s17] =	ssyncadd.s32 $0xFFFFFD00  }
0x485: {  	v0 =	vld [tilespmem:s0+$0x18070]  }
0x486: {  	v1 =	vld [tilespmem:s0+$0x18000]  }
0x487: {  	v2 =	vld [tilespmem:s0+$0x18010]  }
0x488: {  	v3 =	vld [tilespmem:s0+$0x18020]  }
0x489: {  	v4 =	vld [tilespmem:s0+$0x18030]  }
0x48a: {  	v5 =	vld [tilespmem:s0+$0x18040]  }
0x48b: {  	v6 =	vld [tilespmem:s0+$0x18050]  }
0x48c: {  	[tilespmem:s0+$0x9070] =	vst.add.f32.msk $0xffff, v0  }
0x48d: {  	v0 =	vld [tilespmem:s0+$0x18060]  }
0x48e: {  	[tilespmem:s0+$0x9000] =	vst.add.f32.msk $0xffff, v1  }
0x48f: {  	[tilespmem:s0+$0x9010] =	vst.add.f32.msk $0xffff, v2  }
0x490: {  	[tilespmem:s0+$0x9020] =	vst.add.f32.msk $0xffff, v3  }
0x491: {  	[tilespmem:s0+$0x9030] =	vst.add.f32.msk $0xffff, v4  }
0x492: {  	[tilespmem:s0+$0x9040] =	vst.add.f32.msk $0xffff, v5  }
0x493: {  	s23 =	simm.s32 $0x0;
	s24 =	simm.s32 $0x0;
	s25 =	simm.s32 $0x200;
	[tilespmem:s0+$0x9050] =	vst.add.f32.msk $0xffff, v6  }
.LBB2_48:
0x494: {  	s24 =	sadd.s32 $0x8, s24;
	[tilespmem:s0+$0x9060] =	vst.add.f32.msk $0xffff, v0;
	s0 =	sshra.s32 s25, $0x2  }
0x495: {  	v0 =	vld [tilespmem:s0+$0x18070];
	p1 =	slt.u32 s24, $0x2F8  }
0x496: {  	v1 =	vld [tilespmem:s0+$0x18000]  }
0x497: {  	v2 =	vld [tilespmem:s0+$0x18010]  }
0x498: {  	v3 =	vld [tilespmem:s0+$0x18020]  }
0x499: {  	v4 =	vld [tilespmem:s0+$0x18030]  }
0x49a: {  	s8 =	simm.s32 $0x9000;
	[tilespmem:s0+$0x9070] =	vst.add.f32.msk $0xffff, v0  }
0x49b: {  	v5 =	vld [tilespmem:s0+$0x18040]  }
0x49c: {  	v6 =	vld [tilespmem:s0+$0x18050]  }
0x49d: {  	v0 =	vld [tilespmem:s0+$0x18060]  }
0x49e: {  	[tilespmem:s0+$0x9000] =	vst.add.f32.msk $0xffff, v1  }
.Ltmp28:
0x49f: {  	[tilespmem:s0+$0x9010] =	vst.add.f32.msk $0xffff, v2;
	(pc) =	sbr.rel @p1 .LBB2_48-.Ltmp28, $4  }
0x4a0: {  	[tilespmem:s0+$0x9020] =	vst.add.f32.msk $0xffff, v3  }
0x4a1: {  	[tilespmem:s0+$0x9030] =	vst.add.f32.msk $0xffff, v4  }
0x4a2: {  	[tilespmem:s0+$0x9040] =	vst.add.f32.msk $0xffff, v5  }
0x4a3: {  	s25 =	sadd.s32 $0x200, s25;
	[tilespmem:s0+$0x9050] =	vst.add.f32.msk $0xffff, v6  }
0x4a4: {  	s6 =	sand.u32 $0x380, s23  }
0x4a5: {  	s6 =	sor.u32 s6, s10  }
0x4a6: {  	s25 =	simm.s32 $0x80;
	s6 =	sadd.s32 $0x1200000, s6  }
0x4a7: {  	[tilespmem:s0+$0x9060] =	vst.add.f32.msk $0xffff, v0;
	s0 =	simm.s32 $0x100;
	s26 =	sand.u32 $0x380, s25;
	s6 =	sshrl.u32 s6, $0x3  }
0x4a8: {  	s10 =	sor.u32 s26, s9;
	s9 =	sadd.s32 $0x1, s4;
	s6 =	sadd.s32 s3, s6  }
0x4a9: {  	[hbm4b:s6+s11] =	stream.strided.scatter [tilespmem:s8], [sflag:$0xE], $0x300, s12, s11, $0x38;
	[tilespmem:$0x1E000] =	vst v63  }
.LBB2_50:
0x4aa: {  	s6 =	sshrl.u32 s9, $0x3;
	s10 =	sadd.s32 $0x1200000, s10  }
0x4ab: {  	s23 =	smov.u32 s0;
	p1 =	sne.s32 s0, $0x780;
	s6 =	smul.u32 $0x1800, s6  }
.Ltmp29:
0x4ac: {  	s8 =	sadd.s32 $0x300, s8;
	s10 =	sshrl.u32 s10, $0x3;
	(pc) =	sbr.rel @p1 .LBB2_50-.Ltmp29, $4  }
0x4ad: {  	s0 =	sadd.s32 $0x80, s0;
	s10 =	sadd.s32 s3, s10  }
0x4ae: {  	[hbm4b:s10+s11] =	stream.strided.scatter [tilespmem:s8], [sflag:$0xE], $0x300, s12, s11, $0x38;
	[tilespmem:$0x1E000] =	vst v63  }
0x4af: {  	s10 =	sand.u32 $0x380, s23  }
0x4b0: {  	s9 =	sadd.s32 $0x1, s9;
	s10 =	sor.u32 s10, s6  }
.Ltmp30:
0x4b1: {  	(pc) =	sbr.rel @p0 .LBB2_52-.Ltmp30, $4  }
0x4b2: {  	s0 =	sadd.s32 $0x1200000, s10  }
0x4b3: {  	s0 =	sshrl.u32 s0, $0x3  }
0x4b4: {  	s6 =	sadd.s32 $0x300, s8;
	s25 =	rddreg [dreg:$0xf];
	s0 =	sadd.s32 s3, s0  }
0x4b5: {  	[hbm4b:s0+s11] =	stream.strided.scatter [tilespmem:s6], [sflag:$0xE], $0x300, s12, s11, $0x38;
	[tilespmem:$0x1E000] =	vst v63  }
0x4b6: {  	_ =	swait.ge [sflag:s31], $0x300  }
0x4b7: {  	[sflag:s31] =	ssyncset.done $0x0  }
0x4b8: {  	[sflag:s31] =	ssyncadd.s32 $0xFFFFFD00  }
0x4b9: {  	_ =	swait.ge [sflag:s31], $0x300  }
0x4ba: {  	[sflag:s31] =	ssyncset.done $0x0  }
0x4bb: {  	[sflag:s31] =	ssyncadd.s32 $0xFFFFFD00  }
0x4bc: {  	_ =	swait.ge [sflag:s31], $0x300  }
0x4bd: {  	[sflag:s31] =	ssyncset.done $0x0  }
0x4be: {  	[sflag:s31] =	ssyncadd.s32 $0xFFFFFD00  }
0x4bf: {  	_ =	swait.ge [sflag:s31], $0x300  }
0x4c0: {  	[sflag:s31] =	ssyncset.done $0x0  }
0x4c1: {  	[sflag:s31] =	ssyncadd.s32 $0xFFFFFD00  }
0x4c2: {  	_ =	swait.ge [sflag:s31], $0x300  }
0x4c3: {  	[sflag:s31] =	ssyncset.done $0x0  }
0x4c4: {  	[sflag:s31] =	ssyncadd.s32 $0xFFFFFD00  }
0x4c5: {  	_ =	swait.ge [sflag:s31], $0x300  }
0x4c6: {  	[sflag:s31] =	ssyncset.done $0x0  }
0x4c7: {  	[sflag:s31] =	ssyncadd.s32 $0xFFFFFD00  }
0x4c8: {  	_ =	swait.ge [sflag:s31], $0x300  }
0x4c9: {  	[sflag:s31] =	ssyncset.done $0x0  }
0x4ca: {  	[sflag:s31] =	ssyncadd.s32 $0xFFFFFD00  }
0x4cb: {  	_ =	swait.ge [sflag:s31], $0x300  }
0x4cc: {  	[sflag:s31] =	ssyncset.done $0x0  }
0x4cd: {  	[sflag:s31] =	ssyncadd.s32 $0xFFFFFD00  }
0x4ce: {  	_ =	swait.ge [sflag:s31], $0x300  }
0x4cf: {  	[sflag:s31] =	ssyncset.done $0x0  }
0x4d0: {  	[sflag:s31] =	ssyncadd.s32 $0xFFFFFD00  }
0x4d1: {  	_ =	swait.ge [sflag:s31], $0x300  }
0x4d2: {  	[sflag:s31] =	ssyncset.done $0x0  }
0x4d3: {  	[sflag:s31] =	ssyncadd.s32 $0xFFFFFD00  }
0x4d4: {  	_ =	swait.ge [sflag:s31], $0x300  }
0x4d5: {  	[sflag:s31] =	ssyncset.done $0x0  }
0x4d6: {  	[sflag:s31] =	ssyncadd.s32 $0xFFFFFD00  }
0x4d7: {  	_ =	swait.ge [sflag:s31], $0x300  }
0x4d8: {  	[sflag:s31] =	ssyncset.done $0x0  }
0x4d9: {  	[sflag:s31] =	ssyncadd.s32 $0xFFFFFD00  }
0x4da: {  	_ =	swait.ge [sflag:s31], $0x300  }
0x4db: {  	[sflag:s31] =	ssyncset.done $0x0  }
0x4dc: {  	[sflag:s31] =	ssyncadd.s32 $0xFFFFFD00  }
0x4dd: {  	_ =	swait.ge [sflag:s31], $0x300  }
0x4de: {  	s0 =	sor.u32 $0x2, s5;
	[sflag:s31] =	ssyncset.done $0x0  }
0x4df: {  	s23 =	simm.s32 $0x0;
	s0 =	smul.u32 $0x1800, s0;
	[sflag:s31] =	ssyncadd.s32 $0xFFFFFD00  }
0x4e0: {  	s5 =	sand.u32 $0x380, s23;
	_ =	swait.ge [sflag:s31], $0x300  }
0x4e1: {  	s0 =	sor.u32 s5, s0;
	[sflag:s31] =	ssyncset.done $0x0  }
0x4e2: {  	s8 =	simm.s32 $0x80;
	s0 =	sadd.s32 $0x1200000, s0;
	[sflag:s31] =	ssyncadd.s32 $0xFFFFFD00  }
0x4e3: {  	s4 =	sadd.s32 $0x1, s4;
	s24 =	sshrl.u32 s0, $0x3;
	_ =	swait.ge [sflag:s31], $0x300  }
0x4e4: {  	s0 =	simm.s32 $0x15000;
	[sflag:s31] =	ssyncset.done $0x0;
	s26 =	rddreg [dreg:$0x11]  }
0x4e5: {  	s5 =	sadd.s32 s1, s24;
	[sflag:s31] =	ssyncadd.s32 $0xFFFFFD00;
	s6 =	sor.u32 $0x2, s26  }
0x4e6: {  	[tilespmem:s0], [sflag:$0x8] =	stream.strided.gather [hbm4b:s5+s11], $0x300, s12, s11, $0x38;
	[tilespmem:$0x1E000] =	vst v63  }
0x4e7: {  	s8 =	sand.u32 $0x380, s8;
	s5 =	simm.s32 $0x100;
	s6 =	smul.u32 $0x1800, s6  }
.LBB2_56:
0x4e8: {  	s9 =	sshrl.u32 s4, $0x3  }
0x4e9: {  	s6 =	sor.u32 s8, s6;
	s8 =	smov.u32 s5;
	p0 =	seq.s32 s5, $0x780  }
.Ltmp31:
0x4ea: {  	s9 =	sor.u32 $0x2, s9;
	s6 =	sadd.s32 $0x1200000, s6;
	(pc) =	sbr.rel @!p0 .LBB2_56-.Ltmp31, $4  }
0x4eb: {  	s5 =	sadd.s32 $0x80, s5;
	s10 =	sshrl.u32 s6, $0x3  }
0x4ec: {  	s0 =	sadd.s32 $0x300, s0;
	s6 =	smul.u32 $0x1800, s9;
	s9 =	sadd.s32 s1, s10  }
0x4ed: {  	[tilespmem:s0], [sflag:$0x8] =	stream.strided.gather [hbm4b:s9+s11], $0x300, s12, s11, $0x38;
	[tilespmem:$0x1E000] =	vst v63  }
0x4ee: {  	s4 =	sadd.s32 $0x1, s4;
	s8 =	sand.u32 $0x380, s8  }
0x4ef: {  	s26 =	rddreg [dreg:$0xd]  }
0x4f0: {  	p1 =	seq.s32 s26, $0x7  }
.Ltmp32:
0x4f1: {  	s4 =	sor.u32 s8, s6;
	(pc) =	sbr.rel @p1 .LBB2_61-.Ltmp32, $4  }
.Ltmp33:
0x4f2: {  	s4 =	sadd.s32 $0x1200000, s4;
	(pc) =	sbr.rel @!p1 .LBB2_58-.Ltmp33, $4  }
0x4f3: {  	s4 =	sshrl.u32 s4, $0x3  }
0x4f4: {  	s0 =	sadd.s32 $0x300, s0;
	p0 =	por $0x1, $0x1;
	s4 =	sadd.s32 s1, s4  }
0x4f5: {  	[tilespmem:s0], [sflag:$0x8] =	stream.strided.gather [hbm4b:s4+s11], $0x300, s12, s11, $0x38;
	[tilespmem:$0x1E000] =	vst v63  }
0x4f6: {  	_ = 	snop  }
.LBB2_52:
0x4f7: {  	s4 =	simm.s32 $0x0  }
0x4f8: {  	s5 =	rddreg [dreg:$0xa];
	s4 =	sand.u32 $0x380, s4  }
0x4f9: {  	s4 =	sor.u32 s4, s5  }
0x4fa: {  	s0 =	simm.s32 $0x15000;
	s4 =	sadd.s32 $0x1203000, s4  }
0x4fb: {  	s24 =	simm.s32 $0x80;
	s6 =	rddreg [dreg:$0xc];
	s4 =	sshrl.u32 s4, $0x3  }
0x4fc: {  	s26 =	rddreg [dreg:$0xb];
	s5 =	sand.u32 $0x380, s24;
	s4 =	sadd.s32 s1, s4  }
0x4fd: {  	[tilespmem:s0], [sflag:$0x8] =	stream.strided.gather [hbm4b:s4+s11], $0x300, s12, s11, $0x38;
	[tilespmem:$0x1E000] =	vst v63  }
0x4fe: {  	s6 =	sor.u32 s5, s6;
	s5 =	sadd.s32 $0x1, s26;
	s4 =	simm.s32 $0x100  }
.LBB2_53:
0x4ff: {  	s8 =	sshrl.u32 s5, $0x3;
	s6 =	sadd.s32 $0x1203000, s6  }
0x500: {  	s9 =	smov.u32 s4;
	p0 =	seq.s32 s4, $0x780;
	s8 =	smul.u32 $0x1800, s8  }
.Ltmp34:
0x501: {  	s0 =	sadd.s32 $0x300, s0;
	s6 =	sshrl.u32 s6, $0x3;
	(pc) =	sbr.rel @!p0 .LBB2_53-.Ltmp34, $4  }
0x502: {  	s4 =	sadd.s32 $0x80, s4;
	s6 =	sadd.s32 s1, s6  }
0x503: {  	[tilespmem:s0], [sflag:$0x8] =	stream.strided.gather [hbm4b:s6+s11], $0x300, s12, s11, $0x38;
	[tilespmem:$0x1E000] =	vst v63  }
0x504: {  	s6 =	sand.u32 $0x380, s9  }
0x505: {  	s5 =	sadd.s32 $0x1, s5;
	s6 =	sor.u32 s6, s8  }
0x506: {  	s4 =	sadd.s32 $0x1203000, s6  }
0x507: {  	s4 =	sshrl.u32 s4, $0x3  }
0x508: {  	s0 =	sadd.s32 $0x300, s0;
	s4 =	sadd.s32 s1, s4  }
0x509: {  	[tilespmem:s0], [sflag:$0x8] =	stream.strided.gather [hbm4b:s4+s11], $0x300, s12, s11, $0x38;
	[tilespmem:$0x1E000] =	vst v63  }
.LBB2_58:
0x50a: {  	s0 =	sshrl.u32 s7, $0x3  }
0x50b: {  	s4 =	simm.s32 $0x0;
	s0 =	smul.u32 $0x1800, s0  }
0x50c: {  	s4 =	sand.u32 $0x380, s4  }
0x50d: {  	s5 =	sadd.s32 $0x1, s7;
	s0 =	sor.u32 s4, s0  }
0x50e: {  	s26 =	simm.s32 $0x80;
	s6 =	sshrl.u32 s5, $0x3;
	s4 =	sshrl.u32 s0, $0x3  }
0x50f: {  	s6 =	smul.u32 $0x1800, s6;
	s0 =	simm.s32 $0x18000;
	s4 =	sadd.s32 s2, s4  }
0x510: {  	[tilespmem:s0], [sflag:$0x9] =	stream.strided.gather [hbm4b:s4+s11], $0x300, s12, s11, $0x38;
	[tilespmem:$0x1E000] =	vst v63  }
0x511: {  	s4 =	sand.u32 $0x380, s26  }
0x512: {  	s6 =	sor.u32 s4, s6  }
0x513: {  	s5 =	sadd.s32 $0x1, s5;
	s4 =	simm.s32 $0x100;
	s6 =	sshrl.u32 s6, $0x3  }
.LBB2_59:
0x514: {  	s8 =	sshrl.u32 s5, $0x3;
	s6 =	sadd.s32 s2, s6  }
0x515: {  	s0 =	sadd.s32 $0x300, s0;
	s9 =	smov.u32 s4;
	p0 =	sne.s32 s4, $0x780  }
0x516: {  	[tilespmem:s0], [sflag:$0x9] =	stream.strided.gather [hbm4b:s6+s11], $0x300, s12, s11, $0x38;
	[tilespmem:$0x1E000] =	vst v63  }
.Ltmp35:
0x517: {  	_ = 	snop;
	(pc) =	sbr.rel @p0 .LBB2_59-.Ltmp35, $4  }
0x518: {  	s4 =	sadd.s32 $0x80, s4;
	s6 =	smul.u32 $0x1800, s8  }
0x519: {  	s8 =	sand.u32 $0x380, s9  }
0x51a: {  	s6 =	sor.u32 s8, s6  }
0x51b: {  	s5 =	sadd.s32 $0x1, s5;
	s6 =	sshrl.u32 s6, $0x3  }
0x51c: {  	s4 =	sadd.s32 s2, s6;
	s0 =	sadd.s32 $0x300, s0;
	p0 =	por $0x0, $0x0  }
0x51d: {  	[tilespmem:s0], [sflag:$0x9] =	stream.strided.gather [hbm4b:s4+s11], $0x300, s12, s11, $0x38;
	[tilespmem:$0x1E000] =	vst v63  }
.LBB2_61:
0x51e: {  	_ =	swait.ge [sflag:s18], $0x300  }
0x51f: {  	[sflag:s18] =	ssyncset.done $0x0  }
0x520: {  	[sflag:s18] =	ssyncadd.s32 $0xFFFFFD00  }
0x521: {  	_ =	swait.ge [sflag:s18], $0x300  }
0x522: {  	[sflag:s18] =	ssyncset.done $0x0  }
0x523: {  	[sflag:s18] =	ssyncadd.s32 $0xFFFFFD00  }
0x524: {  	_ =	swait.ge [sflag:s18], $0x300  }
0x525: {  	[sflag:s18] =	ssyncset.done $0x0  }
0x526: {  	[sflag:s18] =	ssyncadd.s32 $0xFFFFFD00  }
0x527: {  	_ =	swait.ge [sflag:s18], $0x300  }
0x528: {  	[sflag:s18] =	ssyncset.done $0x0  }
0x529: {  	[sflag:s18] =	ssyncadd.s32 $0xFFFFFD00  }
0x52a: {  	_ =	swait.ge [sflag:s18], $0x300  }
0x52b: {  	[sflag:s18] =	ssyncset.done $0x0  }
0x52c: {  	[sflag:s18] =	ssyncadd.s32 $0xFFFFFD00  }
0x52d: {  	_ =	swait.ge [sflag:s18], $0x300  }
0x52e: {  	[sflag:s18] =	ssyncset.done $0x0  }
0x52f: {  	[sflag:s18] =	ssyncadd.s32 $0xFFFFFD00  }
0x530: {  	_ =	swait.ge [sflag:s18], $0x300  }
0x531: {  	[sflag:s18] =	ssyncset.done $0x0  }
0x532: {  	[sflag:s18] =	ssyncadd.s32 $0xFFFFFD00  }
0x533: {  	_ =	swait.ge [sflag:s18], $0x300  }
0x534: {  	[sflag:s18] =	ssyncset.done $0x0  }
0x535: {  	[sflag:s18] =	ssyncadd.s32 $0xFFFFFD00  }
0x536: {  	_ =	swait.ge [sflag:s18], $0x300  }
0x537: {  	[sflag:s18] =	ssyncset.done $0x0  }
0x538: {  	[sflag:s18] =	ssyncadd.s32 $0xFFFFFD00  }
0x539: {  	_ =	swait.ge [sflag:s18], $0x300  }
0x53a: {  	[sflag:s18] =	ssyncset.done $0x0  }
0x53b: {  	[sflag:s18] =	ssyncadd.s32 $0xFFFFFD00  }
0x53c: {  	_ =	swait.ge [sflag:s18], $0x300  }
0x53d: {  	[sflag:s18] =	ssyncset.done $0x0  }
0x53e: {  	[sflag:s18] =	ssyncadd.s32 $0xFFFFFD00  }
0x53f: {  	_ =	swait.ge [sflag:s18], $0x300  }
0x540: {  	[sflag:s18] =	ssyncset.done $0x0  }
0x541: {  	[sflag:s18] =	ssyncadd.s32 $0xFFFFFD00  }
0x542: {  	_ =	swait.ge [sflag:s18], $0x300  }
0x543: {  	[sflag:s18] =	ssyncset.done $0x0  }
0x544: {  	[sflag:s18] =	ssyncadd.s32 $0xFFFFFD00  }
0x545: {  	_ =	swait.ge [sflag:s18], $0x300  }
0x546: {  	[sflag:s18] =	ssyncset.done $0x0  }
0x547: {  	[sflag:s18] =	ssyncadd.s32 $0xFFFFFD00  }
0x548: {  	_ =	swait.ge [sflag:s18], $0x300  }
0x549: {  	[sflag:s18] =	ssyncset.done $0x0  }
0x54a: {  	[sflag:s18] =	ssyncadd.s32 $0xFFFFFD00  }
0x54b: {  	_ =	swait.ge [sflag:s18], $0x300  }
0x54c: {  	[sflag:s18] =	ssyncset.done $0x0  }
0x54d: {  	[sflag:s18] =	ssyncadd.s32 $0xFFFFFD00  }
0x54e: {  	_ =	swait.ge [sflag:s19], $0x300  }
0x54f: {  	[sflag:s19] =	ssyncset.done $0x0  }
0x550: {  	[sflag:s19] =	ssyncadd.s32 $0xFFFFFD00  }
0x551: {  	_ =	swait.ge [sflag:s19], $0x300  }
0x552: {  	[sflag:s19] =	ssyncset.done $0x0  }
0x553: {  	[sflag:s19] =	ssyncadd.s32 $0xFFFFFD00  }
0x554: {  	_ =	swait.ge [sflag:s19], $0x300  }
0x555: {  	[sflag:s19] =	ssyncset.done $0x0  }
0x556: {  	[sflag:s19] =	ssyncadd.s32 $0xFFFFFD00  }
0x557: {  	_ =	swait.ge [sflag:s19], $0x300  }
0x558: {  	[sflag:s19] =	ssyncset.done $0x0  }
0x559: {  	[sflag:s19] =	ssyncadd.s32 $0xFFFFFD00  }
0x55a: {  	_ =	swait.ge [sflag:s19], $0x300  }
0x55b: {  	[sflag:s19] =	ssyncset.done $0x0  }
0x55c: {  	[sflag:s19] =	ssyncadd.s32 $0xFFFFFD00  }
0x55d: {  	_ =	swait.ge [sflag:s19], $0x300  }
0x55e: {  	[sflag:s19] =	ssyncset.done $0x0  }
0x55f: {  	[sflag:s19] =	ssyncadd.s32 $0xFFFFFD00  }
0x560: {  	_ =	swait.ge [sflag:s19], $0x300  }
0x561: {  	[sflag:s19] =	ssyncset.done $0x0  }
0x562: {  	[sflag:s19] =	ssyncadd.s32 $0xFFFFFD00  }
0x563: {  	_ =	swait.ge [sflag:s19], $0x300  }
0x564: {  	[sflag:s19] =	ssyncset.done $0x0  }
0x565: {  	[sflag:s19] =	ssyncadd.s32 $0xFFFFFD00  }
0x566: {  	_ =	swait.ge [sflag:s19], $0x300  }
0x567: {  	[sflag:s19] =	ssyncset.done $0x0  }
0x568: {  	[sflag:s19] =	ssyncadd.s32 $0xFFFFFD00  }
0x569: {  	_ =	swait.ge [sflag:s19], $0x300  }
0x56a: {  	[sflag:s19] =	ssyncset.done $0x0  }
0x56b: {  	[sflag:s19] =	ssyncadd.s32 $0xFFFFFD00  }
0x56c: {  	_ =	swait.ge [sflag:s19], $0x300  }
0x56d: {  	[sflag:s19] =	ssyncset.done $0x0  }
0x56e: {  	[sflag:s19] =	ssyncadd.s32 $0xFFFFFD00  }
0x56f: {  	_ =	swait.ge [sflag:s19], $0x300  }
0x570: {  	[sflag:s19] =	ssyncset.done $0x0  }
0x571: {  	[sflag:s19] =	ssyncadd.s32 $0xFFFFFD00  }
0x572: {  	_ =	swait.ge [sflag:s19], $0x300  }
0x573: {  	[sflag:s19] =	ssyncset.done $0x0  }
0x574: {  	[sflag:s19] =	ssyncadd.s32 $0xFFFFFD00  }
0x575: {  	_ =	swait.ge [sflag:s19], $0x300  }
0x576: {  	[sflag:s19] =	ssyncset.done $0x0  }
0x577: {  	[sflag:s19] =	ssyncadd.s32 $0xFFFFFD00  }
0x578: {  	_ =	swait.ge [sflag:s19], $0x300  }
0x579: {  	[sflag:s19] =	ssyncset.done $0x0  }
0x57a: {  	[sflag:s19] =	ssyncadd.s32 $0xFFFFFD00  }
0x57b: {  	_ =	swait.ge [sflag:s19], $0x300  }
0x57c: {  	[sflag:s19] =	ssyncset.done $0x0  }
0x57d: {  	s6 =	simm.s32 $0x0;
	[sflag:s19] =	ssyncadd.s32 $0xFFFFFD00  }
0x57e: {  	v0 =	vld [tilespmem:s6+$0x1B070]  }
0x57f: {  	v1 =	vld [tilespmem:s6+$0x1B000]  }
0x580: {  	v2 =	vld [tilespmem:s6+$0x1B010]  }
0x581: {  	v3 =	vld [tilespmem:s6+$0x1B020]  }
0x582: {  	v4 =	vld [tilespmem:s6+$0x1B030]  }
0x583: {  	v5 =	vld [tilespmem:s6+$0x1B040]  }
0x584: {  	v6 =	vld [tilespmem:s6+$0x1B050]  }
0x585: {  	[tilespmem:s6+$0xC070] =	vst.add.f32.msk $0xffff, v0  }
0x586: {  	v0 =	vld [tilespmem:s6+$0x1B060]  }
0x587: {  	[tilespmem:s6+$0xC000] =	vst.add.f32.msk $0xffff, v1  }
0x588: {  	[tilespmem:s6+$0xC010] =	vst.add.f32.msk $0xffff, v2  }
0x589: {  	[tilespmem:s6+$0xC020] =	vst.add.f32.msk $0xffff, v3  }
0x58a: {  	[tilespmem:s6+$0xC030] =	vst.add.f32.msk $0xffff, v4  }
0x58b: {  	s4 =	simm.s32 $0x0;
	[tilespmem:s6+$0xC040] =	vst.add.f32.msk $0xffff, v5  }
0x58c: {  	s5 =	simm.s32 $0x0;
	s0 =	simm.s32 $0xC000;
	s8 =	simm.s32 $0x200;
	[tilespmem:s6+$0xC050] =	vst.add.f32.msk $0xffff, v6  }
.LBB2_62:
0x58d: {  	s5 =	sadd.s32 $0x8, s5;
	[tilespmem:s6+$0xC060] =	vst.add.f32.msk $0xffff, v0;
	s6 =	sshra.s32 s8, $0x2  }
0x58e: {  	v0 =	vld [tilespmem:s6+$0x1B070];
	p1 =	slt.u32 s5, $0x2F8  }
0x58f: {  	v1 =	vld [tilespmem:s6+$0x1B000]  }
0x590: {  	v2 =	vld [tilespmem:s6+$0x1B010]  }
0x591: {  	v3 =	vld [tilespmem:s6+$0x1B020]  }
0x592: {  	v4 =	vld [tilespmem:s6+$0x1B030]  }
0x593: {  	[tilespmem:s6+$0xC070] =	vst.add.f32.msk $0xffff, v0  }
0x594: {  	v5 =	vld [tilespmem:s6+$0x1B040]  }
0x595: {  	v6 =	vld [tilespmem:s6+$0x1B050]  }
0x596: {  	v0 =	vld [tilespmem:s6+$0x1B060]  }
0x597: {  	[tilespmem:s6+$0xC000] =	vst.add.f32.msk $0xffff, v1  }
.Ltmp36:
0x598: {  	[tilespmem:s6+$0xC010] =	vst.add.f32.msk $0xffff, v2;
	(pc) =	sbr.rel @p1 .LBB2_62-.Ltmp36, $4  }
0x599: {  	[tilespmem:s6+$0xC020] =	vst.add.f32.msk $0xffff, v3  }
0x59a: {  	[tilespmem:s6+$0xC030] =	vst.add.f32.msk $0xffff, v4  }
0x59b: {  	[tilespmem:s6+$0xC040] =	vst.add.f32.msk $0xffff, v5  }
0x59c: {  	s8 =	sadd.s32 $0x200, s8;
	[tilespmem:s6+$0xC050] =	vst.add.f32.msk $0xffff, v6  }
0x59d: {  	s5 =	sshrl.u32 s25, $0x3  }
0x59e: {  	s5 =	smul.u32 $0x1800, s5  }
0x59f: {  	s4 =	sand.u32 $0x380, s4  }
0x5a0: {  	s4 =	sor.u32 s4, s5  }
0x5a1: {  	s8 =	sshrl.u32 s4, $0x3;
	s4 =	sadd.s32 $0x1, s25  }
0x5a2: {  	[tilespmem:s6+$0xC060] =	vst.add.f32.msk $0xffff, v0;
	s24 =	sshrl.u32 s4, $0x3;
	s8 =	sadd.s32 s3, s8  }
0x5a3: {  	[hbm4b:s8+s11] =	stream.strided.scatter [tilespmem:s0], [sflag:$0xF], $0x300, s12, s11, $0x38;
	[tilespmem:$0x1E000] =	vst v63  }
0x5a4: {  	s26 =	simm.s32 $0x80;
	s6 =	smul.u32 $0x1800, s24  }
0x5a5: {  	s8 =	sand.u32 $0x380, s26  }
0x5a6: {  	s9 =	sor.u32 s8, s6  }
0x5a7: {  	s8 =	simm.s32 $0x100;
	s10 =	sshrl.u32 s9, $0x3;
	s9 =	sadd.s32 $0x1, s4  }
.LBB2_64:
0x5a8: {  	s23 =	sshrl.u32 s9, $0x3;
	s10 =	sadd.s32 s3, s10  }
0x5a9: {  	s0 =	sadd.s32 $0x300, s0;
	s24 =	smov.u32 s8;
	p1 =	sne.s32 s8, $0x780  }
0x5aa: {  	[hbm4b:s10+s11] =	stream.strided.scatter [tilespmem:s0], [sflag:$0xF], $0x300, s12, s11, $0x38;
	[tilespmem:$0x1E000] =	vst v63  }
.Ltmp37:
0x5ab: {  	_ = 	snop;
	(pc) =	sbr.rel @p1 .LBB2_64-.Ltmp37, $4  }
0x5ac: {  	s8 =	sadd.s32 $0x80, s8;
	s10 =	smul.u32 $0x1800, s23  }
0x5ad: {  	s23 =	sand.u32 $0x380, s24  }
0x5ae: {  	s10 =	sor.u32 s23, s10  }
0x5af: {  	s9 =	sadd.s32 $0x1, s9;
	s10 =	sshrl.u32 s10, $0x3  }
.Ltmp38:
0x5b0: {  	(pc) =	sbr.rel @p0 .LBB2_69-.Ltmp38, $3  }
0x5b1: {  	_ =	sdelay $0x1  }
0x5b2: {  	s8 =	sadd.s32 s3, s10;
	s0 =	sadd.s32 $0x300, s0  }
0x5b3: {  	[hbm4b:s8+s11] =	stream.strided.scatter [tilespmem:s0], [sflag:$0xF], $0x300, s12, s11, $0x38;
	[tilespmem:$0x1E000] =	vst v63  }
0x5b4: {  	s10 =	simm.s32 $0xB  }
0x5b5: {  	_ =	swait.ge [sflag:s10], $0x300  }
0x5b6: {  	[sflag:s10] =	ssyncset.done $0x0  }
0x5b7: {  	[sflag:s10] =	ssyncadd.s32 $0xFFFFFD00  }
0x5b8: {  	_ =	swait.ge [sflag:s10], $0x300  }
0x5b9: {  	[sflag:s10] =	ssyncset.done $0x0  }
0x5ba: {  	[sflag:s10] =	ssyncadd.s32 $0xFFFFFD00  }
0x5bb: {  	_ =	swait.ge [sflag:s10], $0x300  }
0x5bc: {  	[sflag:s10] =	ssyncset.done $0x0  }
0x5bd: {  	[sflag:s10] =	ssyncadd.s32 $0xFFFFFD00  }
0x5be: {  	_ =	swait.ge [sflag:s10], $0x300  }
0x5bf: {  	[sflag:s10] =	ssyncset.done $0x0  }
0x5c0: {  	[sflag:s10] =	ssyncadd.s32 $0xFFFFFD00  }
0x5c1: {  	_ =	swait.ge [sflag:s10], $0x300  }
0x5c2: {  	[sflag:s10] =	ssyncset.done $0x0  }
0x5c3: {  	[sflag:s10] =	ssyncadd.s32 $0xFFFFFD00  }
0x5c4: {  	_ =	swait.ge [sflag:s10], $0x300  }
0x5c5: {  	[sflag:s10] =	ssyncset.done $0x0  }
0x5c6: {  	[sflag:s10] =	ssyncadd.s32 $0xFFFFFD00  }
0x5c7: {  	_ =	swait.ge [sflag:s10], $0x300  }
0x5c8: {  	[sflag:s10] =	ssyncset.done $0x0  }
0x5c9: {  	[sflag:s10] =	ssyncadd.s32 $0xFFFFFD00  }
0x5ca: {  	_ =	swait.ge [sflag:s10], $0x300  }
0x5cb: {  	[sflag:s10] =	ssyncset.done $0x0  }
0x5cc: {  	[sflag:s10] =	ssyncadd.s32 $0xFFFFFD00  }
0x5cd: {  	_ =	swait.ge [sflag:s10], $0x300  }
0x5ce: {  	[sflag:s10] =	ssyncset.done $0x0  }
0x5cf: {  	[sflag:s10] =	ssyncadd.s32 $0xFFFFFD00  }
0x5d0: {  	_ =	swait.ge [sflag:s10], $0x300  }
0x5d1: {  	[sflag:s10] =	ssyncset.done $0x0  }
0x5d2: {  	[sflag:s10] =	ssyncadd.s32 $0xFFFFFD00  }
0x5d3: {  	_ =	swait.ge [sflag:s10], $0x300  }
0x5d4: {  	[sflag:s10] =	ssyncset.done $0x0  }
0x5d5: {  	[sflag:s10] =	ssyncadd.s32 $0xFFFFFD00  }
0x5d6: {  	_ =	swait.ge [sflag:s10], $0x300  }
0x5d7: {  	[sflag:s10] =	ssyncset.done $0x0  }
0x5d8: {  	[sflag:s10] =	ssyncadd.s32 $0xFFFFFD00  }
0x5d9: {  	_ =	swait.ge [sflag:s10], $0x300  }
0x5da: {  	[sflag:s10] =	ssyncset.done $0x0  }
0x5db: {  	[sflag:s10] =	ssyncadd.s32 $0xFFFFFD00  }
0x5dc: {  	_ =	swait.ge [sflag:s10], $0x300  }
0x5dd: {  	[sflag:s10] =	ssyncset.done $0x0  }
0x5de: {  	[sflag:s10] =	ssyncadd.s32 $0xFFFFFD00  }
0x5df: {  	s8 =	sshrl.u32 s7, $0x3;
	_ =	swait.ge [sflag:s10], $0x300  }
0x5e0: {  	s0 =	simm.s32 $0x0;
	s8 =	smul.u32 $0x1800, s8;
	[sflag:s10] =	ssyncset.done $0x0  }
0x5e1: {  	s23 =	sadd.s32 $0x1, s7;
	s9 =	sand.u32 $0x380, s0;
	[sflag:s10] =	ssyncadd.s32 $0xFFFFFD00  }
0x5e2: {  	s26 =	simm.s32 $0x80;
	s8 =	sor.u32 s9, s8;
	_ =	swait.ge [sflag:s10], $0x300  }
0x5e3: {  	s24 =	sshrl.u32 s23, $0x3;
	s8 =	sshrl.u32 s8, $0x3;
	[sflag:s10] =	ssyncset.done $0x0  }
0x5e4: {  	s8 =	sadd.s32 s1, s8;
	[sflag:s10] =	ssyncadd.s32 $0xFFFFFD00;
	s10 =	smul.u32 $0x1800, s24  }
0x5e5: {  	[tilespmem:s0], [sflag:$0x1] =	stream.strided.gather [hbm4b:s8+s11], $0x300, s12, s11, $0x38;
	[tilespmem:$0x1E000] =	vst v63  }
0x5e6: {  	s8 =	sand.u32 $0x380, s26  }
0x5e7: {  	s10 =	sor.u32 s8, s10  }
0x5e8: {  	s9 =	sadd.s32 $0x1, s23;
	s8 =	simm.s32 $0x100;
	s10 =	sshrl.u32 s10, $0x3  }
.LBB2_67:
0x5e9: {  	s23 =	sshrl.u32 s9, $0x3;
	s10 =	sadd.s32 s1, s10  }
0x5ea: {  	s0 =	sadd.s32 $0x300, s0;
	s24 =	smov.u32 s8;
	p1 =	sne.s32 s8, $0x780  }
0x5eb: {  	[tilespmem:s0], [sflag:$0x1] =	stream.strided.gather [hbm4b:s10+s11], $0x300, s12, s11, $0x38;
	[tilespmem:$0x1E000] =	vst v63  }
.Ltmp39:
0x5ec: {  	_ = 	snop;
	(pc) =	sbr.rel @p1 .LBB2_67-.Ltmp39, $4  }
0x5ed: {  	s8 =	sadd.s32 $0x80, s8;
	s10 =	smul.u32 $0x1800, s23  }
0x5ee: {  	s23 =	sand.u32 $0x380, s24  }
0x5ef: {  	s10 =	sor.u32 s23, s10  }
0x5f0: {  	s9 =	sadd.s32 $0x1, s9;
	s10 =	sshrl.u32 s10, $0x3  }
0x5f1: {  	s8 =	sadd.s32 s1, s10;
	s0 =	sadd.s32 $0x300, s0  }
0x5f2: {  	[tilespmem:s0], [sflag:$0x1] =	stream.strided.gather [hbm4b:s8+s11], $0x300, s12, s11, $0x38;
	[tilespmem:$0x1E000] =	vst v63  }
.LBB2_69:
0x5f3: {  	_ =	swait.ge [sflag:s20], $0x300  }
0x5f4: {  	[sflag:s20] =	ssyncset.done $0x0  }
0x5f5: {  	[sflag:s20] =	ssyncadd.s32 $0xFFFFFD00  }
0x5f6: {  	_ =	swait.ge [sflag:s20], $0x300  }
0x5f7: {  	[sflag:s20] =	ssyncset.done $0x0  }
0x5f8: {  	[sflag:s20] =	ssyncadd.s32 $0xFFFFFD00  }
0x5f9: {  	_ =	swait.ge [sflag:s20], $0x300  }
0x5fa: {  	[sflag:s20] =	ssyncset.done $0x0  }
0x5fb: {  	[sflag:s20] =	ssyncadd.s32 $0xFFFFFD00  }
0x5fc: {  	_ =	swait.ge [sflag:s20], $0x300  }
0x5fd: {  	[sflag:s20] =	ssyncset.done $0x0  }
0x5fe: {  	[sflag:s20] =	ssyncadd.s32 $0xFFFFFD00  }
0x5ff: {  	_ =	swait.ge [sflag:s20], $0x300  }
0x600: {  	[sflag:s20] =	ssyncset.done $0x0  }
0x601: {  	[sflag:s20] =	ssyncadd.s32 $0xFFFFFD00  }
0x602: {  	_ =	swait.ge [sflag:s20], $0x300  }
0x603: {  	[sflag:s20] =	ssyncset.done $0x0  }
0x604: {  	[sflag:s20] =	ssyncadd.s32 $0xFFFFFD00  }
0x605: {  	_ =	swait.ge [sflag:s20], $0x300  }
0x606: {  	[sflag:s20] =	ssyncset.done $0x0  }
0x607: {  	[sflag:s20] =	ssyncadd.s32 $0xFFFFFD00  }
0x608: {  	_ =	swait.ge [sflag:s20], $0x300  }
0x609: {  	[sflag:s20] =	ssyncset.done $0x0  }
0x60a: {  	[sflag:s20] =	ssyncadd.s32 $0xFFFFFD00  }
0x60b: {  	_ =	swait.ge [sflag:s20], $0x300  }
0x60c: {  	[sflag:s20] =	ssyncset.done $0x0  }
0x60d: {  	[sflag:s20] =	ssyncadd.s32 $0xFFFFFD00  }
0x60e: {  	_ =	swait.ge [sflag:s20], $0x300  }
0x60f: {  	[sflag:s20] =	ssyncset.done $0x0  }
0x610: {  	[sflag:s20] =	ssyncadd.s32 $0xFFFFFD00  }
0x611: {  	_ =	swait.ge [sflag:s20], $0x300  }
0x612: {  	[sflag:s20] =	ssyncset.done $0x0  }
0x613: {  	[sflag:s20] =	ssyncadd.s32 $0xFFFFFD00  }
0x614: {  	_ =	swait.ge [sflag:s20], $0x300  }
0x615: {  	[sflag:s20] =	ssyncset.done $0x0  }
0x616: {  	[sflag:s20] =	ssyncadd.s32 $0xFFFFFD00  }
0x617: {  	_ =	swait.ge [sflag:s20], $0x300  }
0x618: {  	[sflag:s20] =	ssyncset.done $0x0  }
0x619: {  	[sflag:s20] =	ssyncadd.s32 $0xFFFFFD00  }
0x61a: {  	_ =	swait.ge [sflag:s20], $0x300  }
0x61b: {  	[sflag:s20] =	ssyncset.done $0x0  }
0x61c: {  	[sflag:s20] =	ssyncadd.s32 $0xFFFFFD00  }
0x61d: {  	_ =	swait.ge [sflag:s20], $0x300  }
0x61e: {  	[sflag:s20] =	ssyncset.done $0x0  }
0x61f: {  	[sflag:s20] =	ssyncadd.s32 $0xFFFFFD00  }
0x620: {  	_ =	swait.ge [sflag:s20], $0x300  }
0x621: {  	[sflag:s20] =	ssyncset.done $0x0  }
0x622: {  	s9 =	simm.s32 $0x0;
	[sflag:s20] =	ssyncadd.s32 $0xFFFFFD00  }
0x623: {  	v0 =	vld [tilespmem:s9+$0x1B070]  }
0x624: {  	v1 =	vld [tilespmem:s9+$0x1B000]  }
0x625: {  	v2 =	vld [tilespmem:s9+$0x1B010]  }
0x626: {  	v3 =	vld [tilespmem:s9+$0x1B020]  }
0x627: {  	v4 =	vld [tilespmem:s9+$0x1B030]  }
0x628: {  	v5 =	vld [tilespmem:s9+$0x1B040]  }
0x629: {  	v6 =	vld [tilespmem:s9+$0x1B050]  }
0x62a: {  	[tilespmem:s9+$0xF070] =	vst.add.f32.msk $0xffff, v0  }
0x62b: {  	v0 =	vld [tilespmem:s9+$0x1B060]  }
0x62c: {  	[tilespmem:s9+$0xF000] =	vst.add.f32.msk $0xffff, v1  }
0x62d: {  	[tilespmem:s9+$0xF010] =	vst.add.f32.msk $0xffff, v2  }
0x62e: {  	[tilespmem:s9+$0xF020] =	vst.add.f32.msk $0xffff, v3  }
0x62f: {  	[tilespmem:s9+$0xF030] =	vst.add.f32.msk $0xffff, v4  }
0x630: {  	s8 =	simm.s32 $0x0;
	[tilespmem:s9+$0xF040] =	vst.add.f32.msk $0xffff, v5  }
0x631: {  	s10 =	simm.s32 $0x0;
	s0 =	simm.s32 $0xF000;
	s23 =	simm.s32 $0x200;
	[tilespmem:s9+$0xF050] =	vst.add.f32.msk $0xffff, v6  }
.LBB2_70:
0x632: {  	s10 =	sadd.s32 $0x8, s10;
	[tilespmem:s9+$0xF060] =	vst.add.f32.msk $0xffff, v0;
	s9 =	sshra.s32 s23, $0x2  }
0x633: {  	v0 =	vld [tilespmem:s9+$0x1B070];
	p1 =	slt.u32 s10, $0x2F8  }
0x634: {  	v1 =	vld [tilespmem:s9+$0x1B000]  }
0x635: {  	v2 =	vld [tilespmem:s9+$0x1B010]  }
0x636: {  	v3 =	vld [tilespmem:s9+$0x1B020]  }
0x637: {  	v4 =	vld [tilespmem:s9+$0x1B030]  }
0x638: {  	[tilespmem:s9+$0xF070] =	vst.add.f32.msk $0xffff, v0  }
0x639: {  	v5 =	vld [tilespmem:s9+$0x1B040]  }
0x63a: {  	v6 =	vld [tilespmem:s9+$0x1B050]  }
0x63b: {  	v0 =	vld [tilespmem:s9+$0x1B060]  }
0x63c: {  	[tilespmem:s9+$0xF000] =	vst.add.f32.msk $0xffff, v1  }
.Ltmp40:
0x63d: {  	[tilespmem:s9+$0xF010] =	vst.add.f32.msk $0xffff, v2;
	(pc) =	sbr.rel @p1 .LBB2_70-.Ltmp40, $4  }
0x63e: {  	[tilespmem:s9+$0xF020] =	vst.add.f32.msk $0xffff, v3  }
0x63f: {  	[tilespmem:s9+$0xF030] =	vst.add.f32.msk $0xffff, v4  }
0x640: {  	[tilespmem:s9+$0xF040] =	vst.add.f32.msk $0xffff, v5  }
0x641: {  	s23 =	sadd.s32 $0x200, s23;
	[tilespmem:s9+$0xF050] =	vst.add.f32.msk $0xffff, v6  }
0x642: {  	s8 =	sand.u32 $0x380, s8  }
0x643: {  	s8 =	sor.u32 s8, s5  }
0x644: {  	s8 =	sadd.s32 $0x600000, s8  }
0x645: {  	s26 =	simm.s32 $0x80;
	s8 =	sshrl.u32 s8, $0x3  }
0x646: {  	[tilespmem:s9+$0xF060] =	vst.add.f32.msk $0xffff, v0;
	s9 =	sand.u32 $0x380, s26;
	s8 =	sadd.s32 s3, s8  }
0x647: {  	[hbm4b:s8+s11] =	stream.strided.scatter [tilespmem:s0], [sflag:$0x10], $0x300, s12, s11, $0x38;
	[tilespmem:$0x1E000] =	vst v63  }
0x648: {  	s10 =	sor.u32 s9, s6;
	s9 =	sadd.s32 $0x1, s4;
	s8 =	simm.s32 $0x100  }
.LBB2_72:
0x649: {  	s23 =	sshrl.u32 s9, $0x3;
	s10 =	sadd.s32 $0x600000, s10  }
0x64a: {  	s24 =	smov.u32 s8;
	p1 =	sne.s32 s8, $0x780;
	s23 =	smul.u32 $0x1800, s23  }
.Ltmp41:
0x64b: {  	s0 =	sadd.s32 $0x300, s0;
	s10 =	sshrl.u32 s10, $0x3;
	(pc) =	sbr.rel @p1 .LBB2_72-.Ltmp41, $4  }
0x64c: {  	s8 =	sadd.s32 $0x80, s8;
	s10 =	sadd.s32 s3, s10  }
0x64d: {  	[hbm4b:s10+s11] =	stream.strided.scatter [tilespmem:s0], [sflag:$0x10], $0x300, s12, s11, $0x38;
	[tilespmem:$0x1E000] =	vst v63  }
0x64e: {  	s10 =	sand.u32 $0x380, s24  }
0x64f: {  	s9 =	sadd.s32 $0x1, s9;
	s10 =	sor.u32 s10, s23  }
.Ltmp42:
0x650: {  	(pc) =	sbr.rel @p0 .LBB2_77-.Ltmp42, $4  }
0x651: {  	s8 =	sadd.s32 $0x600000, s10  }
0x652: {  	s8 =	sshrl.u32 s8, $0x3  }
0x653: {  	s0 =	sadd.s32 $0x300, s0;
	s8 =	sadd.s32 s3, s8  }
0x654: {  	[hbm4b:s8+s11] =	stream.strided.scatter [tilespmem:s0], [sflag:$0x10], $0x300, s12, s11, $0x38;
	[tilespmem:$0x1E000] =	vst v63  }
0x655: {  	s9 =	simm.s32 $0xC  }
0x656: {  	_ =	swait.ge [sflag:s9], $0x300  }
0x657: {  	[sflag:s9] =	ssyncset.done $0x0  }
0x658: {  	[sflag:s9] =	ssyncadd.s32 $0xFFFFFD00  }
0x659: {  	_ =	swait.ge [sflag:s9], $0x300  }
0x65a: {  	[sflag:s9] =	ssyncset.done $0x0  }
0x65b: {  	[sflag:s9] =	ssyncadd.s32 $0xFFFFFD00  }
0x65c: {  	_ =	swait.ge [sflag:s9], $0x300  }
0x65d: {  	[sflag:s9] =	ssyncset.done $0x0  }
0x65e: {  	[sflag:s9] =	ssyncadd.s32 $0xFFFFFD00  }
0x65f: {  	_ =	swait.ge [sflag:s9], $0x300  }
0x660: {  	[sflag:s9] =	ssyncset.done $0x0  }
0x661: {  	[sflag:s9] =	ssyncadd.s32 $0xFFFFFD00  }
0x662: {  	_ =	swait.ge [sflag:s9], $0x300  }
0x663: {  	[sflag:s9] =	ssyncset.done $0x0  }
0x664: {  	[sflag:s9] =	ssyncadd.s32 $0xFFFFFD00  }
0x665: {  	_ =	swait.ge [sflag:s9], $0x300  }
0x666: {  	[sflag:s9] =	ssyncset.done $0x0  }
0x667: {  	[sflag:s9] =	ssyncadd.s32 $0xFFFFFD00  }
0x668: {  	_ =	swait.ge [sflag:s9], $0x300  }
0x669: {  	[sflag:s9] =	ssyncset.done $0x0  }
0x66a: {  	[sflag:s9] =	ssyncadd.s32 $0xFFFFFD00  }
0x66b: {  	_ =	swait.ge [sflag:s9], $0x300  }
0x66c: {  	[sflag:s9] =	ssyncset.done $0x0  }
0x66d: {  	[sflag:s9] =	ssyncadd.s32 $0xFFFFFD00  }
0x66e: {  	_ =	swait.ge [sflag:s9], $0x300  }
0x66f: {  	[sflag:s9] =	ssyncset.done $0x0  }
0x670: {  	[sflag:s9] =	ssyncadd.s32 $0xFFFFFD00  }
0x671: {  	_ =	swait.ge [sflag:s9], $0x300  }
0x672: {  	[sflag:s9] =	ssyncset.done $0x0  }
0x673: {  	[sflag:s9] =	ssyncadd.s32 $0xFFFFFD00  }
0x674: {  	_ =	swait.ge [sflag:s9], $0x300  }
0x675: {  	[sflag:s9] =	ssyncset.done $0x0  }
0x676: {  	[sflag:s9] =	ssyncadd.s32 $0xFFFFFD00  }
0x677: {  	_ =	swait.ge [sflag:s9], $0x300  }
0x678: {  	[sflag:s9] =	ssyncset.done $0x0  }
0x679: {  	[sflag:s9] =	ssyncadd.s32 $0xFFFFFD00  }
0x67a: {  	_ =	swait.ge [sflag:s9], $0x300  }
0x67b: {  	[sflag:s9] =	ssyncset.done $0x0  }
0x67c: {  	[sflag:s9] =	ssyncadd.s32 $0xFFFFFD00  }
0x67d: {  	_ =	swait.ge [sflag:s9], $0x300  }
0x67e: {  	[sflag:s9] =	ssyncset.done $0x0  }
0x67f: {  	s0 =	sshrl.u32 s7, $0x3;
	s8 =	simm.s32 $0x0;
	[sflag:s9] =	ssyncadd.s32 $0xFFFFFD00  }
0x680: {  	s26 =	sadd.s32 $0x1, s7;
	s0 =	smul.u32 $0x1800, s0;
	_ =	swait.ge [sflag:s9], $0x300  }
0x681: {  	s23 =	simm.s32 $0x80;
	s8 =	sand.u32 $0x380, s8;
	[sflag:s9] =	ssyncset.done $0x0  }
0x682: {  	s10 =	sshrl.u32 s26, $0x3;
	s0 =	sor.u32 s8, s0;
	[sflag:s9] =	ssyncadd.s32 $0xFFFFFD00  }
0x683: {  	s23 =	sand.u32 $0x380, s23;
	s8 =	sadd.s32 $0x600000, s0;
	_ =	swait.ge [sflag:s9], $0x300  }
0x684: {  	s10 =	smul.u32 $0x1800, s10;
	s8 =	sshrl.u32 s8, $0x3;
	[sflag:s9] =	ssyncset.done $0x0  }
0x685: {  	s0 =	simm.s32 $0x3000;
	s8 =	sadd.s32 s1, s8;
	[sflag:s9] =	ssyncadd.s32 $0xFFFFFD00  }
0x686: {  	[tilespmem:s0], [sflag:$0x2] =	stream.strided.gather [hbm4b:s8+s11], $0x300, s12, s11, $0x38;
	[tilespmem:$0x1E000] =	vst v63  }
0x687: {  	s10 =	sor.u32 s23, s10;
	s9 =	sadd.s32 $0x1, s26;
	s8 =	simm.s32 $0x100  }
.LBB2_75:
0x688: {  	s23 =	sshrl.u32 s9, $0x3;
	s10 =	sadd.s32 $0x600000, s10  }
0x689: {  	s24 =	smov.u32 s8;
	p1 =	sne.s32 s8, $0x780;
	s23 =	smul.u32 $0x1800, s23  }
.Ltmp43:
0x68a: {  	s0 =	sadd.s32 $0x300, s0;
	s10 =	sshrl.u32 s10, $0x3;
	(pc) =	sbr.rel @p1 .LBB2_75-.Ltmp43, $4  }
0x68b: {  	s8 =	sadd.s32 $0x80, s8;
	s10 =	sadd.s32 s1, s10  }
0x68c: {  	[tilespmem:s0], [sflag:$0x2] =	stream.strided.gather [hbm4b:s10+s11], $0x300, s12, s11, $0x38;
	[tilespmem:$0x1E000] =	vst v63  }
0x68d: {  	s10 =	sand.u32 $0x380, s24  }
0x68e: {  	s9 =	sadd.s32 $0x1, s9;
	s10 =	sor.u32 s10, s23  }
0x68f: {  	s8 =	sadd.s32 $0x600000, s10  }
0x690: {  	s8 =	sshrl.u32 s8, $0x3  }
0x691: {  	s0 =	sadd.s32 $0x300, s0;
	s8 =	sadd.s32 s1, s8  }
0x692: {  	[tilespmem:s0], [sflag:$0x2] =	stream.strided.gather [hbm4b:s8+s11], $0x300, s12, s11, $0x38;
	[tilespmem:$0x1E000] =	vst v63  }
.LBB2_77:
0x693: {  	_ =	swait.ge [sflag:s21], $0x300  }
0x694: {  	[sflag:s21] =	ssyncset.done $0x0  }
0x695: {  	[sflag:s21] =	ssyncadd.s32 $0xFFFFFD00  }
0x696: {  	_ =	swait.ge [sflag:s21], $0x300  }
0x697: {  	[sflag:s21] =	ssyncset.done $0x0  }
0x698: {  	[sflag:s21] =	ssyncadd.s32 $0xFFFFFD00  }
0x699: {  	_ =	swait.ge [sflag:s21], $0x300  }
0x69a: {  	[sflag:s21] =	ssyncset.done $0x0  }
0x69b: {  	[sflag:s21] =	ssyncadd.s32 $0xFFFFFD00  }
0x69c: {  	_ =	swait.ge [sflag:s21], $0x300  }
0x69d: {  	[sflag:s21] =	ssyncset.done $0x0  }
0x69e: {  	[sflag:s21] =	ssyncadd.s32 $0xFFFFFD00  }
0x69f: {  	_ =	swait.ge [sflag:s21], $0x300  }
0x6a0: {  	[sflag:s21] =	ssyncset.done $0x0  }
0x6a1: {  	[sflag:s21] =	ssyncadd.s32 $0xFFFFFD00  }
0x6a2: {  	_ =	swait.ge [sflag:s21], $0x300  }
0x6a3: {  	[sflag:s21] =	ssyncset.done $0x0  }
0x6a4: {  	[sflag:s21] =	ssyncadd.s32 $0xFFFFFD00  }
0x6a5: {  	_ =	swait.ge [sflag:s21], $0x300  }
0x6a6: {  	[sflag:s21] =	ssyncset.done $0x0  }
0x6a7: {  	[sflag:s21] =	ssyncadd.s32 $0xFFFFFD00  }
0x6a8: {  	_ =	swait.ge [sflag:s21], $0x300  }
0x6a9: {  	[sflag:s21] =	ssyncset.done $0x0  }
0x6aa: {  	[sflag:s21] =	ssyncadd.s32 $0xFFFFFD00  }
0x6ab: {  	_ =	swait.ge [sflag:s21], $0x300  }
0x6ac: {  	[sflag:s21] =	ssyncset.done $0x0  }
0x6ad: {  	[sflag:s21] =	ssyncadd.s32 $0xFFFFFD00  }
0x6ae: {  	_ =	swait.ge [sflag:s21], $0x300  }
0x6af: {  	[sflag:s21] =	ssyncset.done $0x0  }
0x6b0: {  	[sflag:s21] =	ssyncadd.s32 $0xFFFFFD00  }
0x6b1: {  	_ =	swait.ge [sflag:s21], $0x300  }
0x6b2: {  	[sflag:s21] =	ssyncset.done $0x0  }
0x6b3: {  	[sflag:s21] =	ssyncadd.s32 $0xFFFFFD00  }
0x6b4: {  	_ =	swait.ge [sflag:s21], $0x300  }
0x6b5: {  	[sflag:s21] =	ssyncset.done $0x0  }
0x6b6: {  	[sflag:s21] =	ssyncadd.s32 $0xFFFFFD00  }
0x6b7: {  	_ =	swait.ge [sflag:s21], $0x300  }
0x6b8: {  	[sflag:s21] =	ssyncset.done $0x0  }
0x6b9: {  	[sflag:s21] =	ssyncadd.s32 $0xFFFFFD00  }
0x6ba: {  	_ =	swait.ge [sflag:s21], $0x300  }
0x6bb: {  	[sflag:s21] =	ssyncset.done $0x0  }
0x6bc: {  	[sflag:s21] =	ssyncadd.s32 $0xFFFFFD00  }
0x6bd: {  	_ =	swait.ge [sflag:s21], $0x300  }
0x6be: {  	[sflag:s21] =	ssyncset.done $0x0  }
0x6bf: {  	[sflag:s21] =	ssyncadd.s32 $0xFFFFFD00  }
0x6c0: {  	_ =	swait.ge [sflag:s21], $0x300  }
0x6c1: {  	[sflag:s21] =	ssyncset.done $0x0  }
0x6c2: {  	s9 =	simm.s32 $0x0;
	[sflag:s21] =	ssyncadd.s32 $0xFFFFFD00  }
0x6c3: {  	v0 =	vld [tilespmem:s9+$0x1B070]  }
0x6c4: {  	v1 =	vld [tilespmem:s9+$0x1B000]  }
0x6c5: {  	v2 =	vld [tilespmem:s9+$0x1B010]  }
0x6c6: {  	v3 =	vld [tilespmem:s9+$0x1B020]  }
0x6c7: {  	v4 =	vld [tilespmem:s9+$0x1B030]  }
0x6c8: {  	v5 =	vld [tilespmem:s9+$0x1B040]  }
0x6c9: {  	v6 =	vld [tilespmem:s9+$0x1B050]  }
0x6ca: {  	[tilespmem:s9+$0x12070] =	vst.add.f32.msk $0xffff, v0  }
0x6cb: {  	v0 =	vld [tilespmem:s9+$0x1B060]  }
0x6cc: {  	[tilespmem:s9+$0x12000] =	vst.add.f32.msk $0xffff, v1  }
0x6cd: {  	[tilespmem:s9+$0x12010] =	vst.add.f32.msk $0xffff, v2  }
0x6ce: {  	[tilespmem:s9+$0x12020] =	vst.add.f32.msk $0xffff, v3  }
0x6cf: {  	[tilespmem:s9+$0x12030] =	vst.add.f32.msk $0xffff, v4  }
0x6d0: {  	s8 =	simm.s32 $0x0;
	[tilespmem:s9+$0x12040] =	vst.add.f32.msk $0xffff, v5  }
0x6d1: {  	s10 =	simm.s32 $0x0;
	s0 =	simm.s32 $0x12000;
	s23 =	simm.s32 $0x200;
	[tilespmem:s9+$0x12050] =	vst.add.f32.msk $0xffff, v6  }
.LBB2_78:
0x6d2: {  	s10 =	sadd.s32 $0x8, s10;
	[tilespmem:s9+$0x12060] =	vst.add.f32.msk $0xffff, v0;
	s9 =	sshra.s32 s23, $0x2  }
0x6d3: {  	v0 =	vld [tilespmem:s9+$0x1B070];
	p1 =	slt.u32 s10, $0x2F8  }
0x6d4: {  	v1 =	vld [tilespmem:s9+$0x1B000]  }
0x6d5: {  	v2 =	vld [tilespmem:s9+$0x1B010]  }
0x6d6: {  	v3 =	vld [tilespmem:s9+$0x1B020]  }
0x6d7: {  	v4 =	vld [tilespmem:s9+$0x1B030]  }
0x6d8: {  	[tilespmem:s9+$0x12070] =	vst.add.f32.msk $0xffff, v0  }
0x6d9: {  	v5 =	vld [tilespmem:s9+$0x1B040]  }
0x6da: {  	v6 =	vld [tilespmem:s9+$0x1B050]  }
0x6db: {  	v0 =	vld [tilespmem:s9+$0x1B060]  }
0x6dc: {  	[tilespmem:s9+$0x12000] =	vst.add.f32.msk $0xffff, v1  }
.Ltmp44:
0x6dd: {  	[tilespmem:s9+$0x12010] =	vst.add.f32.msk $0xffff, v2;
	(pc) =	sbr.rel @p1 .LBB2_78-.Ltmp44, $4  }
0x6de: {  	[tilespmem:s9+$0x12020] =	vst.add.f32.msk $0xffff, v3  }
0x6df: {  	[tilespmem:s9+$0x12030] =	vst.add.f32.msk $0xffff, v4  }
0x6e0: {  	[tilespmem:s9+$0x12040] =	vst.add.f32.msk $0xffff, v5  }
0x6e1: {  	s23 =	sadd.s32 $0x200, s23;
	[tilespmem:s9+$0x12050] =	vst.add.f32.msk $0xffff, v6  }
0x6e2: {  	s8 =	sand.u32 $0x380, s8  }
0x6e3: {  	s8 =	sor.u32 s8, s5  }
0x6e4: {  	s8 =	sadd.s32 $0xC00000, s8  }
0x6e5: {  	s26 =	simm.s32 $0x80;
	s8 =	sshrl.u32 s8, $0x3  }
0x6e6: {  	[tilespmem:s9+$0x12060] =	vst.add.f32.msk $0xffff, v0;
	s9 =	sand.u32 $0x380, s26;
	s8 =	sadd.s32 s3, s8  }
0x6e7: {  	[hbm4b:s8+s11] =	stream.strided.scatter [tilespmem:s0], [sflag:$0x11], $0x300, s12, s11, $0x38;
	[tilespmem:$0x1E000] =	vst v63  }
0x6e8: {  	s10 =	sor.u32 s9, s6;
	s9 =	sadd.s32 $0x1, s4;
	s8 =	simm.s32 $0x100  }
.LBB2_80:
0x6e9: {  	s23 =	sshrl.u32 s9, $0x3;
	s10 =	sadd.s32 $0xC00000, s10  }
0x6ea: {  	s24 =	smov.u32 s8;
	p1 =	sne.s32 s8, $0x780;
	s23 =	smul.u32 $0x1800, s23  }
.Ltmp45:
0x6eb: {  	s0 =	sadd.s32 $0x300, s0;
	s10 =	sshrl.u32 s10, $0x3;
	(pc) =	sbr.rel @p1 .LBB2_80-.Ltmp45, $4  }
0x6ec: {  	s8 =	sadd.s32 $0x80, s8;
	s10 =	sadd.s32 s3, s10  }
0x6ed: {  	[hbm4b:s10+s11] =	stream.strided.scatter [tilespmem:s0], [sflag:$0x11], $0x300, s12, s11, $0x38;
	[tilespmem:$0x1E000] =	vst v63  }
0x6ee: {  	s10 =	sand.u32 $0x380, s24  }
0x6ef: {  	s9 =	sadd.s32 $0x1, s9;
	s10 =	sor.u32 s10, s23  }
.Ltmp46:
0x6f0: {  	(pc) =	sbr.rel @p0 .LBB2_85-.Ltmp46, $4  }
0x6f1: {  	s8 =	sadd.s32 $0xC00000, s10  }
0x6f2: {  	s8 =	sshrl.u32 s8, $0x3  }
0x6f3: {  	s0 =	sadd.s32 $0x300, s0;
	s8 =	sadd.s32 s3, s8  }
0x6f4: {  	[hbm4b:s8+s11] =	stream.strided.scatter [tilespmem:s0], [sflag:$0x11], $0x300, s12, s11, $0x38;
	[tilespmem:$0x1E000] =	vst v63  }
0x6f5: {  	s9 =	simm.s32 $0xD  }
0x6f6: {  	_ =	swait.ge [sflag:s9], $0x300  }
0x6f7: {  	[sflag:s9] =	ssyncset.done $0x0  }
0x6f8: {  	[sflag:s9] =	ssyncadd.s32 $0xFFFFFD00  }
0x6f9: {  	_ =	swait.ge [sflag:s9], $0x300  }
0x6fa: {  	[sflag:s9] =	ssyncset.done $0x0  }
0x6fb: {  	[sflag:s9] =	ssyncadd.s32 $0xFFFFFD00  }
0x6fc: {  	_ =	swait.ge [sflag:s9], $0x300  }
0x6fd: {  	[sflag:s9] =	ssyncset.done $0x0  }
0x6fe: {  	[sflag:s9] =	ssyncadd.s32 $0xFFFFFD00  }
0x6ff: {  	_ =	swait.ge [sflag:s9], $0x300  }
0x700: {  	[sflag:s9] =	ssyncset.done $0x0  }
0x701: {  	[sflag:s9] =	ssyncadd.s32 $0xFFFFFD00  }
0x702: {  	_ =	swait.ge [sflag:s9], $0x300  }
0x703: {  	[sflag:s9] =	ssyncset.done $0x0  }
0x704: {  	[sflag:s9] =	ssyncadd.s32 $0xFFFFFD00  }
0x705: {  	_ =	swait.ge [sflag:s9], $0x300  }
0x706: {  	[sflag:s9] =	ssyncset.done $0x0  }
0x707: {  	[sflag:s9] =	ssyncadd.s32 $0xFFFFFD00  }
0x708: {  	_ =	swait.ge [sflag:s9], $0x300  }
0x709: {  	[sflag:s9] =	ssyncset.done $0x0  }
0x70a: {  	[sflag:s9] =	ssyncadd.s32 $0xFFFFFD00  }
0x70b: {  	_ =	swait.ge [sflag:s9], $0x300  }
0x70c: {  	[sflag:s9] =	ssyncset.done $0x0  }
0x70d: {  	[sflag:s9] =	ssyncadd.s32 $0xFFFFFD00  }
0x70e: {  	_ =	swait.ge [sflag:s9], $0x300  }
0x70f: {  	[sflag:s9] =	ssyncset.done $0x0  }
0x710: {  	[sflag:s9] =	ssyncadd.s32 $0xFFFFFD00  }
0x711: {  	_ =	swait.ge [sflag:s9], $0x300  }
0x712: {  	[sflag:s9] =	ssyncset.done $0x0  }
0x713: {  	[sflag:s9] =	ssyncadd.s32 $0xFFFFFD00  }
0x714: {  	_ =	swait.ge [sflag:s9], $0x300  }
0x715: {  	[sflag:s9] =	ssyncset.done $0x0  }
0x716: {  	[sflag:s9] =	ssyncadd.s32 $0xFFFFFD00  }
0x717: {  	_ =	swait.ge [sflag:s9], $0x300  }
0x718: {  	[sflag:s9] =	ssyncset.done $0x0  }
0x719: {  	[sflag:s9] =	ssyncadd.s32 $0xFFFFFD00  }
0x71a: {  	_ =	swait.ge [sflag:s9], $0x300  }
0x71b: {  	[sflag:s9] =	ssyncset.done $0x0  }
0x71c: {  	[sflag:s9] =	ssyncadd.s32 $0xFFFFFD00  }
0x71d: {  	_ =	swait.ge [sflag:s9], $0x300  }
0x71e: {  	[sflag:s9] =	ssyncset.done $0x0  }
0x71f: {  	s0 =	sshrl.u32 s7, $0x3;
	s8 =	simm.s32 $0x0;
	[sflag:s9] =	ssyncadd.s32 $0xFFFFFD00  }
0x720: {  	s26 =	sadd.s32 $0x1, s7;
	s0 =	smul.u32 $0x1800, s0;
	_ =	swait.ge [sflag:s9], $0x300  }
0x721: {  	s23 =	simm.s32 $0x80;
	s8 =	sand.u32 $0x380, s8;
	[sflag:s9] =	ssyncset.done $0x0  }
0x722: {  	s10 =	sshrl.u32 s26, $0x3;
	s0 =	sor.u32 s8, s0;
	[sflag:s9] =	ssyncadd.s32 $0xFFFFFD00  }
0x723: {  	s23 =	sand.u32 $0x380, s23;
	s8 =	sadd.s32 $0xC00000, s0;
	_ =	swait.ge [sflag:s9], $0x300  }
0x724: {  	s10 =	smul.u32 $0x1800, s10;
	s8 =	sshrl.u32 s8, $0x3;
	[sflag:s9] =	ssyncset.done $0x0  }
0x725: {  	s0 =	simm.s32 $0x6000;
	s8 =	sadd.s32 s1, s8;
	[sflag:s9] =	ssyncadd.s32 $0xFFFFFD00  }
0x726: {  	[tilespmem:s0], [sflag:$0x3] =	stream.strided.gather [hbm4b:s8+s11], $0x300, s12, s11, $0x38;
	[tilespmem:$0x1E000] =	vst v63  }
0x727: {  	s10 =	sor.u32 s23, s10;
	s9 =	sadd.s32 $0x1, s26;
	s8 =	simm.s32 $0x100  }
.LBB2_83:
0x728: {  	s23 =	sshrl.u32 s9, $0x3;
	s10 =	sadd.s32 $0xC00000, s10  }
0x729: {  	s24 =	smov.u32 s8;
	p1 =	sne.s32 s8, $0x780;
	s23 =	smul.u32 $0x1800, s23  }
.Ltmp47:
0x72a: {  	s0 =	sadd.s32 $0x300, s0;
	s10 =	sshrl.u32 s10, $0x3;
	(pc) =	sbr.rel @p1 .LBB2_83-.Ltmp47, $4  }
0x72b: {  	s8 =	sadd.s32 $0x80, s8;
	s10 =	sadd.s32 s1, s10  }
0x72c: {  	[tilespmem:s0], [sflag:$0x3] =	stream.strided.gather [hbm4b:s10+s11], $0x300, s12, s11, $0x38;
	[tilespmem:$0x1E000] =	vst v63  }
0x72d: {  	s10 =	sand.u32 $0x380, s24  }
0x72e: {  	s9 =	sadd.s32 $0x1, s9;
	s10 =	sor.u32 s10, s23  }
0x72f: {  	s8 =	sadd.s32 $0xC00000, s10  }
0x730: {  	s8 =	sshrl.u32 s8, $0x3  }
0x731: {  	s0 =	sadd.s32 $0x300, s0;
	s8 =	sadd.s32 s1, s8  }
0x732: {  	[tilespmem:s0], [sflag:$0x3] =	stream.strided.gather [hbm4b:s8+s11], $0x300, s12, s11, $0x38;
	[tilespmem:$0x1E000] =	vst v63  }
.LBB2_85:
0x733: {  	_ =	swait.ge [sflag:s22], $0x300  }
0x734: {  	[sflag:s22] =	ssyncset.done $0x0  }
0x735: {  	[sflag:s22] =	ssyncadd.s32 $0xFFFFFD00  }
0x736: {  	_ =	swait.ge [sflag:s22], $0x300  }
0x737: {  	[sflag:s22] =	ssyncset.done $0x0  }
0x738: {  	[sflag:s22] =	ssyncadd.s32 $0xFFFFFD00  }
0x739: {  	_ =	swait.ge [sflag:s22], $0x300  }
0x73a: {  	[sflag:s22] =	ssyncset.done $0x0  }
0x73b: {  	[sflag:s22] =	ssyncadd.s32 $0xFFFFFD00  }
0x73c: {  	_ =	swait.ge [sflag:s22], $0x300  }
0x73d: {  	[sflag:s22] =	ssyncset.done $0x0  }
0x73e: {  	[sflag:s22] =	ssyncadd.s32 $0xFFFFFD00  }
0x73f: {  	_ =	swait.ge [sflag:s22], $0x300  }
0x740: {  	[sflag:s22] =	ssyncset.done $0x0  }
0x741: {  	[sflag:s22] =	ssyncadd.s32 $0xFFFFFD00  }
0x742: {  	_ =	swait.ge [sflag:s22], $0x300  }
0x743: {  	[sflag:s22] =	ssyncset.done $0x0  }
0x744: {  	[sflag:s22] =	ssyncadd.s32 $0xFFFFFD00  }
0x745: {  	_ =	swait.ge [sflag:s22], $0x300  }
0x746: {  	[sflag:s22] =	ssyncset.done $0x0  }
0x747: {  	[sflag:s22] =	ssyncadd.s32 $0xFFFFFD00  }
0x748: {  	_ =	swait.ge [sflag:s22], $0x300  }
0x749: {  	[sflag:s22] =	ssyncset.done $0x0  }
0x74a: {  	[sflag:s22] =	ssyncadd.s32 $0xFFFFFD00  }
0x74b: {  	_ =	swait.ge [sflag:s22], $0x300  }
0x74c: {  	[sflag:s22] =	ssyncset.done $0x0  }
0x74d: {  	[sflag:s22] =	ssyncadd.s32 $0xFFFFFD00  }
0x74e: {  	_ =	swait.ge [sflag:s22], $0x300  }
0x74f: {  	[sflag:s22] =	ssyncset.done $0x0  }
0x750: {  	[sflag:s22] =	ssyncadd.s32 $0xFFFFFD00  }
0x751: {  	_ =	swait.ge [sflag:s22], $0x300  }
0x752: {  	[sflag:s22] =	ssyncset.done $0x0  }
0x753: {  	[sflag:s22] =	ssyncadd.s32 $0xFFFFFD00  }
0x754: {  	_ =	swait.ge [sflag:s22], $0x300  }
0x755: {  	[sflag:s22] =	ssyncset.done $0x0  }
0x756: {  	[sflag:s22] =	ssyncadd.s32 $0xFFFFFD00  }
0x757: {  	_ =	swait.ge [sflag:s22], $0x300  }
0x758: {  	[sflag:s22] =	ssyncset.done $0x0  }
0x759: {  	[sflag:s22] =	ssyncadd.s32 $0xFFFFFD00  }
0x75a: {  	_ =	swait.ge [sflag:s22], $0x300  }
0x75b: {  	[sflag:s22] =	ssyncset.done $0x0  }
0x75c: {  	[sflag:s22] =	ssyncadd.s32 $0xFFFFFD00  }
0x75d: {  	_ =	swait.ge [sflag:s22], $0x300  }
0x75e: {  	[sflag:s22] =	ssyncset.done $0x0  }
0x75f: {  	[sflag:s22] =	ssyncadd.s32 $0xFFFFFD00  }
0x760: {  	_ =	swait.ge [sflag:s22], $0x300  }
0x761: {  	[sflag:s22] =	ssyncset.done $0x0  }
0x762: {  	s9 =	simm.s32 $0x0;
	[sflag:s22] =	ssyncadd.s32 $0xFFFFFD00  }
0x763: {  	v0 =	vld [tilespmem:s9+$0x1B070]  }
0x764: {  	v1 =	vld [tilespmem:s9+$0x1B000]  }
0x765: {  	v2 =	vld [tilespmem:s9+$0x1B010]  }
0x766: {  	v3 =	vld [tilespmem:s9+$0x1B020]  }
0x767: {  	v4 =	vld [tilespmem:s9+$0x1B030]  }
0x768: {  	v5 =	vld [tilespmem:s9+$0x1B040]  }
0x769: {  	v6 =	vld [tilespmem:s9+$0x1B050]  }
0x76a: {  	[tilespmem:s9+$0x15070] =	vst.add.f32.msk $0xffff, v0  }
0x76b: {  	v0 =	vld [tilespmem:s9+$0x1B060]  }
0x76c: {  	[tilespmem:s9+$0x15000] =	vst.add.f32.msk $0xffff, v1  }
0x76d: {  	[tilespmem:s9+$0x15010] =	vst.add.f32.msk $0xffff, v2  }
0x76e: {  	[tilespmem:s9+$0x15020] =	vst.add.f32.msk $0xffff, v3  }
0x76f: {  	[tilespmem:s9+$0x15030] =	vst.add.f32.msk $0xffff, v4  }
0x770: {  	s8 =	simm.s32 $0x0;
	[tilespmem:s9+$0x15040] =	vst.add.f32.msk $0xffff, v5  }
0x771: {  	s10 =	simm.s32 $0x0;
	s0 =	simm.s32 $0x15000;
	s23 =	simm.s32 $0x200;
	[tilespmem:s9+$0x15050] =	vst.add.f32.msk $0xffff, v6  }
.LBB2_86:
0x772: {  	s10 =	sadd.s32 $0x8, s10;
	[tilespmem:s9+$0x15060] =	vst.add.f32.msk $0xffff, v0;
	s9 =	sshra.s32 s23, $0x2  }
0x773: {  	v0 =	vld [tilespmem:s9+$0x1B070];
	p1 =	slt.u32 s10, $0x2F8  }
0x774: {  	v1 =	vld [tilespmem:s9+$0x1B000]  }
0x775: {  	v2 =	vld [tilespmem:s9+$0x1B010]  }
0x776: {  	v3 =	vld [tilespmem:s9+$0x1B020]  }
0x777: {  	v4 =	vld [tilespmem:s9+$0x1B030]  }
0x778: {  	[tilespmem:s9+$0x15070] =	vst.add.f32.msk $0xffff, v0  }
0x779: {  	v5 =	vld [tilespmem:s9+$0x1B040]  }
0x77a: {  	v6 =	vld [tilespmem:s9+$0x1B050]  }
0x77b: {  	v0 =	vld [tilespmem:s9+$0x1B060]  }
0x77c: {  	[tilespmem:s9+$0x15000] =	vst.add.f32.msk $0xffff, v1  }
.Ltmp48:
0x77d: {  	[tilespmem:s9+$0x15010] =	vst.add.f32.msk $0xffff, v2;
	(pc) =	sbr.rel @p1 .LBB2_86-.Ltmp48, $4  }
0x77e: {  	[tilespmem:s9+$0x15020] =	vst.add.f32.msk $0xffff, v3  }
0x77f: {  	[tilespmem:s9+$0x15030] =	vst.add.f32.msk $0xffff, v4  }
0x780: {  	[tilespmem:s9+$0x15040] =	vst.add.f32.msk $0xffff, v5  }
0x781: {  	s23 =	sadd.s32 $0x200, s23;
	[tilespmem:s9+$0x15050] =	vst.add.f32.msk $0xffff, v6  }
0x782: {  	s8 =	sand.u32 $0x380, s8  }
0x783: {  	s5 =	sor.u32 s8, s5  }
0x784: {  	s5 =	sadd.s32 $0x1200000, s5  }
0x785: {  	s26 =	simm.s32 $0x80;
	s5 =	sshrl.u32 s5, $0x3  }
0x786: {  	[tilespmem:s9+$0x15060] =	vst.add.f32.msk $0xffff, v0;
	s4 =	sadd.s32 $0x1, s4;
	s8 =	sand.u32 $0x380, s26;
	s5 =	sadd.s32 s3, s5  }
0x787: {  	[hbm4b:s5+s11] =	stream.strided.scatter [tilespmem:s0], [sflag:$0x12], $0x300, s12, s11, $0x38;
	[tilespmem:$0x1E000] =	vst v63  }
0x788: {  	s24 =	rddreg [dreg:$0xe];
	s6 =	sor.u32 s8, s6;
	s5 =	simm.s32 $0x100  }
.LBB2_88:
0x789: {  	s8 =	sshrl.u32 s4, $0x3;
	s6 =	sadd.s32 $0x1200000, s6  }
0x78a: {  	s9 =	smov.u32 s5;
	p1 =	sne.s32 s5, $0x780;
	s8 =	smul.u32 $0x1800, s8  }
.Ltmp49:
0x78b: {  	s0 =	sadd.s32 $0x300, s0;
	s6 =	sshrl.u32 s6, $0x3;
	(pc) =	sbr.rel @p1 .LBB2_88-.Ltmp49, $4  }
0x78c: {  	s5 =	sadd.s32 $0x80, s5;
	s6 =	sadd.s32 s3, s6  }
0x78d: {  	[hbm4b:s6+s11] =	stream.strided.scatter [tilespmem:s0], [sflag:$0x12], $0x300, s12, s11, $0x38;
	[tilespmem:$0x1E000] =	vst v63  }
0x78e: {  	s6 =	sand.u32 $0x380, s9  }
0x78f: {  	s4 =	sadd.s32 $0x1, s4;
	s6 =	sor.u32 s6, s8  }
.Ltmp50:
0x790: {  	(pc) =	sbr.rel @p0 .LBB2_95-.Ltmp50, $4  }
0x791: {  	s4 =	sadd.s32 $0x1200000, s6  }
0x792: {  	s4 =	sshrl.u32 s4, $0x3  }
0x793: {  	s0 =	sadd.s32 $0x300, s0;
	s4 =	sadd.s32 s3, s4  }
0x794: {  	[hbm4b:s4+s11] =	stream.strided.scatter [tilespmem:s0], [sflag:$0x12], $0x300, s12, s11, $0x38;
	[tilespmem:$0x1E000] =	vst v63  }
0x795: {  	s6 =	simm.s32 $0xE  }
0x796: {  	_ =	swait.ge [sflag:s6], $0x300  }
0x797: {  	[sflag:s6] =	ssyncset.done $0x0  }
0x798: {  	[sflag:s6] =	ssyncadd.s32 $0xFFFFFD00  }
0x799: {  	_ =	swait.ge [sflag:s6], $0x300  }
0x79a: {  	[sflag:s6] =	ssyncset.done $0x0  }
0x79b: {  	[sflag:s6] =	ssyncadd.s32 $0xFFFFFD00  }
0x79c: {  	_ =	swait.ge [sflag:s6], $0x300  }
0x79d: {  	[sflag:s6] =	ssyncset.done $0x0  }
0x79e: {  	[sflag:s6] =	ssyncadd.s32 $0xFFFFFD00  }
0x79f: {  	_ =	swait.ge [sflag:s6], $0x300  }
0x7a0: {  	[sflag:s6] =	ssyncset.done $0x0  }
0x7a1: {  	[sflag:s6] =	ssyncadd.s32 $0xFFFFFD00  }
0x7a2: {  	_ =	swait.ge [sflag:s6], $0x300  }
0x7a3: {  	[sflag:s6] =	ssyncset.done $0x0  }
0x7a4: {  	[sflag:s6] =	ssyncadd.s32 $0xFFFFFD00  }
0x7a5: {  	_ =	swait.ge [sflag:s6], $0x300  }
0x7a6: {  	[sflag:s6] =	ssyncset.done $0x0  }
0x7a7: {  	[sflag:s6] =	ssyncadd.s32 $0xFFFFFD00  }
0x7a8: {  	_ =	swait.ge [sflag:s6], $0x300  }
0x7a9: {  	[sflag:s6] =	ssyncset.done $0x0  }
0x7aa: {  	[sflag:s6] =	ssyncadd.s32 $0xFFFFFD00  }
0x7ab: {  	_ =	swait.ge [sflag:s6], $0x300  }
0x7ac: {  	[sflag:s6] =	ssyncset.done $0x0  }
0x7ad: {  	[sflag:s6] =	ssyncadd.s32 $0xFFFFFD00  }
0x7ae: {  	_ =	swait.ge [sflag:s6], $0x300  }
0x7af: {  	[sflag:s6] =	ssyncset.done $0x0  }
0x7b0: {  	[sflag:s6] =	ssyncadd.s32 $0xFFFFFD00  }
0x7b1: {  	_ =	swait.ge [sflag:s6], $0x300  }
0x7b2: {  	[sflag:s6] =	ssyncset.done $0x0  }
0x7b3: {  	[sflag:s6] =	ssyncadd.s32 $0xFFFFFD00  }
0x7b4: {  	_ =	swait.ge [sflag:s6], $0x300  }
0x7b5: {  	[sflag:s6] =	ssyncset.done $0x0  }
0x7b6: {  	[sflag:s6] =	ssyncadd.s32 $0xFFFFFD00  }
0x7b7: {  	_ =	swait.ge [sflag:s6], $0x300  }
0x7b8: {  	[sflag:s6] =	ssyncset.done $0x0  }
0x7b9: {  	[sflag:s6] =	ssyncadd.s32 $0xFFFFFD00  }
0x7ba: {  	_ =	swait.ge [sflag:s6], $0x300  }
0x7bb: {  	[sflag:s6] =	ssyncset.done $0x0  }
0x7bc: {  	[sflag:s6] =	ssyncadd.s32 $0xFFFFFD00  }
0x7bd: {  	_ =	swait.ge [sflag:s6], $0x300  }
0x7be: {  	[sflag:s6] =	ssyncset.done $0x0  }
0x7bf: {  	s0 =	sshrl.u32 s7, $0x3;
	[sflag:s6] =	ssyncadd.s32 $0xFFFFFD00  }
0x7c0: {  	s4 =	simm.s32 $0x0;
	s5 =	smul.u32 $0x1800, s0;
	_ =	swait.ge [sflag:s6], $0x300  }
0x7c1: {  	s8 =	sadd.s32 $0x1, s7;
	s0 =	sand.u32 $0x380, s4;
	[sflag:s6] =	ssyncset.done $0x0  }
0x7c2: {  	s9 =	simm.s32 $0x80;
	s4 =	sor.u32 s0, s5;
	[sflag:s6] =	ssyncadd.s32 $0xFFFFFD00  }
0x7c3: {  	s26 =	sshrl.u32 s8, $0x3;
	s4 =	sadd.s32 $0x1200000, s4;
	_ =	swait.ge [sflag:s6], $0x300  }
0x7c4: {  	s10 =	smul.u32 $0x1800, s26;
	s4 =	sshrl.u32 s4, $0x3;
	[sflag:s6] =	ssyncset.done $0x0  }
0x7c5: {  	s5 =	simm.s32 $0x9000;
	s4 =	sadd.s32 s1, s4;
	[sflag:s6] =	ssyncadd.s32 $0xFFFFFD00  }
0x7c6: {  	[tilespmem:s5], [sflag:$0x4] =	stream.strided.gather [hbm4b:s4+s11], $0x300, s12, s11, $0x38;
	[tilespmem:$0x1E000] =	vst v63  }
0x7c7: {  	s4 =	sand.u32 $0x380, s9  }
0x7c8: {  	s8 =	sadd.s32 $0x1, s8;
	s6 =	simm.s32 $0x100;
	s9 =	sor.u32 s4, s10  }
.LBB2_91:
0x7c9: {  	s10 =	sshrl.u32 s8, $0x3;
	s9 =	sadd.s32 $0x1200000, s9  }
0x7ca: {  	s23 =	smov.u32 s6;
	p0 =	sne.s32 s6, $0x780;
	s10 =	smul.u32 $0x1800, s10  }
.Ltmp51:
0x7cb: {  	s5 =	sadd.s32 $0x300, s5;
	s9 =	sshrl.u32 s9, $0x3;
	(pc) =	sbr.rel @p0 .LBB2_91-.Ltmp51, $4  }
0x7cc: {  	s6 =	sadd.s32 $0x80, s6;
	s9 =	sadd.s32 s1, s9  }
0x7cd: {  	[tilespmem:s5], [sflag:$0x4] =	stream.strided.gather [hbm4b:s9+s11], $0x300, s12, s11, $0x38;
	[tilespmem:$0x1E000] =	vst v63  }
0x7ce: {  	s9 =	sand.u32 $0x380, s23  }
0x7cf: {  	s8 =	sadd.s32 $0x1, s8;
	s9 =	sor.u32 s9, s10  }
0x7d0: {  	s6 =	sadd.s32 $0x1200000, s9;
	s8 =	sshrl.u32 s24, $0x3  }
0x7d1: {  	s5 =	sadd.s32 $0x300, s5;
	s9 =	sadd.s32 $0x1, s24;
	s6 =	sshrl.u32 s6, $0x3  }
0x7d2: {  	s8 =	smul.u32 $0x1800, s8;
	s23 =	sshrl.u32 s9, $0x3;
	s6 =	sadd.s32 s1, s6  }
0x7d3: {  	[tilespmem:s5], [sflag:$0x4] =	stream.strided.gather [hbm4b:s6+s11], $0x300, s12, s11, $0x38;
	[tilespmem:$0x1E000] =	vst v63  }
0x7d4: {  	s0 =	sor.u32 s0, s8;
	s8 =	smul.u32 $0x1800, s23  }
0x7d5: {  	s10 =	sshrl.u32 s0, $0x3  }
0x7d6: {  	s0 =	simm.s32 $0x1B000;
	s6 =	sadd.s32 s2, s10;
	s26 =	sor.u32 s4, s8  }
0x7d7: {  	[tilespmem:s0], [sflag:$0xA] =	stream.strided.gather [hbm4b:s6+s11], $0x300, s12, s11, $0x38;
	[tilespmem:$0x1E000] =	vst v63  }
0x7d8: {  	s5 =	sadd.s32 $0x1, s9;
	s4 =	simm.s32 $0x100;
	s6 =	sshrl.u32 s26, $0x3  }
.LBB2_93:
0x7d9: {  	s8 =	sshrl.u32 s5, $0x3;
	s6 =	sadd.s32 s2, s6  }
0x7da: {  	s0 =	sadd.s32 $0x300, s0;
	s9 =	smov.u32 s4;
	p0 =	sne.s32 s4, $0x780  }
0x7db: {  	[tilespmem:s0], [sflag:$0xA] =	stream.strided.gather [hbm4b:s6+s11], $0x300, s12, s11, $0x38;
	[tilespmem:$0x1E000] =	vst v63  }
.Ltmp52:
0x7dc: {  	_ = 	snop;
	(pc) =	sbr.rel @p0 .LBB2_93-.Ltmp52, $4  }
0x7dd: {  	s4 =	sadd.s32 $0x80, s4;
	s6 =	smul.u32 $0x1800, s8  }
0x7de: {  	s8 =	sand.u32 $0x380, s9  }
0x7df: {  	s6 =	sor.u32 s8, s6  }
0x7e0: {  	s5 =	sadd.s32 $0x1, s5;
	s6 =	sshrl.u32 s6, $0x3  }
.Ltmp53:
0x7e1: {  	(pc) =	sbr.rel .LBB2_95-.Ltmp53, $3  }
0x7e2: {  	_ =	sdelay $0x1  }
0x7e3: {  	s4 =	sadd.s32 s2, s6;
	s0 =	sadd.s32 $0x300, s0  }
0x7e4: {  	[tilespmem:s0], [sflag:$0xA] =	stream.strided.gather [hbm4b:s4+s11], $0x300, s12, s11, $0x38;
	[tilespmem:$0x1E000] =	vst v63  }
.LBB2_97:
0x7e5: {  	_ =	sfence.sel $0x180000  }
0x7e6: {  	[bflag:$0x0] =	sbarrier.arrive $0xFFFF  }
0x7e7: {  	_ =	strace $0x90000047  }
0x7e8: {  	s0 =	stileid.u32;
	[bflag:$0x2] =	sbarrier.arrive $0xFFFF  }
0x7e9: {  	p0 =	sne.s32 s0, $0x0;
	s0 =	rddreg [dreg:$0x3]  }
0x7ea: {  	s0 =	sadd.s32 @!p0 $0x100000, s0  }
0x7eb: {  	[sflag:s0] =	ssyncadd.tile.s32 @!p0 $0x1;
	_ =	shalt  }
.Lfunc_end2:
_tile_overlayer_lowered:
.L_overlay_start_2:
0x7ec: {  	(tag) =	ssettag $0x2  }
0x7ed: {  	s0 =	rddreg [dreg:$0x0];
	s2 =	stileid.u32  }
0x7ee: {  	s1 =	rddreg [dreg:$0x1];
	p0 =	sne.s32 s2, $0x0  }
0x7ef: {  	s3 =	rddreg [dreg:$0x2];
	[bflag:$0x3] =	sbarrier.arrive $0xFFFF;
	s2 =	simm.s32 @!p0 $0x1C13  }
0x7f0: {  	[timem:s3], [sflag:s2] =	dma.local @!p0 [hbm:s0], s1  }
0x7f1: {  	s0 =	simm.s32 @!p0 $0x13  }
0x7f2: {  	_ =	swait.ge @!p0 [sflag:s0], s1  }
0x7f3: {  	s1 =	ssub.s32 @!p0 $0x0, s1;
	[sflag:s0] =	ssyncset.done @!p0 $0x0  }
0x7f4: {  	[sflag:s0] =	ssyncadd.s32 @!p0 s1  }
0x7f5: {  	[bflag:$0x3] =	sbarrier.arrive $0xFFFF  }
0x7f6: {  	_ =	shalt  }

</sc_bundles>
